<compile_context>
chip_gen: v7x
topology: tpu7x:2x2x1
jax: 0.10.2.dev20260603
libtpu: 0.0.44.dev20260713+nightly
codegen_flags: <defaults>
</compile_context>

<pallas_src>
import functools

import jax
import jax.numpy as jnp
from jax import lax
from jax.experimental import pallas as pl
from jax.experimental.pallas import tpu as pltpu
from jax.experimental.pallas import tpu_sc as plsc

B = 16384
E = 32
V = 1000000
NC = 2
NS = 16
NW = NC * NS
BPW = B // NW
CK = 32
NCK = BPW // CK
L = 16
FPAD = 26112


def _sc_body(user_hbm, item_hbm, ie_hbm, fq_hbm, bias_hbm, utab_hbm,
             itab_hbm, ftab_hbm, out_hbm,
             uidx, iidx, iev, fqv, outv, biasv, gu, gv, gf,
             sem, semf):
    wid = lax.axis_index("s") * NC + lax.axis_index("c")
    base = wid * BPW

    pltpu.sync_copy(user_hbm.at[wid], uidx)
    pltpu.sync_copy(item_hbm.at[wid], iidx)
    pltpu.sync_copy(ie_hbm.at[wid], iev)
    pltpu.sync_copy(fq_hbm.at[wid], fqv)
    pltpu.sync_copy(bias_hbm, biasv)

    iota = lax.broadcasted_iota(jnp.int32, (L,), 0)
    cols = [jnp.full((L,), e, dtype=jnp.int32) for e in range(E)]
    bias_vec = biasv[pl.ds(0, L)]
    seven = jnp.full((L,), 7, dtype=jnp.int32)
    m127 = jnp.full((L,), 127, dtype=jnp.int32)

    def chunk(c, carry):
        r0 = c * CK
        copies = []
        for k in range(CK // L):
            s = pl.ds(r0 + k * L, L)
            tu16 = lax.shift_right_logical(uidx[s], 3)
            tv16 = lax.shift_right_logical(iidx[s], 3)
            for i in range(L):
                r = k * L + i
                copies.append(pltpu.async_copy(utab_hbm.at[tu16[i]],
                                               gu.at[r], sem))
                copies.append(pltpu.async_copy(itab_hbm.at[tv16[i]],
                                               gv.at[r], sem))
        for k in range(CK // L):
            s = pl.ds(r0 + k * L, L)
            f16 = iev[s] * 1000 + fqv[s]
            tf = lax.shift_right_logical(f16, 7)
            copies.append(pltpu.async_copy(ftab_hbm.at[tf],
                                           gf.at[pl.ds(k * L, L)], semf))
        for cp in copies:
            cp.wait()

        for k in range(CK // L):
            s = pl.ds(r0 + k * L, L)
            su = lax.bitwise_and(uidx[s], seven)
            sv = lax.bitwise_and(iidx[s], seven)
            f16 = iev[s] * 1000 + fqv[s]
            sf = lax.bitwise_and(f16, m127)
            row16 = iota + k * L
            fv = plsc.load_gather(gf, [row16, sf])
            acc = [fv + bias_vec, None, None, None]
            for e in range(E):
                ue = plsc.load_gather(gu, [row16, su, cols[e]])
                ve = plsc.load_gather(gv, [row16, sv, cols[e]])
                p = ue * ve
                a = e % 4
                acc[a] = p if acc[a] is None else acc[a] + p
            outv[s] = (acc[0] + acc[1]) + (acc[2] + acc[3])
        return carry

    lax.fori_loop(0, NCK, chunk, 0)

    pltpu.sync_copy(outv, out_hbm.at[pl.ds(base, BPW)])


@jax.jit
def _sfc_forward(user, item, idx_emb, freq, bias, utab, itab, ftab):
    mesh = plsc.VectorSubcoreMesh(core_axis_name="c", subcore_axis_name="s")
    fwd = functools.partial(
        pl.kernel,
        mesh=mesh,
        compiler_params=pltpu.CompilerParams(needs_layout_passes=False),
        out_type=jax.ShapeDtypeStruct((B,), jnp.float32),
        scratch_types=[
            pltpu.VMEM((BPW,), jnp.int32),
            pltpu.VMEM((BPW,), jnp.int32),
            pltpu.VMEM((BPW,), jnp.int32),
            pltpu.VMEM((BPW,), jnp.int32),
            pltpu.VMEM((BPW,), jnp.float32),
            pltpu.VMEM((L,), jnp.float32),
            pltpu.VMEM((CK, 8, E), jnp.float32),
            pltpu.VMEM((CK, 8, E), jnp.float32),
            pltpu.VMEM((CK, 128), jnp.float32),
            pltpu.SemaphoreType.DMA,
            pltpu.SemaphoreType.DMA,
        ],
    )(_sc_body)
    return fwd(user, item, idx_emb, freq, bias, utab, itab, ftab)


def kernel(user, item, freq, idx_emb, zero, bias_table, user_table,
           item_table, freq_tables):
    del zero
    user2 = user.astype(jnp.int32).reshape(NW, BPW)
    item2 = item.astype(jnp.int32).reshape(NW, BPW)
    ie2 = idx_emb.astype(jnp.int32).reshape(NW, BPW)
    fq2 = freq.astype(jnp.int32).reshape(NW, BPW)
    bias1 = jnp.broadcast_to(bias_table.reshape(()), (L,))
    ftab2 = jnp.pad(freq_tables.reshape(-1),
                    (0, FPAD - 26000)).reshape(FPAD // 128, 128)
    ut3 = user_table.reshape(V // 8, 8, E)
    it3 = item_table.reshape(V // 8, 8, E)
    return _sfc_forward(user2, item2, ie2, fq2, bias1, ut3, it3, ftab2)

# --- scband reference (transcript-rebuilt; emitter-appended) ---
"""Pipeline reference for scband-sfcmodel-41712722379521 (READ-ONLY COPY).

The authoritative reference and input builder live on the scoring server;
editing this copy changes nothing except your own understanding.
"""

import jax, jax.numpy as jnp
import numpy as np

NUM_USERS = 1000000
NUM_ITEMS = 1000000
FREQ_NUM_BINS = 1000
FREQ_NUM_EMB = 26
EMB_SIZE = 32
BATCH = 16384


def setup_inputs(seed: int = 0) -> dict:
    key = jax.random.key(seed)
    k_user, k_item, k_freq, k_idx, k_bt, k_ut, k_it = jax.random.split(key, 7)
    user = jax.random.randint(k_user, (BATCH,), 0, NUM_USERS, dtype=jnp.int64 if jax.config.jax_enable_x64 else jnp.int32)
    item = jax.random.randint(k_item, (BATCH,), 0, NUM_ITEMS, dtype=jnp.int64 if jax.config.jax_enable_x64 else jnp.int32)
    freq = jax.random.randint(k_freq, (BATCH,), 0, FREQ_NUM_BINS)
    idx_emb = jax.random.randint(k_idx, (BATCH,), 0, FREQ_NUM_EMB)
    zero = jnp.zeros((BATCH,), dtype=jnp.int32)
    # learned parameters (match torch init: normal std=0.1 for bias/user/item, zeros for freq tables)
    bias_table = 0.1 * jax.random.normal(k_bt, (1, 1), dtype=jnp.float32)
    user_table = 0.1 * jax.random.normal(k_ut, (NUM_USERS, EMB_SIZE), dtype=jnp.float32)
    item_table = 0.1 * jax.random.normal(k_it, (NUM_ITEMS, EMB_SIZE), dtype=jnp.float32)
    freq_tables = jnp.zeros((FREQ_NUM_EMB, FREQ_NUM_BINS, 1), dtype=jnp.float32)
    return {"user": user, "item": item, "freq": freq, "idx_emb": idx_emb, "zero": zero,
            "bias_table": bias_table, "user_table": user_table, "item_table": item_table,
            "freq_tables": freq_tables}


def reference(user, item, freq, idx_emb, zero, bias_table, user_table, item_table, freq_tables):
    # bias embedding lookup (num_embeddings=1, dim=1): [B, 1]
    bias_embedding = jnp.take(bias_table, zero, axis=0)
    # user / item embedding gathers: [B, E]
    users_embeddings = jnp.take(user_table, user, axis=0)
    items_embeddings = jnp.take(item_table, item, axis=0)
    # per-sample frequency table selection then bin lookup:
    # torch: stack([embedding_frequencies[idx](f) for idx, f in zip(idx_emb, freq)]) -> [B, 1]
    freq_embeddings = freq_tables[idx_emb, freq]  # [B, 1]
    # bmm(u[B,1,E], v[B,E,1]).squeeze(1) == per-row dot product, kept as [B, 1]
    dot = jnp.sum(users_embeddings * items_embeddings, axis=1, keepdims=True)
    pred_rating = (bias_embedding + dot + freq_embeddings).squeeze(1)  # [B]
    return pred_rating

if __name__ == "__main__":
    import jax
    _d = setup_inputs()
    print(jax.jit(kernel)(*tuple(_d.values())))

</pallas_src>

<mosaic_0001>
#map = affine_map<(d0, d1) -> (0, 0)>
#map1 = affine_map<(d0, d1) -> (0)>
#map2 = affine_map<(d0, d1) -> (0, 0, 0)>
module attributes {stable_mosaic.version = 14 : i64} {
  func.func @_sc_body(%arg0: i32, %arg1: i32, %arg2: memref<32x512xi32, #tpu.memory_space<hbm>>, %arg3: memref<32x512xi32, #tpu.memory_space<hbm>>, %arg4: memref<32x512xi32, #tpu.memory_space<hbm>>, %arg5: memref<32x512xi32, #tpu.memory_space<hbm>>, %arg6: memref<16xf32, #tpu.memory_space<hbm>>, %arg7: memref<125000x8x32xf32, #tpu.memory_space<hbm>>, %arg8: memref<125000x8x32xf32, #tpu.memory_space<hbm>>, %arg9: memref<204x128xf32, #tpu.memory_space<hbm>>, %arg10: memref<16384xf32, #tpu.memory_space<hbm>>, %arg11: memref<512xi32, #tpu.memory_space<vmem>>, %arg12: memref<512xi32, #tpu.memory_space<vmem>>, %arg13: memref<512xi32, #tpu.memory_space<vmem>>, %arg14: memref<512xi32, #tpu.memory_space<vmem>>, %arg15: memref<512xf32, #tpu.memory_space<vmem>>, %arg16: memref<16xf32, #tpu.memory_space<vmem>>, %arg17: memref<32x8x32xf32, #tpu.memory_space<vmem>>, %arg18: memref<32x8x32xf32, #tpu.memory_space<vmem>>, %arg19: memref<32x128xf32, #tpu.memory_space<vmem>>, %arg20: memref<!tpu.dma_semaphore, #tpu.memory_space<semaphore_mem>>, %arg21: memref<!tpu.dma_semaphore, #tpu.memory_space<semaphore_mem>>) attributes {dimension_semantics = [#tpu.dimension_semantics<core_parallel>, #tpu.dimension_semantics<subcore_parallel>], iteration_bounds = array<i64: 2, 16>, scalar_prefetch = 0 : i64, scratch_operands = 11 : i64, tpu.core_type = #tpu.core_type<sc_vector_subcore>, window_params = [{transform_indices = #map}, {transform_indices = #map}, {transform_indices = #map}, {transform_indices = #map}, {transform_indices = #map1}, {transform_indices = #map2}, {transform_indices = #map2}, {transform_indices = #map}, {transform_indices = #map1}]} {
    %mul3A = arith.constant 2 : i32
    %mul3A_0 = arith.muli %arg1, %mul3A : i32
    %add3A = arith.addi %mul3A_0, %arg0 : i32
    %mul3A_1 = arith.constant 512 : i32
    %mul3A_2 = arith.muli %add3A, %mul3A_1 : i32
    "tpu.region"() ({
      %run_scoped3A = tpu.sem_alloc : memref<!tpu.dma_semaphore, #tpu.memory_space<semaphore_mem>>
      %dma_start3A = arith.constant 0 : i32
      %dma_start3A_76 = tpu.memref_slice %arg2[%add3A, %dma_start3A] : memref<32x512xi32, #tpu.memory_space<hbm>> -> memref<1x512xi32, #tpu.memory_space<hbm>>
      %dma_start3A_77 = tpu.memref_squeeze %dma_start3A_76 : memref<1x512xi32, #tpu.memory_space<hbm>> -> memref<512xi32, #tpu.memory_space<hbm>>
      %dma_start3A_78 = arith.constant 0 : i32
      %dma_start3A_79 = tpu.memref_slice %arg2[%add3A, %dma_start3A_78] : memref<32x512xi32, #tpu.memory_space<hbm>> -> memref<1x512xi32, #tpu.memory_space<hbm>>
      %dma_start3A_80 = tpu.memref_squeeze %dma_start3A_79 : memref<1x512xi32, #tpu.memory_space<hbm>> -> memref<512xi32, #tpu.memory_space<hbm>>
      tpu.enqueue_dma source(%dma_start3A_80 : memref<512xi32, #tpu.memory_space<hbm>>) target(%arg11 : memref<512xi32, #tpu.memory_space<vmem>>) target_semaphore(%run_scoped3A : memref<!tpu.dma_semaphore, #tpu.memory_space<semaphore_mem>>)
      %dma_wait3A = arith.constant 0 : i32
      %dma_wait3A_81 = tpu.memref_slice %arg2[%add3A, %dma_wait3A] : memref<32x512xi32, #tpu.memory_space<hbm>> -> memref<1x512xi32, #tpu.memory_space<hbm>>
      %dma_wait3A_82 = tpu.memref_squeeze %dma_wait3A_81 : memref<1x512xi32, #tpu.memory_space<hbm>> -> memref<512xi32, #tpu.memory_space<hbm>>
      %dma_wait3A_83 = arith.constant 0 : i32
      %dma_wait3A_84 = tpu.memref_slice %arg2[%add3A, %dma_wait3A_83] : memref<32x512xi32, #tpu.memory_space<hbm>> -> memref<1x512xi32, #tpu.memory_space<hbm>>
      %dma_wait3A_85 = tpu.memref_squeeze %dma_wait3A_84 : memref<1x512xi32, #tpu.memory_space<hbm>> -> memref<512xi32, #tpu.memory_space<hbm>>
      tpu.wait_dma2 semaphore(%run_scoped3A : memref<!tpu.dma_semaphore, #tpu.memory_space<semaphore_mem>>) src(%dma_wait3A_85 : memref<512xi32, #tpu.memory_space<hbm>>) dst(%arg11 : memref<512xi32, #tpu.memory_space<vmem>>)
      tpu.yield
    }) : () -> ()
    "tpu.region"() ({
      %run_scoped3A = tpu.sem_alloc : memref<!tpu.dma_semaphore, #tpu.memory_space<semaphore_mem>>
      %dma_start3A = arith.constant 0 : i32
      %dma_start3A_76 = tpu.memref_slice %arg3[%add3A, %dma_start3A] : memref<32x512xi32, #tpu.memory_space<hbm>> -> memref<1x512xi32, #tpu.memory_space<hbm>>
      %dma_start3A_77 = tpu.memref_squeeze %dma_start3A_76 : memref<1x512xi32, #tpu.memory_space<hbm>> -> memref<512xi32, #tpu.memory_space<hbm>>
      %dma_start3A_78 = arith.constant 0 : i32
      %dma_start3A_79 = tpu.memref_slice %arg3[%add3A, %dma_start3A_78] : memref<32x512xi32, #tpu.memory_space<hbm>> -> memref<1x512xi32, #tpu.memory_space<hbm>>
      %dma_start3A_80 = tpu.memref_squeeze %dma_start3A_79 : memref<1x512xi32, #tpu.memory_space<hbm>> -> memref<512xi32, #tpu.memory_space<hbm>>
      tpu.enqueue_dma source(%dma_start3A_80 : memref<512xi32, #tpu.memory_space<hbm>>) target(%arg12 : memref<512xi32, #tpu.memory_space<vmem>>) target_semaphore(%run_scoped3A : memref<!tpu.dma_semaphore, #tpu.memory_space<semaphore_mem>>)
      %dma_wait3A = arith.constant 0 : i32
      %dma_wait3A_81 = tpu.memref_slice %arg3[%add3A, %dma_wait3A] : memref<32x512xi32, #tpu.memory_space<hbm>> -> memref<1x512xi32, #tpu.memory_space<hbm>>
      %dma_wait3A_82 = tpu.memref_squeeze %dma_wait3A_81 : memref<1x512xi32, #tpu.memory_space<hbm>> -> memref<512xi32, #tpu.memory_space<hbm>>
      %dma_wait3A_83 = arith.constant 0 : i32
      %dma_wait3A_84 = tpu.memref_slice %arg3[%add3A, %dma_wait3A_83] : memref<32x512xi32, #tpu.memory_space<hbm>> -> memref<1x512xi32, #tpu.memory_space<hbm>>
      %dma_wait3A_85 = tpu.memref_squeeze %dma_wait3A_84 : memref<1x512xi32, #tpu.memory_space<hbm>> -> memref<512xi32, #tpu.memory_space<hbm>>
      tpu.wait_dma2 semaphore(%run_scoped3A : memref<!tpu.dma_semaphore, #tpu.memory_space<semaphore_mem>>) src(%dma_wait3A_85 : memref<512xi32, #tpu.memory_space<hbm>>) dst(%arg12 : memref<512xi32, #tpu.memory_space<vmem>>)
      tpu.yield
    }) : () -> ()
    "tpu.region"() ({
      %run_scoped3A = tpu.sem_alloc : memref<!tpu.dma_semaphore, #tpu.memory_space<semaphore_mem>>
      %dma_start3A = arith.constant 0 : i32
      %dma_start3A_76 = tpu.memref_slice %arg4[%add3A, %dma_start3A] : memref<32x512xi32, #tpu.memory_space<hbm>> -> memref<1x512xi32, #tpu.memory_space<hbm>>
      %dma_start3A_77 = tpu.memref_squeeze %dma_start3A_76 : memref<1x512xi32, #tpu.memory_space<hbm>> -> memref<512xi32, #tpu.memory_space<hbm>>
      %dma_start3A_78 = arith.constant 0 : i32
      %dma_start3A_79 = tpu.memref_slice %arg4[%add3A, %dma_start3A_78] : memref<32x512xi32, #tpu.memory_space<hbm>> -> memref<1x512xi32, #tpu.memory_space<hbm>>
      %dma_start3A_80 = tpu.memref_squeeze %dma_start3A_79 : memref<1x512xi32, #tpu.memory_space<hbm>> -> memref<512xi32, #tpu.memory_space<hbm>>
      tpu.enqueue_dma source(%dma_start3A_80 : memref<512xi32, #tpu.memory_space<hbm>>) target(%arg13 : memref<512xi32, #tpu.memory_space<vmem>>) target_semaphore(%run_scoped3A : memref<!tpu.dma_semaphore, #tpu.memory_space<semaphore_mem>>)
      %dma_wait3A = arith.constant 0 : i32
      %dma_wait3A_81 = tpu.memref_slice %arg4[%add3A, %dma_wait3A] : memref<32x512xi32, #tpu.memory_space<hbm>> -> memref<1x512xi32, #tpu.memory_space<hbm>>
      %dma_wait3A_82 = tpu.memref_squeeze %dma_wait3A_81 : memref<1x512xi32, #tpu.memory_space<hbm>> -> memref<512xi32, #tpu.memory_space<hbm>>
      %dma_wait3A_83 = arith.constant 0 : i32
      %dma_wait3A_84 = tpu.memref_slice %arg4[%add3A, %dma_wait3A_83] : memref<32x512xi32, #tpu.memory_space<hbm>> -> memref<1x512xi32, #tpu.memory_space<hbm>>
      %dma_wait3A_85 = tpu.memref_squeeze %dma_wait3A_84 : memref<1x512xi32, #tpu.memory_space<hbm>> -> memref<512xi32, #tpu.memory_space<hbm>>
      tpu.wait_dma2 semaphore(%run_scoped3A : memref<!tpu.dma_semaphore, #tpu.memory_space<semaphore_mem>>) src(%dma_wait3A_85 : memref<512xi32, #tpu.memory_space<hbm>>) dst(%arg13 : memref<512xi32, #tpu.memory_space<vmem>>)
      tpu.yield
    }) : () -> ()
    "tpu.region"() ({
      %run_scoped3A = tpu.sem_alloc : memref<!tpu.dma_semaphore, #tpu.memory_space<semaphore_mem>>
      %dma_start3A = arith.constant 0 : i32
      %dma_start3A_76 = tpu.memref_slice %arg5[%add3A, %dma_start3A] : memref<32x512xi32, #tpu.memory_space<hbm>> -> memref<1x512xi32, #tpu.memory_space<hbm>>
      %dma_start3A_77 = tpu.memref_squeeze %dma_start3A_76 : memref<1x512xi32, #tpu.memory_space<hbm>> -> memref<512xi32, #tpu.memory_space<hbm>>
      %dma_start3A_78 = arith.constant 0 : i32
      %dma_start3A_79 = tpu.memref_slice %arg5[%add3A, %dma_start3A_78] : memref<32x512xi32, #tpu.memory_space<hbm>> -> memref<1x512xi32, #tpu.memory_space<hbm>>
      %dma_start3A_80 = tpu.memref_squeeze %dma_start3A_79 : memref<1x512xi32, #tpu.memory_space<hbm>> -> memref<512xi32, #tpu.memory_space<hbm>>
      tpu.enqueue_dma source(%dma_start3A_80 : memref<512xi32, #tpu.memory_space<hbm>>) target(%arg14 : memref<512xi32, #tpu.memory_space<vmem>>) target_semaphore(%run_scoped3A : memref<!tpu.dma_semaphore, #tpu.memory_space<semaphore_mem>>)
      %dma_wait3A = arith.constant 0 : i32
      %dma_wait3A_81 = tpu.memref_slice %arg5[%add3A, %dma_wait3A] : memref<32x512xi32, #tpu.memory_space<hbm>> -> memref<1x512xi32, #tpu.memory_space<hbm>>
      %dma_wait3A_82 = tpu.memref_squeeze %dma_wait3A_81 : memref<1x512xi32, #tpu.memory_space<hbm>> -> memref<512xi32, #tpu.memory_space<hbm>>
      %dma_wait3A_83 = arith.constant 0 : i32
      %dma_wait3A_84 = tpu.memref_slice %arg5[%add3A, %dma_wait3A_83] : memref<32x512xi32, #tpu.memory_space<hbm>> -> memref<1x512xi32, #tpu.memory_space<hbm>>
      %dma_wait3A_85 = tpu.memref_squeeze %dma_wait3A_84 : memref<1x512xi32, #tpu.memory_space<hbm>> -> memref<512xi32, #tpu.memory_space<hbm>>
      tpu.wait_dma2 semaphore(%run_scoped3A : memref<!tpu.dma_semaphore, #tpu.memory_space<semaphore_mem>>) src(%dma_wait3A_85 : memref<512xi32, #tpu.memory_space<hbm>>) dst(%arg14 : memref<512xi32, #tpu.memory_space<vmem>>)
      tpu.yield
    }) : () -> ()
    "tpu.region"() ({
      %run_scoped3A = tpu.sem_alloc : memref<!tpu.dma_semaphore, #tpu.memory_space<semaphore_mem>>
      tpu.enqueue_dma source(%arg6 : memref<16xf32, #tpu.memory_space<hbm>>) target(%arg16 : memref<16xf32, #tpu.memory_space<vmem>>) target_semaphore(%run_scoped3A : memref<!tpu.dma_semaphore, #tpu.memory_space<semaphore_mem>>)
      tpu.wait_dma2 semaphore(%run_scoped3A : memref<!tpu.dma_semaphore, #tpu.memory_space<semaphore_mem>>) src(%arg6 : memref<16xf32, #tpu.memory_space<hbm>>) dst(%arg16 : memref<16xf32, #tpu.memory_space<vmem>>)
      tpu.yield
    }) : () -> ()
    %iota3A = tpu.iota {dimensions = array<i32: 0>} : vector<16xi32>
    %broadcast_in_dim3A = arith.constant 0 : i32
    %broadcast_in_dim3A_3 = vector.broadcast %broadcast_in_dim3A : i32 to vector<16xi32>
    %broadcast_in_dim3A_4 = arith.constant 1 : i32
    %broadcast_in_dim3A_5 = vector.broadcast %broadcast_in_dim3A_4 : i32 to vector<16xi32>
    %broadcast_in_dim3A_6 = arith.constant 2 : i32
    %broadcast_in_dim3A_7 = vector.broadcast %broadcast_in_dim3A_6 : i32 to vector<16xi32>
    %broadcast_in_dim3A_8 = arith.constant 3 : i32
    %broadcast_in_dim3A_9 = vector.broadcast %broadcast_in_dim3A_8 : i32 to vector<16xi32>
    %broadcast_in_dim3A_10 = arith.constant 4 : i32
    %broadcast_in_dim3A_11 = vector.broadcast %broadcast_in_dim3A_10 : i32 to vector<16xi32>
    %broadcast_in_dim3A_12 = arith.constant 5 : i32
    %broadcast_in_dim3A_13 = vector.broadcast %broadcast_in_dim3A_12 : i32 to vector<16xi32>
    %broadcast_in_dim3A_14 = arith.constant 6 : i32
    %broadcast_in_dim3A_15 = vector.broadcast %broadcast_in_dim3A_14 : i32 to vector<16xi32>
    %broadcast_in_dim3A_16 = arith.constant 7 : i32
    %broadcast_in_dim3A_17 = vector.broadcast %broadcast_in_dim3A_16 : i32 to vector<16xi32>
    %broadcast_in_dim3A_18 = arith.constant 8 : i32
    %broadcast_in_dim3A_19 = vector.broadcast %broadcast_in_dim3A_18 : i32 to vector<16xi32>
    %broadcast_in_dim3A_20 = arith.constant 9 : i32
    %broadcast_in_dim3A_21 = vector.broadcast %broadcast_in_dim3A_20 : i32 to vector<16xi32>
    %broadcast_in_dim3A_22 = arith.constant 10 : i32
    %broadcast_in_dim3A_23 = vector.broadcast %broadcast_in_dim3A_22 : i32 to vector<16xi32>
    %broadcast_in_dim3A_24 = arith.constant 11 : i32
    %broadcast_in_dim3A_25 = vector.broadcast %broadcast_in_dim3A_24 : i32 to vector<16xi32>
    %broadcast_in_dim3A_26 = arith.constant 12 : i32
    %broadcast_in_dim3A_27 = vector.broadcast %broadcast_in_dim3A_26 : i32 to vector<16xi32>
    %broadcast_in_dim3A_28 = arith.constant 13 : i32
    %broadcast_in_dim3A_29 = vector.broadcast %broadcast_in_dim3A_28 : i32 to vector<16xi32>
    %broadcast_in_dim3A_30 = arith.constant 14 : i32
    %broadcast_in_dim3A_31 = vector.broadcast %broadcast_in_dim3A_30 : i32 to vector<16xi32>
    %broadcast_in_dim3A_32 = arith.constant 15 : i32
    %broadcast_in_dim3A_33 = vector.broadcast %broadcast_in_dim3A_32 : i32 to vector<16xi32>
    %broadcast_in_dim3A_34 = arith.constant 16 : i32
    %broadcast_in_dim3A_35 = vector.broadcast %broadcast_in_dim3A_34 : i32 to vector<16xi32>
    %broadcast_in_dim3A_36 = arith.constant 17 : i32
    %broadcast_in_dim3A_37 = vector.broadcast %broadcast_in_dim3A_36 : i32 to vector<16xi32>
    %broadcast_in_dim3A_38 = arith.constant 18 : i32
    %broadcast_in_dim3A_39 = vector.broadcast %broadcast_in_dim3A_38 : i32 to vector<16xi32>
    %broadcast_in_dim3A_40 = arith.constant 19 : i32
    %broadcast_in_dim3A_41 = vector.broadcast %broadcast_in_dim3A_40 : i32 to vector<16xi32>
    %broadcast_in_dim3A_42 = arith.constant 20 : i32
    %broadcast_in_dim3A_43 = vector.broadcast %broadcast_in_dim3A_42 : i32 to vector<16xi32>
    %broadcast_in_dim3A_44 = arith.constant 21 : i32
    %broadcast_in_dim3A_45 = vector.broadcast %broadcast_in_dim3A_44 : i32 to vector<16xi32>
    %broadcast_in_dim3A_46 = arith.constant 22 : i32
    %broadcast_in_dim3A_47 = vector.broadcast %broadcast_in_dim3A_46 : i32 to vector<16xi32>
    %broadcast_in_dim3A_48 = arith.constant 23 : i32
    %broadcast_in_dim3A_49 = vector.broadcast %broadcast_in_dim3A_48 : i32 to vector<16xi32>
    %broadcast_in_dim3A_50 = arith.constant 24 : i32
    %broadcast_in_dim3A_51 = vector.broadcast %broadcast_in_dim3A_50 : i32 to vector<16xi32>
    %broadcast_in_dim3A_52 = arith.constant 25 : i32
    %broadcast_in_dim3A_53 = vector.broadcast %broadcast_in_dim3A_52 : i32 to vector<16xi32>
    %broadcast_in_dim3A_54 = arith.constant 26 : i32
    %broadcast_in_dim3A_55 = vector.broadcast %broadcast_in_dim3A_54 : i32 to vector<16xi32>
    %broadcast_in_dim3A_56 = arith.constant 27 : i32
    %broadcast_in_dim3A_57 = vector.broadcast %broadcast_in_dim3A_56 : i32 to vector<16xi32>
    %broadcast_in_dim3A_58 = arith.constant 28 : i32
    %broadcast_in_dim3A_59 = vector.broadcast %broadcast_in_dim3A_58 : i32 to vector<16xi32>
    %broadcast_in_dim3A_60 = arith.constant 29 : i32
    %broadcast_in_dim3A_61 = vector.broadcast %broadcast_in_dim3A_60 : i32 to vector<16xi32>
    %broadcast_in_dim3A_62 = arith.constant 30 : i32
    %broadcast_in_dim3A_63 = vector.broadcast %broadcast_in_dim3A_62 : i32 to vector<16xi32>
    %broadcast_in_dim3A_64 = arith.constant 31 : i32
    %broadcast_in_dim3A_65 = vector.broadcast %broadcast_in_dim3A_64 : i32 to vector<16xi32>
    %get3A = arith.constant 0 : index
    %get3A_66 = tpu.vector_load %arg16[%get3A] {strides = array<i32>} : memref<16xf32, #tpu.memory_space<vmem>>, vector<16xf32>,
    %broadcast_in_dim3A_67 = arith.constant 7 : i32
    %broadcast_in_dim3A_68 = vector.broadcast %broadcast_in_dim3A_67 : i32 to vector<16xi32>
    %broadcast_in_dim3A_69 = arith.constant 127 : i32
    %broadcast_in_dim3A_70 = vector.broadcast %broadcast_in_dim3A_69 : i32 to vector<16xi32>
    %scan3A = arith.constant 0 : i32
    %scan3A_71 = arith.constant 0 : i32
    %scan3A_72 = arith.constant 16 : i32
    %scan3A_73 = arith.addi %scan3A_71, %scan3A_72 : i32
    %scan3A_74 = arith.constant 1 : i32
    scf.for %scan3A_76 = %scan3A_71 to %scan3A_73 step %scan3A_74  : i32 {
      %mul3A_77 = arith.constant 32 : i32
      %mul3A_78 = arith.muli %scan3A_76, %mul3A_77 : i32
      %add3A_79 = arith.constant 0 : i32
      %add3A_80 = arith.addi %mul3A_78, %add3A_79 : i32
      %get3A_81 = arith.index_cast %add3A_80 : i32 to index
      %get3A_82 = tpu.vector_load %arg11[%get3A_81] {strides = array<i32>} : memref<512xi32, #tpu.memory_space<vmem>>, vector<16xi32>,
      %shift_right_logical3A = arith.constant 3 : i32
      %shift_right_logical3A_83 = vector.broadcast %shift_right_logical3A : i32 to vector<16xi32>
      %shift_right_logical3A_84 = arith.shrui %get3A_82, %shift_right_logical3A_83 : vector<16xi32>
      %get3A_85 = arith.index_cast %add3A_80 : i32 to index
      %get3A_86 = tpu.vector_load %arg12[%get3A_85] {strides = array<i32>} : memref<512xi32, #tpu.memory_space<vmem>>, vector<16xi32>,
      %shift_right_logical3A_87 = arith.constant 3 : i32
      %shift_right_logical3A_88 = vector.broadcast %shift_right_logical3A_87 : i32 to vector<16xi32>
      %shift_right_logical3A_89 = arith.shrui %get3A_86, %shift_right_logical3A_88 : vector<16xi32>
      %slice3A = vector.extract_strided_slice %shift_right_logical3A_84 {offsets = [0], sizes = [1], strides = [1]} : vector<16xi32> to vector<1xi32>
      %squeeze3A = vector.extract %slice3A[0] : i32 from vector<1xi32>
      %dma_start3A = arith.constant 0 : i32
      %dma_start3A_90 = arith.constant 0 : i32
      %dma_start3A_91 = arith.constant 0 : i32
      %dma_start3A_92 = tpu.memref_slice %arg17[%dma_start3A, %dma_start3A_90, %dma_start3A_91] : memref<32x8x32xf32, #tpu.memory_space<vmem>> -> memref<1x8x32xf32, #tpu.memory_space<vmem>>
      %dma_start3A_93 = tpu.memref_squeeze %dma_start3A_92 : memref<1x8x32xf32, #tpu.memory_space<vmem>> -> memref<8x32xf32, #tpu.memory_space<vmem>>
      %dma_start3A_94 = arith.constant 0 : i32
      %dma_start3A_95 = arith.constant 0 : i32
      %dma_start3A_96 = tpu.memref_slice %arg7[%squeeze3A, %dma_start3A_94, %dma_start3A_95] : memref<125000x8x32xf32, #tpu.memory_space<hbm>> -> memref<1x8x32xf32, #tpu.memory_space<hbm>>
      %dma_start3A_97 = tpu.memref_squeeze %dma_start3A_96 : memref<1x8x32xf32, #tpu.memory_space<hbm>> -> memref<8x32xf32, #tpu.memory_space<hbm>>
      %dma_start3A_98 = arith.constant 0 : i32
      %dma_start3A_99 = arith.constant 0 : i32
      %dma_start3A_100 = tpu.memref_slice %arg17[%dma_start3A, %dma_start3A_98, %dma_start3A_99] : memref<32x8x32xf32, #tpu.memory_space<vmem>> -> memref<1x8x32xf32, #tpu.memory_space<vmem>>
      %dma_start3A_101 = tpu.memref_squeeze %dma_start3A_100 : memref<1x8x32xf32, #tpu.memory_space<vmem>> -> memref<8x32xf32, #tpu.memory_space<vmem>>
      %dma_start3A_102 = arith.constant 0 : i32
      %dma_start3A_103 = arith.constant 0 : i32
      %dma_start3A_104 = tpu.memref_slice %arg7[%squeeze3A, %dma_start3A_102, %dma_start3A_103] : memref<125000x8x32xf32, #tpu.memory_space<hbm>> -> memref<1x8x32xf32, #tpu.memory_space<hbm>>
      %dma_start3A_105 = tpu.memref_squeeze %dma_start3A_104 : memref<1x8x32xf32, #tpu.memory_space<hbm>> -> memref<8x32xf32, #tpu.memory_space<hbm>>
      tpu.enqueue_dma source(%dma_start3A_105 : memref<8x32xf32, #tpu.memory_space<hbm>>) target(%dma_start3A_101 : memref<8x32xf32, #tpu.memory_space<vmem>>) target_semaphore(%arg20 : memref<!tpu.dma_semaphore, #tpu.memory_space<semaphore_mem>>)
      %slice3A_106 = vector.extract_strided_slice %shift_right_logical3A_89 {offsets = [0], sizes = [1], strides = [1]} : vector<16xi32> to vector<1xi32>
      %squeeze3A_107 = vector.extract %slice3A_106[0] : i32 from vector<1xi32>
      %dma_start3A_108 = arith.constant 0 : i32
      %dma_start3A_109 = arith.constant 0 : i32
      %dma_start3A_110 = arith.constant 0 : i32
      %dma_start3A_111 = tpu.memref_slice %arg18[%dma_start3A_108, %dma_start3A_109, %dma_start3A_110] : memref<32x8x32xf32, #tpu.memory_space<vmem>> -> memref<1x8x32xf32, #tpu.memory_space<vmem>>
      %dma_start3A_112 = tpu.memref_squeeze %dma_start3A_111 : memref<1x8x32xf32, #tpu.memory_space<vmem>> -> memref<8x32xf32, #tpu.memory_space<vmem>>
      %dma_start3A_113 = arith.constant 0 : i32
      %dma_start3A_114 = arith.constant 0 : i32
      %dma_start3A_115 = tpu.memref_slice %arg8[%squeeze3A_107, %dma_start3A_113, %dma_start3A_114] : memref<125000x8x32xf32, #tpu.memory_space<hbm>> -> memref<1x8x32xf32, #tpu.memory_space<hbm>>
      %dma_start3A_116 = tpu.memref_squeeze %dma_start3A_115 : memref<1x8x32xf32, #tpu.memory_space<hbm>> -> memref<8x32xf32, #tpu.memory_space<hbm>>
      %dma_start3A_117 = arith.constant 0 : i32
      %dma_start3A_118 = arith.constant 0 : i32
      %dma_start3A_119 = tpu.memref_slice %arg18[%dma_start3A_108, %dma_start3A_117, %dma_start3A_118] : memref<32x8x32xf32, #tpu.memory_space<vmem>> -> memref<1x8x32xf32, #tpu.memory_space<vmem>>
      %dma_start3A_120 = tpu.memref_squeeze %dma_start3A_119 : memref<1x8x32xf32, #tpu.memory_space<vmem>> -> memref<8x32xf32, #tpu.memory_space<vmem>>
      %dma_start3A_121 = arith.constant 0 : i32
      %dma_start3A_122 = arith.constant 0 : i32
      %dma_start3A_123 = tpu.memref_slice %arg8[%squeeze3A_107, %dma_start3A_121, %dma_start3A_122] : memref<125000x8x32xf32, #tpu.memory_space<hbm>> -> memref<1x8x32xf32, #tpu.memory_space<hbm>>
      %dma_start3A_124 = tpu.memref_squeeze %dma_start3A_123 : memref<1x8x32xf32, #tpu.memory_space<hbm>> -> memref<8x32xf32, #tpu.memory_space<hbm>>
      tpu.enqueue_dma source(%dma_start3A_124 : memref<8x32xf32, #tpu.memory_space<hbm>>) target(%dma_start3A_120 : memref<8x32xf32, #tpu.memory_space<vmem>>) target_semaphore(%arg20 : memref<!tpu.dma_semaphore, #tpu.memory_space<semaphore_mem>>)
      %slice3A_125 = vector.extract_strided_slice %shift_right_logical3A_84 {offsets = [1], sizes = [1], strides = [1]} : vector<16xi32> to vector<1xi32>
      %squeeze3A_126 = vector.extract %slice3A_125[0] : i32 from vector<1xi32>
      %dma_start3A_127 = arith.constant 1 : i32
      %dma_start3A_128 = arith.constant 0 : i32
      %dma_start3A_129 = arith.constant 0 : i32
      %dma_start3A_130 = tpu.memref_slice %arg17[%dma_start3A_127, %dma_start3A_128, %dma_start3A_129] : memref<32x8x32xf32, #tpu.memory_space<vmem>> -> memref<1x8x32xf32, #tpu.memory_space<vmem>>
      %dma_start3A_131 = tpu.memref_squeeze %dma_start3A_130 : memref<1x8x32xf32, #tpu.memory_space<vmem>> -> memref<8x32xf32, #tpu.memory_space<vmem>>
      %dma_start3A_132 = arith.constant 0 : i32
      %dma_start3A_133 = arith.constant 0 : i32
      %dma_start3A_134 = tpu.memref_slice %arg7[%squeeze3A_126, %dma_start3A_132, %dma_start3A_133] : memref<125000x8x32xf32, #tpu.memory_space<hbm>> -> memref<1x8x32xf32, #tpu.memory_space<hbm>>
      %dma_start3A_135 = tpu.memref_squeeze %dma_start3A_134 : memref<1x8x32xf32, #tpu.memory_space<hbm>> -> memref<8x32xf32, #tpu.memory_space<hbm>>
      %dma_start3A_136 = arith.constant 0 : i32
      %dma_start3A_137 = arith.constant 0 : i32
      %dma_start3A_138 = tpu.memref_slice %arg17[%dma_start3A_127, %dma_start3A_136, %dma_start3A_137] : memref<32x8x32xf32, #tpu.memory_space<vmem>> -> memref<1x8x32xf32, #tpu.memory_space<vmem>>
      %dma_start3A_139 = tpu.memref_squeeze %dma_start3A_138 : memref<1x8x32xf32, #tpu.memory_space<vmem>> -> memref<8x32xf32, #tpu.memory_space<vmem>>
      %dma_start3A_140 = arith.constant 0 : i32
      %dma_start3A_141 = arith.constant 0 : i32
      %dma_start3A_142 = tpu.memref_slice %arg7[%squeeze3A_126, %dma_start3A_140, %dma_start3A_141] : memref<125000x8x32xf32, #tpu.memory_space<hbm>> -> memref<1x8x32xf32, #tpu.memory_space<hbm>>
      %dma_start3A_143 = tpu.memref_squeeze %dma_start3A_142 : memref<1x8x32xf32, #tpu.memory_space<hbm>> -> memref<8x32xf32, #tpu.memory_space<hbm>>
      tpu.enqueue_dma source(%dma_start3A_143 : memref<8x32xf32, #tpu.memory_space<hbm>>) target(%dma_start3A_139 : memref<8x32xf32, #tpu.memory_space<vmem>>) target_semaphore(%arg20 : memref<!tpu.dma_semaphore, #tpu.memory_space<semaphore_mem>>)
      %slice3A_144 = vector.extract_strided_slice %shift_right_logical3A_89 {offsets = [1], sizes = [1], strides = [1]} : vector<16xi32> to vector<1xi32>
      %squeeze3A_145 = vector.extract %slice3A_144[0] : i32 from vector<1xi32>
      %dma_start3A_146 = arith.constant 1 : i32
      %dma_start3A_147 = arith.constant 0 : i32
      %dma_start3A_148 = arith.constant 0 : i32
      %dma_start3A_149 = tpu.memref_slice %arg18[%dma_start3A_146, %dma_start3A_147, %dma_start3A_148] : memref<32x8x32xf32, #tpu.memory_space<vmem>> -> memref<1x8x32xf32, #tpu.memory_space<vmem>>
      %dma_start3A_150 = tpu.memref_squeeze %dma_start3A_149 : memref<1x8x32xf32, #tpu.memory_space<vmem>> -> memref<8x32xf32, #tpu.memory_space<vmem>>
      %dma_start3A_151 = arith.constant 0 : i32
      %dma_start3A_152 = arith.constant 0 : i32
      %dma_start3A_153 = tpu.memref_slice %arg8[%squeeze3A_145, %dma_start3A_151, %dma_start3A_152] : memref<125000x8x32xf32, #tpu.memory_space<hbm>> -> memref<1x8x32xf32, #tpu.memory_space<hbm>>
      %dma_start3A_154 = tpu.memref_squeeze %dma_start3A_153 : memref<1x8x32xf32, #tpu.memory_space<hbm>> -> memref<8x32xf32, #tpu.memory_space<hbm>>
      %dma_start3A_155 = arith.constant 0 : i32
      %dma_start3A_156 = arith.constant 0 : i32
      %dma_start3A_157 = tpu.memref_slice %arg18[%dma_start3A_146, %dma_start3A_155, %dma_start3A_156] : memref<32x8x32xf32, #tpu.memory_space<vmem>> -> memref<1x8x32xf32, #tpu.memory_space<vmem>>
      %dma_start3A_158 = tpu.memref_squeeze %dma_start3A_157 : memref<1x8x32xf32, #tpu.memory_space<vmem>> -> memref<8x32xf32, #tpu.memory_space<vmem>>
      %dma_start3A_159 = arith.constant 0 : i32
      %dma_start3A_160 = arith.constant 0 : i32
      %dma_start3A_161 = tpu.memref_slice %arg8[%squeeze3A_145, %dma_start3A_159, %dma_start3A_160] : memref<125000x8x32xf32, #tpu.memory_space<hbm>> -> memref<1x8x32xf32, #tpu.memory_space<hbm>>
      %dma_start3A_162 = tpu.memref_squeeze %dma_start3A_161 : memref<1x8x32xf32, #tpu.memory_space<hbm>> -> memref<8x32xf32, #tpu.memory_space<hbm>>
      tpu.enqueue_dma source(%dma_start3A_162 : memref<8x32xf32, #tpu.memory_space<hbm>>) target(%dma_start3A_158 : memref<8x32xf32, #tpu.memory_space<vmem>>) target_semaphore(%arg20 : memref<!tpu.dma_semaphore, #tpu.memory_space<semaphore_mem>>)
      %slice3A_163 = vector.extract_strided_slice %shift_right_logical3A_84 {offsets = [2], sizes = [1], strides = [1]} : vector<16xi32> to vector<1xi32>
      %squeeze3A_164 = vector.extract %slice3A_163[0] : i32 from vector<1xi32>
      %dma_start3A_165 = arith.constant 2 : i32
      %dma_start3A_166 = arith.constant 0 : i32
      %dma_start3A_167 = arith.constant 0 : i32
      %dma_start3A_168 = tpu.memref_slice %arg17[%dma_start3A_165, %dma_start3A_166, %dma_start3A_167] : memref<32x8x32xf32, #tpu.memory_space<vmem>> -> memref<1x8x32xf32, #tpu.memory_space<vmem>>
      %dma_start3A_169 = tpu.memref_squeeze %dma_start3A_168 : memref<1x8x32xf32, #tpu.memory_space<vmem>> -> memref<8x32xf32, #tpu.memory_space<vmem>>
      %dma_start3A_170 = arith.constant 0 : i32
      %dma_start3A_171 = arith.constant 0 : i32
      %dma_start3A_172 = tpu.memref_slice %arg7[%squeeze3A_164, %dma_start3A_170, %dma_start3A_171] : memref<125000x8x32xf32, #tpu.memory_space<hbm>> -> memref<1x8x32xf32, #tpu.memory_space<hbm>>
      %dma_start3A_173 = tpu.memref_squeeze %dma_start3A_172 : memref<1x8x32xf32, #tpu.memory_space<hbm>> -> memref<8x32xf32, #tpu.memory_space<hbm>>
      %dma_start3A_174 = arith.constant 0 : i32
      %dma_start3A_175 = arith.constant 0 : i32
      %dma_start3A_176 = tpu.memref_slice %arg17[%dma_start3A_165, %dma_start3A_174, %dma_start3A_175] : memref<32x8x32xf32, #tpu.memory_space<vmem>> -> memref<1x8x32xf32, #tpu.memory_space<vmem>>
      %dma_start3A_177 = tpu.memref_squeeze %dma_start3A_176 : memref<1x8x32xf32, #tpu.memory_space<vmem>> -> memref<8x32xf32, #tpu.memory_space<vmem>>
      %dma_start3A_178 = arith.constant 0 : i32
      %dma_start3A_179 = arith.constant 0 : i32
      %dma_start3A_180 = tpu.memref_slice %arg7[%squeeze3A_164, %dma_start3A_178, %dma_start3A_179] : memref<125000x8x32xf32, #tpu.memory_space<hbm>> -> memref<1x8x32xf32, #tpu.memory_space<hbm>>
      %dma_start3A_181 = tpu.memref_squeeze %dma_start3A_180 : memref<1x8x32xf32, #tpu.memory_space<hbm>> -> memref<8x32xf32, #tpu.memory_space<hbm>>
      tpu.enqueue_dma source(%dma_start3A_181 : memref<8x32xf32, #tpu.memory_space<hbm>>) target(%dma_start3A_177 : memref<8x32xf32, #tpu.memory_space<vmem>>) target_semaphore(%arg20 : memref<!tpu.dma_semaphore, #tpu.memory_space<semaphore_mem>>)
      %slice3A_182 = vector.extract_strided_slice %shift_right_logical3A_89 {offsets = [2], sizes = [1], strides = [1]} : vector<16xi32> to vector<1xi32>
      %squeeze3A_183 = vector.extract %slice3A_182[0] : i32 from vector<1xi32>
      %dma_start3A_184 = arith.constant 2 : i32
      %dma_start3A_185 = arith.constant 0 : i32
      %dma_start3A_186 = arith.constant 0 : i32
      %dma_start3A_187 = tpu.memref_slice %arg18[%dma_start3A_184, %dma_start3A_185, %dma_start3A_186] : memref<32x8x32xf32, #tpu.memory_space<vmem>> -> memref<1x8x32xf32, #tpu.memory_space<vmem>>
      %dma_start3A_188 = tpu.memref_squeeze %dma_start3A_187 : memref<1x8x32xf32, #tpu.memory_space<vmem>> -> memref<8x32xf32, #tpu.memory_space<vmem>>
      %dma_start3A_189 = arith.constant 0 : i32
      %dma_start3A_190 = arith.constant 0 : i32
      %dma_start3A_191 = tpu.memref_slice %arg8[%squeeze3A_183, %dma_start3A_189, %dma_start3A_190] : memref<125000x8x32xf32, #tpu.memory_space<hbm>> -> memref<1x8x32xf32, #tpu.memory_space<hbm>>
      %dma_start3A_192 = tpu.memref_squeeze %dma_start3A_191 : memref<1x8x32xf32, #tpu.memory_space<hbm>> -> memref<8x32xf32, #tpu.memory_space<hbm>>
      %dma_start3A_193 = arith.constant 0 : i32
      %dma_start3A_194 = arith.constant 0 : i32
      %dma_start3A_195 = tpu.memref_slice %arg18[%dma_start3A_184, %dma_start3A_193, %dma_start3A_194] : memref<32x8x32xf32, #tpu.memory_space<vmem>> -> memref<1x8x32xf32, #tpu.memory_space<vmem>>
      %dma_start3A_196 = tpu.memref_squeeze %dma_start3A_195 : memref<1x8x32xf32, #tpu.memory_space<vmem>> -> memref<8x32xf32, #tpu.memory_space<vmem>>
      %dma_start3A_197 = arith.constant 0 : i32
      %dma_start3A_198 = arith.constant 0 : i32
      %dma_start3A_199 = tpu.memref_slice %arg8[%squeeze3A_183, %dma_start3A_197, %dma_start3A_198] : memref<125000x8x32xf32, #tpu.memory_space<hbm>> -> memref<1x8x32xf32, #tpu.memory_space<hbm>>
      %dma_start3A_200 = tpu.memref_squeeze %dma_start3A_199 : memref<1x8x32xf32, #tpu.memory_space<hbm>> -> memref<8x32xf32, #tpu.memory_space<hbm>>
      tpu.enqueue_dma source(%dma_start3A_200 : memref<8x32xf32, #tpu.memory_space<hbm>>) target(%dma_start3A_196 : memref<8x32xf32, #tpu.memory_space<vmem>>) target_semaphore(%arg20 : memref<!tpu.dma_semaphore, #tpu.memory_space<semaphore_mem>>)
      %slice3A_201 = vector.extract_strided_slice %shift_right_logical3A_84 {offsets = [3], sizes = [1], strides = [1]} : vector<16xi32> to vector<1xi32>
      %squeeze3A_202 = vector.extract %slice3A_201[0] : i32 from vector<1xi32>
      %dma_start3A_203 = arith.constant 3 : i32
      %dma_start3A_204 = arith.constant 0 : i32
      %dma_start3A_205 = arith.constant 0 : i32
      %dma_start3A_206 = tpu.memref_slice %arg17[%dma_start3A_203, %dma_start3A_204, %dma_start3A_205] : memref<32x8x32xf32, #tpu.memory_space<vmem>> -> memref<1x8x32xf32, #tpu.memory_space<vmem>>
      %dma_start3A_207 = tpu.memref_squeeze %dma_start3A_206 : memref<1x8x32xf32, #tpu.memory_space<vmem>> -> memref<8x32xf32, #tpu.memory_space<vmem>>
      %dma_start3A_208 = arith.constant 0 : i32
      %dma_start3A_209 = arith.constant 0 : i32
      %dma_start3A_210 = tpu.memref_slice %arg7[%squeeze3A_202, %dma_start3A_208, %dma_start3A_209] : memref<125000x8x32xf32, #tpu.memory_space<hbm>> -> memref<1x8x32xf32, #tpu.memory_space<hbm>>
      %dma_start3A_211 = tpu.memref_squeeze %dma_start3A_210 : memref<1x8x32xf32, #tpu.memory_space<hbm>> -> memref<8x32xf32, #tpu.memory_space<hbm>>
      %dma_start3A_212 = arith.constant 0 : i32
      %dma_start3A_213 = arith.constant 0 : i32
      %dma_start3A_214 = tpu.memref_slice %arg17[%dma_start3A_203, %dma_start3A_212, %dma_start3A_213] : memref<32x8x32xf32, #tpu.memory_space<vmem>> -> memref<1x8x32xf32, #tpu.memory_space<vmem>>
      %dma_start3A_215 = tpu.memref_squeeze %dma_start3A_214 : memref<1x8x32xf32, #tpu.memory_space<vmem>> -> memref<8x32xf32, #tpu.memory_space<vmem>>
      %dma_start3A_216 = arith.constant 0 : i32
      %dma_start3A_217 = arith.constant 0 : i32
      %dma_start3A_218 = tpu.memref_slice %arg7[%squeeze3A_202, %dma_start3A_216, %dma_start3A_217] : memref<125000x8x32xf32, #tpu.memory_space<hbm>> -> memref<1x8x32xf32, #tpu.memory_space<hbm>>
      %dma_start3A_219 = tpu.memref_squeeze %dma_start3A_218 : memref<1x8x32xf32, #tpu.memory_space<hbm>> -> memref<8x32xf32, #tpu.memory_space<hbm>>
      tpu.enqueue_dma source(%dma_start3A_219 : memref<8x32xf32, #tpu.memory_space<hbm>>) target(%dma_start3A_215 : memref<8x32xf32, #tpu.memory_space<vmem>>) target_semaphore(%arg20 : memref<!tpu.dma_semaphore, #tpu.memory_space<semaphore_mem>>)
      %slice3A_220 = vector.extract_strided_slice %shift_right_logical3A_89 {offsets = [3], sizes = [1], strides = [1]} : vector<16xi32> to vector<1xi32>
      %squeeze3A_221 = vector.extract %slice3A_220[0] : i32 from vector<1xi32>
      %dma_start3A_222 = arith.constant 3 : i32
      %dma_start3A_223 = arith.constant 0 : i32
      %dma_start3A_224 = arith.constant 0 : i32
      %dma_start3A_225 = tpu.memref_slice %arg18[%dma_start3A_222, %dma_start3A_223, %dma_start3A_224] : memref<32x8x32xf32, #tpu.memory_space<vmem>> -> memref<1x8x32xf32, #tpu.memory_space<vmem>>
      %dma_start3A_226 = tpu.memref_squeeze %dma_start3A_225 : memref<1x8x32xf32, #tpu.memory_space<vmem>> -> memref<8x32xf32, #tpu.memory_space<vmem>>
      %dma_start3A_227 = arith.constant 0 : i32
      %dma_start3A_228 = arith.constant 0 : i32
      %dma_start3A_229 = tpu.memref_slice %arg8[%squeeze3A_221, %dma_start3A_227, %dma_start3A_228] : memref<125000x8x32xf32, #tpu.memory_space<hbm>> -> memref<1x8x32xf32, #tpu.memory_space<hbm>>
      %dma_start3A_230 = tpu.memref_squeeze %dma_start3A_229 : memref<1x8x32xf32, #tpu.memory_space<hbm>> -> memref<8x32xf32, #tpu.memory_space<hbm>>
      %dma_start3A_231 = arith.constant 0 : i32
      %dma_start3A_232 = arith.constant 0 : i32
      %dma_start3A_233 = tpu.memref_slice %arg18[%dma_start3A_222, %dma_start3A_231, %dma_start3A_232] : memref<32x8x32xf32, #tpu.memory_space<vmem>> -> memref<1x8x32xf32, #tpu.memory_space<vmem>>
      %dma_start3A_234 = tpu.memref_squeeze %dma_start3A_233 : memref<1x8x32xf32, #tpu.memory_space<vmem>> -> memref<8x32xf32, #tpu.memory_space<vmem>>
      %dma_start3A_235 = arith.constant 0 : i32
      %dma_start3A_236 = arith.constant 0 : i32
      %dma_start3A_237 = tpu.memref_slice %arg8[%squeeze3A_221, %dma_start3A_235, %dma_start3A_236] : memref<125000x8x32xf32, #tpu.memory_space<hbm>> -> memref<1x8x32xf32, #tpu.memory_space<hbm>>
      %dma_start3A_238 = tpu.memref_squeeze %dma_start3A_237 : memref<1x8x32xf32, #tpu.memory_space<hbm>> -> memref<8x32xf32, #tpu.memory_space<hbm>>
      tpu.enqueue_dma source(%dma_start3A_238 : memref<8x32xf32, #tpu.memory_space<hbm>>) target(%dma_start3A_234 : memref<8x32xf32, #tpu.memory_space<vmem>>) target_semaphore(%arg20 : memref<!tpu.dma_semaphore, #tpu.memory_space<semaphore_mem>>)
      %slice3A_239 = vector.extract_strided_slice %shift_right_logical3A_84 {offsets = [4], sizes = [1], strides = [1]} : vector<16xi32> to vector<1xi32>
      %squeeze3A_240 = vector.extract %slice3A_239[0] : i32 from vector<1xi32>
      %dma_start3A_241 = arith.constant 4 : i32
      %dma_start3A_242 = arith.constant 0 : i32
      %dma_start3A_243 = arith.constant 0 : i32
      %dma_start3A_244 = tpu.memref_slice %arg17[%dma_start3A_241, %dma_start3A_242, %dma_start3A_243] : memref<32x8x32xf32, #tpu.memory_space<vmem>> -> memref<1x8x32xf32, #tpu.memory_space<vmem>>
      %dma_start3A_245 = tpu.memref_squeeze %dma_start3A_244 : memref<1x8x32xf32, #tpu.memory_space<vmem>> -> memref<8x32xf32, #tpu.memory_space<vmem>>
      %dma_start3A_246 = arith.constant 0 : i32
      %dma_start3A_247 = arith.constant 0 : i32
      %dma_start3A_248 = tpu.memref_slice %arg7[%squeeze3A_240, %dma_start3A_246, %dma_start3A_247] : memref<125000x8x32xf32, #tpu.memory_space<hbm>> -> memref<1x8x32xf32, #tpu.memory_space<hbm>>
      %dma_start3A_249 = tpu.memref_squeeze %dma_start3A_248 : memref<1x8x32xf32, #tpu.memory_space<hbm>> -> memref<8x32xf32, #tpu.memory_space<hbm>>
      %dma_start3A_250 = arith.constant 0 : i32
      %dma_start3A_251 = arith.constant 0 : i32
      %dma_start3A_252 = tpu.memref_slice %arg17[%dma_start3A_241, %dma_start3A_250, %dma_start3A_251] : memref<32x8x32xf32, #tpu.memory_space<vmem>> -> memref<1x8x32xf32, #tpu.memory_space<vmem>>
      %dma_start3A_253 = tpu.memref_squeeze %dma_start3A_252 : memref<1x8x32xf32, #tpu.memory_space<vmem>> -> memref<8x32xf32, #tpu.memory_space<vmem>>
      %dma_start3A_254 = arith.constant 0 : i32
      %dma_start3A_255 = arith.constant 0 : i32
      %dma_start3A_256 = tpu.memref_slice %arg7[%squeeze3A_240, %dma_start3A_254, %dma_start3A_255] : memref<125000x8x32xf32, #tpu.memory_space<hbm>> -> memref<1x8x32xf32, #tpu.memory_space<hbm>>
      %dma_start3A_257 = tpu.memref_squeeze %dma_start3A_256 : memref<1x8x32xf32, #tpu.memory_space<hbm>> -> memref<8x32xf32, #tpu.memory_space<hbm>>
      tpu.enqueue_dma source(%dma_start3A_257 : memref<8x32xf32, #tpu.memory_space<hbm>>) target(%dma_start3A_253 : memref<8x32xf32, #tpu.memory_space<vmem>>) target_semaphore(%arg20 : memref<!tpu.dma_semaphore, #tpu.memory_space<semaphore_mem>>)
      %slice3A_258 = vector.extract_strided_slice %shift_right_logical3A_89 {offsets = [4], sizes = [1], strides = [1]} : vector<16xi32> to vector<1xi32>
      %squeeze3A_259 = vector.extract %slice3A_258[0] : i32 from vector<1xi32>
      %dma_start3A_260 = arith.constant 4 : i32
      %dma_start3A_261 = arith.constant 0 : i32
      %dma_start3A_262 = arith.constant 0 : i32
      %dma_start3A_263 = tpu.memref_slice %arg18[%dma_start3A_260, %dma_start3A_261, %dma_start3A_262] : memref<32x8x32xf32, #tpu.memory_space<vmem>> -> memref<1x8x32xf32, #tpu.memory_space<vmem>>
      %dma_start3A_264 = tpu.memref_squeeze %dma_start3A_263 : memref<1x8x32xf32, #tpu.memory_space<vmem>> -> memref<8x32xf32, #tpu.memory_space<vmem>>
      %dma_start3A_265 = arith.constant 0 : i32
      %dma_start3A_266 = arith.constant 0 : i32
      %dma_start3A_267 = tpu.memref_slice %arg8[%squeeze3A_259, %dma_start3A_265, %dma_start3A_266] : memref<125000x8x32xf32, #tpu.memory_space<hbm>> -> memref<1x8x32xf32, #tpu.memory_space<hbm>>
      %dma_start3A_268 = tpu.memref_squeeze %dma_start3A_267 : memref<1x8x32xf32, #tpu.memory_space<hbm>> -> memref<8x32xf32, #tpu.memory_space<hbm>>
      %dma_start3A_269 = arith.constant 0 : i32
      %dma_start3A_270 = arith.constant 0 : i32
      %dma_start3A_271 = tpu.memref_slice %arg18[%dma_start3A_260, %dma_start3A_269, %dma_start3A_270] : memref<32x8x32xf32, #tpu.memory_space<vmem>> -> memref<1x8x32xf32, #tpu.memory_space<vmem>>
      %dma_start3A_272 = tpu.memref_squeeze %dma_start3A_271 : memref<1x8x32xf32, #tpu.memory_space<vmem>> -> memref<8x32xf32, #tpu.memory_space<vmem>>
      %dma_start3A_273 = arith.constant 0 : i32
      %dma_start3A_274 = arith.constant 0 : i32
      %dma_start3A_275 = tpu.memref_slice %arg8[%squeeze3A_259, %dma_start3A_273, %dma_start3A_274] : memref<125000x8x32xf32, #tpu.memory_space<hbm>> -> memref<1x8x32xf32, #tpu.memory_space<hbm>>
      %dma_start3A_276 = tpu.memref_squeeze %dma_start3A_275 : memref<1x8x32xf32, #tpu.memory_space<hbm>> -> memref<8x32xf32, #tpu.memory_space<hbm>>
      tpu.enqueue_dma source(%dma_start3A_276 : memref<8x32xf32, #tpu.memory_space<hbm>>) target(%dma_start3A_272 : memref<8x32xf32, #tpu.memory_space<vmem>>) target_semaphore(%arg20 : memref<!tpu.dma_semaphore, #tpu.memory_space<semaphore_mem>>)
      %slice3A_277 = vector.extract_strided_slice %shift_right_logical3A_84 {offsets = [5], sizes = [1], strides = [1]} : vector<16xi32> to vector<1xi32>
      %squeeze3A_278 = vector.extract %slice3A_277[0] : i32 from vector<1xi32>
      %dma_start3A_279 = arith.constant 5 : i32
      %dma_start3A_280 = arith.constant 0 : i32
      %dma_start3A_281 = arith.constant 0 : i32
      %dma_start3A_282 = tpu.memref_slice %arg17[%dma_start3A_279, %dma_start3A_280, %dma_start3A_281] : memref<32x8x32xf32, #tpu.memory_space<vmem>> -> memref<1x8x32xf32, #tpu.memory_space<vmem>>
      %dma_start3A_283 = tpu.memref_squeeze %dma_start3A_282 : memref<1x8x32xf32, #tpu.memory_space<vmem>> -> memref<8x32xf32, #tpu.memory_space<vmem>>
      %dma_start3A_284 = arith.constant 0 : i32
      %dma_start3A_285 = arith.constant 0 : i32
      %dma_start3A_286 = tpu.memref_slice %arg7[%squeeze3A_278, %dma_start3A_284, %dma_start3A_285] : memref<125000x8x32xf32, #tpu.memory_space<hbm>> -> memref<1x8x32xf32, #tpu.memory_space<hbm>>
      %dma_start3A_287 = tpu.memref_squeeze %dma_start3A_286 : memref<1x8x32xf32, #tpu.memory_space<hbm>> -> memref<8x32xf32, #tpu.memory_space<hbm>>
      %dma_start3A_288 = arith.constant 0 : i32
      %dma_start3A_289 = arith.constant 0 : i32
      %dma_start3A_290 = tpu.memref_slice %arg17[%dma_start3A_279, %dma_start3A_288, %dma_start3A_289] : memref<32x8x32xf32, #tpu.memory_space<vmem>> -> memref<1x8x32xf32, #tpu.memory_space<vmem>>
      %dma_start3A_291 = tpu.memref_squeeze %dma_start3A_290 : memref<1x8x32xf32, #tpu.memory_space<vmem>> -> memref<8x32xf32, #tpu.memory_space<vmem>>
      %dma_start3A_292 = arith.constant 0 : i32
      %dma_start3A_293 = arith.constant 0 : i32
      %dma_start3A_294 = tpu.memref_slice %arg7[%squeeze3A_278, %dma_start3A_292, %dma_start3A_293] : memref<125000x8x32xf32, #tpu.memory_space<hbm>> -> memref<1x8x32xf32, #tpu.memory_space<hbm>>
      %dma_start3A_295 = tpu.memref_squeeze %dma_start3A_294 : memref<1x8x32xf32, #tpu.memory_space<hbm>> -> memref<8x32xf32, #tpu.memory_space<hbm>>
      tpu.enqueue_dma source(%dma_start3A_295 : memref<8x32xf32, #tpu.memory_space<hbm>>) target(%dma_start3A_291 : memref<8x32xf32, #tpu.memory_space<vmem>>) target_semaphore(%arg20 : memref<!tpu.dma_semaphore, #tpu.memory_space<semaphore_mem>>)
      %slice3A_296 = vector.extract_strided_slice %shift_right_logical3A_89 {offsets = [5], sizes = [1], strides = [1]} : vector<16xi32> to vector<1xi32>
      %squeeze3A_297 = vector.extract %slice3A_296[0] : i32 from vector<1xi32>
      %dma_start3A_298 = arith.constant 5 : i32
      %dma_start3A_299 = arith.constant 0 : i32
      %dma_start3A_300 = arith.constant 0 : i32
      %dma_start3A_301 = tpu.memref_slice %arg18[%dma_start3A_298, %dma_start3A_299, %dma_start3A_300] : memref<32x8x32xf32, #tpu.memory_space<vmem>> -> memref<1x8x32xf32, #tpu.memory_space<vmem>>
      %dma_start3A_302 = tpu.memref_squeeze %dma_start3A_301 : memref<1x8x32xf32, #tpu.memory_space<vmem>> -> memref<8x32xf32, #tpu.memory_space<vmem>>
      %dma_start3A_303 = arith.constant 0 : i32
      %dma_start3A_304 = arith.constant 0 : i32
      %dma_start3A_305 = tpu.memref_slice %arg8[%squeeze3A_297, %dma_start3A_303, %dma_start3A_304] : memref<125000x8x32xf32, #tpu.memory_space<hbm>> -> memref<1x8x32xf32, #tpu.memory_space<hbm>>
      %dma_start3A_306 = tpu.memref_squeeze %dma_start3A_305 : memref<1x8x32xf32, #tpu.memory_space<hbm>> -> memref<8x32xf32, #tpu.memory_space<hbm>>
      %dma_start3A_307 = arith.constant 0 : i32
      %dma_start3A_308 = arith.constant 0 : i32
      %dma_start3A_309 = tpu.memref_slice %arg18[%dma_start3A_298, %dma_start3A_307, %dma_start3A_308] : memref<32x8x32xf32, #tpu.memory_space<vmem>> -> memref<1x8x32xf32, #tpu.memory_space<vmem>>
      %dma_start3A_310 = tpu.memref_squeeze %dma_start3A_309 : memref<1x8x32xf32, #tpu.memory_space<vmem>> -> memref<8x32xf32, #tpu.memory_space<vmem>>
      %dma_start3A_311 = arith.constant 0 : i32
      %dma_start3A_312 = arith.constant 0 : i32
      %dma_start3A_313 = tpu.memref_slice %arg8[%squeeze3A_297, %dma_start3A_311, %dma_start3A_312] : memref<125000x8x32xf32, #tpu.memory_space<hbm>> -> memref<1x8x32xf32, #tpu.memory_space<hbm>>
      %dma_start3A_314 = tpu.memref_squeeze %dma_start3A_313 : memref<1x8x32xf32, #tpu.memory_space<hbm>> -> memref<8x32xf32, #tpu.memory_space<hbm>>
      tpu.enqueue_dma source(%dma_start3A_314 : memref<8x32xf32, #tpu.memory_space<hbm>>) target(%dma_start3A_310 : memref<8x32xf32, #tpu.memory_space<vmem>>) target_semaphore(%arg20 : memref<!tpu.dma_semaphore, #tpu.memory_space<semaphore_mem>>)
      %slice3A_315 = vector.extract_strided_slice %shift_right_logical3A_84 {offsets = [6], sizes = [1], strides = [1]} : vector<16xi32> to vector<1xi32>
      %squeeze3A_316 = vector.extract %slice3A_315[0] : i32 from vector<1xi32>
      %dma_start3A_317 = arith.constant 6 : i32
      %dma_start3A_318 = arith.constant 0 : i32
      %dma_start3A_319 = arith.constant 0 : i32
      %dma_start3A_320 = tpu.memref_slice %arg17[%dma_start3A_317, %dma_start3A_318, %dma_start3A_319] : memref<32x8x32xf32, #tpu.memory_space<vmem>> -> memref<1x8x32xf32, #tpu.memory_space<vmem>>
      %dma_start3A_321 = tpu.memref_squeeze %dma_start3A_320 : memref<1x8x32xf32, #tpu.memory_space<vmem>> -> memref<8x32xf32, #tpu.memory_space<vmem>>
      %dma_start3A_322 = arith.constant 0 : i32
      %dma_start3A_323 = arith.constant 0 : i32
      %dma_start3A_324 = tpu.memref_slice %arg7[%squeeze3A_316, %dma_start3A_322, %dma_start3A_323] : memref<125000x8x32xf32, #tpu.memory_space<hbm>> -> memref<1x8x32xf32, #tpu.memory_space<hbm>>
      %dma_start3A_325 = tpu.memref_squeeze %dma_start3A_324 : memref<1x8x32xf32, #tpu.memory_space<hbm>> -> memref<8x32xf32, #tpu.memory_space<hbm>>
      %dma_start3A_326 = arith.constant 0 : i32
      %dma_start3A_327 = arith.constant 0 : i32
      %dma_start3A_328 = tpu.memref_slice %arg17[%dma_start3A_317, %dma_start3A_326, %dma_start3A_327] : memref<32x8x32xf32, #tpu.memory_space<vmem>> -> memref<1x8x32xf32, #tpu.memory_space<vmem>>
      %dma_start3A_329 = tpu.memref_squeeze %dma_start3A_328 : memref<1x8x32xf32, #tpu.memory_space<vmem>> -> memref<8x32xf32, #tpu.memory_space<vmem>>
      %dma_start3A_330 = arith.constant 0 : i32
      %dma_start3A_331 = arith.constant 0 : i32
      %dma_start3A_332 = tpu.memref_slice %arg7[%squeeze3A_316, %dma_start3A_330, %dma_start3A_331] : memref<125000x8x32xf32, #tpu.memory_space<hbm>> -> memref<1x8x32xf32, #tpu.memory_space<hbm>>
      %dma_start3A_333 = tpu.memref_squeeze %dma_start3A_332 : memref<1x8x32xf32, #tpu.memory_space<hbm>> -> memref<8x32xf32, #tpu.memory_space<hbm>>
      tpu.enqueue_dma source(%dma_start3A_333 : memref<8x32xf32, #tpu.memory_space<hbm>>) target(%dma_start3A_329 : memref<8x32xf32, #tpu.memory_space<vmem>>) target_semaphore(%arg20 : memref<!tpu.dma_semaphore, #tpu.memory_space<semaphore_mem>>)
      %slice3A_334 = vector.extract_strided_slice %shift_right_logical3A_89 {offsets = [6], sizes = [1], strides = [1]} : vector<16xi32> to vector<1xi32>
      %squeeze3A_335 = vector.extract %slice3A_334[0] : i32 from vector<1xi32>
      %dma_start3A_336 = arith.constant 6 : i32
      %dma_start3A_337 = arith.constant 0 : i32
      %dma_start3A_338 = arith.constant 0 : i32
      %dma_start3A_339 = tpu.memref_slice %arg18[%dma_start3A_336, %dma_start3A_337, %dma_start3A_338] : memref<32x8x32xf32, #tpu.memory_space<vmem>> -> memref<1x8x32xf32, #tpu.memory_space<vmem>>
      %dma_start3A_340 = tpu.memref_squeeze %dma_start3A_339 : memref<1x8x32xf32, #tpu.memory_space<vmem>> -> memref<8x32xf32, #tpu.memory_space<vmem>>
      %dma_start3A_341 = arith.constant 0 : i32
      %dma_start3A_342 = arith.constant 0 : i32
      %dma_start3A_343 = tpu.memref_slice %arg8[%squeeze3A_335, %dma_start3A_341, %dma_start3A_342] : memref<125000x8x32xf32, #tpu.memory_space<hbm>> -> memref<1x8x32xf32, #tpu.memory_space<hbm>>
      %dma_start3A_344 = tpu.memref_squeeze %dma_start3A_343 : memref<1x8x32xf32, #tpu.memory_space<hbm>> -> memref<8x32xf32, #tpu.memory_space<hbm>>
      %dma_start3A_345 = arith.constant 0 : i32
      %dma_start3A_346 = arith.constant 0 : i32
      %dma_start3A_347 = tpu.memref_slice %arg18[%dma_start3A_336, %dma_start3A_345, %dma_start3A_346] : memref<32x8x32xf32, #tpu.memory_space<vmem>> -> memref<1x8x32xf32, #tpu.memory_space<vmem>>
      %dma_start3A_348 = tpu.memref_squeeze %dma_start3A_347 : memref<1x8x32xf32, #tpu.memory_space<vmem>> -> memref<8x32xf32, #tpu.memory_space<vmem>>
      %dma_start3A_349 = arith.constant 0 : i32
      %dma_start3A_350 = arith.constant 0 : i32
      %dma_start3A_351 = tpu.memref_slice %arg8[%squeeze3A_335, %dma_start3A_349, %dma_start3A_350] : memref<125000x8x32xf32, #tpu.memory_space<hbm>> -> memref<1x8x32xf32, #tpu.memory_space<hbm>>
      %dma_start3A_352 = tpu.memref_squeeze %dma_start3A_351 : memref<1x8x32xf32, #tpu.memory_space<hbm>> -> memref<8x32xf32, #tpu.memory_space<hbm>>
      tpu.enqueue_dma source(%dma_start3A_352 : memref<8x32xf32, #tpu.memory_space<hbm>>) target(%dma_start3A_348 : memref<8x32xf32, #tpu.memory_space<vmem>>) target_semaphore(%arg20 : memref<!tpu.dma_semaphore, #tpu.memory_space<semaphore_mem>>)
      %slice3A_353 = vector.extract_strided_slice %shift_right_logical3A_84 {offsets = [7], sizes = [1], strides = [1]} : vector<16xi32> to vector<1xi32>
      %squeeze3A_354 = vector.extract %slice3A_353[0] : i32 from vector<1xi32>
      %dma_start3A_355 = arith.constant 7 : i32
      %dma_start3A_356 = arith.constant 0 : i32
      %dma_start3A_357 = arith.constant 0 : i32
      %dma_start3A_358 = tpu.memref_slice %arg17[%dma_start3A_355, %dma_start3A_356, %dma_start3A_357] : memref<32x8x32xf32, #tpu.memory_space<vmem>> -> memref<1x8x32xf32, #tpu.memory_space<vmem>>
      %dma_start3A_359 = tpu.memref_squeeze %dma_start3A_358 : memref<1x8x32xf32, #tpu.memory_space<vmem>> -> memref<8x32xf32, #tpu.memory_space<vmem>>
      %dma_start3A_360 = arith.constant 0 : i32
      %dma_start3A_361 = arith.constant 0 : i32
      %dma_start3A_362 = tpu.memref_slice %arg7[%squeeze3A_354, %dma_start3A_360, %dma_start3A_361] : memref<125000x8x32xf32, #tpu.memory_space<hbm>> -> memref<1x8x32xf32, #tpu.memory_space<hbm>>
      %dma_start3A_363 = tpu.memref_squeeze %dma_start3A_362 : memref<1x8x32xf32, #tpu.memory_space<hbm>> -> memref<8x32xf32, #tpu.memory_space<hbm>>
      %dma_start3A_364 = arith.constant 0 : i32
      %dma_start3A_365 = arith.constant 0 : i32
      %dma_start3A_366 = tpu.memref_slice %arg17[%dma_start3A_355, %dma_start3A_364, %dma_start3A_365] : memref<32x8x32xf32, #tpu.memory_space<vmem>> -> memref<1x8x32xf32, #tpu.memory_space<vmem>>
      %dma_start3A_367 = tpu.memref_squeeze %dma_start3A_366 : memref<1x8x32xf32, #tpu.memory_space<vmem>> -> memref<8x32xf32, #tpu.memory_space<vmem>>
      %dma_start3A_368 = arith.constant 0 : i32
      %dma_start3A_369 = arith.constant 0 : i32
      %dma_start3A_370 = tpu.memref_slice %arg7[%squeeze3A_354, %dma_start3A_368, %dma_start3A_369] : memref<125000x8x32xf32, #tpu.memory_space<hbm>> -> memref<1x8x32xf32, #tpu.memory_space<hbm>>
      %dma_start3A_371 = tpu.memref_squeeze %dma_start3A_370 : memref<1x8x32xf32, #tpu.memory_space<hbm>> -> memref<8x32xf32, #tpu.memory_space<hbm>>
      tpu.enqueue_dma source(%dma_start3A_371 : memref<8x32xf32, #tpu.memory_space<hbm>>) target(%dma_start3A_367 : memref<8x32xf32, #tpu.memory_space<vmem>>) target_semaphore(%arg20 : memref<!tpu.dma_semaphore, #tpu.memory_space<semaphore_mem>>)
      %slice3A_372 = vector.extract_strided_slice %shift_right_logical3A_89 {offsets = [7], sizes = [1], strides = [1]} : vector<16xi32> to vector<1xi32>
      %squeeze3A_373 = vector.extract %slice3A_372[0] : i32 from vector<1xi32>
      %dma_start3A_374 = arith.constant 7 : i32
      %dma_start3A_375 = arith.constant 0 : i32
      %dma_start3A_376 = arith.constant 0 : i32
      %dma_start3A_377 = tpu.memref_slice %arg18[%dma_start3A_374, %dma_start3A_375, %dma_start3A_376] : memref<32x8x32xf32, #tpu.memory_space<vmem>> -> memref<1x8x32xf32, #tpu.memory_space<vmem>>
      %dma_start3A_378 = tpu.memref_squeeze %dma_start3A_377 : memref<1x8x32xf32, #tpu.memory_space<vmem>> -> memref<8x32xf32, #tpu.memory_space<vmem>>
      %dma_start3A_379 = arith.constant 0 : i32
      %dma_start3A_380 = arith.constant 0 : i32
      %dma_start3A_381 = tpu.memref_slice %arg8[%squeeze3A_373, %dma_start3A_379, %dma_start3A_380] : memref<125000x8x32xf32, #tpu.memory_space<hbm>> -> memref<1x8x32xf32, #tpu.memory_space<hbm>>
      %dma_start3A_382 = tpu.memref_squeeze %dma_start3A_381 : memref<1x8x32xf32, #tpu.memory_space<hbm>> -> memref<8x32xf32, #tpu.memory_space<hbm>>
      %dma_start3A_383 = arith.constant 0 : i32
      %dma_start3A_384 = arith.constant 0 : i32
      %dma_start3A_385 = tpu.memref_slice %arg18[%dma_start3A_374, %dma_start3A_383, %dma_start3A_384] : memref<32x8x32xf32, #tpu.memory_space<vmem>> -> memref<1x8x32xf32, #tpu.memory_space<vmem>>
      %dma_start3A_386 = tpu.memref_squeeze %dma_start3A_385 : memref<1x8x32xf32, #tpu.memory_space<vmem>> -> memref<8x32xf32, #tpu.memory_space<vmem>>
      %dma_start3A_387 = arith.constant 0 : i32
      %dma_start3A_388 = arith.constant 0 : i32
      %dma_start3A_389 = tpu.memref_slice %arg8[%squeeze3A_373, %dma_start3A_387, %dma_start3A_388] : memref<125000x8x32xf32, #tpu.memory_space<hbm>> -> memref<1x8x32xf32, #tpu.memory_space<hbm>>
      %dma_start3A_390 = tpu.memref_squeeze %dma_start3A_389 : memref<1x8x32xf32, #tpu.memory_space<hbm>> -> memref<8x32xf32, #tpu.memory_space<hbm>>
      tpu.enqueue_dma source(%dma_start3A_390 : memref<8x32xf32, #tpu.memory_space<hbm>>) target(%dma_start3A_386 : memref<8x32xf32, #tpu.memory_space<vmem>>) target_semaphore(%arg20 : memref<!tpu.dma_semaphore, #tpu.memory_space<semaphore_mem>>)
      %slice3A_391 = vector.extract_strided_slice %shift_right_logical3A_84 {offsets = [8], sizes = [1], strides = [1]} : vector<16xi32> to vector<1xi32>
      %squeeze3A_392 = vector.extract %slice3A_391[0] : i32 from vector<1xi32>
      %dma_start3A_393 = arith.constant 8 : i32
      %dma_start3A_394 = arith.constant 0 : i32
      %dma_start3A_395 = arith.constant 0 : i32
      %dma_start3A_396 = tpu.memref_slice %arg17[%dma_start3A_393, %dma_start3A_394, %dma_start3A_395] : memref<32x8x32xf32, #tpu.memory_space<vmem>> -> memref<1x8x32xf32, #tpu.memory_space<vmem>>
      %dma_start3A_397 = tpu.memref_squeeze %dma_start3A_396 : memref<1x8x32xf32, #tpu.memory_space<vmem>> -> memref<8x32xf32, #tpu.memory_space<vmem>>
      %dma_start3A_398 = arith.constant 0 : i32
      %dma_start3A_399 = arith.constant 0 : i32
      %dma_start3A_400 = tpu.memref_slice %arg7[%squeeze3A_392, %dma_start3A_398, %dma_start3A_399] : memref<125000x8x32xf32, #tpu.memory_space<hbm>> -> memref<1x8x32xf32, #tpu.memory_space<hbm>>
      %dma_start3A_401 = tpu.memref_squeeze %dma_start3A_400 : memref<1x8x32xf32, #tpu.memory_space<hbm>> -> memref<8x32xf32, #tpu.memory_space<hbm>>
      %dma_start3A_402 = arith.constant 0 : i32
      %dma_start3A_403 = arith.constant 0 : i32
      %dma_start3A_404 = tpu.memref_slice %arg17[%dma_start3A_393, %dma_start3A_402, %dma_start3A_403] : memref<32x8x32xf32, #tpu.memory_space<vmem>> -> memref<1x8x32xf32, #tpu.memory_space<vmem>>
      %dma_start3A_405 = tpu.memref_squeeze %dma_start3A_404 : memref<1x8x32xf32, #tpu.memory_space<vmem>> -> memref<8x32xf32, #tpu.memory_space<vmem>>
      %dma_start3A_406 = arith.constant 0 : i32
      %dma_start3A_407 = arith.constant 0 : i32
      %dma_start3A_408 = tpu.memref_slice %arg7[%squeeze3A_392, %dma_start3A_406, %dma_start3A_407] : memref<125000x8x32xf32, #tpu.memory_space<hbm>> -> memref<1x8x32xf32, #tpu.memory_space<hbm>>
      %dma_start3A_409 = tpu.memref_squeeze %dma_start3A_408 : memref<1x8x32xf32, #tpu.memory_space<hbm>> -> memref<8x32xf32, #tpu.memory_space<hbm>>
      tpu.enqueue_dma source(%dma_start3A_409 : memref<8x32xf32, #tpu.memory_space<hbm>>) target(%dma_start3A_405 : memref<8x32xf32, #tpu.memory_space<vmem>>) target_semaphore(%arg20 : memref<!tpu.dma_semaphore, #tpu.memory_space<semaphore_mem>>)
      %slice3A_410 = vector.extract_strided_slice %shift_right_logical3A_89 {offsets = [8], sizes = [1], strides = [1]} : vector<16xi32> to vector<1xi32>
      %squeeze3A_411 = vector.extract %slice3A_410[0] : i32 from vector<1xi32>
      %dma_start3A_412 = arith.constant 8 : i32
      %dma_start3A_413 = arith.constant 0 : i32
      %dma_start3A_414 = arith.constant 0 : i32
      %dma_start3A_415 = tpu.memref_slice %arg18[%dma_start3A_412, %dma_start3A_413, %dma_start3A_414] : memref<32x8x32xf32, #tpu.memory_space<vmem>> -> memref<1x8x32xf32, #tpu.memory_space<vmem>>
      %dma_start3A_416 = tpu.memref_squeeze %dma_start3A_415 : memref<1x8x32xf32, #tpu.memory_space<vmem>> -> memref<8x32xf32, #tpu.memory_space<vmem>>
      %dma_start3A_417 = arith.constant 0 : i32
      %dma_start3A_418 = arith.constant 0 : i32
      %dma_start3A_419 = tpu.memref_slice %arg8[%squeeze3A_411, %dma_start3A_417, %dma_start3A_418] : memref<125000x8x32xf32, #tpu.memory_space<hbm>> -> memref<1x8x32xf32, #tpu.memory_space<hbm>>
      %dma_start3A_420 = tpu.memref_squeeze %dma_start3A_419 : memref<1x8x32xf32, #tpu.memory_space<hbm>> -> memref<8x32xf32, #tpu.memory_space<hbm>>
      %dma_start3A_421 = arith.constant 0 : i32
      %dma_start3A_422 = arith.constant 0 : i32
      %dma_start3A_423 = tpu.memref_slice %arg18[%dma_start3A_412, %dma_start3A_421, %dma_start3A_422] : memref<32x8x32xf32, #tpu.memory_space<vmem>> -> memref<1x8x32xf32, #tpu.memory_space<vmem>>
      %dma_start3A_424 = tpu.memref_squeeze %dma_start3A_423 : memref<1x8x32xf32, #tpu.memory_space<vmem>> -> memref<8x32xf32, #tpu.memory_space<vmem>>
      %dma_start3A_425 = arith.constant 0 : i32
      %dma_start3A_426 = arith.constant 0 : i32
      %dma_start3A_427 = tpu.memref_slice %arg8[%squeeze3A_411, %dma_start3A_425, %dma_start3A_426] : memref<125000x8x32xf32, #tpu.memory_space<hbm>> -> memref<1x8x32xf32, #tpu.memory_space<hbm>>
      %dma_start3A_428 = tpu.memref_squeeze %dma_start3A_427 : memref<1x8x32xf32, #tpu.memory_space<hbm>> -> memref<8x32xf32, #tpu.memory_space<hbm>>
      tpu.enqueue_dma source(%dma_start3A_428 : memref<8x32xf32, #tpu.memory_space<hbm>>) target(%dma_start3A_424 : memref<8x32xf32, #tpu.memory_space<vmem>>) target_semaphore(%arg20 : memref<!tpu.dma_semaphore, #tpu.memory_space<semaphore_mem>>)
      %slice3A_429 = vector.extract_strided_slice %shift_right_logical3A_84 {offsets = [9], sizes = [1], strides = [1]} : vector<16xi32> to vector<1xi32>
      %squeeze3A_430 = vector.extract %slice3A_429[0] : i32 from vector<1xi32>
      %dma_start3A_431 = arith.constant 9 : i32
      %dma_start3A_432 = arith.constant 0 : i32
      %dma_start3A_433 = arith.constant 0 : i32
      %dma_start3A_434 = tpu.memref_slice %arg17[%dma_start3A_431, %dma_start3A_432, %dma_start3A_433] : memref<32x8x32xf32, #tpu.memory_space<vmem>> -> memref<1x8x32xf32, #tpu.memory_space<vmem>>
      %dma_start3A_435 = tpu.memref_squeeze %dma_start3A_434 : memref<1x8x32xf32, #tpu.memory_space<vmem>> -> memref<8x32xf32, #tpu.memory_space<vmem>>
      %dma_start3A_436 = arith.constant 0 : i32
      %dma_start3A_437 = arith.constant 0 : i32
      %dma_start3A_438 = tpu.memref_slice %arg7[%squeeze3A_430, %dma_start3A_436, %dma_start3A_437] : memref<125000x8x32xf32, #tpu.memory_space<hbm>> -> memref<1x8x32xf32, #tpu.memory_space<hbm>>
      %dma_start3A_439 = tpu.memref_squeeze %dma_start3A_438 : memref<1x8x32xf32, #tpu.memory_space<hbm>> -> memref<8x32xf32, #tpu.memory_space<hbm>>
      %dma_start3A_440 = arith.constant 0 : i32
      %dma_start3A_441 = arith.constant 0 : i32
      %dma_start3A_442 = tpu.memref_slice %arg17[%dma_start3A_431, %dma_start3A_440, %dma_start3A_441] : memref<32x8x32xf32, #tpu.memory_space<vmem>> -> memref<1x8x32xf32, #tpu.memory_space<vmem>>
      %dma_start3A_443 = tpu.memref_squeeze %dma_start3A_442 : memref<1x8x32xf32, #tpu.memory_space<vmem>> -> memref<8x32xf32, #tpu.memory_space<vmem>>
      %dma_start3A_444 = arith.constant 0 : i32
      %dma_start3A_445 = arith.constant 0 : i32
      %dma_start3A_446 = tpu.memref_slice %arg7[%squeeze3A_430, %dma_start3A_444, %dma_start3A_445] : memref<125000x8x32xf32, #tpu.memory_space<hbm>> -> memref<1x8x32xf32, #tpu.memory_space<hbm>>
      %dma_start3A_447 = tpu.memref_squeeze %dma_start3A_446 : memref<1x8x32xf32, #tpu.memory_space<hbm>> -> memref<8x32xf32, #tpu.memory_space<hbm>>
      tpu.enqueue_dma source(%dma_start3A_447 : memref<8x32xf32, #tpu.memory_space<hbm>>) target(%dma_start3A_443 : memref<8x32xf32, #tpu.memory_space<vmem>>) target_semaphore(%arg20 : memref<!tpu.dma_semaphore, #tpu.memory_space<semaphore_mem>>)
      %slice3A_448 = vector.extract_strided_slice %shift_right_logical3A_89 {offsets = [9], sizes = [1], strides = [1]} : vector<16xi32> to vector<1xi32>
      %squeeze3A_449 = vector.extract %slice3A_448[0] : i32 from vector<1xi32>
      %dma_start3A_450 = arith.constant 9 : i32
      %dma_start3A_451 = arith.constant 0 : i32
      %dma_start3A_452 = arith.constant 0 : i32
      %dma_start3A_453 = tpu.memref_slice %arg18[%dma_start3A_450, %dma_start3A_451, %dma_start3A_452] : memref<32x8x32xf32, #tpu.memory_space<vmem>> -> memref<1x8x32xf32, #tpu.memory_space<vmem>>
      %dma_start3A_454 = tpu.memref_squeeze %dma_start3A_453 : memref<1x8x32xf32, #tpu.memory_space<vmem>> -> memref<8x32xf32, #tpu.memory_space<vmem>>
      %dma_start3A_455 = arith.constant 0 : i32
      %dma_start3A_456 = arith.constant 0 : i32
      %dma_start3A_457 = tpu.memref_slice %arg8[%squeeze3A_449, %dma_start3A_455, %dma_start3A_456] : memref<125000x8x32xf32, #tpu.memory_space<hbm>> -> memref<1x8x32xf32, #tpu.memory_space<hbm>>
      %dma_start3A_458 = tpu.memref_squeeze %dma_start3A_457 : memref<1x8x32xf32, #tpu.memory_space<hbm>> -> memref<8x32xf32, #tpu.memory_space<hbm>>
      %dma_start3A_459 = arith.constant 0 : i32
      %dma_start3A_460 = arith.constant 0 : i32
      %dma_start3A_461 = tpu.memref_slice %arg18[%dma_start3A_450, %dma_start3A_459, %dma_start3A_460] : memref<32x8x32xf32, #tpu.memory_space<vmem>> -> memref<1x8x32xf32, #tpu.memory_space<vmem>>
      %dma_start3A_462 = tpu.memref_squeeze %dma_start3A_461 : memref<1x8x32xf32, #tpu.memory_space<vmem>> -> memref<8x32xf32, #tpu.memory_space<vmem>>
      %dma_start3A_463 = arith.constant 0 : i32
      %dma_start3A_464 = arith.constant 0 : i32
      %dma_start3A_465 = tpu.memref_slice %arg8[%squeeze3A_449, %dma_start3A_463, %dma_start3A_464] : memref<125000x8x32xf32, #tpu.memory_space<hbm>> -> memref<1x8x32xf32, #tpu.memory_space<hbm>>
      %dma_start3A_466 = tpu.memref_squeeze %dma_start3A_465 : memref<1x8x32xf32, #tpu.memory_space<hbm>> -> memref<8x32xf32, #tpu.memory_space<hbm>>
      tpu.enqueue_dma source(%dma_start3A_466 : memref<8x32xf32, #tpu.memory_space<hbm>>) target(%dma_start3A_462 : memref<8x32xf32, #tpu.memory_space<vmem>>) target_semaphore(%arg20 : memref<!tpu.dma_semaphore, #tpu.memory_space<semaphore_mem>>)
      %slice3A_467 = vector.extract_strided_slice %shift_right_logical3A_84 {offsets = [10], sizes = [1], strides = [1]} : vector<16xi32> to vector<1xi32>
      %squeeze3A_468 = vector.extract %slice3A_467[0] : i32 from vector<1xi32>
      %dma_start3A_469 = arith.constant 10 : i32
      %dma_start3A_470 = arith.constant 0 : i32
      %dma_start3A_471 = arith.constant 0 : i32
      %dma_start3A_472 = tpu.memref_slice %arg17[%dma_start3A_469, %dma_start3A_470, %dma_start3A_471] : memref<32x8x32xf32, #tpu.memory_space<vmem>> -> memref<1x8x32xf32, #tpu.memory_space<vmem>>
      %dma_start3A_473 = tpu.memref_squeeze %dma_start3A_472 : memref<1x8x32xf32, #tpu.memory_space<vmem>> -> memref<8x32xf32, #tpu.memory_space<vmem>>
      %dma_start3A_474 = arith.constant 0 : i32
      %dma_start3A_475 = arith.constant 0 : i32
      %dma_start3A_476 = tpu.memref_slice %arg7[%squeeze3A_468, %dma_start3A_474, %dma_start3A_475] : memref<125000x8x32xf32, #tpu.memory_space<hbm>> -> memref<1x8x32xf32, #tpu.memory_space<hbm>>
      %dma_start3A_477 = tpu.memref_squeeze %dma_start3A_476 : memref<1x8x32xf32, #tpu.memory_space<hbm>> -> memref<8x32xf32, #tpu.memory_space<hbm>>
      %dma_start3A_478 = arith.constant 0 : i32
      %dma_start3A_479 = arith.constant 0 : i32
      %dma_start3A_480 = tpu.memref_slice %arg17[%dma_start3A_469, %dma_start3A_478, %dma_start3A_479] : memref<32x8x32xf32, #tpu.memory_space<vmem>> -> memref<1x8x32xf32, #tpu.memory_space<vmem>>
      %dma_start3A_481 = tpu.memref_squeeze %dma_start3A_480 : memref<1x8x32xf32, #tpu.memory_space<vmem>> -> memref<8x32xf32, #tpu.memory_space<vmem>>
      %dma_start3A_482 = arith.constant 0 : i32
      %dma_start3A_483 = arith.constant 0 : i32
      %dma_start3A_484 = tpu.memref_slice %arg7[%squeeze3A_468, %dma_start3A_482, %dma_start3A_483] : memref<125000x8x32xf32, #tpu.memory_space<hbm>> -> memref<1x8x32xf32, #tpu.memory_space<hbm>>
      %dma_start3A_485 = tpu.memref_squeeze %dma_start3A_484 : memref<1x8x32xf32, #tpu.memory_space<hbm>> -> memref<8x32xf32, #tpu.memory_space<hbm>>
      tpu.enqueue_dma source(%dma_start3A_485 : memref<8x32xf32, #tpu.memory_space<hbm>>) target(%dma_start3A_481 : memref<8x32xf32, #tpu.memory_space<vmem>>) target_semaphore(%arg20 : memref<!tpu.dma_semaphore, #tpu.memory_space<semaphore_mem>>)
      %slice3A_486 = vector.extract_strided_slice %shift_right_logical3A_89 {offsets = [10], sizes = [1], strides = [1]} : vector<16xi32> to vector<1xi32>
      %squeeze3A_487 = vector.extract %slice3A_486[0] : i32 from vector<1xi32>
      %dma_start3A_488 = arith.constant 10 : i32
      %dma_start3A_489 = arith.constant 0 : i32
      %dma_start3A_490 = arith.constant 0 : i32
      %dma_start3A_491 = tpu.memref_slice %arg18[%dma_start3A_488, %dma_start3A_489, %dma_start3A_490] : memref<32x8x32xf32, #tpu.memory_space<vmem>> -> memref<1x8x32xf32, #tpu.memory_space<vmem>>
      %dma_start3A_492 = tpu.memref_squeeze %dma_start3A_491 : memref<1x8x32xf32, #tpu.memory_space<vmem>> -> memref<8x32xf32, #tpu.memory_space<vmem>>
      %dma_start3A_493 = arith.constant 0 : i32
      %dma_start3A_494 = arith.constant 0 : i32
      %dma_start3A_495 = tpu.memref_slice %arg8[%squeeze3A_487, %dma_start3A_493, %dma_start3A_494] : memref<125000x8x32xf32, #tpu.memory_space<hbm>> -> memref<1x8x32xf32, #tpu.memory_space<hbm>>
      %dma_start3A_496 = tpu.memref_squeeze %dma_start3A_495 : memref<1x8x32xf32, #tpu.memory_space<hbm>> -> memref<8x32xf32, #tpu.memory_space<hbm>>
      %dma_start3A_497 = arith.constant 0 : i32
      %dma_start3A_498 = arith.constant 0 : i32
      %dma_start3A_499 = tpu.memref_slice %arg18[%dma_start3A_488, %dma_start3A_497, %dma_start3A_498] : memref<32x8x32xf32, #tpu.memory_space<vmem>> -> memref<1x8x32xf32, #tpu.memory_space<vmem>>
      %dma_start3A_500 = tpu.memref_squeeze %dma_start3A_499 : memref<1x8x32xf32, #tpu.memory_space<vmem>> -> memref<8x32xf32, #tpu.memory_space<vmem>>
      %dma_start3A_501 = arith.constant 0 : i32
      %dma_start3A_502 = arith.constant 0 : i32
      %dma_start3A_503 = tpu.memref_slice %arg8[%squeeze3A_487, %dma_start3A_501, %dma_start3A_502] : memref<125000x8x32xf32, #tpu.memory_space<hbm>> -> memref<1x8x32xf32, #tpu.memory_space<hbm>>
      %dma_start3A_504 = tpu.memref_squeeze %dma_start3A_503 : memref<1x8x32xf32, #tpu.memory_space<hbm>> -> memref<8x32xf32, #tpu.memory_space<hbm>>
      tpu.enqueue_dma source(%dma_start3A_504 : memref<8x32xf32, #tpu.memory_space<hbm>>) target(%dma_start3A_500 : memref<8x32xf32, #tpu.memory_space<vmem>>) target_semaphore(%arg20 : memref<!tpu.dma_semaphore, #tpu.memory_space<semaphore_mem>>)
      %slice3A_505 = vector.extract_strided_slice %shift_right_logical3A_84 {offsets = [11], sizes = [1], strides = [1]} : vector<16xi32> to vector<1xi32>
      %squeeze3A_506 = vector.extract %slice3A_505[0] : i32 from vector<1xi32>
      %dma_start3A_507 = arith.constant 11 : i32
      %dma_start3A_508 = arith.constant 0 : i32
      %dma_start3A_509 = arith.constant 0 : i32
      %dma_start3A_510 = tpu.memref_slice %arg17[%dma_start3A_507, %dma_start3A_508, %dma_start3A_509] : memref<32x8x32xf32, #tpu.memory_space<vmem>> -> memref<1x8x32xf32, #tpu.memory_space<vmem>>
      %dma_start3A_511 = tpu.memref_squeeze %dma_start3A_510 : memref<1x8x32xf32, #tpu.memory_space<vmem>> -> memref<8x32xf32, #tpu.memory_space<vmem>>
      %dma_start3A_512 = arith.constant 0 : i32
      %dma_start3A_513 = arith.constant 0 : i32
      %dma_start3A_514 = tpu.memref_slice %arg7[%squeeze3A_506, %dma_start3A_512, %dma_start3A_513] : memref<125000x8x32xf32, #tpu.memory_space<hbm>> -> memref<1x8x32xf32, #tpu.memory_space<hbm>>
      %dma_start3A_515 = tpu.memref_squeeze %dma_start3A_514 : memref<1x8x32xf32, #tpu.memory_space<hbm>> -> memref<8x32xf32, #tpu.memory_space<hbm>>
      %dma_start3A_516 = arith.constant 0 : i32
      %dma_start3A_517 = arith.constant 0 : i32
      %dma_start3A_518 = tpu.memref_slice %arg17[%dma_start3A_507, %dma_start3A_516, %dma_start3A_517] : memref<32x8x32xf32, #tpu.memory_space<vmem>> -> memref<1x8x32xf32, #tpu.memory_space<vmem>>
      %dma_start3A_519 = tpu.memref_squeeze %dma_start3A_518 : memref<1x8x32xf32, #tpu.memory_space<vmem>> -> memref<8x32xf32, #tpu.memory_space<vmem>>
      %dma_start3A_520 = arith.constant 0 : i32
      %dma_start3A_521 = arith.constant 0 : i32
      %dma_start3A_522 = tpu.memref_slice %arg7[%squeeze3A_506, %dma_start3A_520, %dma_start3A_521] : memref<125000x8x32xf32, #tpu.memory_space<hbm>> -> memref<1x8x32xf32, #tpu.memory_space<hbm>>
      %dma_start3A_523 = tpu.memref_squeeze %dma_start3A_522 : memref<1x8x32xf32, #tpu.memory_space<hbm>> -> memref<8x32xf32, #tpu.memory_space<hbm>>
      tpu.enqueue_dma source(%dma_start3A_523 : memref<8x32xf32, #tpu.memory_space<hbm>>) target(%dma_start3A_519 : memref<8x32xf32, #tpu.memory_space<vmem>>) target_semaphore(%arg20 : memref<!tpu.dma_semaphore, #tpu.memory_space<semaphore_mem>>)
      %slice3A_524 = vector.extract_strided_slice %shift_right_logical3A_89 {offsets = [11], sizes = [1], strides = [1]} : vector<16xi32> to vector<1xi32>
      %squeeze3A_525 = vector.extract %slice3A_524[0] : i32 from vector<1xi32>
      %dma_start3A_526 = arith.constant 11 : i32
      %dma_start3A_527 = arith.constant 0 : i32
      %dma_start3A_528 = arith.constant 0 : i32
      %dma_start3A_529 = tpu.memref_slice %arg18[%dma_start3A_526, %dma_start3A_527, %dma_start3A_528] : memref<32x8x32xf32, #tpu.memory_space<vmem>> -> memref<1x8x32xf32, #tpu.memory_space<vmem>>
      %dma_start3A_530 = tpu.memref_squeeze %dma_start3A_529 : memref<1x8x32xf32, #tpu.memory_space<vmem>> -> memref<8x32xf32, #tpu.memory_space<vmem>>
      %dma_start3A_531 = arith.constant 0 : i32
      %dma_start3A_532 = arith.constant 0 : i32
      %dma_start3A_533 = tpu.memref_slice %arg8[%squeeze3A_525, %dma_start3A_531, %dma_start3A_532] : memref<125000x8x32xf32, #tpu.memory_space<hbm>> -> memref<1x8x32xf32, #tpu.memory_space<hbm>>
      %dma_start3A_534 = tpu.memref_squeeze %dma_start3A_533 : memref<1x8x32xf32, #tpu.memory_space<hbm>> -> memref<8x32xf32, #tpu.memory_space<hbm>>
      %dma_start3A_535 = arith.constant 0 : i32
      %dma_start3A_536 = arith.constant 0 : i32
      %dma_start3A_537 = tpu.memref_slice %arg18[%dma_start3A_526, %dma_start3A_535, %dma_start3A_536] : memref<32x8x32xf32, #tpu.memory_space<vmem>> -> memref<1x8x32xf32, #tpu.memory_space<vmem>>
      %dma_start3A_538 = tpu.memref_squeeze %dma_start3A_537 : memref<1x8x32xf32, #tpu.memory_space<vmem>> -> memref<8x32xf32, #tpu.memory_space<vmem>>
      %dma_start3A_539 = arith.constant 0 : i32
      %dma_start3A_540 = arith.constant 0 : i32
      %dma_start3A_541 = tpu.memref_slice %arg8[%squeeze3A_525, %dma_start3A_539, %dma_start3A_540] : memref<125000x8x32xf32, #tpu.memory_space<hbm>> -> memref<1x8x32xf32, #tpu.memory_space<hbm>>
      %dma_start3A_542 = tpu.memref_squeeze %dma_start3A_541 : memref<1x8x32xf32, #tpu.memory_space<hbm>> -> memref<8x32xf32, #tpu.memory_space<hbm>>
      tpu.enqueue_dma source(%dma_start3A_542 : memref<8x32xf32, #tpu.memory_space<hbm>>) target(%dma_start3A_538 : memref<8x32xf32, #tpu.memory_space<vmem>>) target_semaphore(%arg20 : memref<!tpu.dma_semaphore, #tpu.memory_space<semaphore_mem>>)
      %slice3A_543 = vector.extract_strided_slice %shift_right_logical3A_84 {offsets = [12], sizes = [1], strides = [1]} : vector<16xi32> to vector<1xi32>
      %squeeze3A_544 = vector.extract %slice3A_543[0] : i32 from vector<1xi32>
      %dma_start3A_545 = arith.constant 12 : i32
      %dma_start3A_546 = arith.constant 0 : i32
      %dma_start3A_547 = arith.constant 0 : i32
      %dma_start3A_548 = tpu.memref_slice %arg17[%dma_start3A_545, %dma_start3A_546, %dma_start3A_547] : memref<32x8x32xf32, #tpu.memory_space<vmem>> -> memref<1x8x32xf32, #tpu.memory_space<vmem>>
      %dma_start3A_549 = tpu.memref_squeeze %dma_start3A_548 : memref<1x8x32xf32, #tpu.memory_space<vmem>> -> memref<8x32xf32, #tpu.memory_space<vmem>>
      %dma_start3A_550 = arith.constant 0 : i32
      %dma_start3A_551 = arith.constant 0 : i32
      %dma_start3A_552 = tpu.memref_slice %arg7[%squeeze3A_544, %dma_start3A_550, %dma_start3A_551] : memref<125000x8x32xf32, #tpu.memory_space<hbm>> -> memref<1x8x32xf32, #tpu.memory_space<hbm>>
      %dma_start3A_553 = tpu.memref_squeeze %dma_start3A_552 : memref<1x8x32xf32, #tpu.memory_space<hbm>> -> memref<8x32xf32, #tpu.memory_space<hbm>>
      %dma_start3A_554 = arith.constant 0 : i32
      %dma_start3A_555 = arith.constant 0 : i32
      %dma_start3A_556 = tpu.memref_slice %arg17[%dma_start3A_545, %dma_start3A_554, %dma_start3A_555] : memref<32x8x32xf32, #tpu.memory_space<vmem>> -> memref<1x8x32xf32, #tpu.memory_space<vmem>>
      %dma_start3A_557 = tpu.memref_squeeze %dma_start3A_556 : memref<1x8x32xf32, #tpu.memory_space<vmem>> -> memref<8x32xf32, #tpu.memory_space<vmem>>
      %dma_start3A_558 = arith.constant 0 : i32
      %dma_start3A_559 = arith.constant 0 : i32
      %dma_start3A_560 = tpu.memref_slice %arg7[%squeeze3A_544, %dma_start3A_558, %dma_start3A_559] : memref<125000x8x32xf32, #tpu.memory_space<hbm>> -> memref<1x8x32xf32, #tpu.memory_space<hbm>>
      %dma_start3A_561 = tpu.memref_squeeze %dma_start3A_560 : memref<1x8x32xf32, #tpu.memory_space<hbm>> -> memref<8x32xf32, #tpu.memory_space<hbm>>
      tpu.enqueue_dma source(%dma_start3A_561 : memref<8x32xf32, #tpu.memory_space<hbm>>) target(%dma_start3A_557 : memref<8x32xf32, #tpu.memory_space<vmem>>) target_semaphore(%arg20 : memref<!tpu.dma_semaphore, #tpu.memory_space<semaphore_mem>>)
      %slice3A_562 = vector.extract_strided_slice %shift_right_logical3A_89 {offsets = [12], sizes = [1], strides = [1]} : vector<16xi32> to vector<1xi32>
      %squeeze3A_563 = vector.extract %slice3A_562[0] : i32 from vector<1xi32>
      %dma_start3A_564 = arith.constant 12 : i32
      %dma_start3A_565 = arith.constant 0 : i32
      %dma_start3A_566 = arith.constant 0 : i32
      %dma_start3A_567 = tpu.memref_slice %arg18[%dma_start3A_564, %dma_start3A_565, %dma_start3A_566] : memref<32x8x32xf32, #tpu.memory_space<vmem>> -> memref<1x8x32xf32, #tpu.memory_space<vmem>>
      %dma_start3A_568 = tpu.memref_squeeze %dma_start3A_567 : memref<1x8x32xf32, #tpu.memory_space<vmem>> -> memref<8x32xf32, #tpu.memory_space<vmem>>
      %dma_start3A_569 = arith.constant 0 : i32
      %dma_start3A_570 = arith.constant 0 : i32
      %dma_start3A_571 = tpu.memref_slice %arg8[%squeeze3A_563, %dma_start3A_569, %dma_start3A_570] : memref<125000x8x32xf32, #tpu.memory_space<hbm>> -> memref<1x8x32xf32, #tpu.memory_space<hbm>>
      %dma_start3A_572 = tpu.memref_squeeze %dma_start3A_571 : memref<1x8x32xf32, #tpu.memory_space<hbm>> -> memref<8x32xf32, #tpu.memory_space<hbm>>
      %dma_start3A_573 = arith.constant 0 : i32
      %dma_start3A_574 = arith.constant 0 : i32
      %dma_start3A_575 = tpu.memref_slice %arg18[%dma_start3A_564, %dma_start3A_573, %dma_start3A_574] : memref<32x8x32xf32, #tpu.memory_space<vmem>> -> memref<1x8x32xf32, #tpu.memory_space<vmem>>
      %dma_start3A_576 = tpu.memref_squeeze %dma_start3A_575 : memref<1x8x32xf32, #tpu.memory_space<vmem>> -> memref<8x32xf32, #tpu.memory_space<vmem>>
      %dma_start3A_577 = arith.constant 0 : i32
      %dma_start3A_578 = arith.constant 0 : i32
      %dma_start3A_579 = tpu.memref_slice %arg8[%squeeze3A_563, %dma_start3A_577, %dma_start3A_578] : memref<125000x8x32xf32, #tpu.memory_space<hbm>> -> memref<1x8x32xf32, #tpu.memory_space<hbm>>
      %dma_start3A_580 = tpu.memref_squeeze %dma_start3A_579 : memref<1x8x32xf32, #tpu.memory_space<hbm>> -> memref<8x32xf32, #tpu.memory_space<hbm>>
      tpu.enqueue_dma source(%dma_start3A_580 : memref<8x32xf32, #tpu.memory_space<hbm>>) target(%dma_start3A_576 : memref<8x32xf32, #tpu.memory_space<vmem>>) target_semaphore(%arg20 : memref<!tpu.dma_semaphore, #tpu.memory_space<semaphore_mem>>)
      %slice3A_581 = vector.extract_strided_slice %shift_right_logical3A_84 {offsets = [13], sizes = [1], strides = [1]} : vector<16xi32> to vector<1xi32>
      %squeeze3A_582 = vector.extract %slice3A_581[0] : i32 from vector<1xi32>
      %dma_start3A_583 = arith.constant 13 : i32
      %dma_start3A_584 = arith.constant 0 : i32
      %dma_start3A_585 = arith.constant 0 : i32
      %dma_start3A_586 = tpu.memref_slice %arg17[%dma_start3A_583, %dma_start3A_584, %dma_start3A_585] : memref<32x8x32xf32, #tpu.memory_space<vmem>> -> memref<1x8x32xf32, #tpu.memory_space<vmem>>
      %dma_start3A_587 = tpu.memref_squeeze %dma_start3A_586 : memref<1x8x32xf32, #tpu.memory_space<vmem>> -> memref<8x32xf32, #tpu.memory_space<vmem>>
      %dma_start3A_588 = arith.constant 0 : i32
      %dma_start3A_589 = arith.constant 0 : i32
      %dma_start3A_590 = tpu.memref_slice %arg7[%squeeze3A_582, %dma_start3A_588, %dma_start3A_589] : memref<125000x8x32xf32, #tpu.memory_space<hbm>> -> memref<1x8x32xf32, #tpu.memory_space<hbm>>
      %dma_start3A_591 = tpu.memref_squeeze %dma_start3A_590 : memref<1x8x32xf32, #tpu.memory_space<hbm>> -> memref<8x32xf32, #tpu.memory_space<hbm>>
      %dma_start3A_592 = arith.constant 0 : i32
      %dma_start3A_593 = arith.constant 0 : i32
      %dma_start3A_594 = tpu.memref_slice %arg17[%dma_start3A_583, %dma_start3A_592, %dma_start3A_593] : memref<32x8x32xf32, #tpu.memory_space<vmem>> -> memref<1x8x32xf32, #tpu.memory_space<vmem>>
      %dma_start3A_595 = tpu.memref_squeeze %dma_start3A_594 : memref<1x8x32xf32, #tpu.memory_space<vmem>> -> memref<8x32xf32, #tpu.memory_space<vmem>>
      %dma_start3A_596 = arith.constant 0 : i32
      %dma_start3A_597 = arith.constant 0 : i32
      %dma_start3A_598 = tpu.memref_slice %arg7[%squeeze3A_582, %dma_start3A_596, %dma_start3A_597] : memref<125000x8x32xf32, #tpu.memory_space<hbm>> -> memref<1x8x32xf32, #tpu.memory_space<hbm>>
      %dma_start3A_599 = tpu.memref_squeeze %dma_start3A_598 : memref<1x8x32xf32, #tpu.memory_space<hbm>> -> memref<8x32xf32, #tpu.memory_space<hbm>>
      tpu.enqueue_dma source(%dma_start3A_599 : memref<8x32xf32, #tpu.memory_space<hbm>>) target(%dma_start3A_595 : memref<8x32xf32, #tpu.memory_space<vmem>>) target_semaphore(%arg20 : memref<!tpu.dma_semaphore, #tpu.memory_space<semaphore_mem>>)
      %slice3A_600 = vector.extract_strided_slice %shift_right_logical3A_89 {offsets = [13], sizes = [1], strides = [1]} : vector<16xi32> to vector<1xi32>
      %squeeze3A_601 = vector.extract %slice3A_600[0] : i32 from vector<1xi32>
      %dma_start3A_602 = arith.constant 13 : i32
      %dma_start3A_603 = arith.constant 0 : i32
      %dma_start3A_604 = arith.constant 0 : i32
      %dma_start3A_605 = tpu.memref_slice %arg18[%dma_start3A_602, %dma_start3A_603, %dma_start3A_604] : memref<32x8x32xf32, #tpu.memory_space<vmem>> -> memref<1x8x32xf32, #tpu.memory_space<vmem>>
      %dma_start3A_606 = tpu.memref_squeeze %dma_start3A_605 : memref<1x8x32xf32, #tpu.memory_space<vmem>> -> memref<8x32xf32, #tpu.memory_space<vmem>>
      %dma_start3A_607 = arith.constant 0 : i32
      %dma_start3A_608 = arith.constant 0 : i32
      %dma_start3A_609 = tpu.memref_slice %arg8[%squeeze3A_601, %dma_start3A_607, %dma_start3A_608] : memref<125000x8x32xf32, #tpu.memory_space<hbm>> -> memref<1x8x32xf32, #tpu.memory_space<hbm>>
      %dma_start3A_610 = tpu.memref_squeeze %dma_start3A_609 : memref<1x8x32xf32, #tpu.memory_space<hbm>> -> memref<8x32xf32, #tpu.memory_space<hbm>>
      %dma_start3A_611 = arith.constant 0 : i32
      %dma_start3A_612 = arith.constant 0 : i32
      %dma_start3A_613 = tpu.memref_slice %arg18[%dma_start3A_602, %dma_start3A_611, %dma_start3A_612] : memref<32x8x32xf32, #tpu.memory_space<vmem>> -> memref<1x8x32xf32, #tpu.memory_space<vmem>>
      %dma_start3A_614 = tpu.memref_squeeze %dma_start3A_613 : memref<1x8x32xf32, #tpu.memory_space<vmem>> -> memref<8x32xf32, #tpu.memory_space<vmem>>
      %dma_start3A_615 = arith.constant 0 : i32
      %dma_start3A_616 = arith.constant 0 : i32
      %dma_start3A_617 = tpu.memref_slice %arg8[%squeeze3A_601, %dma_start3A_615, %dma_start3A_616] : memref<125000x8x32xf32, #tpu.memory_space<hbm>> -> memref<1x8x32xf32, #tpu.memory_space<hbm>>
      %dma_start3A_618 = tpu.memref_squeeze %dma_start3A_617 : memref<1x8x32xf32, #tpu.memory_space<hbm>> -> memref<8x32xf32, #tpu.memory_space<hbm>>
      tpu.enqueue_dma source(%dma_start3A_618 : memref<8x32xf32, #tpu.memory_space<hbm>>) target(%dma_start3A_614 : memref<8x32xf32, #tpu.memory_space<vmem>>) target_semaphore(%arg20 : memref<!tpu.dma_semaphore, #tpu.memory_space<semaphore_mem>>)
      %slice3A_619 = vector.extract_strided_slice %shift_right_logical3A_84 {offsets = [14], sizes = [1], strides = [1]} : vector<16xi32> to vector<1xi32>
      %squeeze3A_620 = vector.extract %slice3A_619[0] : i32 from vector<1xi32>
      %dma_start3A_621 = arith.constant 14 : i32
      %dma_start3A_622 = arith.constant 0 : i32
      %dma_start3A_623 = arith.constant 0 : i32
      %dma_start3A_624 = tpu.memref_slice %arg17[%dma_start3A_621, %dma_start3A_622, %dma_start3A_623] : memref<32x8x32xf32, #tpu.memory_space<vmem>> -> memref<1x8x32xf32, #tpu.memory_space<vmem>>
      %dma_start3A_625 = tpu.memref_squeeze %dma_start3A_624 : memref<1x8x32xf32, #tpu.memory_space<vmem>> -> memref<8x32xf32, #tpu.memory_space<vmem>>
      %dma_start3A_626 = arith.constant 0 : i32
      %dma_start3A_627 = arith.constant 0 : i32
      %dma_start3A_628 = tpu.memref_slice %arg7[%squeeze3A_620, %dma_start3A_626, %dma_start3A_627] : memref<125000x8x32xf32, #tpu.memory_space<hbm>> -> memref<1x8x32xf32, #tpu.memory_space<hbm>>
      %dma_start3A_629 = tpu.memref_squeeze %dma_start3A_628 : memref<1x8x32xf32, #tpu.memory_space<hbm>> -> memref<8x32xf32, #tpu.memory_space<hbm>>
      %dma_start3A_630 = arith.constant 0 : i32
      %dma_start3A_631 = arith.constant 0 : i32
      %dma_start3A_632 = tpu.memref_slice %arg17[%dma_start3A_621, %dma_start3A_630, %dma_start3A_631] : memref<32x8x32xf32, #tpu.memory_space<vmem>> -> memref<1x8x32xf32, #tpu.memory_space<vmem>>
      %dma_start3A_633 = tpu.memref_squeeze %dma_start3A_632 : memref<1x8x32xf32, #tpu.memory_space<vmem>> -> memref<8x32xf32, #tpu.memory_space<vmem>>
      %dma_start3A_634 = arith.constant 0 : i32
      %dma_start3A_635 = arith.constant 0 : i32
      %dma_start3A_636 = tpu.memref_slice %arg7[%squeeze3A_620, %dma_start3A_634, %dma_start3A_635] : memref<125000x8x32xf32, #tpu.memory_space<hbm>> -> memref<1x8x32xf32, #tpu.memory_space<hbm>>
      %dma_start3A_637 = tpu.memref_squeeze %dma_start3A_636 : memref<1x8x32xf32, #tpu.memory_space<hbm>> -> memref<8x32xf32, #tpu.memory_space<hbm>>
      tpu.enqueue_dma source(%dma_start3A_637 : memref<8x32xf32, #tpu.memory_space<hbm>>) target(%dma_start3A_633 : memref<8x32xf32, #tpu.memory_space<vmem>>) target_semaphore(%arg20 : memref<!tpu.dma_semaphore, #tpu.memory_space<semaphore_mem>>)
      %slice3A_638 = vector.extract_strided_slice %shift_right_logical3A_89 {offsets = [14], sizes = [1], strides = [1]} : vector<16xi32> to vector<1xi32>
      %squeeze3A_639 = vector.extract %slice3A_638[0] : i32 from vector<1xi32>
      %dma_start3A_640 = arith.constant 14 : i32
      %dma_start3A_641 = arith.constant 0 : i32
      %dma_start3A_642 = arith.constant 0 : i32
      %dma_start3A_643 = tpu.memref_slice %arg18[%dma_start3A_640, %dma_start3A_641, %dma_start3A_642] : memref<32x8x32xf32, #tpu.memory_space<vmem>> -> memref<1x8x32xf32, #tpu.memory_space<vmem>>
      %dma_start3A_644 = tpu.memref_squeeze %dma_start3A_643 : memref<1x8x32xf32, #tpu.memory_space<vmem>> -> memref<8x32xf32, #tpu.memory_space<vmem>>
      %dma_start3A_645 = arith.constant 0 : i32
      %dma_start3A_646 = arith.constant 0 : i32
      %dma_start3A_647 = tpu.memref_slice %arg8[%squeeze3A_639, %dma_start3A_645, %dma_start3A_646] : memref<125000x8x32xf32, #tpu.memory_space<hbm>> -> memref<1x8x32xf32, #tpu.memory_space<hbm>>
      %dma_start3A_648 = tpu.memref_squeeze %dma_start3A_647 : memref<1x8x32xf32, #tpu.memory_space<hbm>> -> memref<8x32xf32, #tpu.memory_space<hbm>>
      %dma_start3A_649 = arith.constant 0 : i32
      %dma_start3A_650 = arith.constant 0 : i32
      %dma_start3A_651 = tpu.memref_slice %arg18[%dma_start3A_640, %dma_start3A_649, %dma_start3A_650] : memref<32x8x32xf32, #tpu.memory_space<vmem>> -> memref<1x8x32xf32, #tpu.memory_space<vmem>>
      %dma_start3A_652 = tpu.memref_squeeze %dma_start3A_651 : memref<1x8x32xf32, #tpu.memory_space<vmem>> -> memref<8x32xf32, #tpu.memory_space<vmem>>
      %dma_start3A_653 = arith.constant 0 : i32
      %dma_start3A_654 = arith.constant 0 : i32
      %dma_start3A_655 = tpu.memref_slice %arg8[%squeeze3A_639, %dma_start3A_653, %dma_start3A_654] : memref<125000x8x32xf32, #tpu.memory_space<hbm>> -> memref<1x8x32xf32, #tpu.memory_space<hbm>>
      %dma_start3A_656 = tpu.memref_squeeze %dma_start3A_655 : memref<1x8x32xf32, #tpu.memory_space<hbm>> -> memref<8x32xf32, #tpu.memory_space<hbm>>
      tpu.enqueue_dma source(%dma_start3A_656 : memref<8x32xf32, #tpu.memory_space<hbm>>) target(%dma_start3A_652 : memref<8x32xf32, #tpu.memory_space<vmem>>) target_semaphore(%arg20 : memref<!tpu.dma_semaphore, #tpu.memory_space<semaphore_mem>>)
      %slice3A_657 = vector.extract_strided_slice %shift_right_logical3A_84 {offsets = [15], sizes = [1], strides = [1]} : vector<16xi32> to vector<1xi32>
      %squeeze3A_658 = vector.extract %slice3A_657[0] : i32 from vector<1xi32>
      %dma_start3A_659 = arith.constant 15 : i32
      %dma_start3A_660 = arith.constant 0 : i32
      %dma_start3A_661 = arith.constant 0 : i32
      %dma_start3A_662 = tpu.memref_slice %arg17[%dma_start3A_659, %dma_start3A_660, %dma_start3A_661] : memref<32x8x32xf32, #tpu.memory_space<vmem>> -> memref<1x8x32xf32, #tpu.memory_space<vmem>>
      %dma_start3A_663 = tpu.memref_squeeze %dma_start3A_662 : memref<1x8x32xf32, #tpu.memory_space<vmem>> -> memref<8x32xf32, #tpu.memory_space<vmem>>
      %dma_start3A_664 = arith.constant 0 : i32
      %dma_start3A_665 = arith.constant 0 : i32
      %dma_start3A_666 = tpu.memref_slice %arg7[%squeeze3A_658, %dma_start3A_664, %dma_start3A_665] : memref<125000x8x32xf32, #tpu.memory_space<hbm>> -> memref<1x8x32xf32, #tpu.memory_space<hbm>>
      %dma_start3A_667 = tpu.memref_squeeze %dma_start3A_666 : memref<1x8x32xf32, #tpu.memory_space<hbm>> -> memref<8x32xf32, #tpu.memory_space<hbm>>
      %dma_start3A_668 = arith.constant 0 : i32
      %dma_start3A_669 = arith.constant 0 : i32
      %dma_start3A_670 = tpu.memref_slice %arg17[%dma_start3A_659, %dma_start3A_668, %dma_start3A_669] : memref<32x8x32xf32, #tpu.memory_space<vmem>> -> memref<1x8x32xf32, #tpu.memory_space<vmem>>
      %dma_start3A_671 = tpu.memref_squeeze %dma_start3A_670 : memref<1x8x32xf32, #tpu.memory_space<vmem>> -> memref<8x32xf32, #tpu.memory_space<vmem>>
      %dma_start3A_672 = arith.constant 0 : i32
      %dma_start3A_673 = arith.constant 0 : i32
      %dma_start3A_674 = tpu.memref_slice %arg7[%squeeze3A_658, %dma_start3A_672, %dma_start3A_673] : memref<125000x8x32xf32, #tpu.memory_space<hbm>> -> memref<1x8x32xf32, #tpu.memory_space<hbm>>
      %dma_start3A_675 = tpu.memref_squeeze %dma_start3A_674 : memref<1x8x32xf32, #tpu.memory_space<hbm>> -> memref<8x32xf32, #tpu.memory_space<hbm>>
      tpu.enqueue_dma source(%dma_start3A_675 : memref<8x32xf32, #tpu.memory_space<hbm>>) target(%dma_start3A_671 : memref<8x32xf32, #tpu.memory_space<vmem>>) target_semaphore(%arg20 : memref<!tpu.dma_semaphore, #tpu.memory_space<semaphore_mem>>)
      %slice3A_676 = vector.extract_strided_slice %shift_right_logical3A_89 {offsets = [15], sizes = [1], strides = [1]} : vector<16xi32> to vector<1xi32>
      %squeeze3A_677 = vector.extract %slice3A_676[0] : i32 from vector<1xi32>
      %dma_start3A_678 = arith.constant 15 : i32
      %dma_start3A_679 = arith.constant 0 : i32
      %dma_start3A_680 = arith.constant 0 : i32
      %dma_start3A_681 = tpu.memref_slice %arg18[%dma_start3A_678, %dma_start3A_679, %dma_start3A_680] : memref<32x8x32xf32, #tpu.memory_space<vmem>> -> memref<1x8x32xf32, #tpu.memory_space<vmem>>
      %dma_start3A_682 = tpu.memref_squeeze %dma_start3A_681 : memref<1x8x32xf32, #tpu.memory_space<vmem>> -> memref<8x32xf32, #tpu.memory_space<vmem>>
      %dma_start3A_683 = arith.constant 0 : i32
      %dma_start3A_684 = arith.constant 0 : i32
      %dma_start3A_685 = tpu.memref_slice %arg8[%squeeze3A_677, %dma_start3A_683, %dma_start3A_684] : memref<125000x8x32xf32, #tpu.memory_space<hbm>> -> memref<1x8x32xf32, #tpu.memory_space<hbm>>
      %dma_start3A_686 = tpu.memref_squeeze %dma_start3A_685 : memref<1x8x32xf32, #tpu.memory_space<hbm>> -> memref<8x32xf32, #tpu.memory_space<hbm>>
      %dma_start3A_687 = arith.constant 0 : i32
      %dma_start3A_688 = arith.constant 0 : i32
      %dma_start3A_689 = tpu.memref_slice %arg18[%dma_start3A_678, %dma_start3A_687, %dma_start3A_688] : memref<32x8x32xf32, #tpu.memory_space<vmem>> -> memref<1x8x32xf32, #tpu.memory_space<vmem>>
      %dma_start3A_690 = tpu.memref_squeeze %dma_start3A_689 : memref<1x8x32xf32, #tpu.memory_space<vmem>> -> memref<8x32xf32, #tpu.memory_space<vmem>>
      %dma_start3A_691 = arith.constant 0 : i32
      %dma_start3A_692 = arith.constant 0 : i32
      %dma_start3A_693 = tpu.memref_slice %arg8[%squeeze3A_677, %dma_start3A_691, %dma_start3A_692] : memref<125000x8x32xf32, #tpu.memory_space<hbm>> -> memref<1x8x32xf32, #tpu.memory_space<hbm>>
      %dma_start3A_694 = tpu.memref_squeeze %dma_start3A_693 : memref<1x8x32xf32, #tpu.memory_space<hbm>> -> memref<8x32xf32, #tpu.memory_space<hbm>>
      tpu.enqueue_dma source(%dma_start3A_694 : memref<8x32xf32, #tpu.memory_space<hbm>>) target(%dma_start3A_690 : memref<8x32xf32, #tpu.memory_space<vmem>>) target_semaphore(%arg20 : memref<!tpu.dma_semaphore, #tpu.memory_space<semaphore_mem>>)
      %add3A_695 = arith.constant 16 : i32
      %add3A_696 = arith.addi %mul3A_78, %add3A_695 : i32
      %get3A_697 = arith.index_cast %add3A_696 : i32 to index
      %get3A_698 = tpu.vector_load %arg11[%get3A_697] {strides = array<i32>} : memref<512xi32, #tpu.memory_space<vmem>>, vector<16xi32>,
      %shift_right_logical3A_699 = arith.constant 3 : i32
      %shift_right_logical3A_700 = vector.broadcast %shift_right_logical3A_699 : i32 to vector<16xi32>
      %shift_right_logical3A_701 = arith.shrui %get3A_698, %shift_right_logical3A_700 : vector<16xi32>
      %get3A_702 = arith.index_cast %add3A_696 : i32 to index
      %get3A_703 = tpu.vector_load %arg12[%get3A_702] {strides = array<i32>} : memref<512xi32, #tpu.memory_space<vmem>>, vector<16xi32>,
      %shift_right_logical3A_704 = arith.constant 3 : i32
      %shift_right_logical3A_705 = vector.broadcast %shift_right_logical3A_704 : i32 to vector<16xi32>
      %shift_right_logical3A_706 = arith.shrui %get3A_703, %shift_right_logical3A_705 : vector<16xi32>
      %slice3A_707 = vector.extract_strided_slice %shift_right_logical3A_701 {offsets = [0], sizes = [1], strides = [1]} : vector<16xi32> to vector<1xi32>
      %squeeze3A_708 = vector.extract %slice3A_707[0] : i32 from vector<1xi32>
      %dma_start3A_709 = arith.constant 16 : i32
      %dma_start3A_710 = arith.constant 0 : i32
      %dma_start3A_711 = arith.constant 0 : i32
      %dma_start3A_712 = tpu.memref_slice %arg17[%dma_start3A_709, %dma_start3A_710, %dma_start3A_711] : memref<32x8x32xf32, #tpu.memory_space<vmem>> -> memref<1x8x32xf32, #tpu.memory_space<vmem>>
      %dma_start3A_713 = tpu.memref_squeeze %dma_start3A_712 : memref<1x8x32xf32, #tpu.memory_space<vmem>> -> memref<8x32xf32, #tpu.memory_space<vmem>>
      %dma_start3A_714 = arith.constant 0 : i32
      %dma_start3A_715 = arith.constant 0 : i32
      %dma_start3A_716 = tpu.memref_slice %arg7[%squeeze3A_708, %dma_start3A_714, %dma_start3A_715] : memref<125000x8x32xf32, #tpu.memory_space<hbm>> -> memref<1x8x32xf32, #tpu.memory_space<hbm>>
      %dma_start3A_717 = tpu.memref_squeeze %dma_start3A_716 : memref<1x8x32xf32, #tpu.memory_space<hbm>> -> memref<8x32xf32, #tpu.memory_space<hbm>>
      %dma_start3A_718 = arith.constant 0 : i32
      %dma_start3A_719 = arith.constant 0 : i32
      %dma_start3A_720 = tpu.memref_slice %arg17[%dma_start3A_709, %dma_start3A_718, %dma_start3A_719] : memref<32x8x32xf32, #tpu.memory_space<vmem>> -> memref<1x8x32xf32, #tpu.memory_space<vmem>>
      %dma_start3A_721 = tpu.memref_squeeze %dma_start3A_720 : memref<1x8x32xf32, #tpu.memory_space<vmem>> -> memref<8x32xf32, #tpu.memory_space<vmem>>
      %dma_start3A_722 = arith.constant 0 : i32
      %dma_start3A_723 = arith.constant 0 : i32
      %dma_start3A_724 = tpu.memref_slice %arg7[%squeeze3A_708, %dma_start3A_722, %dma_start3A_723] : memref<125000x8x32xf32, #tpu.memory_space<hbm>> -> memref<1x8x32xf32, #tpu.memory_space<hbm>>
      %dma_start3A_725 = tpu.memref_squeeze %dma_start3A_724 : memref<1x8x32xf32, #tpu.memory_space<hbm>> -> memref<8x32xf32, #tpu.memory_space<hbm>>
      tpu.enqueue_dma source(%dma_start3A_725 : memref<8x32xf32, #tpu.memory_space<hbm>>) target(%dma_start3A_721 : memref<8x32xf32, #tpu.memory_space<vmem>>) target_semaphore(%arg20 : memref<!tpu.dma_semaphore, #tpu.memory_space<semaphore_mem>>)
      %slice3A_726 = vector.extract_strided_slice %shift_right_logical3A_706 {offsets = [0], sizes = [1], strides = [1]} : vector<16xi32> to vector<1xi32>
      %squeeze3A_727 = vector.extract %slice3A_726[0] : i32 from vector<1xi32>
      %dma_start3A_728 = arith.constant 16 : i32
      %dma_start3A_729 = arith.constant 0 : i32
      %dma_start3A_730 = arith.constant 0 : i32
      %dma_start3A_731 = tpu.memref_slice %arg18[%dma_start3A_728, %dma_start3A_729, %dma_start3A_730] : memref<32x8x32xf32, #tpu.memory_space<vmem>> -> memref<1x8x32xf32, #tpu.memory_space<vmem>>
      %dma_start3A_732 = tpu.memref_squeeze %dma_start3A_731 : memref<1x8x32xf32, #tpu.memory_space<vmem>> -> memref<8x32xf32, #tpu.memory_space<vmem>>
      %dma_start3A_733 = arith.constant 0 : i32
      %dma_start3A_734 = arith.constant 0 : i32
      %dma_start3A_735 = tpu.memref_slice %arg8[%squeeze3A_727, %dma_start3A_733, %dma_start3A_734] : memref<125000x8x32xf32, #tpu.memory_space<hbm>> -> memref<1x8x32xf32, #tpu.memory_space<hbm>>
      %dma_start3A_736 = tpu.memref_squeeze %dma_start3A_735 : memref<1x8x32xf32, #tpu.memory_space<hbm>> -> memref<8x32xf32, #tpu.memory_space<hbm>>
      %dma_start3A_737 = arith.constant 0 : i32
      %dma_start3A_738 = arith.constant 0 : i32
      %dma_start3A_739 = tpu.memref_slice %arg18[%dma_start3A_728, %dma_start3A_737, %dma_start3A_738] : memref<32x8x32xf32, #tpu.memory_space<vmem>> -> memref<1x8x32xf32, #tpu.memory_space<vmem>>
      %dma_start3A_740 = tpu.memref_squeeze %dma_start3A_739 : memref<1x8x32xf32, #tpu.memory_space<vmem>> -> memref<8x32xf32, #tpu.memory_space<vmem>>
      %dma_start3A_741 = arith.constant 0 : i32
      %dma_start3A_742 = arith.constant 0 : i32
      %dma_start3A_743 = tpu.memref_slice %arg8[%squeeze3A_727, %dma_start3A_741, %dma_start3A_742] : memref<125000x8x32xf32, #tpu.memory_space<hbm>> -> memref<1x8x32xf32, #tpu.memory_space<hbm>>
      %dma_start3A_744 = tpu.memref_squeeze %dma_start3A_743 : memref<1x8x32xf32, #tpu.memory_space<hbm>> -> memref<8x32xf32, #tpu.memory_space<hbm>>
      tpu.enqueue_dma source(%dma_start3A_744 : memref<8x32xf32, #tpu.memory_space<hbm>>) target(%dma_start3A_740 : memref<8x32xf32, #tpu.memory_space<vmem>>) target_semaphore(%arg20 : memref<!tpu.dma_semaphore, #tpu.memory_space<semaphore_mem>>)
      %slice3A_745 = vector.extract_strided_slice %shift_right_logical3A_701 {offsets = [1], sizes = [1], strides = [1]} : vector<16xi32> to vector<1xi32>
      %squeeze3A_746 = vector.extract %slice3A_745[0] : i32 from vector<1xi32>
      %dma_start3A_747 = arith.constant 17 : i32
      %dma_start3A_748 = arith.constant 0 : i32
      %dma_start3A_749 = arith.constant 0 : i32
      %dma_start3A_750 = tpu.memref_slice %arg17[%dma_start3A_747, %dma_start3A_748, %dma_start3A_749] : memref<32x8x32xf32, #tpu.memory_space<vmem>> -> memref<1x8x32xf32, #tpu.memory_space<vmem>>
      %dma_start3A_751 = tpu.memref_squeeze %dma_start3A_750 : memref<1x8x32xf32, #tpu.memory_space<vmem>> -> memref<8x32xf32, #tpu.memory_space<vmem>>
      %dma_start3A_752 = arith.constant 0 : i32
      %dma_start3A_753 = arith.constant 0 : i32
      %dma_start3A_754 = tpu.memref_slice %arg7[%squeeze3A_746, %dma_start3A_752, %dma_start3A_753] : memref<125000x8x32xf32, #tpu.memory_space<hbm>> -> memref<1x8x32xf32, #tpu.memory_space<hbm>>
      %dma_start3A_755 = tpu.memref_squeeze %dma_start3A_754 : memref<1x8x32xf32, #tpu.memory_space<hbm>> -> memref<8x32xf32, #tpu.memory_space<hbm>>
      %dma_start3A_756 = arith.constant 0 : i32
      %dma_start3A_757 = arith.constant 0 : i32
      %dma_start3A_758 = tpu.memref_slice %arg17[%dma_start3A_747, %dma_start3A_756, %dma_start3A_757] : memref<32x8x32xf32, #tpu.memory_space<vmem>> -> memref<1x8x32xf32, #tpu.memory_space<vmem>>
      %dma_start3A_759 = tpu.memref_squeeze %dma_start3A_758 : memref<1x8x32xf32, #tpu.memory_space<vmem>> -> memref<8x32xf32, #tpu.memory_space<vmem>>
      %dma_start3A_760 = arith.constant 0 : i32
      %dma_start3A_761 = arith.constant 0 : i32
      %dma_start3A_762 = tpu.memref_slice %arg7[%squeeze3A_746, %dma_start3A_760, %dma_start3A_761] : memref<125000x8x32xf32, #tpu.memory_space<hbm>> -> memref<1x8x32xf32, #tpu.memory_space<hbm>>
      %dma_start3A_763 = tpu.memref_squeeze %dma_start3A_762 : memref<1x8x32xf32, #tpu.memory_space<hbm>> -> memref<8x32xf32, #tpu.memory_space<hbm>>
      tpu.enqueue_dma source(%dma_start3A_763 : memref<8x32xf32, #tpu.memory_space<hbm>>) target(%dma_start3A_759 : memref<8x32xf32, #tpu.memory_space<vmem>>) target_semaphore(%arg20 : memref<!tpu.dma_semaphore, #tpu.memory_space<semaphore_mem>>)
      %slice3A_764 = vector.extract_strided_slice %shift_right_logical3A_706 {offsets = [1], sizes = [1], strides = [1]} : vector<16xi32> to vector<1xi32>
      %squeeze3A_765 = vector.extract %slice3A_764[0] : i32 from vector<1xi32>
      %dma_start3A_766 = arith.constant 17 : i32
      %dma_start3A_767 = arith.constant 0 : i32
      %dma_start3A_768 = arith.constant 0 : i32
      %dma_start3A_769 = tpu.memref_slice %arg18[%dma_start3A_766, %dma_start3A_767, %dma_start3A_768] : memref<32x8x32xf32, #tpu.memory_space<vmem>> -> memref<1x8x32xf32, #tpu.memory_space<vmem>>
      %dma_start3A_770 = tpu.memref_squeeze %dma_start3A_769 : memref<1x8x32xf32, #tpu.memory_space<vmem>> -> memref<8x32xf32, #tpu.memory_space<vmem>>
      %dma_start3A_771 = arith.constant 0 : i32
      %dma_start3A_772 = arith.constant 0 : i32
      %dma_start3A_773 = tpu.memref_slice %arg8[%squeeze3A_765, %dma_start3A_771, %dma_start3A_772] : memref<125000x8x32xf32, #tpu.memory_space<hbm>> -> memref<1x8x32xf32, #tpu.memory_space<hbm>>
      %dma_start3A_774 = tpu.memref_squeeze %dma_start3A_773 : memref<1x8x32xf32, #tpu.memory_space<hbm>> -> memref<8x32xf32, #tpu.memory_space<hbm>>
      %dma_start3A_775 = arith.constant 0 : i32
      %dma_start3A_776 = arith.constant 0 : i32
      %dma_start3A_777 = tpu.memref_slice %arg18[%dma_start3A_766, %dma_start3A_775, %dma_start3A_776] : memref<32x8x32xf32, #tpu.memory_space<vmem>> -> memref<1x8x32xf32, #tpu.memory_space<vmem>>
      %dma_start3A_778 = tpu.memref_squeeze %dma_start3A_777 : memref<1x8x32xf32, #tpu.memory_space<vmem>> -> memref<8x32xf32, #tpu.memory_space<vmem>>
      %dma_start3A_779 = arith.constant 0 : i32
      %dma_start3A_780 = arith.constant 0 : i32
      %dma_start3A_781 = tpu.memref_slice %arg8[%squeeze3A_765, %dma_start3A_779, %dma_start3A_780] : memref<125000x8x32xf32, #tpu.memory_space<hbm>> -> memref<1x8x32xf32, #tpu.memory_space<hbm>>
      %dma_start3A_782 = tpu.memref_squeeze %dma_start3A_781 : memref<1x8x32xf32, #tpu.memory_space<hbm>> -> memref<8x32xf32, #tpu.memory_space<hbm>>
      tpu.enqueue_dma source(%dma_start3A_782 : memref<8x32xf32, #tpu.memory_space<hbm>>) target(%dma_start3A_778 : memref<8x32xf32, #tpu.memory_space<vmem>>) target_semaphore(%arg20 : memref<!tpu.dma_semaphore, #tpu.memory_space<semaphore_mem>>)
      %slice3A_783 = vector.extract_strided_slice %shift_right_logical3A_701 {offsets = [2], sizes = [1], strides = [1]} : vector<16xi32> to vector<1xi32>
      %squeeze3A_784 = vector.extract %slice3A_783[0] : i32 from vector<1xi32>
      %dma_start3A_785 = arith.constant 18 : i32
      %dma_start3A_786 = arith.constant 0 : i32
      %dma_start3A_787 = arith.constant 0 : i32
      %dma_start3A_788 = tpu.memref_slice %arg17[%dma_start3A_785, %dma_start3A_786, %dma_start3A_787] : memref<32x8x32xf32, #tpu.memory_space<vmem>> -> memref<1x8x32xf32, #tpu.memory_space<vmem>>
      %dma_start3A_789 = tpu.memref_squeeze %dma_start3A_788 : memref<1x8x32xf32, #tpu.memory_space<vmem>> -> memref<8x32xf32, #tpu.memory_space<vmem>>
      %dma_start3A_790 = arith.constant 0 : i32
      %dma_start3A_791 = arith.constant 0 : i32
      %dma_start3A_792 = tpu.memref_slice %arg7[%squeeze3A_784, %dma_start3A_790, %dma_start3A_791] : memref<125000x8x32xf32, #tpu.memory_space<hbm>> -> memref<1x8x32xf32, #tpu.memory_space<hbm>>
      %dma_start3A_793 = tpu.memref_squeeze %dma_start3A_792 : memref<1x8x32xf32, #tpu.memory_space<hbm>> -> memref<8x32xf32, #tpu.memory_space<hbm>>
      %dma_start3A_794 = arith.constant 0 : i32
      %dma_start3A_795 = arith.constant 0 : i32
      %dma_start3A_796 = tpu.memref_slice %arg17[%dma_start3A_785, %dma_start3A_794, %dma_start3A_795] : memref<32x8x32xf32, #tpu.memory_space<vmem>> -> memref<1x8x32xf32, #tpu.memory_space<vmem>>
      %dma_start3A_797 = tpu.memref_squeeze %dma_start3A_796 : memref<1x8x32xf32, #tpu.memory_space<vmem>> -> memref<8x32xf32, #tpu.memory_space<vmem>>
      %dma_start3A_798 = arith.constant 0 : i32
      %dma_start3A_799 = arith.constant 0 : i32
      %dma_start3A_800 = tpu.memref_slice %arg7[%squeeze3A_784, %dma_start3A_798, %dma_start3A_799] : memref<125000x8x32xf32, #tpu.memory_space<hbm>> -> memref<1x8x32xf32, #tpu.memory_space<hbm>>
      %dma_start3A_801 = tpu.memref_squeeze %dma_start3A_800 : memref<1x8x32xf32, #tpu.memory_space<hbm>> -> memref<8x32xf32, #tpu.memory_space<hbm>>
      tpu.enqueue_dma source(%dma_start3A_801 : memref<8x32xf32, #tpu.memory_space<hbm>>) target(%dma_start3A_797 : memref<8x32xf32, #tpu.memory_space<vmem>>) target_semaphore(%arg20 : memref<!tpu.dma_semaphore, #tpu.memory_space<semaphore_mem>>)
      %slice3A_802 = vector.extract_strided_slice %shift_right_logical3A_706 {offsets = [2], sizes = [1], strides = [1]} : vector<16xi32> to vector<1xi32>
      %squeeze3A_803 = vector.extract %slice3A_802[0] : i32 from vector<1xi32>
      %dma_start3A_804 = arith.constant 18 : i32
      %dma_start3A_805 = arith.constant 0 : i32
      %dma_start3A_806 = arith.constant 0 : i32
      %dma_start3A_807 = tpu.memref_slice %arg18[%dma_start3A_804, %dma_start3A_805, %dma_start3A_806] : memref<32x8x32xf32, #tpu.memory_space<vmem>> -> memref<1x8x32xf32, #tpu.memory_space<vmem>>
      %dma_start3A_808 = tpu.memref_squeeze %dma_start3A_807 : memref<1x8x32xf32, #tpu.memory_space<vmem>> -> memref<8x32xf32, #tpu.memory_space<vmem>>
      %dma_start3A_809 = arith.constant 0 : i32
      %dma_start3A_810 = arith.constant 0 : i32
      %dma_start3A_811 = tpu.memref_slice %arg8[%squeeze3A_803, %dma_start3A_809, %dma_start3A_810] : memref<125000x8x32xf32, #tpu.memory_space<hbm>> -> memref<1x8x32xf32, #tpu.memory_space<hbm>>
      %dma_start3A_812 = tpu.memref_squeeze %dma_start3A_811 : memref<1x8x32xf32, #tpu.memory_space<hbm>> -> memref<8x32xf32, #tpu.memory_space<hbm>>
      %dma_start3A_813 = arith.constant 0 : i32
      %dma_start3A_814 = arith.constant 0 : i32
      %dma_start3A_815 = tpu.memref_slice %arg18[%dma_start3A_804, %dma_start3A_813, %dma_start3A_814] : memref<32x8x32xf32, #tpu.memory_space<vmem>> -> memref<1x8x32xf32, #tpu.memory_space<vmem>>
      %dma_start3A_816 = tpu.memref_squeeze %dma_start3A_815 : memref<1x8x32xf32, #tpu.memory_space<vmem>> -> memref<8x32xf32, #tpu.memory_space<vmem>>
      %dma_start3A_817 = arith.constant 0 : i32
      %dma_start3A_818 = arith.constant 0 : i32
      %dma_start3A_819 = tpu.memref_slice %arg8[%squeeze3A_803, %dma_start3A_817, %dma_start3A_818] : memref<125000x8x32xf32, #tpu.memory_space<hbm>> -> memref<1x8x32xf32, #tpu.memory_space<hbm>>
      %dma_start3A_820 = tpu.memref_squeeze %dma_start3A_819 : memref<1x8x32xf32, #tpu.memory_space<hbm>> -> memref<8x32xf32, #tpu.memory_space<hbm>>
      tpu.enqueue_dma source(%dma_start3A_820 : memref<8x32xf32, #tpu.memory_space<hbm>>) target(%dma_start3A_816 : memref<8x32xf32, #tpu.memory_space<vmem>>) target_semaphore(%arg20 : memref<!tpu.dma_semaphore, #tpu.memory_space<semaphore_mem>>)
      %slice3A_821 = vector.extract_strided_slice %shift_right_logical3A_701 {offsets = [3], sizes = [1], strides = [1]} : vector<16xi32> to vector<1xi32>
      %squeeze3A_822 = vector.extract %slice3A_821[0] : i32 from vector<1xi32>
      %dma_start3A_823 = arith.constant 19 : i32
      %dma_start3A_824 = arith.constant 0 : i32
      %dma_start3A_825 = arith.constant 0 : i32
      %dma_start3A_826 = tpu.memref_slice %arg17[%dma_start3A_823, %dma_start3A_824, %dma_start3A_825] : memref<32x8x32xf32, #tpu.memory_space<vmem>> -> memref<1x8x32xf32, #tpu.memory_space<vmem>>
      %dma_start3A_827 = tpu.memref_squeeze %dma_start3A_826 : memref<1x8x32xf32, #tpu.memory_space<vmem>> -> memref<8x32xf32, #tpu.memory_space<vmem>>
      %dma_start3A_828 = arith.constant 0 : i32
      %dma_start3A_829 = arith.constant 0 : i32
      %dma_start3A_830 = tpu.memref_slice %arg7[%squeeze3A_822, %dma_start3A_828, %dma_start3A_829] : memref<125000x8x32xf32, #tpu.memory_space<hbm>> -> memref<1x8x32xf32, #tpu.memory_space<hbm>>
      %dma_start3A_831 = tpu.memref_squeeze %dma_start3A_830 : memref<1x8x32xf32, #tpu.memory_space<hbm>> -> memref<8x32xf32, #tpu.memory_space<hbm>>
      %dma_start3A_832 = arith.constant 0 : i32
      %dma_start3A_833 = arith.constant 0 : i32
      %dma_start3A_834 = tpu.memref_slice %arg17[%dma_start3A_823, %dma_start3A_832, %dma_start3A_833] : memref<32x8x32xf32, #tpu.memory_space<vmem>> -> memref<1x8x32xf32, #tpu.memory_space<vmem>>
      %dma_start3A_835 = tpu.memref_squeeze %dma_start3A_834 : memref<1x8x32xf32, #tpu.memory_space<vmem>> -> memref<8x32xf32, #tpu.memory_space<vmem>>
      %dma_start3A_836 = arith.constant 0 : i32
      %dma_start3A_837 = arith.constant 0 : i32
      %dma_start3A_838 = tpu.memref_slice %arg7[%squeeze3A_822, %dma_start3A_836, %dma_start3A_837] : memref<125000x8x32xf32, #tpu.memory_space<hbm>> -> memref<1x8x32xf32, #tpu.memory_space<hbm>>
      %dma_start3A_839 = tpu.memref_squeeze %dma_start3A_838 : memref<1x8x32xf32, #tpu.memory_space<hbm>> -> memref<8x32xf32, #tpu.memory_space<hbm>>
      tpu.enqueue_dma source(%dma_start3A_839 : memref<8x32xf32, #tpu.memory_space<hbm>>) target(%dma_start3A_835 : memref<8x32xf32, #tpu.memory_space<vmem>>) target_semaphore(%arg20 : memref<!tpu.dma_semaphore, #tpu.memory_space<semaphore_mem>>)
      %slice3A_840 = vector.extract_strided_slice %shift_right_logical3A_706 {offsets = [3], sizes = [1], strides = [1]} : vector<16xi32> to vector<1xi32>
      %squeeze3A_841 = vector.extract %slice3A_840[0] : i32 from vector<1xi32>
      %dma_start3A_842 = arith.constant 19 : i32
      %dma_start3A_843 = arith.constant 0 : i32
      %dma_start3A_844 = arith.constant 0 : i32
      %dma_start3A_845 = tpu.memref_slice %arg18[%dma_start3A_842, %dma_start3A_843, %dma_start3A_844] : memref<32x8x32xf32, #tpu.memory_space<vmem>> -> memref<1x8x32xf32, #tpu.memory_space<vmem>>
      %dma_start3A_846 = tpu.memref_squeeze %dma_start3A_845 : memref<1x8x32xf32, #tpu.memory_space<vmem>> -> memref<8x32xf32, #tpu.memory_space<vmem>>
      %dma_start3A_847 = arith.constant 0 : i32
      %dma_start3A_848 = arith.constant 0 : i32
      %dma_start3A_849 = tpu.memref_slice %arg8[%squeeze3A_841, %dma_start3A_847, %dma_start3A_848] : memref<125000x8x32xf32, #tpu.memory_space<hbm>> -> memref<1x8x32xf32, #tpu.memory_space<hbm>>
      %dma_start3A_850 = tpu.memref_squeeze %dma_start3A_849 : memref<1x8x32xf32, #tpu.memory_space<hbm>> -> memref<8x32xf32, #tpu.memory_space<hbm>>
      %dma_start3A_851 = arith.constant 0 : i32
      %dma_start3A_852 = arith.constant 0 : i32
      %dma_start3A_853 = tpu.memref_slice %arg18[%dma_start3A_842, %dma_start3A_851, %dma_start3A_852] : memref<32x8x32xf32, #tpu.memory_space<vmem>> -> memref<1x8x32xf32, #tpu.memory_space<vmem>>
      %dma_start3A_854 = tpu.memref_squeeze %dma_start3A_853 : memref<1x8x32xf32, #tpu.memory_space<vmem>> -> memref<8x32xf32, #tpu.memory_space<vmem>>
      %dma_start3A_855 = arith.constant 0 : i32
      %dma_start3A_856 = arith.constant 0 : i32
      %dma_start3A_857 = tpu.memref_slice %arg8[%squeeze3A_841, %dma_start3A_855, %dma_start3A_856] : memref<125000x8x32xf32, #tpu.memory_space<hbm>> -> memref<1x8x32xf32, #tpu.memory_space<hbm>>
      %dma_start3A_858 = tpu.memref_squeeze %dma_start3A_857 : memref<1x8x32xf32, #tpu.memory_space<hbm>> -> memref<8x32xf32, #tpu.memory_space<hbm>>
      tpu.enqueue_dma source(%dma_start3A_858 : memref<8x32xf32, #tpu.memory_space<hbm>>) target(%dma_start3A_854 : memref<8x32xf32, #tpu.memory_space<vmem>>) target_semaphore(%arg20 : memref<!tpu.dma_semaphore, #tpu.memory_space<semaphore_mem>>)
      %slice3A_859 = vector.extract_strided_slice %shift_right_logical3A_701 {offsets = [4], sizes = [1], strides = [1]} : vector<16xi32> to vector<1xi32>
      %squeeze3A_860 = vector.extract %slice3A_859[0] : i32 from vector<1xi32>
      %dma_start3A_861 = arith.constant 20 : i32
      %dma_start3A_862 = arith.constant 0 : i32
      %dma_start3A_863 = arith.constant 0 : i32
      %dma_start3A_864 = tpu.memref_slice %arg17[%dma_start3A_861, %dma_start3A_862, %dma_start3A_863] : memref<32x8x32xf32, #tpu.memory_space<vmem>> -> memref<1x8x32xf32, #tpu.memory_space<vmem>>
      %dma_start3A_865 = tpu.memref_squeeze %dma_start3A_864 : memref<1x8x32xf32, #tpu.memory_space<vmem>> -> memref<8x32xf32, #tpu.memory_space<vmem>>
      %dma_start3A_866 = arith.constant 0 : i32
      %dma_start3A_867 = arith.constant 0 : i32
      %dma_start3A_868 = tpu.memref_slice %arg7[%squeeze3A_860, %dma_start3A_866, %dma_start3A_867] : memref<125000x8x32xf32, #tpu.memory_space<hbm>> -> memref<1x8x32xf32, #tpu.memory_space<hbm>>
      %dma_start3A_869 = tpu.memref_squeeze %dma_start3A_868 : memref<1x8x32xf32, #tpu.memory_space<hbm>> -> memref<8x32xf32, #tpu.memory_space<hbm>>
      %dma_start3A_870 = arith.constant 0 : i32
      %dma_start3A_871 = arith.constant 0 : i32
      %dma_start3A_872 = tpu.memref_slice %arg17[%dma_start3A_861, %dma_start3A_870, %dma_start3A_871] : memref<32x8x32xf32, #tpu.memory_space<vmem>> -> memref<1x8x32xf32, #tpu.memory_space<vmem>>
      %dma_start3A_873 = tpu.memref_squeeze %dma_start3A_872 : memref<1x8x32xf32, #tpu.memory_space<vmem>> -> memref<8x32xf32, #tpu.memory_space<vmem>>
      %dma_start3A_874 = arith.constant 0 : i32
      %dma_start3A_875 = arith.constant 0 : i32
      %dma_start3A_876 = tpu.memref_slice %arg7[%squeeze3A_860, %dma_start3A_874, %dma_start3A_875] : memref<125000x8x32xf32, #tpu.memory_space<hbm>> -> memref<1x8x32xf32, #tpu.memory_space<hbm>>
      %dma_start3A_877 = tpu.memref_squeeze %dma_start3A_876 : memref<1x8x32xf32, #tpu.memory_space<hbm>> -> memref<8x32xf32, #tpu.memory_space<hbm>>
      tpu.enqueue_dma source(%dma_start3A_877 : memref<8x32xf32, #tpu.memory_space<hbm>>) target(%dma_start3A_873 : memref<8x32xf32, #tpu.memory_space<vmem>>) target_semaphore(%arg20 : memref<!tpu.dma_semaphore, #tpu.memory_space<semaphore_mem>>)
      %slice3A_878 = vector.extract_strided_slice %shift_right_logical3A_706 {offsets = [4], sizes = [1], strides = [1]} : vector<16xi32> to vector<1xi32>
      %squeeze3A_879 = vector.extract %slice3A_878[0] : i32 from vector<1xi32>
      %dma_start3A_880 = arith.constant 20 : i32
      %dma_start3A_881 = arith.constant 0 : i32
      %dma_start3A_882 = arith.constant 0 : i32
      %dma_start3A_883 = tpu.memref_slice %arg18[%dma_start3A_880, %dma_start3A_881, %dma_start3A_882] : memref<32x8x32xf32, #tpu.memory_space<vmem>> -> memref<1x8x32xf32, #tpu.memory_space<vmem>>
      %dma_start3A_884 = tpu.memref_squeeze %dma_start3A_883 : memref<1x8x32xf32, #tpu.memory_space<vmem>> -> memref<8x32xf32, #tpu.memory_space<vmem>>
      %dma_start3A_885 = arith.constant 0 : i32
      %dma_start3A_886 = arith.constant 0 : i32
      %dma_start3A_887 = tpu.memref_slice %arg8[%squeeze3A_879, %dma_start3A_885, %dma_start3A_886] : memref<125000x8x32xf32, #tpu.memory_space<hbm>> -> memref<1x8x32xf32, #tpu.memory_space<hbm>>
      %dma_start3A_888 = tpu.memref_squeeze %dma_start3A_887 : memref<1x8x32xf32, #tpu.memory_space<hbm>> -> memref<8x32xf32, #tpu.memory_space<hbm>>
      %dma_start3A_889 = arith.constant 0 : i32
      %dma_start3A_890 = arith.constant 0 : i32
      %dma_start3A_891 = tpu.memref_slice %arg18[%dma_start3A_880, %dma_start3A_889, %dma_start3A_890] : memref<32x8x32xf32, #tpu.memory_space<vmem>> -> memref<1x8x32xf32, #tpu.memory_space<vmem>>
      %dma_start3A_892 = tpu.memref_squeeze %dma_start3A_891 : memref<1x8x32xf32, #tpu.memory_space<vmem>> -> memref<8x32xf32, #tpu.memory_space<vmem>>
      %dma_start3A_893 = arith.constant 0 : i32
      %dma_start3A_894 = arith.constant 0 : i32
      %dma_start3A_895 = tpu.memref_slice %arg8[%squeeze3A_879, %dma_start3A_893, %dma_start3A_894] : memref<125000x8x32xf32, #tpu.memory_space<hbm>> -> memref<1x8x32xf32, #tpu.memory_space<hbm>>
      %dma_start3A_896 = tpu.memref_squeeze %dma_start3A_895 : memref<1x8x32xf32, #tpu.memory_space<hbm>> -> memref<8x32xf32, #tpu.memory_space<hbm>>
      tpu.enqueue_dma source(%dma_start3A_896 : memref<8x32xf32, #tpu.memory_space<hbm>>) target(%dma_start3A_892 : memref<8x32xf32, #tpu.memory_space<vmem>>) target_semaphore(%arg20 : memref<!tpu.dma_semaphore, #tpu.memory_space<semaphore_mem>>)
      %slice3A_897 = vector.extract_strided_slice %shift_right_logical3A_701 {offsets = [5], sizes = [1], strides = [1]} : vector<16xi32> to vector<1xi32>
      %squeeze3A_898 = vector.extract %slice3A_897[0] : i32 from vector<1xi32>
      %dma_start3A_899 = arith.constant 21 : i32
      %dma_start3A_900 = arith.constant 0 : i32
      %dma_start3A_901 = arith.constant 0 : i32
      %dma_start3A_902 = tpu.memref_slice %arg17[%dma_start3A_899, %dma_start3A_900, %dma_start3A_901] : memref<32x8x32xf32, #tpu.memory_space<vmem>> -> memref<1x8x32xf32, #tpu.memory_space<vmem>>
      %dma_start3A_903 = tpu.memref_squeeze %dma_start3A_902 : memref<1x8x32xf32, #tpu.memory_space<vmem>> -> memref<8x32xf32, #tpu.memory_space<vmem>>
      %dma_start3A_904 = arith.constant 0 : i32
      %dma_start3A_905 = arith.constant 0 : i32
      %dma_start3A_906 = tpu.memref_slice %arg7[%squeeze3A_898, %dma_start3A_904, %dma_start3A_905] : memref<125000x8x32xf32, #tpu.memory_space<hbm>> -> memref<1x8x32xf32, #tpu.memory_space<hbm>>
      %dma_start3A_907 = tpu.memref_squeeze %dma_start3A_906 : memref<1x8x32xf32, #tpu.memory_space<hbm>> -> memref<8x32xf32, #tpu.memory_space<hbm>>
      %dma_start3A_908 = arith.constant 0 : i32
      %dma_start3A_909 = arith.constant 0 : i32
      %dma_start3A_910 = tpu.memref_slice %arg17[%dma_start3A_899, %dma_start3A_908, %dma_start3A_909] : memref<32x8x32xf32, #tpu.memory_space<vmem>> -> memref<1x8x32xf32, #tpu.memory_space<vmem>>
      %dma_start3A_911 = tpu.memref_squeeze %dma_start3A_910 : memref<1x8x32xf32, #tpu.memory_space<vmem>> -> memref<8x32xf32, #tpu.memory_space<vmem>>
      %dma_start3A_912 = arith.constant 0 : i32
      %dma_start3A_913 = arith.constant 0 : i32
      %dma_start3A_914 = tpu.memref_slice %arg7[%squeeze3A_898, %dma_start3A_912, %dma_start3A_913] : memref<125000x8x32xf32, #tpu.memory_space<hbm>> -> memref<1x8x32xf32, #tpu.memory_space<hbm>>
      %dma_start3A_915 = tpu.memref_squeeze %dma_start3A_914 : memref<1x8x32xf32, #tpu.memory_space<hbm>> -> memref<8x32xf32, #tpu.memory_space<hbm>>
      tpu.enqueue_dma source(%dma_start3A_915 : memref<8x32xf32, #tpu.memory_space<hbm>>) target(%dma_start3A_911 : memref<8x32xf32, #tpu.memory_space<vmem>>) target_semaphore(%arg20 : memref<!tpu.dma_semaphore, #tpu.memory_space<semaphore_mem>>)
      %slice3A_916 = vector.extract_strided_slice %shift_right_logical3A_706 {offsets = [5], sizes = [1], strides = [1]} : vector<16xi32> to vector<1xi32>
      %squeeze3A_917 = vector.extract %slice3A_916[0] : i32 from vector<1xi32>
      %dma_start3A_918 = arith.constant 21 : i32
      %dma_start3A_919 = arith.constant 0 : i32
      %dma_start3A_920 = arith.constant 0 : i32
      %dma_start3A_921 = tpu.memref_slice %arg18[%dma_start3A_918, %dma_start3A_919, %dma_start3A_920] : memref<32x8x32xf32, #tpu.memory_space<vmem>> -> memref<1x8x32xf32, #tpu.memory_space<vmem>>
      %dma_start3A_922 = tpu.memref_squeeze %dma_start3A_921 : memref<1x8x32xf32, #tpu.memory_space<vmem>> -> memref<8x32xf32, #tpu.memory_space<vmem>>
      %dma_start3A_923 = arith.constant 0 : i32
      %dma_start3A_924 = arith.constant 0 : i32
      %dma_start3A_925 = tpu.memref_slice %arg8[%squeeze3A_917, %dma_start3A_923, %dma_start3A_924] : memref<125000x8x32xf32, #tpu.memory_space<hbm>> -> memref<1x8x32xf32, #tpu.memory_space<hbm>>
      %dma_start3A_926 = tpu.memref_squeeze %dma_start3A_925 : memref<1x8x32xf32, #tpu.memory_space<hbm>> -> memref<8x32xf32, #tpu.memory_space<hbm>>
      %dma_start3A_927 = arith.constant 0 : i32
      %dma_start3A_928 = arith.constant 0 : i32
      %dma_start3A_929 = tpu.memref_slice %arg18[%dma_start3A_918, %dma_start3A_927, %dma_start3A_928] : memref<32x8x32xf32, #tpu.memory_space<vmem>> -> memref<1x8x32xf32, #tpu.memory_space<vmem>>
      %dma_start3A_930 = tpu.memref_squeeze %dma_start3A_929 : memref<1x8x32xf32, #tpu.memory_space<vmem>> -> memref<8x32xf32, #tpu.memory_space<vmem>>
      %dma_start3A_931 = arith.constant 0 : i32
      %dma_start3A_932 = arith.constant 0 : i32
      %dma_start3A_933 = tpu.memref_slice %arg8[%squeeze3A_917, %dma_start3A_931, %dma_start3A_932] : memref<125000x8x32xf32, #tpu.memory_space<hbm>> -> memref<1x8x32xf32, #tpu.memory_space<hbm>>
      %dma_start3A_934 = tpu.memref_squeeze %dma_start3A_933 : memref<1x8x32xf32, #tpu.memory_space<hbm>> -> memref<8x32xf32, #tpu.memory_space<hbm>>
      tpu.enqueue_dma source(%dma_start3A_934 : memref<8x32xf32, #tpu.memory_space<hbm>>) target(%dma_start3A_930 : memref<8x32xf32, #tpu.memory_space<vmem>>) target_semaphore(%arg20 : memref<!tpu.dma_semaphore, #tpu.memory_space<semaphore_mem>>)
      %slice3A_935 = vector.extract_strided_slice %shift_right_logical3A_701 {offsets = [6], sizes = [1], strides = [1]} : vector<16xi32> to vector<1xi32>
      %squeeze3A_936 = vector.extract %slice3A_935[0] : i32 from vector<1xi32>
      %dma_start3A_937 = arith.constant 22 : i32
      %dma_start3A_938 = arith.constant 0 : i32
      %dma_start3A_939 = arith.constant 0 : i32
      %dma_start3A_940 = tpu.memref_slice %arg17[%dma_start3A_937, %dma_start3A_938, %dma_start3A_939] : memref<32x8x32xf32, #tpu.memory_space<vmem>> -> memref<1x8x32xf32, #tpu.memory_space<vmem>>
      %dma_start3A_941 = tpu.memref_squeeze %dma_start3A_940 : memref<1x8x32xf32, #tpu.memory_space<vmem>> -> memref<8x32xf32, #tpu.memory_space<vmem>>
      %dma_start3A_942 = arith.constant 0 : i32
      %dma_start3A_943 = arith.constant 0 : i32
      %dma_start3A_944 = tpu.memref_slice %arg7[%squeeze3A_936, %dma_start3A_942, %dma_start3A_943] : memref<125000x8x32xf32, #tpu.memory_space<hbm>> -> memref<1x8x32xf32, #tpu.memory_space<hbm>>
      %dma_start3A_945 = tpu.memref_squeeze %dma_start3A_944 : memref<1x8x32xf32, #tpu.memory_space<hbm>> -> memref<8x32xf32, #tpu.memory_space<hbm>>
      %dma_start3A_946 = arith.constant 0 : i32
      %dma_start3A_947 = arith.constant 0 : i32
      %dma_start3A_948 = tpu.memref_slice %arg17[%dma_start3A_937, %dma_start3A_946, %dma_start3A_947] : memref<32x8x32xf32, #tpu.memory_space<vmem>> -> memref<1x8x32xf32, #tpu.memory_space<vmem>>
      %dma_start3A_949 = tpu.memref_squeeze %dma_start3A_948 : memref<1x8x32xf32, #tpu.memory_space<vmem>> -> memref<8x32xf32, #tpu.memory_space<vmem>>
      %dma_start3A_950 = arith.constant 0 : i32
      %dma_start3A_951 = arith.constant 0 : i32
      %dma_start3A_952 = tpu.memref_slice %arg7[%squeeze3A_936, %dma_start3A_950, %dma_start3A_951] : memref<125000x8x32xf32, #tpu.memory_space<hbm>> -> memref<1x8x32xf32, #tpu.memory_space<hbm>>
      %dma_start3A_953 = tpu.memref_squeeze %dma_start3A_952 : memref<1x8x32xf32, #tpu.memory_space<hbm>> -> memref<8x32xf32, #tpu.memory_space<hbm>>
      tpu.enqueue_dma source(%dma_start3A_953 : memref<8x32xf32, #tpu.memory_space<hbm>>) target(%dma_start3A_949 : memref<8x32xf32, #tpu.memory_space<vmem>>) target_semaphore(%arg20 : memref<!tpu.dma_semaphore, #tpu.memory_space<semaphore_mem>>)
      %slice3A_954 = vector.extract_strided_slice %shift_right_logical3A_706 {offsets = [6], sizes = [1], strides = [1]} : vector<16xi32> to vector<1xi32>
      %squeeze3A_955 = vector.extract %slice3A_954[0] : i32 from vector<1xi32>
      %dma_start3A_956 = arith.constant 22 : i32
      %dma_start3A_957 = arith.constant 0 : i32
      %dma_start3A_958 = arith.constant 0 : i32
      %dma_start3A_959 = tpu.memref_slice %arg18[%dma_start3A_956, %dma_start3A_957, %dma_start3A_958] : memref<32x8x32xf32, #tpu.memory_space<vmem>> -> memref<1x8x32xf32, #tpu.memory_space<vmem>>
      %dma_start3A_960 = tpu.memref_squeeze %dma_start3A_959 : memref<1x8x32xf32, #tpu.memory_space<vmem>> -> memref<8x32xf32, #tpu.memory_space<vmem>>
      %dma_start3A_961 = arith.constant 0 : i32
      %dma_start3A_962 = arith.constant 0 : i32
      %dma_start3A_963 = tpu.memref_slice %arg8[%squeeze3A_955, %dma_start3A_961, %dma_start3A_962] : memref<125000x8x32xf32, #tpu.memory_space<hbm>> -> memref<1x8x32xf32, #tpu.memory_space<hbm>>
      %dma_start3A_964 = tpu.memref_squeeze %dma_start3A_963 : memref<1x8x32xf32, #tpu.memory_space<hbm>> -> memref<8x32xf32, #tpu.memory_space<hbm>>
      %dma_start3A_965 = arith.constant 0 : i32
      %dma_start3A_966 = arith.constant 0 : i32
      %dma_start3A_967 = tpu.memref_slice %arg18[%dma_start3A_956, %dma_start3A_965, %dma_start3A_966] : memref<32x8x32xf32, #tpu.memory_space<vmem>> -> memref<1x8x32xf32, #tpu.memory_space<vmem>>
      %dma_start3A_968 = tpu.memref_squeeze %dma_start3A_967 : memref<1x8x32xf32, #tpu.memory_space<vmem>> -> memref<8x32xf32, #tpu.memory_space<vmem>>
      %dma_start3A_969 = arith.constant 0 : i32
      %dma_start3A_970 = arith.constant 0 : i32
      %dma_start3A_971 = tpu.memref_slice %arg8[%squeeze3A_955, %dma_start3A_969, %dma_start3A_970] : memref<125000x8x32xf32, #tpu.memory_space<hbm>> -> memref<1x8x32xf32, #tpu.memory_space<hbm>>
      %dma_start3A_972 = tpu.memref_squeeze %dma_start3A_971 : memref<1x8x32xf32, #tpu.memory_space<hbm>> -> memref<8x32xf32, #tpu.memory_space<hbm>>
      tpu.enqueue_dma source(%dma_start3A_972 : memref<8x32xf32, #tpu.memory_space<hbm>>) target(%dma_start3A_968 : memref<8x32xf32, #tpu.memory_space<vmem>>) target_semaphore(%arg20 : memref<!tpu.dma_semaphore, #tpu.memory_space<semaphore_mem>>)
      %slice3A_973 = vector.extract_strided_slice %shift_right_logical3A_701 {offsets = [7], sizes = [1], strides = [1]} : vector<16xi32> to vector<1xi32>
      %squeeze3A_974 = vector.extract %slice3A_973[0] : i32 from vector<1xi32>
      %dma_start3A_975 = arith.constant 23 : i32
      %dma_start3A_976 = arith.constant 0 : i32
      %dma_start3A_977 = arith.constant 0 : i32
      %dma_start3A_978 = tpu.memref_slice %arg17[%dma_start3A_975, %dma_start3A_976, %dma_start3A_977] : memref<32x8x32xf32, #tpu.memory_space<vmem>> -> memref<1x8x32xf32, #tpu.memory_space<vmem>>
      %dma_start3A_979 = tpu.memref_squeeze %dma_start3A_978 : memref<1x8x32xf32, #tpu.memory_space<vmem>> -> memref<8x32xf32, #tpu.memory_space<vmem>>
      %dma_start3A_980 = arith.constant 0 : i32
      %dma_start3A_981 = arith.constant 0 : i32
      %dma_start3A_982 = tpu.memref_slice %arg7[%squeeze3A_974, %dma_start3A_980, %dma_start3A_981] : memref<125000x8x32xf32, #tpu.memory_space<hbm>> -> memref<1x8x32xf32, #tpu.memory_space<hbm>>
      %dma_start3A_983 = tpu.memref_squeeze %dma_start3A_982 : memref<1x8x32xf32, #tpu.memory_space<hbm>> -> memref<8x32xf32, #tpu.memory_space<hbm>>
      %dma_start3A_984 = arith.constant 0 : i32
      %dma_start3A_985 = arith.constant 0 : i32
      %dma_start3A_986 = tpu.memref_slice %arg17[%dma_start3A_975, %dma_start3A_984, %dma_start3A_985] : memref<32x8x32xf32, #tpu.memory_space<vmem>> -> memref<1x8x32xf32, #tpu.memory_space<vmem>>
      %dma_start3A_987 = tpu.memref_squeeze %dma_start3A_986 : memref<1x8x32xf32, #tpu.memory_space<vmem>> -> memref<8x32xf32, #tpu.memory_space<vmem>>
      %dma_start3A_988 = arith.constant 0 : i32
      %dma_start3A_989 = arith.constant 0 : i32
      %dma_start3A_990 = tpu.memref_slice %arg7[%squeeze3A_974, %dma_start3A_988, %dma_start3A_989] : memref<125000x8x32xf32, #tpu.memory_space<hbm>> -> memref<1x8x32xf32, #tpu.memory_space<hbm>>
      %dma_start3A_991 = tpu.memref_squeeze %dma_start3A_990 : memref<1x8x32xf32, #tpu.memory_space<hbm>> -> memref<8x32xf32, #tpu.memory_space<hbm>>
      tpu.enqueue_dma source(%dma_start3A_991 : memref<8x32xf32, #tpu.memory_space<hbm>>) target(%dma_start3A_987 : memref<8x32xf32, #tpu.memory_space<vmem>>) target_semaphore(%arg20 : memref<!tpu.dma_semaphore, #tpu.memory_space<semaphore_mem>>)
      %slice3A_992 = vector.extract_strided_slice %shift_right_logical3A_706 {offsets = [7], sizes = [1], strides = [1]} : vector<16xi32> to vector<1xi32>
      %squeeze3A_993 = vector.extract %slice3A_992[0] : i32 from vector<1xi32>
      %dma_start3A_994 = arith.constant 23 : i32
      %dma_start3A_995 = arith.constant 0 : i32
      %dma_start3A_996 = arith.constant 0 : i32
      %dma_start3A_997 = tpu.memref_slice %arg18[%dma_start3A_994, %dma_start3A_995, %dma_start3A_996] : memref<32x8x32xf32, #tpu.memory_space<vmem>> -> memref<1x8x32xf32, #tpu.memory_space<vmem>>
      %dma_start3A_998 = tpu.memref_squeeze %dma_start3A_997 : memref<1x8x32xf32, #tpu.memory_space<vmem>> -> memref<8x32xf32, #tpu.memory_space<vmem>>
      %dma_start3A_999 = arith.constant 0 : i32
      %dma_start3A_1000 = arith.constant 0 : i32
      %dma_start3A_1001 = tpu.memref_slice %arg8[%squeeze3A_993, %dma_start3A_999, %dma_start3A_1000] : memref<125000x8x32xf32, #tpu.memory_space<hbm>> -> memref<1x8x32xf32, #tpu.memory_space<hbm>>
      %dma_start3A_1002 = tpu.memref_squeeze %dma_start3A_1001 : memref<1x8x32xf32, #tpu.memory_space<hbm>> -> memref<8x32xf32, #tpu.memory_space<hbm>>
      %dma_start3A_1003 = arith.constant 0 : i32
      %dma_start3A_1004 = arith.constant 0 : i32
      %dma_start3A_1005 = tpu.memref_slice %arg18[%dma_start3A_994, %dma_start3A_1003, %dma_start3A_1004] : memref<32x8x32xf32, #tpu.memory_space<vmem>> -> memref<1x8x32xf32, #tpu.memory_space<vmem>>
      %dma_start3A_1006 = tpu.memref_squeeze %dma_start3A_1005 : memref<1x8x32xf32, #tpu.memory_space<vmem>> -> memref<8x32xf32, #tpu.memory_space<vmem>>
      %dma_start3A_1007 = arith.constant 0 : i32
      %dma_start3A_1008 = arith.constant 0 : i32
      %dma_start3A_1009 = tpu.memref_slice %arg8[%squeeze3A_993, %dma_start3A_1007, %dma_start3A_1008] : memref<125000x8x32xf32, #tpu.memory_space<hbm>> -> memref<1x8x32xf32, #tpu.memory_space<hbm>>
      %dma_start3A_1010 = tpu.memref_squeeze %dma_start3A_1009 : memref<1x8x32xf32, #tpu.memory_space<hbm>> -> memref<8x32xf32, #tpu.memory_space<hbm>>
      tpu.enqueue_dma source(%dma_start3A_1010 : memref<8x32xf32, #tpu.memory_space<hbm>>) target(%dma_start3A_1006 : memref<8x32xf32, #tpu.memory_space<vmem>>) target_semaphore(%arg20 : memref<!tpu.dma_semaphore, #tpu.memory_space<semaphore_mem>>)
      %slice3A_1011 = vector.extract_strided_slice %shift_right_logical3A_701 {offsets = [8], sizes = [1], strides = [1]} : vector<16xi32> to vector<1xi32>
      %squeeze3A_1012 = vector.extract %slice3A_1011[0] : i32 from vector<1xi32>
      %dma_start3A_1013 = arith.constant 24 : i32
      %dma_start3A_1014 = arith.constant 0 : i32
      %dma_start3A_1015 = arith.constant 0 : i32
      %dma_start3A_1016 = tpu.memref_slice %arg17[%dma_start3A_1013, %dma_start3A_1014, %dma_start3A_1015] : memref<32x8x32xf32, #tpu.memory_space<vmem>> -> memref<1x8x32xf32, #tpu.memory_space<vmem>>
      %dma_start3A_1017 = tpu.memref_squeeze %dma_start3A_1016 : memref<1x8x32xf32, #tpu.memory_space<vmem>> -> memref<8x32xf32, #tpu.memory_space<vmem>>
      %dma_start3A_1018 = arith.constant 0 : i32
      %dma_start3A_1019 = arith.constant 0 : i32
      %dma_start3A_1020 = tpu.memref_slice %arg7[%squeeze3A_1012, %dma_start3A_1018, %dma_start3A_1019] : memref<125000x8x32xf32, #tpu.memory_space<hbm>> -> memref<1x8x32xf32, #tpu.memory_space<hbm>>
      %dma_start3A_1021 = tpu.memref_squeeze %dma_start3A_1020 : memref<1x8x32xf32, #tpu.memory_space<hbm>> -> memref<8x32xf32, #tpu.memory_space<hbm>>
      %dma_start3A_1022 = arith.constant 0 : i32
      %dma_start3A_1023 = arith.constant 0 : i32
      %dma_start3A_1024 = tpu.memref_slice %arg17[%dma_start3A_1013, %dma_start3A_1022, %dma_start3A_1023] : memref<32x8x32xf32, #tpu.memory_space<vmem>> -> memref<1x8x32xf32, #tpu.memory_space<vmem>>
      %dma_start3A_1025 = tpu.memref_squeeze %dma_start3A_1024 : memref<1x8x32xf32, #tpu.memory_space<vmem>> -> memref<8x32xf32, #tpu.memory_space<vmem>>
      %dma_start3A_1026 = arith.constant 0 : i32
      %dma_start3A_1027 = arith.constant 0 : i32
      %dma_start3A_1028 = tpu.memref_slice %arg7[%squeeze3A_1012, %dma_start3A_1026, %dma_start3A_1027] : memref<125000x8x32xf32, #tpu.memory_space<hbm>> -> memref<1x8x32xf32, #tpu.memory_space<hbm>>
      %dma_start3A_1029 = tpu.memref_squeeze %dma_start3A_1028 : memref<1x8x32xf32, #tpu.memory_space<hbm>> -> memref<8x32xf32, #tpu.memory_space<hbm>>
      tpu.enqueue_dma source(%dma_start3A_1029 : memref<8x32xf32, #tpu.memory_space<hbm>>) target(%dma_start3A_1025 : memref<8x32xf32, #tpu.memory_space<vmem>>) target_semaphore(%arg20 : memref<!tpu.dma_semaphore, #tpu.memory_space<semaphore_mem>>)
      %slice3A_1030 = vector.extract_strided_slice %shift_right_logical3A_706 {offsets = [8], sizes = [1], strides = [1]} : vector<16xi32> to vector<1xi32>
      %squeeze3A_1031 = vector.extract %slice3A_1030[0] : i32 from vector<1xi32>
      %dma_start3A_1032 = arith.constant 24 : i32
      %dma_start3A_1033 = arith.constant 0 : i32
      %dma_start3A_1034 = arith.constant 0 : i32
      %dma_start3A_1035 = tpu.memref_slice %arg18[%dma_start3A_1032, %dma_start3A_1033, %dma_start3A_1034] : memref<32x8x32xf32, #tpu.memory_space<vmem>> -> memref<1x8x32xf32, #tpu.memory_space<vmem>>
      %dma_start3A_1036 = tpu.memref_squeeze %dma_start3A_1035 : memref<1x8x32xf32, #tpu.memory_space<vmem>> -> memref<8x32xf32, #tpu.memory_space<vmem>>
      %dma_start3A_1037 = arith.constant 0 : i32
      %dma_start3A_1038 = arith.constant 0 : i32
      %dma_start3A_1039 = tpu.memref_slice %arg8[%squeeze3A_1031, %dma_start3A_1037, %dma_start3A_1038] : memref<125000x8x32xf32, #tpu.memory_space<hbm>> -> memref<1x8x32xf32, #tpu.memory_space<hbm>>
      %dma_start3A_1040 = tpu.memref_squeeze %dma_start3A_1039 : memref<1x8x32xf32, #tpu.memory_space<hbm>> -> memref<8x32xf32, #tpu.memory_space<hbm>>
      %dma_start3A_1041 = arith.constant 0 : i32
      %dma_start3A_1042 = arith.constant 0 : i32
      %dma_start3A_1043 = tpu.memref_slice %arg18[%dma_start3A_1032, %dma_start3A_1041, %dma_start3A_1042] : memref<32x8x32xf32, #tpu.memory_space<vmem>> -> memref<1x8x32xf32, #tpu.memory_space<vmem>>
      %dma_start3A_1044 = tpu.memref_squeeze %dma_start3A_1043 : memref<1x8x32xf32, #tpu.memory_space<vmem>> -> memref<8x32xf32, #tpu.memory_space<vmem>>
      %dma_start3A_1045 = arith.constant 0 : i32
      %dma_start3A_1046 = arith.constant 0 : i32
      %dma_start3A_1047 = tpu.memref_slice %arg8[%squeeze3A_1031, %dma_start3A_1045, %dma_start3A_1046] : memref<125000x8x32xf32, #tpu.memory_space<hbm>> -> memref<1x8x32xf32, #tpu.memory_space<hbm>>
      %dma_start3A_1048 = tpu.memref_squeeze %dma_start3A_1047 : memref<1x8x32xf32, #tpu.memory_space<hbm>> -> memref<8x32xf32, #tpu.memory_space<hbm>>
      tpu.enqueue_dma source(%dma_start3A_1048 : memref<8x32xf32, #tpu.memory_space<hbm>>) target(%dma_start3A_1044 : memref<8x32xf32, #tpu.memory_space<vmem>>) target_semaphore(%arg20 : memref<!tpu.dma_semaphore, #tpu.memory_space<semaphore_mem>>)
      %slice3A_1049 = vector.extract_strided_slice %shift_right_logical3A_701 {offsets = [9], sizes = [1], strides = [1]} : vector<16xi32> to vector<1xi32>
      %squeeze3A_1050 = vector.extract %slice3A_1049[0] : i32 from vector<1xi32>
      %dma_start3A_1051 = arith.constant 25 : i32
      %dma_start3A_1052 = arith.constant 0 : i32
      %dma_start3A_1053 = arith.constant 0 : i32
      %dma_start3A_1054 = tpu.memref_slice %arg17[%dma_start3A_1051, %dma_start3A_1052, %dma_start3A_1053] : memref<32x8x32xf32, #tpu.memory_space<vmem>> -> memref<1x8x32xf32, #tpu.memory_space<vmem>>
      %dma_start3A_1055 = tpu.memref_squeeze %dma_start3A_1054 : memref<1x8x32xf32, #tpu.memory_space<vmem>> -> memref<8x32xf32, #tpu.memory_space<vmem>>
      %dma_start3A_1056 = arith.constant 0 : i32
      %dma_start3A_1057 = arith.constant 0 : i32
      %dma_start3A_1058 = tpu.memref_slice %arg7[%squeeze3A_1050, %dma_start3A_1056, %dma_start3A_1057] : memref<125000x8x32xf32, #tpu.memory_space<hbm>> -> memref<1x8x32xf32, #tpu.memory_space<hbm>>
      %dma_start3A_1059 = tpu.memref_squeeze %dma_start3A_1058 : memref<1x8x32xf32, #tpu.memory_space<hbm>> -> memref<8x32xf32, #tpu.memory_space<hbm>>
      %dma_start3A_1060 = arith.constant 0 : i32
      %dma_start3A_1061 = arith.constant 0 : i32
      %dma_start3A_1062 = tpu.memref_slice %arg17[%dma_start3A_1051, %dma_start3A_1060, %dma_start3A_1061] : memref<32x8x32xf32, #tpu.memory_space<vmem>> -> memref<1x8x32xf32, #tpu.memory_space<vmem>>
      %dma_start3A_1063 = tpu.memref_squeeze %dma_start3A_1062 : memref<1x8x32xf32, #tpu.memory_space<vmem>> -> memref<8x32xf32, #tpu.memory_space<vmem>>
      %dma_start3A_1064 = arith.constant 0 : i32
      %dma_start3A_1065 = arith.constant 0 : i32
      %dma_start3A_1066 = tpu.memref_slice %arg7[%squeeze3A_1050, %dma_start3A_1064, %dma_start3A_1065] : memref<125000x8x32xf32, #tpu.memory_space<hbm>> -> memref<1x8x32xf32, #tpu.memory_space<hbm>>
      %dma_start3A_1067 = tpu.memref_squeeze %dma_start3A_1066 : memref<1x8x32xf32, #tpu.memory_space<hbm>> -> memref<8x32xf32, #tpu.memory_space<hbm>>
      tpu.enqueue_dma source(%dma_start3A_1067 : memref<8x32xf32, #tpu.memory_space<hbm>>) target(%dma_start3A_1063 : memref<8x32xf32, #tpu.memory_space<vmem>>) target_semaphore(%arg20 : memref<!tpu.dma_semaphore, #tpu.memory_space<semaphore_mem>>)
      %slice3A_1068 = vector.extract_strided_slice %shift_right_logical3A_706 {offsets = [9], sizes = [1], strides = [1]} : vector<16xi32> to vector<1xi32>
      %squeeze3A_1069 = vector.extract %slice3A_1068[0] : i32 from vector<1xi32>
      %dma_start3A_1070 = arith.constant 25 : i32
      %dma_start3A_1071 = arith.constant 0 : i32
      %dma_start3A_1072 = arith.constant 0 : i32
      %dma_start3A_1073 = tpu.memref_slice %arg18[%dma_start3A_1070, %dma_start3A_1071, %dma_start3A_1072] : memref<32x8x32xf32, #tpu.memory_space<vmem>> -> memref<1x8x32xf32, #tpu.memory_space<vmem>>
      %dma_start3A_1074 = tpu.memref_squeeze %dma_start3A_1073 : memref<1x8x32xf32, #tpu.memory_space<vmem>> -> memref<8x32xf32, #tpu.memory_space<vmem>>
      %dma_start3A_1075 = arith.constant 0 : i32
      %dma_start3A_1076 = arith.constant 0 : i32
      %dma_start3A_1077 = tpu.memref_slice %arg8[%squeeze3A_1069, %dma_start3A_1075, %dma_start3A_1076] : memref<125000x8x32xf32, #tpu.memory_space<hbm>> -> memref<1x8x32xf32, #tpu.memory_space<hbm>>
      %dma_start3A_1078 = tpu.memref_squeeze %dma_start3A_1077 : memref<1x8x32xf32, #tpu.memory_space<hbm>> -> memref<8x32xf32, #tpu.memory_space<hbm>>
      %dma_start3A_1079 = arith.constant 0 : i32
      %dma_start3A_1080 = arith.constant 0 : i32
      %dma_start3A_1081 = tpu.memref_slice %arg18[%dma_start3A_1070, %dma_start3A_1079, %dma_start3A_1080] : memref<32x8x32xf32, #tpu.memory_space<vmem>> -> memref<1x8x32xf32, #tpu.memory_space<vmem>>
      %dma_start3A_1082 = tpu.memref_squeeze %dma_start3A_1081 : memref<1x8x32xf32, #tpu.memory_space<vmem>> -> memref<8x32xf32, #tpu.memory_space<vmem>>
      %dma_start3A_1083 = arith.constant 0 : i32
      %dma_start3A_1084 = arith.constant 0 : i32
      %dma_start3A_1085 = tpu.memref_slice %arg8[%squeeze3A_1069, %dma_start3A_1083, %dma_start3A_1084] : memref<125000x8x32xf32, #tpu.memory_space<hbm>> -> memref<1x8x32xf32, #tpu.memory_space<hbm>>
      %dma_start3A_1086 = tpu.memref_squeeze %dma_start3A_1085 : memref<1x8x32xf32, #tpu.memory_space<hbm>> -> memref<8x32xf32, #tpu.memory_space<hbm>>
      tpu.enqueue_dma source(%dma_start3A_1086 : memref<8x32xf32, #tpu.memory_space<hbm>>) target(%dma_start3A_1082 : memref<8x32xf32, #tpu.memory_space<vmem>>) target_semaphore(%arg20 : memref<!tpu.dma_semaphore, #tpu.memory_space<semaphore_mem>>)
      %slice3A_1087 = vector.extract_strided_slice %shift_right_logical3A_701 {offsets = [10], sizes = [1], strides = [1]} : vector<16xi32> to vector<1xi32>
      %squeeze3A_1088 = vector.extract %slice3A_1087[0] : i32 from vector<1xi32>
      %dma_start3A_1089 = arith.constant 26 : i32
      %dma_start3A_1090 = arith.constant 0 : i32
      %dma_start3A_1091 = arith.constant 0 : i32
      %dma_start3A_1092 = tpu.memref_slice %arg17[%dma_start3A_1089, %dma_start3A_1090, %dma_start3A_1091] : memref<32x8x32xf32, #tpu.memory_space<vmem>> -> memref<1x8x32xf32, #tpu.memory_space<vmem>>
      %dma_start3A_1093 = tpu.memref_squeeze %dma_start3A_1092 : memref<1x8x32xf32, #tpu.memory_space<vmem>> -> memref<8x32xf32, #tpu.memory_space<vmem>>
      %dma_start3A_1094 = arith.constant 0 : i32
      %dma_start3A_1095 = arith.constant 0 : i32
      %dma_start3A_1096 = tpu.memref_slice %arg7[%squeeze3A_1088, %dma_start3A_1094, %dma_start3A_1095] : memref<125000x8x32xf32, #tpu.memory_space<hbm>> -> memref<1x8x32xf32, #tpu.memory_space<hbm>>
      %dma_start3A_1097 = tpu.memref_squeeze %dma_start3A_1096 : memref<1x8x32xf32, #tpu.memory_space<hbm>> -> memref<8x32xf32, #tpu.memory_space<hbm>>
      %dma_start3A_1098 = arith.constant 0 : i32
      %dma_start3A_1099 = arith.constant 0 : i32
      %dma_start3A_1100 = tpu.memref_slice %arg17[%dma_start3A_1089, %dma_start3A_1098, %dma_start3A_1099] : memref<32x8x32xf32, #tpu.memory_space<vmem>> -> memref<1x8x32xf32, #tpu.memory_space<vmem>>
      %dma_start3A_1101 = tpu.memref_squeeze %dma_start3A_1100 : memref<1x8x32xf32, #tpu.memory_space<vmem>> -> memref<8x32xf32, #tpu.memory_space<vmem>>
      %dma_start3A_1102 = arith.constant 0 : i32
      %dma_start3A_1103 = arith.constant 0 : i32
      %dma_start3A_1104 = tpu.memref_slice %arg7[%squeeze3A_1088, %dma_start3A_1102, %dma_start3A_1103] : memref<125000x8x32xf32, #tpu.memory_space<hbm>> -> memref<1x8x32xf32, #tpu.memory_space<hbm>>
      %dma_start3A_1105 = tpu.memref_squeeze %dma_start3A_1104 : memref<1x8x32xf32, #tpu.memory_space<hbm>> -> memref<8x32xf32, #tpu.memory_space<hbm>>
      tpu.enqueue_dma source(%dma_start3A_1105 : memref<8x32xf32, #tpu.memory_space<hbm>>) target(%dma_start3A_1101 : memref<8x32xf32, #tpu.memory_space<vmem>>) target_semaphore(%arg20 : memref<!tpu.dma_semaphore, #tpu.memory_space<semaphore_mem>>)
      %slice3A_1106 = vector.extract_strided_slice %shift_right_logical3A_706 {offsets = [10], sizes = [1], strides = [1]} : vector<16xi32> to vector<1xi32>
      %squeeze3A_1107 = vector.extract %slice3A_1106[0] : i32 from vector<1xi32>
      %dma_start3A_1108 = arith.constant 26 : i32
      %dma_start3A_1109 = arith.constant 0 : i32
      %dma_start3A_1110 = arith.constant 0 : i32
      %dma_start3A_1111 = tpu.memref_slice %arg18[%dma_start3A_1108, %dma_start3A_1109, %dma_start3A_1110] : memref<32x8x32xf32, #tpu.memory_space<vmem>> -> memref<1x8x32xf32, #tpu.memory_space<vmem>>
      %dma_start3A_1112 = tpu.memref_squeeze %dma_start3A_1111 : memref<1x8x32xf32, #tpu.memory_space<vmem>> -> memref<8x32xf32, #tpu.memory_space<vmem>>
      %dma_start3A_1113 = arith.constant 0 : i32
      %dma_start3A_1114 = arith.constant 0 : i32
      %dma_start3A_1115 = tpu.memref_slice %arg8[%squeeze3A_1107, %dma_start3A_1113, %dma_start3A_1114] : memref<125000x8x32xf32, #tpu.memory_space<hbm>> -> memref<1x8x32xf32, #tpu.memory_space<hbm>>
      %dma_start3A_1116 = tpu.memref_squeeze %dma_start3A_1115 : memref<1x8x32xf32, #tpu.memory_space<hbm>> -> memref<8x32xf32, #tpu.memory_space<hbm>>
      %dma_start3A_1117 = arith.constant 0 : i32
      %dma_start3A_1118 = arith.constant 0 : i32
      %dma_start3A_1119 = tpu.memref_slice %arg18[%dma_start3A_1108, %dma_start3A_1117, %dma_start3A_1118] : memref<32x8x32xf32, #tpu.memory_space<vmem>> -> memref<1x8x32xf32, #tpu.memory_space<vmem>>
      %dma_start3A_1120 = tpu.memref_squeeze %dma_start3A_1119 : memref<1x8x32xf32, #tpu.memory_space<vmem>> -> memref<8x32xf32, #tpu.memory_space<vmem>>
      %dma_start3A_1121 = arith.constant 0 : i32
      %dma_start3A_1122 = arith.constant 0 : i32
      %dma_start3A_1123 = tpu.memref_slice %arg8[%squeeze3A_1107, %dma_start3A_1121, %dma_start3A_1122] : memref<125000x8x32xf32, #tpu.memory_space<hbm>> -> memref<1x8x32xf32, #tpu.memory_space<hbm>>
      %dma_start3A_1124 = tpu.memref_squeeze %dma_start3A_1123 : memref<1x8x32xf32, #tpu.memory_space<hbm>> -> memref<8x32xf32, #tpu.memory_space<hbm>>
      tpu.enqueue_dma source(%dma_start3A_1124 : memref<8x32xf32, #tpu.memory_space<hbm>>) target(%dma_start3A_1120 : memref<8x32xf32, #tpu.memory_space<vmem>>) target_semaphore(%arg20 : memref<!tpu.dma_semaphore, #tpu.memory_space<semaphore_mem>>)
      %slice3A_1125 = vector.extract_strided_slice %shift_right_logical3A_701 {offsets = [11], sizes = [1], strides = [1]} : vector<16xi32> to vector<1xi32>
      %squeeze3A_1126 = vector.extract %slice3A_1125[0] : i32 from vector<1xi32>
      %dma_start3A_1127 = arith.constant 27 : i32
      %dma_start3A_1128 = arith.constant 0 : i32
      %dma_start3A_1129 = arith.constant 0 : i32
      %dma_start3A_1130 = tpu.memref_slice %arg17[%dma_start3A_1127, %dma_start3A_1128, %dma_start3A_1129] : memref<32x8x32xf32, #tpu.memory_space<vmem>> -> memref<1x8x32xf32, #tpu.memory_space<vmem>>
      %dma_start3A_1131 = tpu.memref_squeeze %dma_start3A_1130 : memref<1x8x32xf32, #tpu.memory_space<vmem>> -> memref<8x32xf32, #tpu.memory_space<vmem>>
      %dma_start3A_1132 = arith.constant 0 : i32
      %dma_start3A_1133 = arith.constant 0 : i32
      %dma_start3A_1134 = tpu.memref_slice %arg7[%squeeze3A_1126, %dma_start3A_1132, %dma_start3A_1133] : memref<125000x8x32xf32, #tpu.memory_space<hbm>> -> memref<1x8x32xf32, #tpu.memory_space<hbm>>
      %dma_start3A_1135 = tpu.memref_squeeze %dma_start3A_1134 : memref<1x8x32xf32, #tpu.memory_space<hbm>> -> memref<8x32xf32, #tpu.memory_space<hbm>>
      %dma_start3A_1136 = arith.constant 0 : i32
      %dma_start3A_1137 = arith.constant 0 : i32
      %dma_start3A_1138 = tpu.memref_slice %arg17[%dma_start3A_1127, %dma_start3A_1136, %dma_start3A_1137] : memref<32x8x32xf32, #tpu.memory_space<vmem>> -> memref<1x8x32xf32, #tpu.memory_space<vmem>>
      %dma_start3A_1139 = tpu.memref_squeeze %dma_start3A_1138 : memref<1x8x32xf32, #tpu.memory_space<vmem>> -> memref<8x32xf32, #tpu.memory_space<vmem>>
      %dma_start3A_1140 = arith.constant 0 : i32
      %dma_start3A_1141 = arith.constant 0 : i32
      %dma_start3A_1142 = tpu.memref_slice %arg7[%squeeze3A_1126, %dma_start3A_1140, %dma_start3A_1141] : memref<125000x8x32xf32, #tpu.memory_space<hbm>> -> memref<1x8x32xf32, #tpu.memory_space<hbm>>
      %dma_start3A_1143 = tpu.memref_squeeze %dma_start3A_1142 : memref<1x8x32xf32, #tpu.memory_space<hbm>> -> memref<8x32xf32, #tpu.memory_space<hbm>>
      tpu.enqueue_dma source(%dma_start3A_1143 : memref<8x32xf32, #tpu.memory_space<hbm>>) target(%dma_start3A_1139 : memref<8x32xf32, #tpu.memory_space<vmem>>) target_semaphore(%arg20 : memref<!tpu.dma_semaphore, #tpu.memory_space<semaphore_mem>>)
      %slice3A_1144 = vector.extract_strided_slice %shift_right_logical3A_706 {offsets = [11], sizes = [1], strides = [1]} : vector<16xi32> to vector<1xi32>
      %squeeze3A_1145 = vector.extract %slice3A_1144[0] : i32 from vector<1xi32>
      %dma_start3A_1146 = arith.constant 27 : i32
      %dma_start3A_1147 = arith.constant 0 : i32
      %dma_start3A_1148 = arith.constant 0 : i32
      %dma_start3A_1149 = tpu.memref_slice %arg18[%dma_start3A_1146, %dma_start3A_1147, %dma_start3A_1148] : memref<32x8x32xf32, #tpu.memory_space<vmem>> -> memref<1x8x32xf32, #tpu.memory_space<vmem>>
      %dma_start3A_1150 = tpu.memref_squeeze %dma_start3A_1149 : memref<1x8x32xf32, #tpu.memory_space<vmem>> -> memref<8x32xf32, #tpu.memory_space<vmem>>
      %dma_start3A_1151 = arith.constant 0 : i32
      %dma_start3A_1152 = arith.constant 0 : i32
      %dma_start3A_1153 = tpu.memref_slice %arg8[%squeeze3A_1145, %dma_start3A_1151, %dma_start3A_1152] : memref<125000x8x32xf32, #tpu.memory_space<hbm>> -> memref<1x8x32xf32, #tpu.memory_space<hbm>>
      %dma_start3A_1154 = tpu.memref_squeeze %dma_start3A_1153 : memref<1x8x32xf32, #tpu.memory_space<hbm>> -> memref<8x32xf32, #tpu.memory_space<hbm>>
      %dma_start3A_1155 = arith.constant 0 : i32
      %dma_start3A_1156 = arith.constant 0 : i32
      %dma_start3A_1157 = tpu.memref_slice %arg18[%dma_start3A_1146, %dma_start3A_1155, %dma_start3A_1156] : memref<32x8x32xf32, #tpu.memory_space<vmem>> -> memref<1x8x32xf32, #tpu.memory_space<vmem>>
      %dma_start3A_1158 = tpu.memref_squeeze %dma_start3A_1157 : memref<1x8x32xf32, #tpu.memory_space<vmem>> -> memref<8x32xf32, #tpu.memory_space<vmem>>
      %dma_start3A_1159 = arith.constant 0 : i32
      %dma_start3A_1160 = arith.constant 0 : i32
      %dma_start3A_1161 = tpu.memref_slice %arg8[%squeeze3A_1145, %dma_start3A_1159, %dma_start3A_1160] : memref<125000x8x32xf32, #tpu.memory_space<hbm>> -> memref<1x8x32xf32, #tpu.memory_space<hbm>>
      %dma_start3A_1162 = tpu.memref_squeeze %dma_start3A_1161 : memref<1x8x32xf32, #tpu.memory_space<hbm>> -> memref<8x32xf32, #tpu.memory_space<hbm>>
      tpu.enqueue_dma source(%dma_start3A_1162 : memref<8x32xf32, #tpu.memory_space<hbm>>) target(%dma_start3A_1158 : memref<8x32xf32, #tpu.memory_space<vmem>>) target_semaphore(%arg20 : memref<!tpu.dma_semaphore, #tpu.memory_space<semaphore_mem>>)
      %slice3A_1163 = vector.extract_strided_slice %shift_right_logical3A_701 {offsets = [12], sizes = [1], strides = [1]} : vector<16xi32> to vector<1xi32>
      %squeeze3A_1164 = vector.extract %slice3A_1163[0] : i32 from vector<1xi32>
      %dma_start3A_1165 = arith.constant 28 : i32
      %dma_start3A_1166 = arith.constant 0 : i32
      %dma_start3A_1167 = arith.constant 0 : i32
      %dma_start3A_1168 = tpu.memref_slice %arg17[%dma_start3A_1165, %dma_start3A_1166, %dma_start3A_1167] : memref<32x8x32xf32, #tpu.memory_space<vmem>> -> memref<1x8x32xf32, #tpu.memory_space<vmem>>
      %dma_start3A_1169 = tpu.memref_squeeze %dma_start3A_1168 : memref<1x8x32xf32, #tpu.memory_space<vmem>> -> memref<8x32xf32, #tpu.memory_space<vmem>>
      %dma_start3A_1170 = arith.constant 0 : i32
      %dma_start3A_1171 = arith.constant 0 : i32
      %dma_start3A_1172 = tpu.memref_slice %arg7[%squeeze3A_1164, %dma_start3A_1170, %dma_start3A_1171] : memref<125000x8x32xf32, #tpu.memory_space<hbm>> -> memref<1x8x32xf32, #tpu.memory_space<hbm>>
      %dma_start3A_1173 = tpu.memref_squeeze %dma_start3A_1172 : memref<1x8x32xf32, #tpu.memory_space<hbm>> -> memref<8x32xf32, #tpu.memory_space<hbm>>
      %dma_start3A_1174 = arith.constant 0 : i32
      %dma_start3A_1175 = arith.constant 0 : i32
      %dma_start3A_1176 = tpu.memref_slice %arg17[%dma_start3A_1165, %dma_start3A_1174, %dma_start3A_1175] : memref<32x8x32xf32, #tpu.memory_space<vmem>> -> memref<1x8x32xf32, #tpu.memory_space<vmem>>
      %dma_start3A_1177 = tpu.memref_squeeze %dma_start3A_1176 : memref<1x8x32xf32, #tpu.memory_space<vmem>> -> memref<8x32xf32, #tpu.memory_space<vmem>>
      %dma_start3A_1178 = arith.constant 0 : i32
      %dma_start3A_1179 = arith.constant 0 : i32
      %dma_start3A_1180 = tpu.memref_slice %arg7[%squeeze3A_1164, %dma_start3A_1178, %dma_start3A_1179] : memref<125000x8x32xf32, #tpu.memory_space<hbm>> -> memref<1x8x32xf32, #tpu.memory_space<hbm>>
      %dma_start3A_1181 = tpu.memref_squeeze %dma_start3A_1180 : memref<1x8x32xf32, #tpu.memory_space<hbm>> -> memref<8x32xf32, #tpu.memory_space<hbm>>
      tpu.enqueue_dma source(%dma_start3A_1181 : memref<8x32xf32, #tpu.memory_space<hbm>>) target(%dma_start3A_1177 : memref<8x32xf32, #tpu.memory_space<vmem>>) target_semaphore(%arg20 : memref<!tpu.dma_semaphore, #tpu.memory_space<semaphore_mem>>)
      %slice3A_1182 = vector.extract_strided_slice %shift_right_logical3A_706 {offsets = [12], sizes = [1], strides = [1]} : vector<16xi32> to vector<1xi32>
      %squeeze3A_1183 = vector.extract %slice3A_1182[0] : i32 from vector<1xi32>
      %dma_start3A_1184 = arith.constant 28 : i32
      %dma_start3A_1185 = arith.constant 0 : i32
      %dma_start3A_1186 = arith.constant 0 : i32
      %dma_start3A_1187 = tpu.memref_slice %arg18[%dma_start3A_1184, %dma_start3A_1185, %dma_start3A_1186] : memref<32x8x32xf32, #tpu.memory_space<vmem>> -> memref<1x8x32xf32, #tpu.memory_space<vmem>>
      %dma_start3A_1188 = tpu.memref_squeeze %dma_start3A_1187 : memref<1x8x32xf32, #tpu.memory_space<vmem>> -> memref<8x32xf32, #tpu.memory_space<vmem>>
      %dma_start3A_1189 = arith.constant 0 : i32
      %dma_start3A_1190 = arith.constant 0 : i32
      %dma_start3A_1191 = tpu.memref_slice %arg8[%squeeze3A_1183, %dma_start3A_1189, %dma_start3A_1190] : memref<125000x8x32xf32, #tpu.memory_space<hbm>> -> memref<1x8x32xf32, #tpu.memory_space<hbm>>
      %dma_start3A_1192 = tpu.memref_squeeze %dma_start3A_1191 : memref<1x8x32xf32, #tpu.memory_space<hbm>> -> memref<8x32xf32, #tpu.memory_space<hbm>>
      %dma_start3A_1193 = arith.constant 0 : i32
      %dma_start3A_1194 = arith.constant 0 : i32
      %dma_start3A_1195 = tpu.memref_slice %arg18[%dma_start3A_1184, %dma_start3A_1193, %dma_start3A_1194] : memref<32x8x32xf32, #tpu.memory_space<vmem>> -> memref<1x8x32xf32, #tpu.memory_space<vmem>>
      %dma_start3A_1196 = tpu.memref_squeeze %dma_start3A_1195 : memref<1x8x32xf32, #tpu.memory_space<vmem>> -> memref<8x32xf32, #tpu.memory_space<vmem>>
      %dma_start3A_1197 = arith.constant 0 : i32
      %dma_start3A_1198 = arith.constant 0 : i32
      %dma_start3A_1199 = tpu.memref_slice %arg8[%squeeze3A_1183, %dma_start3A_1197, %dma_start3A_1198] : memref<125000x8x32xf32, #tpu.memory_space<hbm>> -> memref<1x8x32xf32, #tpu.memory_space<hbm>>
      %dma_start3A_1200 = tpu.memref_squeeze %dma_start3A_1199 : memref<1x8x32xf32, #tpu.memory_space<hbm>> -> memref<8x32xf32, #tpu.memory_space<hbm>>
      tpu.enqueue_dma source(%dma_start3A_1200 : memref<8x32xf32, #tpu.memory_space<hbm>>) target(%dma_start3A_1196 : memref<8x32xf32, #tpu.memory_space<vmem>>) target_semaphore(%arg20 : memref<!tpu.dma_semaphore, #tpu.memory_space<semaphore_mem>>)
      %slice3A_1201 = vector.extract_strided_slice %shift_right_logical3A_701 {offsets = [13], sizes = [1], strides = [1]} : vector<16xi32> to vector<1xi32>
      %squeeze3A_1202 = vector.extract %slice3A_1201[0] : i32 from vector<1xi32>
      %dma_start3A_1203 = arith.constant 29 : i32
      %dma_start3A_1204 = arith.constant 0 : i32
      %dma_start3A_1205 = arith.constant 0 : i32
      %dma_start3A_1206 = tpu.memref_slice %arg17[%dma_start3A_1203, %dma_start3A_1204, %dma_start3A_1205] : memref<32x8x32xf32, #tpu.memory_space<vmem>> -> memref<1x8x32xf32, #tpu.memory_space<vmem>>
      %dma_start3A_1207 = tpu.memref_squeeze %dma_start3A_1206 : memref<1x8x32xf32, #tpu.memory_space<vmem>> -> memref<8x32xf32, #tpu.memory_space<vmem>>
      %dma_start3A_1208 = arith.constant 0 : i32
      %dma_start3A_1209 = arith.constant 0 : i32
      %dma_start3A_1210 = tpu.memref_slice %arg7[%squeeze3A_1202, %dma_start3A_1208, %dma_start3A_1209] : memref<125000x8x32xf32, #tpu.memory_space<hbm>> -> memref<1x8x32xf32, #tpu.memory_space<hbm>>
      %dma_start3A_1211 = tpu.memref_squeeze %dma_start3A_1210 : memref<1x8x32xf32, #tpu.memory_space<hbm>> -> memref<8x32xf32, #tpu.memory_space<hbm>>
      %dma_start3A_1212 = arith.constant 0 : i32
      %dma_start3A_1213 = arith.constant 0 : i32
      %dma_start3A_1214 = tpu.memref_slice %arg17[%dma_start3A_1203, %dma_start3A_1212, %dma_start3A_1213] : memref<32x8x32xf32, #tpu.memory_space<vmem>> -> memref<1x8x32xf32, #tpu.memory_space<vmem>>
      %dma_start3A_1215 = tpu.memref_squeeze %dma_start3A_1214 : memref<1x8x32xf32, #tpu.memory_space<vmem>> -> memref<8x32xf32, #tpu.memory_space<vmem>>
      %dma_start3A_1216 = arith.constant 0 : i32
      %dma_start3A_1217 = arith.constant 0 : i32
      %dma_start3A_1218 = tpu.memref_slice %arg7[%squeeze3A_1202, %dma_start3A_1216, %dma_start3A_1217] : memref<125000x8x32xf32, #tpu.memory_space<hbm>> -> memref<1x8x32xf32, #tpu.memory_space<hbm>>
      %dma_start3A_1219 = tpu.memref_squeeze %dma_start3A_1218 : memref<1x8x32xf32, #tpu.memory_space<hbm>> -> memref<8x32xf32, #tpu.memory_space<hbm>>
      tpu.enqueue_dma source(%dma_start3A_1219 : memref<8x32xf32, #tpu.memory_space<hbm>>) target(%dma_start3A_1215 : memref<8x32xf32, #tpu.memory_space<vmem>>) target_semaphore(%arg20 : memref<!tpu.dma_semaphore, #tpu.memory_space<semaphore_mem>>)
      %slice3A_1220 = vector.extract_strided_slice %shift_right_logical3A_706 {offsets = [13], sizes = [1], strides = [1]} : vector<16xi32> to vector<1xi32>
      %squeeze3A_1221 = vector.extract %slice3A_1220[0] : i32 from vector<1xi32>
      %dma_start3A_1222 = arith.constant 29 : i32
      %dma_start3A_1223 = arith.constant 0 : i32
      %dma_start3A_1224 = arith.constant 0 : i32
      %dma_start3A_1225 = tpu.memref_slice %arg18[%dma_start3A_1222, %dma_start3A_1223, %dma_start3A_1224] : memref<32x8x32xf32, #tpu.memory_space<vmem>> -> memref<1x8x32xf32, #tpu.memory_space<vmem>>
      %dma_start3A_1226 = tpu.memref_squeeze %dma_start3A_1225 : memref<1x8x32xf32, #tpu.memory_space<vmem>> -> memref<8x32xf32, #tpu.memory_space<vmem>>
      %dma_start3A_1227 = arith.constant 0 : i32
      %dma_start3A_1228 = arith.constant 0 : i32
      %dma_start3A_1229 = tpu.memref_slice %arg8[%squeeze3A_1221, %dma_start3A_1227, %dma_start3A_1228] : memref<125000x8x32xf32, #tpu.memory_space<hbm>> -> memref<1x8x32xf32, #tpu.memory_space<hbm>>
      %dma_start3A_1230 = tpu.memref_squeeze %dma_start3A_1229 : memref<1x8x32xf32, #tpu.memory_space<hbm>> -> memref<8x32xf32, #tpu.memory_space<hbm>>
      %dma_start3A_1231 = arith.constant 0 : i32
      %dma_start3A_1232 = arith.constant 0 : i32
      %dma_start3A_1233 = tpu.memref_slice %arg18[%dma_start3A_1222, %dma_start3A_1231, %dma_start3A_1232] : memref<32x8x32xf32, #tpu.memory_space<vmem>> -> memref<1x8x32xf32, #tpu.memory_space<vmem>>
      %dma_start3A_1234 = tpu.memref_squeeze %dma_start3A_1233 : memref<1x8x32xf32, #tpu.memory_space<vmem>> -> memref<8x32xf32, #tpu.memory_space<vmem>>
      %dma_start3A_1235 = arith.constant 0 : i32
      %dma_start3A_1236 = arith.constant 0 : i32
      %dma_start3A_1237 = tpu.memref_slice %arg8[%squeeze3A_1221, %dma_start3A_1235, %dma_start3A_1236] : memref<125000x8x32xf32, #tpu.memory_space<hbm>> -> memref<1x8x32xf32, #tpu.memory_space<hbm>>
      %dma_start3A_1238 = tpu.memref_squeeze %dma_start3A_1237 : memref<1x8x32xf32, #tpu.memory_space<hbm>> -> memref<8x32xf32, #tpu.memory_space<hbm>>
      tpu.enqueue_dma source(%dma_start3A_1238 : memref<8x32xf32, #tpu.memory_space<hbm>>) target(%dma_start3A_1234 : memref<8x32xf32, #tpu.memory_space<vmem>>) target_semaphore(%arg20 : memref<!tpu.dma_semaphore, #tpu.memory_space<semaphore_mem>>)
      %slice3A_1239 = vector.extract_strided_slice %shift_right_logical3A_701 {offsets = [14], sizes = [1], strides = [1]} : vector<16xi32> to vector<1xi32>
      %squeeze3A_1240 = vector.extract %slice3A_1239[0] : i32 from vector<1xi32>
      %dma_start3A_1241 = arith.constant 30 : i32
      %dma_start3A_1242 = arith.constant 0 : i32
      %dma_start3A_1243 = arith.constant 0 : i32
      %dma_start3A_1244 = tpu.memref_slice %arg17[%dma_start3A_1241, %dma_start3A_1242, %dma_start3A_1243] : memref<32x8x32xf32, #tpu.memory_space<vmem>> -> memref<1x8x32xf32, #tpu.memory_space<vmem>>
      %dma_start3A_1245 = tpu.memref_squeeze %dma_start3A_1244 : memref<1x8x32xf32, #tpu.memory_space<vmem>> -> memref<8x32xf32, #tpu.memory_space<vmem>>
      %dma_start3A_1246 = arith.constant 0 : i32
      %dma_start3A_1247 = arith.constant 0 : i32
      %dma_start3A_1248 = tpu.memref_slice %arg7[%squeeze3A_1240, %dma_start3A_1246, %dma_start3A_1247] : memref<125000x8x32xf32, #tpu.memory_space<hbm>> -> memref<1x8x32xf32, #tpu.memory_space<hbm>>
      %dma_start3A_1249 = tpu.memref_squeeze %dma_start3A_1248 : memref<1x8x32xf32, #tpu.memory_space<hbm>> -> memref<8x32xf32, #tpu.memory_space<hbm>>
      %dma_start3A_1250 = arith.constant 0 : i32
      %dma_start3A_1251 = arith.constant 0 : i32
      %dma_start3A_1252 = tpu.memref_slice %arg17[%dma_start3A_1241, %dma_start3A_1250, %dma_start3A_1251] : memref<32x8x32xf32, #tpu.memory_space<vmem>> -> memref<1x8x32xf32, #tpu.memory_space<vmem>>
      %dma_start3A_1253 = tpu.memref_squeeze %dma_start3A_1252 : memref<1x8x32xf32, #tpu.memory_space<vmem>> -> memref<8x32xf32, #tpu.memory_space<vmem>>
      %dma_start3A_1254 = arith.constant 0 : i32
      %dma_start3A_1255 = arith.constant 0 : i32
      %dma_start3A_1256 = tpu.memref_slice %arg7[%squeeze3A_1240, %dma_start3A_1254, %dma_start3A_1255] : memref<125000x8x32xf32, #tpu.memory_space<hbm>> -> memref<1x8x32xf32, #tpu.memory_space<hbm>>
      %dma_start3A_1257 = tpu.memref_squeeze %dma_start3A_1256 : memref<1x8x32xf32, #tpu.memory_space<hbm>> -> memref<8x32xf32, #tpu.memory_space<hbm>>
      tpu.enqueue_dma source(%dma_start3A_1257 : memref<8x32xf32, #tpu.memory_space<hbm>>) target(%dma_start3A_1253 : memref<8x32xf32, #tpu.memory_space<vmem>>) target_semaphore(%arg20 : memref<!tpu.dma_semaphore, #tpu.memory_space<semaphore_mem>>)
      %slice3A_1258 = vector.extract_strided_slice %shift_right_logical3A_706 {offsets = [14], sizes = [1], strides = [1]} : vector<16xi32> to vector<1xi32>
      %squeeze3A_1259 = vector.extract %slice3A_1258[0] : i32 from vector<1xi32>
      %dma_start3A_1260 = arith.constant 30 : i32
      %dma_start3A_1261 = arith.constant 0 : i32
      %dma_start3A_1262 = arith.constant 0 : i32
      %dma_start3A_1263 = tpu.memref_slice %arg18[%dma_start3A_1260, %dma_start3A_1261, %dma_start3A_1262] : memref<32x8x32xf32, #tpu.memory_space<vmem>> -> memref<1x8x32xf32, #tpu.memory_space<vmem>>
      %dma_start3A_1264 = tpu.memref_squeeze %dma_start3A_1263 : memref<1x8x32xf32, #tpu.memory_space<vmem>> -> memref<8x32xf32, #tpu.memory_space<vmem>>
      %dma_start3A_1265 = arith.constant 0 : i32
      %dma_start3A_1266 = arith.constant 0 : i32
      %dma_start3A_1267 = tpu.memref_slice %arg8[%squeeze3A_1259, %dma_start3A_1265, %dma_start3A_1266] : memref<125000x8x32xf32, #tpu.memory_space<hbm>> -> memref<1x8x32xf32, #tpu.memory_space<hbm>>
      %dma_start3A_1268 = tpu.memref_squeeze %dma_start3A_1267 : memref<1x8x32xf32, #tpu.memory_space<hbm>> -> memref<8x32xf32, #tpu.memory_space<hbm>>
      %dma_start3A_1269 = arith.constant 0 : i32
      %dma_start3A_1270 = arith.constant 0 : i32
      %dma_start3A_1271 = tpu.memref_slice %arg18[%dma_start3A_1260, %dma_start3A_1269, %dma_start3A_1270] : memref<32x8x32xf32, #tpu.memory_space<vmem>> -> memref<1x8x32xf32, #tpu.memory_space<vmem>>
      %dma_start3A_1272 = tpu.memref_squeeze %dma_start3A_1271 : memref<1x8x32xf32, #tpu.memory_space<vmem>> -> memref<8x32xf32, #tpu.memory_space<vmem>>
      %dma_start3A_1273 = arith.constant 0 : i32
      %dma_start3A_1274 = arith.constant 0 : i32
      %dma_start3A_1275 = tpu.memref_slice %arg8[%squeeze3A_1259, %dma_start3A_1273, %dma_start3A_1274] : memref<125000x8x32xf32, #tpu.memory_space<hbm>> -> memref<1x8x32xf32, #tpu.memory_space<hbm>>
      %dma_start3A_1276 = tpu.memref_squeeze %dma_start3A_1275 : memref<1x8x32xf32, #tpu.memory_space<hbm>> -> memref<8x32xf32, #tpu.memory_space<hbm>>
      tpu.enqueue_dma source(%dma_start3A_1276 : memref<8x32xf32, #tpu.memory_space<hbm>>) target(%dma_start3A_1272 : memref<8x32xf32, #tpu.memory_space<vmem>>) target_semaphore(%arg20 : memref<!tpu.dma_semaphore, #tpu.memory_space<semaphore_mem>>)
      %slice3A_1277 = vector.extract_strided_slice %shift_right_logical3A_701 {offsets = [15], sizes = [1], strides = [1]} : vector<16xi32> to vector<1xi32>
      %squeeze3A_1278 = vector.extract %slice3A_1277[0] : i32 from vector<1xi32>
      %dma_start3A_1279 = arith.constant 31 : i32
      %dma_start3A_1280 = arith.constant 0 : i32
      %dma_start3A_1281 = arith.constant 0 : i32
      %dma_start3A_1282 = tpu.memref_slice %arg17[%dma_start3A_1279, %dma_start3A_1280, %dma_start3A_1281] : memref<32x8x32xf32, #tpu.memory_space<vmem>> -> memref<1x8x32xf32, #tpu.memory_space<vmem>>
      %dma_start3A_1283 = tpu.memref_squeeze %dma_start3A_1282 : memref<1x8x32xf32, #tpu.memory_space<vmem>> -> memref<8x32xf32, #tpu.memory_space<vmem>>
      %dma_start3A_1284 = arith.constant 0 : i32
      %dma_start3A_1285 = arith.constant 0 : i32
      %dma_start3A_1286 = tpu.memref_slice %arg7[%squeeze3A_1278, %dma_start3A_1284, %dma_start3A_1285] : memref<125000x8x32xf32, #tpu.memory_space<hbm>> -> memref<1x8x32xf32, #tpu.memory_space<hbm>>
      %dma_start3A_1287 = tpu.memref_squeeze %dma_start3A_1286 : memref<1x8x32xf32, #tpu.memory_space<hbm>> -> memref<8x32xf32, #tpu.memory_space<hbm>>
      %dma_start3A_1288 = arith.constant 0 : i32
      %dma_start3A_1289 = arith.constant 0 : i32
      %dma_start3A_1290 = tpu.memref_slice %arg17[%dma_start3A_1279, %dma_start3A_1288, %dma_start3A_1289] : memref<32x8x32xf32, #tpu.memory_space<vmem>> -> memref<1x8x32xf32, #tpu.memory_space<vmem>>
      %dma_start3A_1291 = tpu.memref_squeeze %dma_start3A_1290 : memref<1x8x32xf32, #tpu.memory_space<vmem>> -> memref<8x32xf32, #tpu.memory_space<vmem>>
      %dma_start3A_1292 = arith.constant 0 : i32
      %dma_start3A_1293 = arith.constant 0 : i32
      %dma_start3A_1294 = tpu.memref_slice %arg7[%squeeze3A_1278, %dma_start3A_1292, %dma_start3A_1293] : memref<125000x8x32xf32, #tpu.memory_space<hbm>> -> memref<1x8x32xf32, #tpu.memory_space<hbm>>
      %dma_start3A_1295 = tpu.memref_squeeze %dma_start3A_1294 : memref<1x8x32xf32, #tpu.memory_space<hbm>> -> memref<8x32xf32, #tpu.memory_space<hbm>>
      tpu.enqueue_dma source(%dma_start3A_1295 : memref<8x32xf32, #tpu.memory_space<hbm>>) target(%dma_start3A_1291 : memref<8x32xf32, #tpu.memory_space<vmem>>) target_semaphore(%arg20 : memref<!tpu.dma_semaphore, #tpu.memory_space<semaphore_mem>>)
      %slice3A_1296 = vector.extract_strided_slice %shift_right_logical3A_706 {offsets = [15], sizes = [1], strides = [1]} : vector<16xi32> to vector<1xi32>
      %squeeze3A_1297 = vector.extract %slice3A_1296[0] : i32 from vector<1xi32>
      %dma_start3A_1298 = arith.constant 31 : i32
      %dma_start3A_1299 = arith.constant 0 : i32
      %dma_start3A_1300 = arith.constant 0 : i32
      %dma_start3A_1301 = tpu.memref_slice %arg18[%dma_start3A_1298, %dma_start3A_1299, %dma_start3A_1300] : memref<32x8x32xf32, #tpu.memory_space<vmem>> -> memref<1x8x32xf32, #tpu.memory_space<vmem>>
      %dma_start3A_1302 = tpu.memref_squeeze %dma_start3A_1301 : memref<1x8x32xf32, #tpu.memory_space<vmem>> -> memref<8x32xf32, #tpu.memory_space<vmem>>
      %dma_start3A_1303 = arith.constant 0 : i32
      %dma_start3A_1304 = arith.constant 0 : i32
      %dma_start3A_1305 = tpu.memref_slice %arg8[%squeeze3A_1297, %dma_start3A_1303, %dma_start3A_1304] : memref<125000x8x32xf32, #tpu.memory_space<hbm>> -> memref<1x8x32xf32, #tpu.memory_space<hbm>>
      %dma_start3A_1306 = tpu.memref_squeeze %dma_start3A_1305 : memref<1x8x32xf32, #tpu.memory_space<hbm>> -> memref<8x32xf32, #tpu.memory_space<hbm>>
      %dma_start3A_1307 = arith.constant 0 : i32
      %dma_start3A_1308 = arith.constant 0 : i32
      %dma_start3A_1309 = tpu.memref_slice %arg18[%dma_start3A_1298, %dma_start3A_1307, %dma_start3A_1308] : memref<32x8x32xf32, #tpu.memory_space<vmem>> -> memref<1x8x32xf32, #tpu.memory_space<vmem>>
      %dma_start3A_1310 = tpu.memref_squeeze %dma_start3A_1309 : memref<1x8x32xf32, #tpu.memory_space<vmem>> -> memref<8x32xf32, #tpu.memory_space<vmem>>
      %dma_start3A_1311 = arith.constant 0 : i32
      %dma_start3A_1312 = arith.constant 0 : i32
      %dma_start3A_1313 = tpu.memref_slice %arg8[%squeeze3A_1297, %dma_start3A_1311, %dma_start3A_1312] : memref<125000x8x32xf32, #tpu.memory_space<hbm>> -> memref<1x8x32xf32, #tpu.memory_space<hbm>>
      %dma_start3A_1314 = tpu.memref_squeeze %dma_start3A_1313 : memref<1x8x32xf32, #tpu.memory_space<hbm>> -> memref<8x32xf32, #tpu.memory_space<hbm>>
      tpu.enqueue_dma source(%dma_start3A_1314 : memref<8x32xf32, #tpu.memory_space<hbm>>) target(%dma_start3A_1310 : memref<8x32xf32, #tpu.memory_space<vmem>>) target_semaphore(%arg20 : memref<!tpu.dma_semaphore, #tpu.memory_space<semaphore_mem>>)
      %add3A_1315 = arith.constant 0 : i32
      %add3A_1316 = arith.addi %mul3A_78, %add3A_1315 : i32
      %get3A_1317 = arith.index_cast %add3A_1316 : i32 to index
      %get3A_1318 = tpu.vector_load %arg13[%get3A_1317] {strides = array<i32>} : memref<512xi32, #tpu.memory_space<vmem>>, vector<16xi32>,
      %mul3A_1319 = arith.constant 1000 : i32
      %mul3A_1320 = vector.broadcast %mul3A_1319 : i32 to vector<16xi32>
      %mul3A_1321 = arith.muli %get3A_1318, %mul3A_1320 : vector<16xi32>
      %get3A_1322 = arith.index_cast %add3A_1316 : i32 to index
      %get3A_1323 = tpu.vector_load %arg14[%get3A_1322] {strides = array<i32>} : memref<512xi32, #tpu.memory_space<vmem>>, vector<16xi32>,
      %add3A_1324 = arith.addi %mul3A_1321, %get3A_1323 : vector<16xi32>
      %shift_right_logical3A_1325 = arith.constant 7 : i32
      %shift_right_logical3A_1326 = vector.broadcast %shift_right_logical3A_1325 : i32 to vector<16xi32>
      %shift_right_logical3A_1327 = arith.shrui %add3A_1324, %shift_right_logical3A_1326 : vector<16xi32>
      %dma_start3A_1328 = arith.constant 0 : i32
      %dma_start3A_1329 = arith.constant 0 : i32
      %dma_start3A_1330 = tpu.memref_slice %arg19[%dma_start3A_1328, %dma_start3A_1329] : memref<32x128xf32, #tpu.memory_space<vmem>> -> memref<16x128xf32, #tpu.memory_space<vmem>>
      %dma_start3A_1331 = arith.constant 0 : i32
      %dma_start3A_1332 = arith.constant 0 : i32
      %dma_start3A_1333 = tpu.memref_slice %arg9[%dma_start3A_1331, %dma_start3A_1332] : memref<204x128xf32, #tpu.memory_space<hbm>> -> memref<204x128xf32, #tpu.memory_space<hbm>>
      tpu.enqueue_indirect_dma source(%dma_start3A_1333 : memref<204x128xf32, #tpu.memory_space<hbm>>) target(%dma_start3A_1330 : memref<16x128xf32, #tpu.memory_space<vmem>>) offsets(%shift_right_logical3A_1327 : vector<16xi32>) semaphore(%arg21 : memref<!tpu.dma_semaphore, #tpu.memory_space<semaphore_mem>>)
      %add3A_1334 = arith.constant 16 : i32
      %add3A_1335 = arith.addi %mul3A_78, %add3A_1334 : i32
      %get3A_1336 = arith.index_cast %add3A_1335 : i32 to index
      %get3A_1337 = tpu.vector_load %arg13[%get3A_1336] {strides = array<i32>} : memref<512xi32, #tpu.memory_space<vmem>>, vector<16xi32>,
      %mul3A_1338 = arith.constant 1000 : i32
      %mul3A_1339 = vector.broadcast %mul3A_1338 : i32 to vector<16xi32>
      %mul3A_1340 = arith.muli %get3A_1337, %mul3A_1339 : vector<16xi32>
      %get3A_1341 = arith.index_cast %add3A_1335 : i32 to index
      %get3A_1342 = tpu.vector_load %arg14[%get3A_1341] {strides = array<i32>} : memref<512xi32, #tpu.memory_space<vmem>>, vector<16xi32>,
      %add3A_1343 = arith.addi %mul3A_1340, %get3A_1342 : vector<16xi32>
      %shift_right_logical3A_1344 = arith.constant 7 : i32
      %shift_right_logical3A_1345 = vector.broadcast %shift_right_logical3A_1344 : i32 to vector<16xi32>
      %shift_right_logical3A_1346 = arith.shrui %add3A_1343, %shift_right_logical3A_1345 : vector<16xi32>
      %dma_start3A_1347 = arith.constant 16 : i32
      %dma_start3A_1348 = arith.constant 0 : i32
      %dma_start3A_1349 = tpu.memref_slice %arg19[%dma_start3A_1347, %dma_start3A_1348] : memref<32x128xf32, #tpu.memory_space<vmem>> -> memref<16x128xf32, #tpu.memory_space<vmem>>
      %dma_start3A_1350 = arith.constant 0 : i32
      %dma_start3A_1351 = arith.constant 0 : i32
      %dma_start3A_1352 = tpu.memref_slice %arg9[%dma_start3A_1350, %dma_start3A_1351] : memref<204x128xf32, #tpu.memory_space<hbm>> -> memref<204x128xf32, #tpu.memory_space<hbm>>
      tpu.enqueue_indirect_dma source(%dma_start3A_1352 : memref<204x128xf32, #tpu.memory_space<hbm>>) target(%dma_start3A_1349 : memref<16x128xf32, #tpu.memory_space<vmem>>) offsets(%shift_right_logical3A_1346 : vector<16xi32>) semaphore(%arg21 : memref<!tpu.dma_semaphore, #tpu.memory_space<semaphore_mem>>)
      %dma_wait3A = arith.constant 0 : i32
      %dma_wait3A_1353 = arith.constant 0 : i32
      %dma_wait3A_1354 = arith.constant 0 : i32
      %dma_wait3A_1355 = tpu.memref_slice %arg17[%dma_wait3A, %dma_wait3A_1353, %dma_wait3A_1354] : memref<32x8x32xf32, #tpu.memory_space<vmem>> -> memref<1x8x32xf32, #tpu.memory_space<vmem>>
      %dma_wait3A_1356 = tpu.memref_squeeze %dma_wait3A_1355 : memref<1x8x32xf32, #tpu.memory_space<vmem>> -> memref<8x32xf32, #tpu.memory_space<vmem>>
      %dma_wait3A_1357 = arith.constant 0 : i32
      %dma_wait3A_1358 = arith.constant 0 : i32
      %dma_wait3A_1359 = tpu.memref_slice %arg7[%squeeze3A, %dma_wait3A_1357, %dma_wait3A_1358] : memref<125000x8x32xf32, #tpu.memory_space<hbm>> -> memref<1x8x32xf32, #tpu.memory_space<hbm>>
      %dma_wait3A_1360 = tpu.memref_squeeze %dma_wait3A_1359 : memref<1x8x32xf32, #tpu.memory_space<hbm>> -> memref<8x32xf32, #tpu.memory_space<hbm>>
      %dma_wait3A_1361 = arith.constant 0 : i32
      %dma_wait3A_1362 = arith.constant 0 : i32
      %dma_wait3A_1363 = tpu.memref_slice %arg17[%dma_wait3A, %dma_wait3A_1361, %dma_wait3A_1362] : memref<32x8x32xf32, #tpu.memory_space<vmem>> -> memref<1x8x32xf32, #tpu.memory_space<vmem>>
      %dma_wait3A_1364 = tpu.memref_squeeze %dma_wait3A_1363 : memref<1x8x32xf32, #tpu.memory_space<vmem>> -> memref<8x32xf32, #tpu.memory_space<vmem>>
      %dma_wait3A_1365 = arith.constant 0 : i32
      %dma_wait3A_1366 = arith.constant 0 : i32
      %dma_wait3A_1367 = tpu.memref_slice %arg7[%squeeze3A, %dma_wait3A_1365, %dma_wait3A_1366] : memref<125000x8x32xf32, #tpu.memory_space<hbm>> -> memref<1x8x32xf32, #tpu.memory_space<hbm>>
      %dma_wait3A_1368 = tpu.memref_squeeze %dma_wait3A_1367 : memref<1x8x32xf32, #tpu.memory_space<hbm>> -> memref<8x32xf32, #tpu.memory_space<hbm>>
      tpu.wait_dma2 semaphore(%arg20 : memref<!tpu.dma_semaphore, #tpu.memory_space<semaphore_mem>>) src(%dma_wait3A_1368 : memref<8x32xf32, #tpu.memory_space<hbm>>) dst(%dma_wait3A_1364 : memref<8x32xf32, #tpu.memory_space<vmem>>)
      %dma_wait3A_1369 = arith.constant 0 : i32
      %dma_wait3A_1370 = arith.constant 0 : i32
      %dma_wait3A_1371 = arith.constant 0 : i32
      %dma_wait3A_1372 = tpu.memref_slice %arg18[%dma_wait3A_1369, %dma_wait3A_1370, %dma_wait3A_1371] : memref<32x8x32xf32, #tpu.memory_space<vmem>> -> memref<1x8x32xf32, #tpu.memory_space<vmem>>
      %dma_wait3A_1373 = tpu.memref_squeeze %dma_wait3A_1372 : memref<1x8x32xf32, #tpu.memory_space<vmem>> -> memref<8x32xf32, #tpu.memory_space<vmem>>
      %dma_wait3A_1374 = arith.constant 0 : i32
      %dma_wait3A_1375 = arith.constant 0 : i32
      %dma_wait3A_1376 = tpu.memref_slice %arg8[%squeeze3A_107, %dma_wait3A_1374, %dma_wait3A_1375] : memref<125000x8x32xf32, #tpu.memory_space<hbm>> -> memref<1x8x32xf32, #tpu.memory_space<hbm>>
      %dma_wait3A_1377 = tpu.memref_squeeze %dma_wait3A_1376 : memref<1x8x32xf32, #tpu.memory_space<hbm>> -> memref<8x32xf32, #tpu.memory_space<hbm>>
      %dma_wait3A_1378 = arith.constant 0 : i32
      %dma_wait3A_1379 = arith.constant 0 : i32
      %dma_wait3A_1380 = tpu.memref_slice %arg18[%dma_wait3A_1369, %dma_wait3A_1378, %dma_wait3A_1379] : memref<32x8x32xf32, #tpu.memory_space<vmem>> -> memref<1x8x32xf32, #tpu.memory_space<vmem>>
      %dma_wait3A_1381 = tpu.memref_squeeze %dma_wait3A_1380 : memref<1x8x32xf32, #tpu.memory_space<vmem>> -> memref<8x32xf32, #tpu.memory_space<vmem>>
      %dma_wait3A_1382 = arith.constant 0 : i32
      %dma_wait3A_1383 = arith.constant 0 : i32
      %dma_wait3A_1384 = tpu.memref_slice %arg8[%squeeze3A_107, %dma_wait3A_1382, %dma_wait3A_1383] : memref<125000x8x32xf32, #tpu.memory_space<hbm>> -> memref<1x8x32xf32, #tpu.memory_space<hbm>>
      %dma_wait3A_1385 = tpu.memref_squeeze %dma_wait3A_1384 : memref<1x8x32xf32, #tpu.memory_space<hbm>> -> memref<8x32xf32, #tpu.memory_space<hbm>>
      tpu.wait_dma2 semaphore(%arg20 : memref<!tpu.dma_semaphore, #tpu.memory_space<semaphore_mem>>) src(%dma_wait3A_1385 : memref<8x32xf32, #tpu.memory_space<hbm>>) dst(%dma_wait3A_1381 : memref<8x32xf32, #tpu.memory_space<vmem>>)
      %dma_wait3A_1386 = arith.constant 1 : i32
      %dma_wait3A_1387 = arith.constant 0 : i32
      %dma_wait3A_1388 = arith.constant 0 : i32
      %dma_wait3A_1389 = tpu.memref_slice %arg17[%dma_wait3A_1386, %dma_wait3A_1387, %dma_wait3A_1388] : memref<32x8x32xf32, #tpu.memory_space<vmem>> -> memref<1x8x32xf32, #tpu.memory_space<vmem>>
      %dma_wait3A_1390 = tpu.memref_squeeze %dma_wait3A_1389 : memref<1x8x32xf32, #tpu.memory_space<vmem>> -> memref<8x32xf32, #tpu.memory_space<vmem>>
      %dma_wait3A_1391 = arith.constant 0 : i32
      %dma_wait3A_1392 = arith.constant 0 : i32
      %dma_wait3A_1393 = tpu.memref_slice %arg7[%squeeze3A_126, %dma_wait3A_1391, %dma_wait3A_1392] : memref<125000x8x32xf32, #tpu.memory_space<hbm>> -> memref<1x8x32xf32, #tpu.memory_space<hbm>>
      %dma_wait3A_1394 = tpu.memref_squeeze %dma_wait3A_1393 : memref<1x8x32xf32, #tpu.memory_space<hbm>> -> memref<8x32xf32, #tpu.memory_space<hbm>>
      %dma_wait3A_1395 = arith.constant 0 : i32
      %dma_wait3A_1396 = arith.constant 0 : i32
      %dma_wait3A_1397 = tpu.memref_slice %arg17[%dma_wait3A_1386, %dma_wait3A_1395, %dma_wait3A_1396] : memref<32x8x32xf32, #tpu.memory_space<vmem>> -> memref<1x8x32xf32, #tpu.memory_space<vmem>>
      %dma_wait3A_1398 = tpu.memref_squeeze %dma_wait3A_1397 : memref<1x8x32xf32, #tpu.memory_space<vmem>> -> memref<8x32xf32, #tpu.memory_space<vmem>>
      %dma_wait3A_1399 = arith.constant 0 : i32
      %dma_wait3A_1400 = arith.constant 0 : i32
      %dma_wait3A_1401 = tpu.memref_slice %arg7[%squeeze3A_126, %dma_wait3A_1399, %dma_wait3A_1400] : memref<125000x8x32xf32, #tpu.memory_space<hbm>> -> memref<1x8x32xf32, #tpu.memory_space<hbm>>
      %dma_wait3A_1402 = tpu.memref_squeeze %dma_wait3A_1401 : memref<1x8x32xf32, #tpu.memory_space<hbm>> -> memref<8x32xf32, #tpu.memory_space<hbm>>
      tpu.wait_dma2 semaphore(%arg20 : memref<!tpu.dma_semaphore, #tpu.memory_space<semaphore_mem>>) src(%dma_wait3A_1402 : memref<8x32xf32, #tpu.memory_space<hbm>>) dst(%dma_wait3A_1398 : memref<8x32xf32, #tpu.memory_space<vmem>>)
      %dma_wait3A_1403 = arith.constant 1 : i32
      %dma_wait3A_1404 = arith.constant 0 : i32
      %dma_wait3A_1405 = arith.constant 0 : i32
      %dma_wait3A_1406 = tpu.memref_slice %arg18[%dma_wait3A_1403, %dma_wait3A_1404, %dma_wait3A_1405] : memref<32x8x32xf32, #tpu.memory_space<vmem>> -> memref<1x8x32xf32, #tpu.memory_space<vmem>>
      %dma_wait3A_1407 = tpu.memref_squeeze %dma_wait3A_1406 : memref<1x8x32xf32, #tpu.memory_space<vmem>> -> memref<8x32xf32, #tpu.memory_space<vmem>>
      %dma_wait3A_1408 = arith.constant 0 : i32
      %dma_wait3A_1409 = arith.constant 0 : i32
      %dma_wait3A_1410 = tpu.memref_slice %arg8[%squeeze3A_145, %dma_wait3A_1408, %dma_wait3A_1409] : memref<125000x8x32xf32, #tpu.memory_space<hbm>> -> memref<1x8x32xf32, #tpu.memory_space<hbm>>
      %dma_wait3A_1411 = tpu.memref_squeeze %dma_wait3A_1410 : memref<1x8x32xf32, #tpu.memory_space<hbm>> -> memref<8x32xf32, #tpu.memory_space<hbm>>
      %dma_wait3A_1412 = arith.constant 0 : i32
      %dma_wait3A_1413 = arith.constant 0 : i32
      %dma_wait3A_1414 = tpu.memref_slice %arg18[%dma_wait3A_1403, %dma_wait3A_1412, %dma_wait3A_1413] : memref<32x8x32xf32, #tpu.memory_space<vmem>> -> memref<1x8x32xf32, #tpu.memory_space<vmem>>
      %dma_wait3A_1415 = tpu.memref_squeeze %dma_wait3A_1414 : memref<1x8x32xf32, #tpu.memory_space<vmem>> -> memref<8x32xf32, #tpu.memory_space<vmem>>
      %dma_wait3A_1416 = arith.constant 0 : i32
      %dma_wait3A_1417 = arith.constant 0 : i32
      %dma_wait3A_1418 = tpu.memref_slice %arg8[%squeeze3A_145, %dma_wait3A_1416, %dma_wait3A_1417] : memref<125000x8x32xf32, #tpu.memory_space<hbm>> -> memref<1x8x32xf32, #tpu.memory_space<hbm>>
      %dma_wait3A_1419 = tpu.memref_squeeze %dma_wait3A_1418 : memref<1x8x32xf32, #tpu.memory_space<hbm>> -> memref<8x32xf32, #tpu.memory_space<hbm>>
      tpu.wait_dma2 semaphore(%arg20 : memref<!tpu.dma_semaphore, #tpu.memory_space<semaphore_mem>>) src(%dma_wait3A_1419 : memref<8x32xf32, #tpu.memory_space<hbm>>) dst(%dma_wait3A_1415 : memref<8x32xf32, #tpu.memory_space<vmem>>)
      %dma_wait3A_1420 = arith.constant 2 : i32
      %dma_wait3A_1421 = arith.constant 0 : i32
      %dma_wait3A_1422 = arith.constant 0 : i32
      %dma_wait3A_1423 = tpu.memref_slice %arg17[%dma_wait3A_1420, %dma_wait3A_1421, %dma_wait3A_1422] : memref<32x8x32xf32, #tpu.memory_space<vmem>> -> memref<1x8x32xf32, #tpu.memory_space<vmem>>
      %dma_wait3A_1424 = tpu.memref_squeeze %dma_wait3A_1423 : memref<1x8x32xf32, #tpu.memory_space<vmem>> -> memref<8x32xf32, #tpu.memory_space<vmem>>
      %dma_wait3A_1425 = arith.constant 0 : i32
      %dma_wait3A_1426 = arith.constant 0 : i32
      %dma_wait3A_1427 = tpu.memref_slice %arg7[%squeeze3A_164, %dma_wait3A_1425, %dma_wait3A_1426] : memref<125000x8x32xf32, #tpu.memory_space<hbm>> -> memref<1x8x32xf32, #tpu.memory_space<hbm>>
      %dma_wait3A_1428 = tpu.memref_squeeze %dma_wait3A_1427 : memref<1x8x32xf32, #tpu.memory_space<hbm>> -> memref<8x32xf32, #tpu.memory_space<hbm>>
      %dma_wait3A_1429 = arith.constant 0 : i32
      %dma_wait3A_1430 = arith.constant 0 : i32
      %dma_wait3A_1431 = tpu.memref_slice %arg17[%dma_wait3A_1420, %dma_wait3A_1429, %dma_wait3A_1430] : memref<32x8x32xf32, #tpu.memory_space<vmem>> -> memref<1x8x32xf32, #tpu.memory_space<vmem>>
      %dma_wait3A_1432 = tpu.memref_squeeze %dma_wait3A_1431 : memref<1x8x32xf32, #tpu.memory_space<vmem>> -> memref<8x32xf32, #tpu.memory_space<vmem>>
      %dma_wait3A_1433 = arith.constant 0 : i32
      %dma_wait3A_1434 = arith.constant 0 : i32
      %dma_wait3A_1435 = tpu.memref_slice %arg7[%squeeze3A_164, %dma_wait3A_1433, %dma_wait3A_1434] : memref<125000x8x32xf32, #tpu.memory_space<hbm>> -> memref<1x8x32xf32, #tpu.memory_space<hbm>>
      %dma_wait3A_1436 = tpu.memref_squeeze %dma_wait3A_1435 : memref<1x8x32xf32, #tpu.memory_space<hbm>> -> memref<8x32xf32, #tpu.memory_space<hbm>>
      tpu.wait_dma2 semaphore(%arg20 : memref<!tpu.dma_semaphore, #tpu.memory_space<semaphore_mem>>) src(%dma_wait3A_1436 : memref<8x32xf32, #tpu.memory_space<hbm>>) dst(%dma_wait3A_1432 : memref<8x32xf32, #tpu.memory_space<vmem>>)
      %dma_wait3A_1437 = arith.constant 2 : i32
      %dma_wait3A_1438 = arith.constant 0 : i32
      %dma_wait3A_1439 = arith.constant 0 : i32
      %dma_wait3A_1440 = tpu.memref_slice %arg18[%dma_wait3A_1437, %dma_wait3A_1438, %dma_wait3A_1439] : memref<32x8x32xf32, #tpu.memory_space<vmem>> -> memref<1x8x32xf32, #tpu.memory_space<vmem>>
      %dma_wait3A_1441 = tpu.memref_squeeze %dma_wait3A_1440 : memref<1x8x32xf32, #tpu.memory_space<vmem>> -> memref<8x32xf32, #tpu.memory_space<vmem>>
      %dma_wait3A_1442 = arith.constant 0 : i32
      %dma_wait3A_1443 = arith.constant 0 : i32
      %dma_wait3A_1444 = tpu.memref_slice %arg8[%squeeze3A_183, %dma_wait3A_1442, %dma_wait3A_1443] : memref<125000x8x32xf32, #tpu.memory_space<hbm>> -> memref<1x8x32xf32, #tpu.memory_space<hbm>>
      %dma_wait3A_1445 = tpu.memref_squeeze %dma_wait3A_1444 : memref<1x8x32xf32, #tpu.memory_space<hbm>> -> memref<8x32xf32, #tpu.memory_space<hbm>>
      %dma_wait3A_1446 = arith.constant 0 : i32
      %dma_wait3A_1447 = arith.constant 0 : i32
      %dma_wait3A_1448 = tpu.memref_slice %arg18[%dma_wait3A_1437, %dma_wait3A_1446, %dma_wait3A_1447] : memref<32x8x32xf32, #tpu.memory_space<vmem>> -> memref<1x8x32xf32, #tpu.memory_space<vmem>>
      %dma_wait3A_1449 = tpu.memref_squeeze %dma_wait3A_1448 : memref<1x8x32xf32, #tpu.memory_space<vmem>> -> memref<8x32xf32, #tpu.memory_space<vmem>>
      %dma_wait3A_1450 = arith.constant 0 : i32
      %dma_wait3A_1451 = arith.constant 0 : i32
      %dma_wait3A_1452 = tpu.memref_slice %arg8[%squeeze3A_183, %dma_wait3A_1450, %dma_wait3A_1451] : memref<125000x8x32xf32, #tpu.memory_space<hbm>> -> memref<1x8x32xf32, #tpu.memory_space<hbm>>
      %dma_wait3A_1453 = tpu.memref_squeeze %dma_wait3A_1452 : memref<1x8x32xf32, #tpu.memory_space<hbm>> -> memref<8x32xf32, #tpu.memory_space<hbm>>
      tpu.wait_dma2 semaphore(%arg20 : memref<!tpu.dma_semaphore, #tpu.memory_space<semaphore_mem>>) src(%dma_wait3A_1453 : memref<8x32xf32, #tpu.memory_space<hbm>>) dst(%dma_wait3A_1449 : memref<8x32xf32, #tpu.memory_space<vmem>>)
      %dma_wait3A_1454 = arith.constant 3 : i32
      %dma_wait3A_1455 = arith.constant 0 : i32
      %dma_wait3A_1456 = arith.constant 0 : i32
      %dma_wait3A_1457 = tpu.memref_slice %arg17[%dma_wait3A_1454, %dma_wait3A_1455, %dma_wait3A_1456] : memref<32x8x32xf32, #tpu.memory_space<vmem>> -> memref<1x8x32xf32, #tpu.memory_space<vmem>>
      %dma_wait3A_1458 = tpu.memref_squeeze %dma_wait3A_1457 : memref<1x8x32xf32, #tpu.memory_space<vmem>> -> memref<8x32xf32, #tpu.memory_space<vmem>>
      %dma_wait3A_1459 = arith.constant 0 : i32
      %dma_wait3A_1460 = arith.constant 0 : i32
      %dma_wait3A_1461 = tpu.memref_slice %arg7[%squeeze3A_202, %dma_wait3A_1459, %dma_wait3A_1460] : memref<125000x8x32xf32, #tpu.memory_space<hbm>> -> memref<1x8x32xf32, #tpu.memory_space<hbm>>
      %dma_wait3A_1462 = tpu.memref_squeeze %dma_wait3A_1461 : memref<1x8x32xf32, #tpu.memory_space<hbm>> -> memref<8x32xf32, #tpu.memory_space<hbm>>
      %dma_wait3A_1463 = arith.constant 0 : i32
      %dma_wait3A_1464 = arith.constant 0 : i32
      %dma_wait3A_1465 = tpu.memref_slice %arg17[%dma_wait3A_1454, %dma_wait3A_1463, %dma_wait3A_1464] : memref<32x8x32xf32, #tpu.memory_space<vmem>> -> memref<1x8x32xf32, #tpu.memory_space<vmem>>
      %dma_wait3A_1466 = tpu.memref_squeeze %dma_wait3A_1465 : memref<1x8x32xf32, #tpu.memory_space<vmem>> -> memref<8x32xf32, #tpu.memory_space<vmem>>
      %dma_wait3A_1467 = arith.constant 0 : i32
      %dma_wait3A_1468 = arith.constant 0 : i32
      %dma_wait3A_1469 = tpu.memref_slice %arg7[%squeeze3A_202, %dma_wait3A_1467, %dma_wait3A_1468] : memref<125000x8x32xf32, #tpu.memory_space<hbm>> -> memref<1x8x32xf32, #tpu.memory_space<hbm>>
      %dma_wait3A_1470 = tpu.memref_squeeze %dma_wait3A_1469 : memref<1x8x32xf32, #tpu.memory_space<hbm>> -> memref<8x32xf32, #tpu.memory_space<hbm>>
      tpu.wait_dma2 semaphore(%arg20 : memref<!tpu.dma_semaphore, #tpu.memory_space<semaphore_mem>>) src(%dma_wait3A_1470 : memref<8x32xf32, #tpu.memory_space<hbm>>) dst(%dma_wait3A_1466 : memref<8x32xf32, #tpu.memory_space<vmem>>)
      %dma_wait3A_1471 = arith.constant 3 : i32
      %dma_wait3A_1472 = arith.constant 0 : i32
      %dma_wait3A_1473 = arith.constant 0 : i32
      %dma_wait3A_1474 = tpu.memref_slice %arg18[%dma_wait3A_1471, %dma_wait3A_1472, %dma_wait3A_1473] : memref<32x8x32xf32, #tpu.memory_space<vmem>> -> memref<1x8x32xf32, #tpu.memory_space<vmem>>
      %dma_wait3A_1475 = tpu.memref_squeeze %dma_wait3A_1474 : memref<1x8x32xf32, #tpu.memory_space<vmem>> -> memref<8x32xf32, #tpu.memory_space<vmem>>
      %dma_wait3A_1476 = arith.constant 0 : i32
      %dma_wait3A_1477 = arith.constant 0 : i32
      %dma_wait3A_1478 = tpu.memref_slice %arg8[%squeeze3A_221, %dma_wait3A_1476, %dma_wait3A_1477] : memref<125000x8x32xf32, #tpu.memory_space<hbm>> -> memref<1x8x32xf32, #tpu.memory_space<hbm>>
      %dma_wait3A_1479 = tpu.memref_squeeze %dma_wait3A_1478 : memref<1x8x32xf32, #tpu.memory_space<hbm>> -> memref<8x32xf32, #tpu.memory_space<hbm>>
      %dma_wait3A_1480 = arith.constant 0 : i32
      %dma_wait3A_1481 = arith.constant 0 : i32
      %dma_wait3A_1482 = tpu.memref_slice %arg18[%dma_wait3A_1471, %dma_wait3A_1480, %dma_wait3A_1481] : memref<32x8x32xf32, #tpu.memory_space<vmem>> -> memref<1x8x32xf32, #tpu.memory_space<vmem>>
      %dma_wait3A_1483 = tpu.memref_squeeze %dma_wait3A_1482 : memref<1x8x32xf32, #tpu.memory_space<vmem>> -> memref<8x32xf32, #tpu.memory_space<vmem>>
      %dma_wait3A_1484 = arith.constant 0 : i32
      %dma_wait3A_1485 = arith.constant 0 : i32
      %dma_wait3A_1486 = tpu.memref_slice %arg8[%squeeze3A_221, %dma_wait3A_1484, %dma_wait3A_1485] : memref<125000x8x32xf32, #tpu.memory_space<hbm>> -> memref<1x8x32xf32, #tpu.memory_space<hbm>>
      %dma_wait3A_1487 = tpu.memref_squeeze %dma_wait3A_1486 : memref<1x8x32xf32, #tpu.memory_space<hbm>> -> memref<8x32xf32, #tpu.memory_space<hbm>>
      tpu.wait_dma2 semaphore(%arg20 : memref<!tpu.dma_semaphore, #tpu.memory_space<semaphore_mem>>) src(%dma_wait3A_1487 : memref<8x32xf32, #tpu.memory_space<hbm>>) dst(%dma_wait3A_1483 : memref<8x32xf32, #tpu.memory_space<vmem>>)
      %dma_wait3A_1488 = arith.constant 4 : i32
      %dma_wait3A_1489 = arith.constant 0 : i32
      %dma_wait3A_1490 = arith.constant 0 : i32
      %dma_wait3A_1491 = tpu.memref_slice %arg17[%dma_wait3A_1488, %dma_wait3A_1489, %dma_wait3A_1490] : memref<32x8x32xf32, #tpu.memory_space<vmem>> -> memref<1x8x32xf32, #tpu.memory_space<vmem>>
      %dma_wait3A_1492 = tpu.memref_squeeze %dma_wait3A_1491 : memref<1x8x32xf32, #tpu.memory_space<vmem>> -> memref<8x32xf32, #tpu.memory_space<vmem>>
      %dma_wait3A_1493 = arith.constant 0 : i32
      %dma_wait3A_1494 = arith.constant 0 : i32
      %dma_wait3A_1495 = tpu.memref_slice %arg7[%squeeze3A_240, %dma_wait3A_1493, %dma_wait3A_1494] : memref<125000x8x32xf32, #tpu.memory_space<hbm>> -> memref<1x8x32xf32, #tpu.memory_space<hbm>>
      %dma_wait3A_1496 = tpu.memref_squeeze %dma_wait3A_1495 : memref<1x8x32xf32, #tpu.memory_space<hbm>> -> memref<8x32xf32, #tpu.memory_space<hbm>>
      %dma_wait3A_1497 = arith.constant 0 : i32
      %dma_wait3A_1498 = arith.constant 0 : i32
      %dma_wait3A_1499 = tpu.memref_slice %arg17[%dma_wait3A_1488, %dma_wait3A_1497, %dma_wait3A_1498] : memref<32x8x32xf32, #tpu.memory_space<vmem>> -> memref<1x8x32xf32, #tpu.memory_space<vmem>>
      %dma_wait3A_1500 = tpu.memref_squeeze %dma_wait3A_1499 : memref<1x8x32xf32, #tpu.memory_space<vmem>> -> memref<8x32xf32, #tpu.memory_space<vmem>>
      %dma_wait3A_1501 = arith.constant 0 : i32
      %dma_wait3A_1502 = arith.constant 0 : i32
      %dma_wait3A_1503 = tpu.memref_slice %arg7[%squeeze3A_240, %dma_wait3A_1501, %dma_wait3A_1502] : memref<125000x8x32xf32, #tpu.memory_space<hbm>> -> memref<1x8x32xf32, #tpu.memory_space<hbm>>
      %dma_wait3A_1504 = tpu.memref_squeeze %dma_wait3A_1503 : memref<1x8x32xf32, #tpu.memory_space<hbm>> -> memref<8x32xf32, #tpu.memory_space<hbm>>
      tpu.wait_dma2 semaphore(%arg20 : memref<!tpu.dma_semaphore, #tpu.memory_space<semaphore_mem>>) src(%dma_wait3A_1504 : memref<8x32xf32, #tpu.memory_space<hbm>>) dst(%dma_wait3A_1500 : memref<8x32xf32, #tpu.memory_space<vmem>>)
      %dma_wait3A_1505 = arith.constant 4 : i32
      %dma_wait3A_1506 = arith.constant 0 : i32
      %dma_wait3A_1507 = arith.constant 0 : i32
      %dma_wait3A_1508 = tpu.memref_slice %arg18[%dma_wait3A_1505, %dma_wait3A_1506, %dma_wait3A_1507] : memref<32x8x32xf32, #tpu.memory_space<vmem>> -> memref<1x8x32xf32, #tpu.memory_space<vmem>>
      %dma_wait3A_1509 = tpu.memref_squeeze %dma_wait3A_1508 : memref<1x8x32xf32, #tpu.memory_space<vmem>> -> memref<8x32xf32, #tpu.memory_space<vmem>>
      %dma_wait3A_1510 = arith.constant 0 : i32
      %dma_wait3A_1511 = arith.constant 0 : i32
      %dma_wait3A_1512 = tpu.memref_slice %arg8[%squeeze3A_259, %dma_wait3A_1510, %dma_wait3A_1511] : memref<125000x8x32xf32, #tpu.memory_space<hbm>> -> memref<1x8x32xf32, #tpu.memory_space<hbm>>
      %dma_wait3A_1513 = tpu.memref_squeeze %dma_wait3A_1512 : memref<1x8x32xf32, #tpu.memory_space<hbm>> -> memref<8x32xf32, #tpu.memory_space<hbm>>
      %dma_wait3A_1514 = arith.constant 0 : i32
      %dma_wait3A_1515 = arith.constant 0 : i32
      %dma_wait3A_1516 = tpu.memref_slice %arg18[%dma_wait3A_1505, %dma_wait3A_1514, %dma_wait3A_1515] : memref<32x8x32xf32, #tpu.memory_space<vmem>> -> memref<1x8x32xf32, #tpu.memory_space<vmem>>
      %dma_wait3A_1517 = tpu.memref_squeeze %dma_wait3A_1516 : memref<1x8x32xf32, #tpu.memory_space<vmem>> -> memref<8x32xf32, #tpu.memory_space<vmem>>
      %dma_wait3A_1518 = arith.constant 0 : i32
      %dma_wait3A_1519 = arith.constant 0 : i32
      %dma_wait3A_1520 = tpu.memref_slice %arg8[%squeeze3A_259, %dma_wait3A_1518, %dma_wait3A_1519] : memref<125000x8x32xf32, #tpu.memory_space<hbm>> -> memref<1x8x32xf32, #tpu.memory_space<hbm>>
      %dma_wait3A_1521 = tpu.memref_squeeze %dma_wait3A_1520 : memref<1x8x32xf32, #tpu.memory_space<hbm>> -> memref<8x32xf32, #tpu.memory_space<hbm>>
      tpu.wait_dma2 semaphore(%arg20 : memref<!tpu.dma_semaphore, #tpu.memory_space<semaphore_mem>>) src(%dma_wait3A_1521 : memref<8x32xf32, #tpu.memory_space<hbm>>) dst(%dma_wait3A_1517 : memref<8x32xf32, #tpu.memory_space<vmem>>)
      %dma_wait3A_1522 = arith.constant 5 : i32
      %dma_wait3A_1523 = arith.constant 0 : i32
      %dma_wait3A_1524 = arith.constant 0 : i32
      %dma_wait3A_1525 = tpu.memref_slice %arg17[%dma_wait3A_1522, %dma_wait3A_1523, %dma_wait3A_1524] : memref<32x8x32xf32, #tpu.memory_space<vmem>> -> memref<1x8x32xf32, #tpu.memory_space<vmem>>
      %dma_wait3A_1526 = tpu.memref_squeeze %dma_wait3A_1525 : memref<1x8x32xf32, #tpu.memory_space<vmem>> -> memref<8x32xf32, #tpu.memory_space<vmem>>
      %dma_wait3A_1527 = arith.constant 0 : i32
      %dma_wait3A_1528 = arith.constant 0 : i32
      %dma_wait3A_1529 = tpu.memref_slice %arg7[%squeeze3A_278, %dma_wait3A_1527, %dma_wait3A_1528] : memref<125000x8x32xf32, #tpu.memory_space<hbm>> -> memref<1x8x32xf32, #tpu.memory_space<hbm>>
      %dma_wait3A_1530 = tpu.memref_squeeze %dma_wait3A_1529 : memref<1x8x32xf32, #tpu.memory_space<hbm>> -> memref<8x32xf32, #tpu.memory_space<hbm>>
      %dma_wait3A_1531 = arith.constant 0 : i32
      %dma_wait3A_1532 = arith.constant 0 : i32
      %dma_wait3A_1533 = tpu.memref_slice %arg17[%dma_wait3A_1522, %dma_wait3A_1531, %dma_wait3A_1532] : memref<32x8x32xf32, #tpu.memory_space<vmem>> -> memref<1x8x32xf32, #tpu.memory_space<vmem>>
      %dma_wait3A_1534 = tpu.memref_squeeze %dma_wait3A_1533 : memref<1x8x32xf32, #tpu.memory_space<vmem>> -> memref<8x32xf32, #tpu.memory_space<vmem>>
      %dma_wait3A_1535 = arith.constant 0 : i32
      %dma_wait3A_1536 = arith.constant 0 : i32
      %dma_wait3A_1537 = tpu.memref_slice %arg7[%squeeze3A_278, %dma_wait3A_1535, %dma_wait3A_1536] : memref<125000x8x32xf32, #tpu.memory_space<hbm>> -> memref<1x8x32xf32, #tpu.memory_space<hbm>>
      %dma_wait3A_1538 = tpu.memref_squeeze %dma_wait3A_1537 : memref<1x8x32xf32, #tpu.memory_space<hbm>> -> memref<8x32xf32, #tpu.memory_space<hbm>>
      tpu.wait_dma2 semaphore(%arg20 : memref<!tpu.dma_semaphore, #tpu.memory_space<semaphore_mem>>) src(%dma_wait3A_1538 : memref<8x32xf32, #tpu.memory_space<hbm>>) dst(%dma_wait3A_1534 : memref<8x32xf32, #tpu.memory_space<vmem>>)
      %dma_wait3A_1539 = arith.constant 5 : i32
      %dma_wait3A_1540 = arith.constant 0 : i32
      %dma_wait3A_1541 = arith.constant 0 : i32
      %dma_wait3A_1542 = tpu.memref_slice %arg18[%dma_wait3A_1539, %dma_wait3A_1540, %dma_wait3A_1541] : memref<32x8x32xf32, #tpu.memory_space<vmem>> -> memref<1x8x32xf32, #tpu.memory_space<vmem>>
      %dma_wait3A_1543 = tpu.memref_squeeze %dma_wait3A_1542 : memref<1x8x32xf32, #tpu.memory_space<vmem>> -> memref<8x32xf32, #tpu.memory_space<vmem>>
      %dma_wait3A_1544 = arith.constant 0 : i32
      %dma_wait3A_1545 = arith.constant 0 : i32
      %dma_wait3A_1546 = tpu.memref_slice %arg8[%squeeze3A_297, %dma_wait3A_1544, %dma_wait3A_1545] : memref<125000x8x32xf32, #tpu.memory_space<hbm>> -> memref<1x8x32xf32, #tpu.memory_space<hbm>>
      %dma_wait3A_1547 = tpu.memref_squeeze %dma_wait3A_1546 : memref<1x8x32xf32, #tpu.memory_space<hbm>> -> memref<8x32xf32, #tpu.memory_space<hbm>>
      %dma_wait3A_1548 = arith.constant 0 : i32
      %dma_wait3A_1549 = arith.constant 0 : i32
      %dma_wait3A_1550 = tpu.memref_slice %arg18[%dma_wait3A_1539, %dma_wait3A_1548, %dma_wait3A_1549] : memref<32x8x32xf32, #tpu.memory_space<vmem>> -> memref<1x8x32xf32, #tpu.memory_space<vmem>>
      %dma_wait3A_1551 = tpu.memref_squeeze %dma_wait3A_1550 : memref<1x8x32xf32, #tpu.memory_space<vmem>> -> memref<8x32xf32, #tpu.memory_space<vmem>>
      %dma_wait3A_1552 = arith.constant 0 : i32
      %dma_wait3A_1553 = arith.constant 0 : i32
      %dma_wait3A_1554 = tpu.memref_slice %arg8[%squeeze3A_297, %dma_wait3A_1552, %dma_wait3A_1553] : memref<125000x8x32xf32, #tpu.memory_space<hbm>> -> memref<1x8x32xf32, #tpu.memory_space<hbm>>
      %dma_wait3A_1555 = tpu.memref_squeeze %dma_wait3A_1554 : memref<1x8x32xf32, #tpu.memory_space<hbm>> -> memref<8x32xf32, #tpu.memory_space<hbm>>
      tpu.wait_dma2 semaphore(%arg20 : memref<!tpu.dma_semaphore, #tpu.memory_space<semaphore_mem>>) src(%dma_wait3A_1555 : memref<8x32xf32, #tpu.memory_space<hbm>>) dst(%dma_wait3A_1551 : memref<8x32xf32, #tpu.memory_space<vmem>>)
      %dma_wait3A_1556 = arith.constant 6 : i32
      %dma_wait3A_1557 = arith.constant 0 : i32
      %dma_wait3A_1558 = arith.constant 0 : i32
      %dma_wait3A_1559 = tpu.memref_slice %arg17[%dma_wait3A_1556, %dma_wait3A_1557, %dma_wait3A_1558] : memref<32x8x32xf32, #tpu.memory_space<vmem>> -> memref<1x8x32xf32, #tpu.memory_space<vmem>>
      %dma_wait3A_1560 = tpu.memref_squeeze %dma_wait3A_1559 : memref<1x8x32xf32, #tpu.memory_space<vmem>> -> memref<8x32xf32, #tpu.memory_space<vmem>>
      %dma_wait3A_1561 = arith.constant 0 : i32
      %dma_wait3A_1562 = arith.constant 0 : i32
      %dma_wait3A_1563 = tpu.memref_slice %arg7[%squeeze3A_316, %dma_wait3A_1561, %dma_wait3A_1562] : memref<125000x8x32xf32, #tpu.memory_space<hbm>> -> memref<1x8x32xf32, #tpu.memory_space<hbm>>
      %dma_wait3A_1564 = tpu.memref_squeeze %dma_wait3A_1563 : memref<1x8x32xf32, #tpu.memory_space<hbm>> -> memref<8x32xf32, #tpu.memory_space<hbm>>
      %dma_wait3A_1565 = arith.constant 0 : i32
      %dma_wait3A_1566 = arith.constant 0 : i32
      %dma_wait3A_1567 = tpu.memref_slice %arg17[%dma_wait3A_1556, %dma_wait3A_1565, %dma_wait3A_1566] : memref<32x8x32xf32, #tpu.memory_space<vmem>> -> memref<1x8x32xf32, #tpu.memory_space<vmem>>
      %dma_wait3A_1568 = tpu.memref_squeeze %dma_wait3A_1567 : memref<1x8x32xf32, #tpu.memory_space<vmem>> -> memref<8x32xf32, #tpu.memory_space<vmem>>
      %dma_wait3A_1569 = arith.constant 0 : i32
      %dma_wait3A_1570 = arith.constant 0 : i32
      %dma_wait3A_1571 = tpu.memref_slice %arg7[%squeeze3A_316, %dma_wait3A_1569, %dma_wait3A_1570] : memref<125000x8x32xf32, #tpu.memory_space<hbm>> -> memref<1x8x32xf32, #tpu.memory_space<hbm>>
      %dma_wait3A_1572 = tpu.memref_squeeze %dma_wait3A_1571 : memref<1x8x32xf32, #tpu.memory_space<hbm>> -> memref<8x32xf32, #tpu.memory_space<hbm>>
      tpu.wait_dma2 semaphore(%arg20 : memref<!tpu.dma_semaphore, #tpu.memory_space<semaphore_mem>>) src(%dma_wait3A_1572 : memref<8x32xf32, #tpu.memory_space<hbm>>) dst(%dma_wait3A_1568 : memref<8x32xf32, #tpu.memory_space<vmem>>)
      %dma_wait3A_1573 = arith.constant 6 : i32
      %dma_wait3A_1574 = arith.constant 0 : i32
      %dma_wait3A_1575 = arith.constant 0 : i32
      %dma_wait3A_1576 = tpu.memref_slice %arg18[%dma_wait3A_1573, %dma_wait3A_1574, %dma_wait3A_1575] : memref<32x8x32xf32, #tpu.memory_space<vmem>> -> memref<1x8x32xf32, #tpu.memory_space<vmem>>
      %dma_wait3A_1577 = tpu.memref_squeeze %dma_wait3A_1576 : memref<1x8x32xf32, #tpu.memory_space<vmem>> -> memref<8x32xf32, #tpu.memory_space<vmem>>
      %dma_wait3A_1578 = arith.constant 0 : i32
      %dma_wait3A_1579 = arith.constant 0 : i32
      %dma_wait3A_1580 = tpu.memref_slice %arg8[%squeeze3A_335, %dma_wait3A_1578, %dma_wait3A_1579] : memref<125000x8x32xf32, #tpu.memory_space<hbm>> -> memref<1x8x32xf32, #tpu.memory_space<hbm>>
      %dma_wait3A_1581 = tpu.memref_squeeze %dma_wait3A_1580 : memref<1x8x32xf32, #tpu.memory_space<hbm>> -> memref<8x32xf32, #tpu.memory_space<hbm>>
      %dma_wait3A_1582 = arith.constant 0 : i32
      %dma_wait3A_1583 = arith.constant 0 : i32
      %dma_wait3A_1584 = tpu.memref_slice %arg18[%dma_wait3A_1573, %dma_wait3A_1582, %dma_wait3A_1583] : memref<32x8x32xf32, #tpu.memory_space<vmem>> -> memref<1x8x32xf32, #tpu.memory_space<vmem>>
      %dma_wait3A_1585 = tpu.memref_squeeze %dma_wait3A_1584 : memref<1x8x32xf32, #tpu.memory_space<vmem>> -> memref<8x32xf32, #tpu.memory_space<vmem>>
      %dma_wait3A_1586 = arith.constant 0 : i32
      %dma_wait3A_1587 = arith.constant 0 : i32
      %dma_wait3A_1588 = tpu.memref_slice %arg8[%squeeze3A_335, %dma_wait3A_1586, %dma_wait3A_1587] : memref<125000x8x32xf32, #tpu.memory_space<hbm>> -> memref<1x8x32xf32, #tpu.memory_space<hbm>>
      %dma_wait3A_1589 = tpu.memref_squeeze %dma_wait3A_1588 : memref<1x8x32xf32, #tpu.memory_space<hbm>> -> memref<8x32xf32, #tpu.memory_space<hbm>>
      tpu.wait_dma2 semaphore(%arg20 : memref<!tpu.dma_semaphore, #tpu.memory_space<semaphore_mem>>) src(%dma_wait3A_1589 : memref<8x32xf32, #tpu.memory_space<hbm>>) dst(%dma_wait3A_1585 : memref<8x32xf32, #tpu.memory_space<vmem>>)
      %dma_wait3A_1590 = arith.constant 7 : i32
      %dma_wait3A_1591 = arith.constant 0 : i32
      %dma_wait3A_1592 = arith.constant 0 : i32
      %dma_wait3A_1593 = tpu.memref_slice %arg17[%dma_wait3A_1590, %dma_wait3A_1591, %dma_wait3A_1592] : memref<32x8x32xf32, #tpu.memory_space<vmem>> -> memref<1x8x32xf32, #tpu.memory_space<vmem>>
      %dma_wait3A_1594 = tpu.memref_squeeze %dma_wait3A_1593 : memref<1x8x32xf32, #tpu.memory_space<vmem>> -> memref<8x32xf32, #tpu.memory_space<vmem>>
      %dma_wait3A_1595 = arith.constant 0 : i32
      %dma_wait3A_1596 = arith.constant 0 : i32
      %dma_wait3A_1597 = tpu.memref_slice %arg7[%squeeze3A_354, %dma_wait3A_1595, %dma_wait3A_1596] : memref<125000x8x32xf32, #tpu.memory_space<hbm>> -> memref<1x8x32xf32, #tpu.memory_space<hbm>>
      %dma_wait3A_1598 = tpu.memref_squeeze %dma_wait3A_1597 : memref<1x8x32xf32, #tpu.memory_space<hbm>> -> memref<8x32xf32, #tpu.memory_space<hbm>>
      %dma_wait3A_1599 = arith.constant 0 : i32
      %dma_wait3A_1600 = arith.constant 0 : i32
      %dma_wait3A_1601 = tpu.memref_slice %arg17[%dma_wait3A_1590, %dma_wait3A_1599, %dma_wait3A_1600] : memref<32x8x32xf32, #tpu.memory_space<vmem>> -> memref<1x8x32xf32, #tpu.memory_space<vmem>>
      %dma_wait3A_1602 = tpu.memref_squeeze %dma_wait3A_1601 : memref<1x8x32xf32, #tpu.memory_space<vmem>> -> memref<8x32xf32, #tpu.memory_space<vmem>>
      %dma_wait3A_1603 = arith.constant 0 : i32
      %dma_wait3A_1604 = arith.constant 0 : i32
      %dma_wait3A_1605 = tpu.memref_slice %arg7[%squeeze3A_354, %dma_wait3A_1603, %dma_wait3A_1604] : memref<125000x8x32xf32, #tpu.memory_space<hbm>> -> memref<1x8x32xf32, #tpu.memory_space<hbm>>
      %dma_wait3A_1606 = tpu.memref_squeeze %dma_wait3A_1605 : memref<1x8x32xf32, #tpu.memory_space<hbm>> -> memref<8x32xf32, #tpu.memory_space<hbm>>
      tpu.wait_dma2 semaphore(%arg20 : memref<!tpu.dma_semaphore, #tpu.memory_space<semaphore_mem>>) src(%dma_wait3A_1606 : memref<8x32xf32, #tpu.memory_space<hbm>>) dst(%dma_wait3A_1602 : memref<8x32xf32, #tpu.memory_space<vmem>>)
      %dma_wait3A_1607 = arith.constant 7 : i32
      %dma_wait3A_1608 = arith.constant 0 : i32
      %dma_wait3A_1609 = arith.constant 0 : i32
      %dma_wait3A_1610 = tpu.memref_slice %arg18[%dma_wait3A_1607, %dma_wait3A_1608, %dma_wait3A_1609] : memref<32x8x32xf32, #tpu.memory_space<vmem>> -> memref<1x8x32xf32, #tpu.memory_space<vmem>>
      %dma_wait3A_1611 = tpu.memref_squeeze %dma_wait3A_1610 : memref<1x8x32xf32, #tpu.memory_space<vmem>> -> memref<8x32xf32, #tpu.memory_space<vmem>>
      %dma_wait3A_1612 = arith.constant 0 : i32
      %dma_wait3A_1613 = arith.constant 0 : i32
      %dma_wait3A_1614 = tpu.memref_slice %arg8[%squeeze3A_373, %dma_wait3A_1612, %dma_wait3A_1613] : memref<125000x8x32xf32, #tpu.memory_space<hbm>> -> memref<1x8x32xf32, #tpu.memory_space<hbm>>
      %dma_wait3A_1615 = tpu.memref_squeeze %dma_wait3A_1614 : memref<1x8x32xf32, #tpu.memory_space<hbm>> -> memref<8x32xf32, #tpu.memory_space<hbm>>
      %dma_wait3A_1616 = arith.constant 0 : i32
      %dma_wait3A_1617 = arith.constant 0 : i32
      %dma_wait3A_1618 = tpu.memref_slice %arg18[%dma_wait3A_1607, %dma_wait3A_1616, %dma_wait3A_1617] : memref<32x8x32xf32, #tpu.memory_space<vmem>> -> memref<1x8x32xf32, #tpu.memory_space<vmem>>
      %dma_wait3A_1619 = tpu.memref_squeeze %dma_wait3A_1618 : memref<1x8x32xf32, #tpu.memory_space<vmem>> -> memref<8x32xf32, #tpu.memory_space<vmem>>
      %dma_wait3A_1620 = arith.constant 0 : i32
      %dma_wait3A_1621 = arith.constant 0 : i32
      %dma_wait3A_1622 = tpu.memref_slice %arg8[%squeeze3A_373, %dma_wait3A_1620, %dma_wait3A_1621] : memref<125000x8x32xf32, #tpu.memory_space<hbm>> -> memref<1x8x32xf32, #tpu.memory_space<hbm>>
      %dma_wait3A_1623 = tpu.memref_squeeze %dma_wait3A_1622 : memref<1x8x32xf32, #tpu.memory_space<hbm>> -> memref<8x32xf32, #tpu.memory_space<hbm>>
      tpu.wait_dma2 semaphore(%arg20 : memref<!tpu.dma_semaphore, #tpu.memory_space<semaphore_mem>>) src(%dma_wait3A_1623 : memref<8x32xf32, #tpu.memory_space<hbm>>) dst(%dma_wait3A_1619 : memref<8x32xf32, #tpu.memory_space<vmem>>)
      %dma_wait3A_1624 = arith.constant 8 : i32
      %dma_wait3A_1625 = arith.constant 0 : i32
      %dma_wait3A_1626 = arith.constant 0 : i32
      %dma_wait3A_1627 = tpu.memref_slice %arg17[%dma_wait3A_1624, %dma_wait3A_1625, %dma_wait3A_1626] : memref<32x8x32xf32, #tpu.memory_space<vmem>> -> memref<1x8x32xf32, #tpu.memory_space<vmem>>
      %dma_wait3A_1628 = tpu.memref_squeeze %dma_wait3A_1627 : memref<1x8x32xf32, #tpu.memory_space<vmem>> -> memref<8x32xf32, #tpu.memory_space<vmem>>
      %dma_wait3A_1629 = arith.constant 0 : i32
      %dma_wait3A_1630 = arith.constant 0 : i32
      %dma_wait3A_1631 = tpu.memref_slice %arg7[%squeeze3A_392, %dma_wait3A_1629, %dma_wait3A_1630] : memref<125000x8x32xf32, #tpu.memory_space<hbm>> -> memref<1x8x32xf32, #tpu.memory_space<hbm>>
      %dma_wait3A_1632 = tpu.memref_squeeze %dma_wait3A_1631 : memref<1x8x32xf32, #tpu.memory_space<hbm>> -> memref<8x32xf32, #tpu.memory_space<hbm>>
      %dma_wait3A_1633 = arith.constant 0 : i32
      %dma_wait3A_1634 = arith.constant 0 : i32
      %dma_wait3A_1635 = tpu.memref_slice %arg17[%dma_wait3A_1624, %dma_wait3A_1633, %dma_wait3A_1634] : memref<32x8x32xf32, #tpu.memory_space<vmem>> -> memref<1x8x32xf32, #tpu.memory_space<vmem>>
      %dma_wait3A_1636 = tpu.memref_squeeze %dma_wait3A_1635 : memref<1x8x32xf32, #tpu.memory_space<vmem>> -> memref<8x32xf32, #tpu.memory_space<vmem>>
      %dma_wait3A_1637 = arith.constant 0 : i32
      %dma_wait3A_1638 = arith.constant 0 : i32
      %dma_wait3A_1639 = tpu.memref_slice %arg7[%squeeze3A_392, %dma_wait3A_1637, %dma_wait3A_1638] : memref<125000x8x32xf32, #tpu.memory_space<hbm>> -> memref<1x8x32xf32, #tpu.memory_space<hbm>>
      %dma_wait3A_1640 = tpu.memref_squeeze %dma_wait3A_1639 : memref<1x8x32xf32, #tpu.memory_space<hbm>> -> memref<8x32xf32, #tpu.memory_space<hbm>>
      tpu.wait_dma2 semaphore(%arg20 : memref<!tpu.dma_semaphore, #tpu.memory_space<semaphore_mem>>) src(%dma_wait3A_1640 : memref<8x32xf32, #tpu.memory_space<hbm>>) dst(%dma_wait3A_1636 : memref<8x32xf32, #tpu.memory_space<vmem>>)
      %dma_wait3A_1641 = arith.constant 8 : i32
      %dma_wait3A_1642 = arith.constant 0 : i32
      %dma_wait3A_1643 = arith.constant 0 : i32
      %dma_wait3A_1644 = tpu.memref_slice %arg18[%dma_wait3A_1641, %dma_wait3A_1642, %dma_wait3A_1643] : memref<32x8x32xf32, #tpu.memory_space<vmem>> -> memref<1x8x32xf32, #tpu.memory_space<vmem>>
      %dma_wait3A_1645 = tpu.memref_squeeze %dma_wait3A_1644 : memref<1x8x32xf32, #tpu.memory_space<vmem>> -> memref<8x32xf32, #tpu.memory_space<vmem>>
      %dma_wait3A_1646 = arith.constant 0 : i32
      %dma_wait3A_1647 = arith.constant 0 : i32
      %dma_wait3A_1648 = tpu.memref_slice %arg8[%squeeze3A_411, %dma_wait3A_1646, %dma_wait3A_1647] : memref<125000x8x32xf32, #tpu.memory_space<hbm>> -> memref<1x8x32xf32, #tpu.memory_space<hbm>>
      %dma_wait3A_1649 = tpu.memref_squeeze %dma_wait3A_1648 : memref<1x8x32xf32, #tpu.memory_space<hbm>> -> memref<8x32xf32, #tpu.memory_space<hbm>>
      %dma_wait3A_1650 = arith.constant 0 : i32
      %dma_wait3A_1651 = arith.constant 0 : i32
      %dma_wait3A_1652 = tpu.memref_slice %arg18[%dma_wait3A_1641, %dma_wait3A_1650, %dma_wait3A_1651] : memref<32x8x32xf32, #tpu.memory_space<vmem>> -> memref<1x8x32xf32, #tpu.memory_space<vmem>>
      %dma_wait3A_1653 = tpu.memref_squeeze %dma_wait3A_1652 : memref<1x8x32xf32, #tpu.memory_space<vmem>> -> memref<8x32xf32, #tpu.memory_space<vmem>>
      %dma_wait3A_1654 = arith.constant 0 : i32
      %dma_wait3A_1655 = arith.constant 0 : i32
      %dma_wait3A_1656 = tpu.memref_slice %arg8[%squeeze3A_411, %dma_wait3A_1654, %dma_wait3A_1655] : memref<125000x8x32xf32, #tpu.memory_space<hbm>> -> memref<1x8x32xf32, #tpu.memory_space<hbm>>
      %dma_wait3A_1657 = tpu.memref_squeeze %dma_wait3A_1656 : memref<1x8x32xf32, #tpu.memory_space<hbm>> -> memref<8x32xf32, #tpu.memory_space<hbm>>
      tpu.wait_dma2 semaphore(%arg20 : memref<!tpu.dma_semaphore, #tpu.memory_space<semaphore_mem>>) src(%dma_wait3A_1657 : memref<8x32xf32, #tpu.memory_space<hbm>>) dst(%dma_wait3A_1653 : memref<8x32xf32, #tpu.memory_space<vmem>>)
      %dma_wait3A_1658 = arith.constant 9 : i32
      %dma_wait3A_1659 = arith.constant 0 : i32
      %dma_wait3A_1660 = arith.constant 0 : i32
      %dma_wait3A_1661 = tpu.memref_slice %arg17[%dma_wait3A_1658, %dma_wait3A_1659, %dma_wait3A_1660] : memref<32x8x32xf32, #tpu.memory_space<vmem>> -> memref<1x8x32xf32, #tpu.memory_space<vmem>>
      %dma_wait3A_1662 = tpu.memref_squeeze %dma_wait3A_1661 : memref<1x8x32xf32, #tpu.memory_space<vmem>> -> memref<8x32xf32, #tpu.memory_space<vmem>>
      %dma_wait3A_1663 = arith.constant 0 : i32
      %dma_wait3A_1664 = arith.constant 0 : i32
      %dma_wait3A_1665 = tpu.memref_slice %arg7[%squeeze3A_430, %dma_wait3A_1663, %dma_wait3A_1664] : memref<125000x8x32xf32, #tpu.memory_space<hbm>> -> memref<1x8x32xf32, #tpu.memory_space<hbm>>
      %dma_wait3A_1666 = tpu.memref_squeeze %dma_wait3A_1665 : memref<1x8x32xf32, #tpu.memory_space<hbm>> -> memref<8x32xf32, #tpu.memory_space<hbm>>
      %dma_wait3A_1667 = arith.constant 0 : i32
      %dma_wait3A_1668 = arith.constant 0 : i32
      %dma_wait3A_1669 = tpu.memref_slice %arg17[%dma_wait3A_1658, %dma_wait3A_1667, %dma_wait3A_1668] : memref<32x8x32xf32, #tpu.memory_space<vmem>> -> memref<1x8x32xf32, #tpu.memory_space<vmem>>
      %dma_wait3A_1670 = tpu.memref_squeeze %dma_wait3A_1669 : memref<1x8x32xf32, #tpu.memory_space<vmem>> -> memref<8x32xf32, #tpu.memory_space<vmem>>
      %dma_wait3A_1671 = arith.constant 0 : i32
      %dma_wait3A_1672 = arith.constant 0 : i32
      %dma_wait3A_1673 = tpu.memref_slice %arg7[%squeeze3A_430, %dma_wait3A_1671, %dma_wait3A_1672] : memref<125000x8x32xf32, #tpu.memory_space<hbm>> -> memref<1x8x32xf32, #tpu.memory_space<hbm>>
      %dma_wait3A_1674 = tpu.memref_squeeze %dma_wait3A_1673 : memref<1x8x32xf32, #tpu.memory_space<hbm>> -> memref<8x32xf32, #tpu.memory_space<hbm>>
      tpu.wait_dma2 semaphore(%arg20 : memref<!tpu.dma_semaphore, #tpu.memory_space<semaphore_mem>>) src(%dma_wait3A_1674 : memref<8x32xf32, #tpu.memory_space<hbm>>) dst(%dma_wait3A_1670 : memref<8x32xf32, #tpu.memory_space<vmem>>)
      %dma_wait3A_1675 = arith.constant 9 : i32
      %dma_wait3A_1676 = arith.constant 0 : i32
      %dma_wait3A_1677 = arith.constant 0 : i32
      %dma_wait3A_1678 = tpu.memref_slice %arg18[%dma_wait3A_1675, %dma_wait3A_1676, %dma_wait3A_1677] : memref<32x8x32xf32, #tpu.memory_space<vmem>> -> memref<1x8x32xf32, #tpu.memory_space<vmem>>
      %dma_wait3A_1679 = tpu.memref_squeeze %dma_wait3A_1678 : memref<1x8x32xf32, #tpu.memory_space<vmem>> -> memref<8x32xf32, #tpu.memory_space<vmem>>
      %dma_wait3A_1680 = arith.constant 0 : i32
      %dma_wait3A_1681 = arith.constant 0 : i32
      %dma_wait3A_1682 = tpu.memref_slice %arg8[%squeeze3A_449, %dma_wait3A_1680, %dma_wait3A_1681] : memref<125000x8x32xf32, #tpu.memory_space<hbm>> -> memref<1x8x32xf32, #tpu.memory_space<hbm>>
      %dma_wait3A_1683 = tpu.memref_squeeze %dma_wait3A_1682 : memref<1x8x32xf32, #tpu.memory_space<hbm>> -> memref<8x32xf32, #tpu.memory_space<hbm>>
      %dma_wait3A_1684 = arith.constant 0 : i32
      %dma_wait3A_1685 = arith.constant 0 : i32
      %dma_wait3A_1686 = tpu.memref_slice %arg18[%dma_wait3A_1675, %dma_wait3A_1684, %dma_wait3A_1685] : memref<32x8x32xf32, #tpu.memory_space<vmem>> -> memref<1x8x32xf32, #tpu.memory_space<vmem>>
      %dma_wait3A_1687 = tpu.memref_squeeze %dma_wait3A_1686 : memref<1x8x32xf32, #tpu.memory_space<vmem>> -> memref<8x32xf32, #tpu.memory_space<vmem>>
      %dma_wait3A_1688 = arith.constant 0 : i32
      %dma_wait3A_1689 = arith.constant 0 : i32
      %dma_wait3A_1690 = tpu.memref_slice %arg8[%squeeze3A_449, %dma_wait3A_1688, %dma_wait3A_1689] : memref<125000x8x32xf32, #tpu.memory_space<hbm>> -> memref<1x8x32xf32, #tpu.memory_space<hbm>>
      %dma_wait3A_1691 = tpu.memref_squeeze %dma_wait3A_1690 : memref<1x8x32xf32, #tpu.memory_space<hbm>> -> memref<8x32xf32, #tpu.memory_space<hbm>>
      tpu.wait_dma2 semaphore(%arg20 : memref<!tpu.dma_semaphore, #tpu.memory_space<semaphore_mem>>) src(%dma_wait3A_1691 : memref<8x32xf32, #tpu.memory_space<hbm>>) dst(%dma_wait3A_1687 : memref<8x32xf32, #tpu.memory_space<vmem>>)
      %dma_wait3A_1692 = arith.constant 10 : i32
      %dma_wait3A_1693 = arith.constant 0 : i32
      %dma_wait3A_1694 = arith.constant 0 : i32
      %dma_wait3A_1695 = tpu.memref_slice %arg17[%dma_wait3A_1692, %dma_wait3A_1693, %dma_wait3A_1694] : memref<32x8x32xf32, #tpu.memory_space<vmem>> -> memref<1x8x32xf32, #tpu.memory_space<vmem>>
      %dma_wait3A_1696 = tpu.memref_squeeze %dma_wait3A_1695 : memref<1x8x32xf32, #tpu.memory_space<vmem>> -> memref<8x32xf32, #tpu.memory_space<vmem>>
      %dma_wait3A_1697 = arith.constant 0 : i32
      %dma_wait3A_1698 = arith.constant 0 : i32
      %dma_wait3A_1699 = tpu.memref_slice %arg7[%squeeze3A_468, %dma_wait3A_1697, %dma_wait3A_1698] : memref<125000x8x32xf32, #tpu.memory_space<hbm>> -> memref<1x8x32xf32, #tpu.memory_space<hbm>>
      %dma_wait3A_1700 = tpu.memref_squeeze %dma_wait3A_1699 : memref<1x8x32xf32, #tpu.memory_space<hbm>> -> memref<8x32xf32, #tpu.memory_space<hbm>>
      %dma_wait3A_1701 = arith.constant 0 : i32
      %dma_wait3A_1702 = arith.constant 0 : i32
      %dma_wait3A_1703 = tpu.memref_slice %arg17[%dma_wait3A_1692, %dma_wait3A_1701, %dma_wait3A_1702] : memref<32x8x32xf32, #tpu.memory_space<vmem>> -> memref<1x8x32xf32, #tpu.memory_space<vmem>>
      %dma_wait3A_1704 = tpu.memref_squeeze %dma_wait3A_1703 : memref<1x8x32xf32, #tpu.memory_space<vmem>> -> memref<8x32xf32, #tpu.memory_space<vmem>>
      %dma_wait3A_1705 = arith.constant 0 : i32
      %dma_wait3A_1706 = arith.constant 0 : i32
      %dma_wait3A_1707 = tpu.memref_slice %arg7[%squeeze3A_468, %dma_wait3A_1705, %dma_wait3A_1706] : memref<125000x8x32xf32, #tpu.memory_space<hbm>> -> memref<1x8x32xf32, #tpu.memory_space<hbm>>
      %dma_wait3A_1708 = tpu.memref_squeeze %dma_wait3A_1707 : memref<1x8x32xf32, #tpu.memory_space<hbm>> -> memref<8x32xf32, #tpu.memory_space<hbm>>
      tpu.wait_dma2 semaphore(%arg20 : memref<!tpu.dma_semaphore, #tpu.memory_space<semaphore_mem>>) src(%dma_wait3A_1708 : memref<8x32xf32, #tpu.memory_space<hbm>>) dst(%dma_wait3A_1704 : memref<8x32xf32, #tpu.memory_space<vmem>>)
      %dma_wait3A_1709 = arith.constant 10 : i32
      %dma_wait3A_1710 = arith.constant 0 : i32
      %dma_wait3A_1711 = arith.constant 0 : i32
      %dma_wait3A_1712 = tpu.memref_slice %arg18[%dma_wait3A_1709, %dma_wait3A_1710, %dma_wait3A_1711] : memref<32x8x32xf32, #tpu.memory_space<vmem>> -> memref<1x8x32xf32, #tpu.memory_space<vmem>>
      %dma_wait3A_1713 = tpu.memref_squeeze %dma_wait3A_1712 : memref<1x8x32xf32, #tpu.memory_space<vmem>> -> memref<8x32xf32, #tpu.memory_space<vmem>>
      %dma_wait3A_1714 = arith.constant 0 : i32
      %dma_wait3A_1715 = arith.constant 0 : i32
      %dma_wait3A_1716 = tpu.memref_slice %arg8[%squeeze3A_487, %dma_wait3A_1714, %dma_wait3A_1715] : memref<125000x8x32xf32, #tpu.memory_space<hbm>> -> memref<1x8x32xf32, #tpu.memory_space<hbm>>
      %dma_wait3A_1717 = tpu.memref_squeeze %dma_wait3A_1716 : memref<1x8x32xf32, #tpu.memory_space<hbm>> -> memref<8x32xf32, #tpu.memory_space<hbm>>
      %dma_wait3A_1718 = arith.constant 0 : i32
      %dma_wait3A_1719 = arith.constant 0 : i32
      %dma_wait3A_1720 = tpu.memref_slice %arg18[%dma_wait3A_1709, %dma_wait3A_1718, %dma_wait3A_1719] : memref<32x8x32xf32, #tpu.memory_space<vmem>> -> memref<1x8x32xf32, #tpu.memory_space<vmem>>
      %dma_wait3A_1721 = tpu.memref_squeeze %dma_wait3A_1720 : memref<1x8x32xf32, #tpu.memory_space<vmem>> -> memref<8x32xf32, #tpu.memory_space<vmem>>
      %dma_wait3A_1722 = arith.constant 0 : i32
      %dma_wait3A_1723 = arith.constant 0 : i32
      %dma_wait3A_1724 = tpu.memref_slice %arg8[%squeeze3A_487, %dma_wait3A_1722, %dma_wait3A_1723] : memref<125000x8x32xf32, #tpu.memory_space<hbm>> -> memref<1x8x32xf32, #tpu.memory_space<hbm>>
      %dma_wait3A_1725 = tpu.memref_squeeze %dma_wait3A_1724 : memref<1x8x32xf32, #tpu.memory_space<hbm>> -> memref<8x32xf32, #tpu.memory_space<hbm>>
      tpu.wait_dma2 semaphore(%arg20 : memref<!tpu.dma_semaphore, #tpu.memory_space<semaphore_mem>>) src(%dma_wait3A_1725 : memref<8x32xf32, #tpu.memory_space<hbm>>) dst(%dma_wait3A_1721 : memref<8x32xf32, #tpu.memory_space<vmem>>)
      %dma_wait3A_1726 = arith.constant 11 : i32
      %dma_wait3A_1727 = arith.constant 0 : i32
      %dma_wait3A_1728 = arith.constant 0 : i32
      %dma_wait3A_1729 = tpu.memref_slice %arg17[%dma_wait3A_1726, %dma_wait3A_1727, %dma_wait3A_1728] : memref<32x8x32xf32, #tpu.memory_space<vmem>> -> memref<1x8x32xf32, #tpu.memory_space<vmem>>
      %dma_wait3A_1730 = tpu.memref_squeeze %dma_wait3A_1729 : memref<1x8x32xf32, #tpu.memory_space<vmem>> -> memref<8x32xf32, #tpu.memory_space<vmem>>
      %dma_wait3A_1731 = arith.constant 0 : i32
      %dma_wait3A_1732 = arith.constant 0 : i32
      %dma_wait3A_1733 = tpu.memref_slice %arg7[%squeeze3A_506, %dma_wait3A_1731, %dma_wait3A_1732] : memref<125000x8x32xf32, #tpu.memory_space<hbm>> -> memref<1x8x32xf32, #tpu.memory_space<hbm>>
      %dma_wait3A_1734 = tpu.memref_squeeze %dma_wait3A_1733 : memref<1x8x32xf32, #tpu.memory_space<hbm>> -> memref<8x32xf32, #tpu.memory_space<hbm>>
      %dma_wait3A_1735 = arith.constant 0 : i32
      %dma_wait3A_1736 = arith.constant 0 : i32
      %dma_wait3A_1737 = tpu.memref_slice %arg17[%dma_wait3A_1726, %dma_wait3A_1735, %dma_wait3A_1736] : memref<32x8x32xf32, #tpu.memory_space<vmem>> -> memref<1x8x32xf32, #tpu.memory_space<vmem>>
      %dma_wait3A_1738 = tpu.memref_squeeze %dma_wait3A_1737 : memref<1x8x32xf32, #tpu.memory_space<vmem>> -> memref<8x32xf32, #tpu.memory_space<vmem>>
      %dma_wait3A_1739 = arith.constant 0 : i32
      %dma_wait3A_1740 = arith.constant 0 : i32
      %dma_wait3A_1741 = tpu.memref_slice %arg7[%squeeze3A_506, %dma_wait3A_1739, %dma_wait3A_1740] : memref<125000x8x32xf32, #tpu.memory_space<hbm>> -> memref<1x8x32xf32, #tpu.memory_space<hbm>>
      %dma_wait3A_1742 = tpu.memref_squeeze %dma_wait3A_1741 : memref<1x8x32xf32, #tpu.memory_space<hbm>> -> memref<8x32xf32, #tpu.memory_space<hbm>>
      tpu.wait_dma2 semaphore(%arg20 : memref<!tpu.dma_semaphore, #tpu.memory_space<semaphore_mem>>) src(%dma_wait3A_1742 : memref<8x32xf32, #tpu.memory_space<hbm>>) dst(%dma_wait3A_1738 : memref<8x32xf32, #tpu.memory_space<vmem>>)
      %dma_wait3A_1743 = arith.constant 11 : i32
      %dma_wait3A_1744 = arith.constant 0 : i32
      %dma_wait3A_1745 = arith.constant 0 : i32
      %dma_wait3A_1746 = tpu.memref_slice %arg18[%dma_wait3A_1743, %dma_wait3A_1744, %dma_wait3A_1745] : memref<32x8x32xf32, #tpu.memory_space<vmem>> -> memref<1x8x32xf32, #tpu.memory_space<vmem>>
      %dma_wait3A_1747 = tpu.memref_squeeze %dma_wait3A_1746 : memref<1x8x32xf32, #tpu.memory_space<vmem>> -> memref<8x32xf32, #tpu.memory_space<vmem>>
      %dma_wait3A_1748 = arith.constant 0 : i32
      %dma_wait3A_1749 = arith.constant 0 : i32
      %dma_wait3A_1750 = tpu.memref_slice %arg8[%squeeze3A_525, %dma_wait3A_1748, %dma_wait3A_1749] : memref<125000x8x32xf32, #tpu.memory_space<hbm>> -> memref<1x8x32xf32, #tpu.memory_space<hbm>>
      %dma_wait3A_1751 = tpu.memref_squeeze %dma_wait3A_1750 : memref<1x8x32xf32, #tpu.memory_space<hbm>> -> memref<8x32xf32, #tpu.memory_space<hbm>>
      %dma_wait3A_1752 = arith.constant 0 : i32
      %dma_wait3A_1753 = arith.constant 0 : i32
      %dma_wait3A_1754 = tpu.memref_slice %arg18[%dma_wait3A_1743, %dma_wait3A_1752, %dma_wait3A_1753] : memref<32x8x32xf32, #tpu.memory_space<vmem>> -> memref<1x8x32xf32, #tpu.memory_space<vmem>>
      %dma_wait3A_1755 = tpu.memref_squeeze %dma_wait3A_1754 : memref<1x8x32xf32, #tpu.memory_space<vmem>> -> memref<8x32xf32, #tpu.memory_space<vmem>>
      %dma_wait3A_1756 = arith.constant 0 : i32
      %dma_wait3A_1757 = arith.constant 0 : i32
      %dma_wait3A_1758 = tpu.memref_slice %arg8[%squeeze3A_525, %dma_wait3A_1756, %dma_wait3A_1757] : memref<125000x8x32xf32, #tpu.memory_space<hbm>> -> memref<1x8x32xf32, #tpu.memory_space<hbm>>
      %dma_wait3A_1759 = tpu.memref_squeeze %dma_wait3A_1758 : memref<1x8x32xf32, #tpu.memory_space<hbm>> -> memref<8x32xf32, #tpu.memory_space<hbm>>
      tpu.wait_dma2 semaphore(%arg20 : memref<!tpu.dma_semaphore, #tpu.memory_space<semaphore_mem>>) src(%dma_wait3A_1759 : memref<8x32xf32, #tpu.memory_space<hbm>>) dst(%dma_wait3A_1755 : memref<8x32xf32, #tpu.memory_space<vmem>>)
      %dma_wait3A_1760 = arith.constant 12 : i32
      %dma_wait3A_1761 = arith.constant 0 : i32
      %dma_wait3A_1762 = arith.constant 0 : i32
      %dma_wait3A_1763 = tpu.memref_slice %arg17[%dma_wait3A_1760, %dma_wait3A_1761, %dma_wait3A_1762] : memref<32x8x32xf32, #tpu.memory_space<vmem>> -> memref<1x8x32xf32, #tpu.memory_space<vmem>>
      %dma_wait3A_1764 = tpu.memref_squeeze %dma_wait3A_1763 : memref<1x8x32xf32, #tpu.memory_space<vmem>> -> memref<8x32xf32, #tpu.memory_space<vmem>>
      %dma_wait3A_1765 = arith.constant 0 : i32
      %dma_wait3A_1766 = arith.constant 0 : i32
      %dma_wait3A_1767 = tpu.memref_slice %arg7[%squeeze3A_544, %dma_wait3A_1765, %dma_wait3A_1766] : memref<125000x8x32xf32, #tpu.memory_space<hbm>> -> memref<1x8x32xf32, #tpu.memory_space<hbm>>
      %dma_wait3A_1768 = tpu.memref_squeeze %dma_wait3A_1767 : memref<1x8x32xf32, #tpu.memory_space<hbm>> -> memref<8x32xf32, #tpu.memory_space<hbm>>
      %dma_wait3A_1769 = arith.constant 0 : i32
      %dma_wait3A_1770 = arith.constant 0 : i32
      %dma_wait3A_1771 = tpu.memref_slice %arg17[%dma_wait3A_1760, %dma_wait3A_1769, %dma_wait3A_1770] : memref<32x8x32xf32, #tpu.memory_space<vmem>> -> memref<1x8x32xf32, #tpu.memory_space<vmem>>
      %dma_wait3A_1772 = tpu.memref_squeeze %dma_wait3A_1771 : memref<1x8x32xf32, #tpu.memory_space<vmem>> -> memref<8x32xf32, #tpu.memory_space<vmem>>
      %dma_wait3A_1773 = arith.constant 0 : i32
      %dma_wait3A_1774 = arith.constant 0 : i32
      %dma_wait3A_1775 = tpu.memref_slice %arg7[%squeeze3A_544, %dma_wait3A_1773, %dma_wait3A_1774] : memref<125000x8x32xf32, #tpu.memory_space<hbm>> -> memref<1x8x32xf32, #tpu.memory_space<hbm>>
      %dma_wait3A_1776 = tpu.memref_squeeze %dma_wait3A_1775 : memref<1x8x32xf32, #tpu.memory_space<hbm>> -> memref<8x32xf32, #tpu.memory_space<hbm>>
      tpu.wait_dma2 semaphore(%arg20 : memref<!tpu.dma_semaphore, #tpu.memory_space<semaphore_mem>>) src(%dma_wait3A_1776 : memref<8x32xf32, #tpu.memory_space<hbm>>) dst(%dma_wait3A_1772 : memref<8x32xf32, #tpu.memory_space<vmem>>)
      %dma_wait3A_1777 = arith.constant 12 : i32
      %dma_wait3A_1778 = arith.constant 0 : i32
      %dma_wait3A_1779 = arith.constant 0 : i32
      %dma_wait3A_1780 = tpu.memref_slice %arg18[%dma_wait3A_1777, %dma_wait3A_1778, %dma_wait3A_1779] : memref<32x8x32xf32, #tpu.memory_space<vmem>> -> memref<1x8x32xf32, #tpu.memory_space<vmem>>
      %dma_wait3A_1781 = tpu.memref_squeeze %dma_wait3A_1780 : memref<1x8x32xf32, #tpu.memory_space<vmem>> -> memref<8x32xf32, #tpu.memory_space<vmem>>
      %dma_wait3A_1782 = arith.constant 0 : i32
      %dma_wait3A_1783 = arith.constant 0 : i32
      %dma_wait3A_1784 = tpu.memref_slice %arg8[%squeeze3A_563, %dma_wait3A_1782, %dma_wait3A_1783] : memref<125000x8x32xf32, #tpu.memory_space<hbm>> -> memref<1x8x32xf32, #tpu.memory_space<hbm>>
      %dma_wait3A_1785 = tpu.memref_squeeze %dma_wait3A_1784 : memref<1x8x32xf32, #tpu.memory_space<hbm>> -> memref<8x32xf32, #tpu.memory_space<hbm>>
      %dma_wait3A_1786 = arith.constant 0 : i32
      %dma_wait3A_1787 = arith.constant 0 : i32
      %dma_wait3A_1788 = tpu.memref_slice %arg18[%dma_wait3A_1777, %dma_wait3A_1786, %dma_wait3A_1787] : memref<32x8x32xf32, #tpu.memory_space<vmem>> -> memref<1x8x32xf32, #tpu.memory_space<vmem>>
      %dma_wait3A_1789 = tpu.memref_squeeze %dma_wait3A_1788 : memref<1x8x32xf32, #tpu.memory_space<vmem>> -> memref<8x32xf32, #tpu.memory_space<vmem>>
      %dma_wait3A_1790 = arith.constant 0 : i32
      %dma_wait3A_1791 = arith.constant 0 : i32
      %dma_wait3A_1792 = tpu.memref_slice %arg8[%squeeze3A_563, %dma_wait3A_1790, %dma_wait3A_1791] : memref<125000x8x32xf32, #tpu.memory_space<hbm>> -> memref<1x8x32xf32, #tpu.memory_space<hbm>>
      %dma_wait3A_1793 = tpu.memref_squeeze %dma_wait3A_1792 : memref<1x8x32xf32, #tpu.memory_space<hbm>> -> memref<8x32xf32, #tpu.memory_space<hbm>>
      tpu.wait_dma2 semaphore(%arg20 : memref<!tpu.dma_semaphore, #tpu.memory_space<semaphore_mem>>) src(%dma_wait3A_1793 : memref<8x32xf32, #tpu.memory_space<hbm>>) dst(%dma_wait3A_1789 : memref<8x32xf32, #tpu.memory_space<vmem>>)
      %dma_wait3A_1794 = arith.constant 13 : i32
      %dma_wait3A_1795 = arith.constant 0 : i32
      %dma_wait3A_1796 = arith.constant 0 : i32
      %dma_wait3A_1797 = tpu.memref_slice %arg17[%dma_wait3A_1794, %dma_wait3A_1795, %dma_wait3A_1796] : memref<32x8x32xf32, #tpu.memory_space<vmem>> -> memref<1x8x32xf32, #tpu.memory_space<vmem>>
      %dma_wait3A_1798 = tpu.memref_squeeze %dma_wait3A_1797 : memref<1x8x32xf32, #tpu.memory_space<vmem>> -> memref<8x32xf32, #tpu.memory_space<vmem>>
      %dma_wait3A_1799 = arith.constant 0 : i32
      %dma_wait3A_1800 = arith.constant 0 : i32
      %dma_wait3A_1801 = tpu.memref_slice %arg7[%squeeze3A_582, %dma_wait3A_1799, %dma_wait3A_1800] : memref<125000x8x32xf32, #tpu.memory_space<hbm>> -> memref<1x8x32xf32, #tpu.memory_space<hbm>>
      %dma_wait3A_1802 = tpu.memref_squeeze %dma_wait3A_1801 : memref<1x8x32xf32, #tpu.memory_space<hbm>> -> memref<8x32xf32, #tpu.memory_space<hbm>>
      %dma_wait3A_1803 = arith.constant 0 : i32
      %dma_wait3A_1804 = arith.constant 0 : i32
      %dma_wait3A_1805 = tpu.memref_slice %arg17[%dma_wait3A_1794, %dma_wait3A_1803, %dma_wait3A_1804] : memref<32x8x32xf32, #tpu.memory_space<vmem>> -> memref<1x8x32xf32, #tpu.memory_space<vmem>>
      %dma_wait3A_1806 = tpu.memref_squeeze %dma_wait3A_1805 : memref<1x8x32xf32, #tpu.memory_space<vmem>> -> memref<8x32xf32, #tpu.memory_space<vmem>>
      %dma_wait3A_1807 = arith.constant 0 : i32
      %dma_wait3A_1808 = arith.constant 0 : i32
      %dma_wait3A_1809 = tpu.memref_slice %arg7[%squeeze3A_582, %dma_wait3A_1807, %dma_wait3A_1808] : memref<125000x8x32xf32, #tpu.memory_space<hbm>> -> memref<1x8x32xf32, #tpu.memory_space<hbm>>
      %dma_wait3A_1810 = tpu.memref_squeeze %dma_wait3A_1809 : memref<1x8x32xf32, #tpu.memory_space<hbm>> -> memref<8x32xf32, #tpu.memory_space<hbm>>
      tpu.wait_dma2 semaphore(%arg20 : memref<!tpu.dma_semaphore, #tpu.memory_space<semaphore_mem>>) src(%dma_wait3A_1810 : memref<8x32xf32, #tpu.memory_space<hbm>>) dst(%dma_wait3A_1806 : memref<8x32xf32, #tpu.memory_space<vmem>>)
      %dma_wait3A_1811 = arith.constant 13 : i32
      %dma_wait3A_1812 = arith.constant 0 : i32
      %dma_wait3A_1813 = arith.constant 0 : i32
      %dma_wait3A_1814 = tpu.memref_slice %arg18[%dma_wait3A_1811, %dma_wait3A_1812, %dma_wait3A_1813] : memref<32x8x32xf32, #tpu.memory_space<vmem>> -> memref<1x8x32xf32, #tpu.memory_space<vmem>>
      %dma_wait3A_1815 = tpu.memref_squeeze %dma_wait3A_1814 : memref<1x8x32xf32, #tpu.memory_space<vmem>> -> memref<8x32xf32, #tpu.memory_space<vmem>>
      %dma_wait3A_1816 = arith.constant 0 : i32
      %dma_wait3A_1817 = arith.constant 0 : i32
      %dma_wait3A_1818 = tpu.memref_slice %arg8[%squeeze3A_601, %dma_wait3A_1816, %dma_wait3A_1817] : memref<125000x8x32xf32, #tpu.memory_space<hbm>> -> memref<1x8x32xf32, #tpu.memory_space<hbm>>
      %dma_wait3A_1819 = tpu.memref_squeeze %dma_wait3A_1818 : memref<1x8x32xf32, #tpu.memory_space<hbm>> -> memref<8x32xf32, #tpu.memory_space<hbm>>
      %dma_wait3A_1820 = arith.constant 0 : i32
      %dma_wait3A_1821 = arith.constant 0 : i32
      %dma_wait3A_1822 = tpu.memref_slice %arg18[%dma_wait3A_1811, %dma_wait3A_1820, %dma_wait3A_1821] : memref<32x8x32xf32, #tpu.memory_space<vmem>> -> memref<1x8x32xf32, #tpu.memory_space<vmem>>
      %dma_wait3A_1823 = tpu.memref_squeeze %dma_wait3A_1822 : memref<1x8x32xf32, #tpu.memory_space<vmem>> -> memref<8x32xf32, #tpu.memory_space<vmem>>
      %dma_wait3A_1824 = arith.constant 0 : i32
      %dma_wait3A_1825 = arith.constant 0 : i32
      %dma_wait3A_1826 = tpu.memref_slice %arg8[%squeeze3A_601, %dma_wait3A_1824, %dma_wait3A_1825] : memref<125000x8x32xf32, #tpu.memory_space<hbm>> -> memref<1x8x32xf32, #tpu.memory_space<hbm>>
      %dma_wait3A_1827 = tpu.memref_squeeze %dma_wait3A_1826 : memref<1x8x32xf32, #tpu.memory_space<hbm>> -> memref<8x32xf32, #tpu.memory_space<hbm>>
      tpu.wait_dma2 semaphore(%arg20 : memref<!tpu.dma_semaphore, #tpu.memory_space<semaphore_mem>>) src(%dma_wait3A_1827 : memref<8x32xf32, #tpu.memory_space<hbm>>) dst(%dma_wait3A_1823 : memref<8x32xf32, #tpu.memory_space<vmem>>)
      %dma_wait3A_1828 = arith.constant 14 : i32
      %dma_wait3A_1829 = arith.constant 0 : i32
      %dma_wait3A_1830 = arith.constant 0 : i32
      %dma_wait3A_1831 = tpu.memref_slice %arg17[%dma_wait3A_1828, %dma_wait3A_1829, %dma_wait3A_1830] : memref<32x8x32xf32, #tpu.memory_space<vmem>> -> memref<1x8x32xf32, #tpu.memory_space<vmem>>
      %dma_wait3A_1832 = tpu.memref_squeeze %dma_wait3A_1831 : memref<1x8x32xf32, #tpu.memory_space<vmem>> -> memref<8x32xf32, #tpu.memory_space<vmem>>
      %dma_wait3A_1833 = arith.constant 0 : i32
      %dma_wait3A_1834 = arith.constant 0 : i32
      %dma_wait3A_1835 = tpu.memref_slice %arg7[%squeeze3A_620, %dma_wait3A_1833, %dma_wait3A_1834] : memref<125000x8x32xf32, #tpu.memory_space<hbm>> -> memref<1x8x32xf32, #tpu.memory_space<hbm>>
      %dma_wait3A_1836 = tpu.memref_squeeze %dma_wait3A_1835 : memref<1x8x32xf32, #tpu.memory_space<hbm>> -> memref<8x32xf32, #tpu.memory_space<hbm>>
      %dma_wait3A_1837 = arith.constant 0 : i32
      %dma_wait3A_1838 = arith.constant 0 : i32
      %dma_wait3A_1839 = tpu.memref_slice %arg17[%dma_wait3A_1828, %dma_wait3A_1837, %dma_wait3A_1838] : memref<32x8x32xf32, #tpu.memory_space<vmem>> -> memref<1x8x32xf32, #tpu.memory_space<vmem>>
      %dma_wait3A_1840 = tpu.memref_squeeze %dma_wait3A_1839 : memref<1x8x32xf32, #tpu.memory_space<vmem>> -> memref<8x32xf32, #tpu.memory_space<vmem>>
      %dma_wait3A_1841 = arith.constant 0 : i32
      %dma_wait3A_1842 = arith.constant 0 : i32
      %dma_wait3A_1843 = tpu.memref_slice %arg7[%squeeze3A_620, %dma_wait3A_1841, %dma_wait3A_1842] : memref<125000x8x32xf32, #tpu.memory_space<hbm>> -> memref<1x8x32xf32, #tpu.memory_space<hbm>>
      %dma_wait3A_1844 = tpu.memref_squeeze %dma_wait3A_1843 : memref<1x8x32xf32, #tpu.memory_space<hbm>> -> memref<8x32xf32, #tpu.memory_space<hbm>>
      tpu.wait_dma2 semaphore(%arg20 : memref<!tpu.dma_semaphore, #tpu.memory_space<semaphore_mem>>) src(%dma_wait3A_1844 : memref<8x32xf32, #tpu.memory_space<hbm>>) dst(%dma_wait3A_1840 : memref<8x32xf32, #tpu.memory_space<vmem>>)
      %dma_wait3A_1845 = arith.constant 14 : i32
      %dma_wait3A_1846 = arith.constant 0 : i32
      %dma_wait3A_1847 = arith.constant 0 : i32
      %dma_wait3A_1848 = tpu.memref_slice %arg18[%dma_wait3A_1845, %dma_wait3A_1846, %dma_wait3A_1847] : memref<32x8x32xf32, #tpu.memory_space<vmem>> -> memref<1x8x32xf32, #tpu.memory_space<vmem>>
      %dma_wait3A_1849 = tpu.memref_squeeze %dma_wait3A_1848 : memref<1x8x32xf32, #tpu.memory_space<vmem>> -> memref<8x32xf32, #tpu.memory_space<vmem>>
      %dma_wait3A_1850 = arith.constant 0 : i32
      %dma_wait3A_1851 = arith.constant 0 : i32
      %dma_wait3A_1852 = tpu.memref_slice %arg8[%squeeze3A_639, %dma_wait3A_1850, %dma_wait3A_1851] : memref<125000x8x32xf32, #tpu.memory_space<hbm>> -> memref<1x8x32xf32, #tpu.memory_space<hbm>>
      %dma_wait3A_1853 = tpu.memref_squeeze %dma_wait3A_1852 : memref<1x8x32xf32, #tpu.memory_space<hbm>> -> memref<8x32xf32, #tpu.memory_space<hbm>>
      %dma_wait3A_1854 = arith.constant 0 : i32
      %dma_wait3A_1855 = arith.constant 0 : i32
      %dma_wait3A_1856 = tpu.memref_slice %arg18[%dma_wait3A_1845, %dma_wait3A_1854, %dma_wait3A_1855] : memref<32x8x32xf32, #tpu.memory_space<vmem>> -> memref<1x8x32xf32, #tpu.memory_space<vmem>>
      %dma_wait3A_1857 = tpu.memref_squeeze %dma_wait3A_1856 : memref<1x8x32xf32, #tpu.memory_space<vmem>> -> memref<8x32xf32, #tpu.memory_space<vmem>>
      %dma_wait3A_1858 = arith.constant 0 : i32
      %dma_wait3A_1859 = arith.constant 0 : i32
      %dma_wait3A_1860 = tpu.memref_slice %arg8[%squeeze3A_639, %dma_wait3A_1858, %dma_wait3A_1859] : memref<125000x8x32xf32, #tpu.memory_space<hbm>> -> memref<1x8x32xf32, #tpu.memory_space<hbm>>
      %dma_wait3A_1861 = tpu.memref_squeeze %dma_wait3A_1860 : memref<1x8x32xf32, #tpu.memory_space<hbm>> -> memref<8x32xf32, #tpu.memory_space<hbm>>
      tpu.wait_dma2 semaphore(%arg20 : memref<!tpu.dma_semaphore, #tpu.memory_space<semaphore_mem>>) src(%dma_wait3A_1861 : memref<8x32xf32, #tpu.memory_space<hbm>>) dst(%dma_wait3A_1857 : memref<8x32xf32, #tpu.memory_space<vmem>>)
      %dma_wait3A_1862 = arith.constant 15 : i32
      %dma_wait3A_1863 = arith.constant 0 : i32
      %dma_wait3A_1864 = arith.constant 0 : i32
      %dma_wait3A_1865 = tpu.memref_slice %arg17[%dma_wait3A_1862, %dma_wait3A_1863, %dma_wait3A_1864] : memref<32x8x32xf32, #tpu.memory_space<vmem>> -> memref<1x8x32xf32, #tpu.memory_space<vmem>>
      %dma_wait3A_1866 = tpu.memref_squeeze %dma_wait3A_1865 : memref<1x8x32xf32, #tpu.memory_space<vmem>> -> memref<8x32xf32, #tpu.memory_space<vmem>>
      %dma_wait3A_1867 = arith.constant 0 : i32
      %dma_wait3A_1868 = arith.constant 0 : i32
      %dma_wait3A_1869 = tpu.memref_slice %arg7[%squeeze3A_658, %dma_wait3A_1867, %dma_wait3A_1868] : memref<125000x8x32xf32, #tpu.memory_space<hbm>> -> memref<1x8x32xf32, #tpu.memory_space<hbm>>
      %dma_wait3A_1870 = tpu.memref_squeeze %dma_wait3A_1869 : memref<1x8x32xf32, #tpu.memory_space<hbm>> -> memref<8x32xf32, #tpu.memory_space<hbm>>
      %dma_wait3A_1871 = arith.constant 0 : i32
      %dma_wait3A_1872 = arith.constant 0 : i32
      %dma_wait3A_1873 = tpu.memref_slice %arg17[%dma_wait3A_1862, %dma_wait3A_1871, %dma_wait3A_1872] : memref<32x8x32xf32, #tpu.memory_space<vmem>> -> memref<1x8x32xf32, #tpu.memory_space<vmem>>
      %dma_wait3A_1874 = tpu.memref_squeeze %dma_wait3A_1873 : memref<1x8x32xf32, #tpu.memory_space<vmem>> -> memref<8x32xf32, #tpu.memory_space<vmem>>
      %dma_wait3A_1875 = arith.constant 0 : i32
      %dma_wait3A_1876 = arith.constant 0 : i32
      %dma_wait3A_1877 = tpu.memref_slice %arg7[%squeeze3A_658, %dma_wait3A_1875, %dma_wait3A_1876] : memref<125000x8x32xf32, #tpu.memory_space<hbm>> -> memref<1x8x32xf32, #tpu.memory_space<hbm>>
      %dma_wait3A_1878 = tpu.memref_squeeze %dma_wait3A_1877 : memref<1x8x32xf32, #tpu.memory_space<hbm>> -> memref<8x32xf32, #tpu.memory_space<hbm>>
      tpu.wait_dma2 semaphore(%arg20 : memref<!tpu.dma_semaphore, #tpu.memory_space<semaphore_mem>>) src(%dma_wait3A_1878 : memref<8x32xf32, #tpu.memory_space<hbm>>) dst(%dma_wait3A_1874 : memref<8x32xf32, #tpu.memory_space<vmem>>)
      %dma_wait3A_1879 = arith.constant 15 : i32
      %dma_wait3A_1880 = arith.constant 0 : i32
      %dma_wait3A_1881 = arith.constant 0 : i32
      %dma_wait3A_1882 = tpu.memref_slice %arg18[%dma_wait3A_1879, %dma_wait3A_1880, %dma_wait3A_1881] : memref<32x8x32xf32, #tpu.memory_space<vmem>> -> memref<1x8x32xf32, #tpu.memory_space<vmem>>
      %dma_wait3A_1883 = tpu.memref_squeeze %dma_wait3A_1882 : memref<1x8x32xf32, #tpu.memory_space<vmem>> -> memref<8x32xf32, #tpu.memory_space<vmem>>
      %dma_wait3A_1884 = arith.constant 0 : i32
      %dma_wait3A_1885 = arith.constant 0 : i32
      %dma_wait3A_1886 = tpu.memref_slice %arg8[%squeeze3A_677, %dma_wait3A_1884, %dma_wait3A_1885] : memref<125000x8x32xf32, #tpu.memory_space<hbm>> -> memref<1x8x32xf32, #tpu.memory_space<hbm>>
      %dma_wait3A_1887 = tpu.memref_squeeze %dma_wait3A_1886 : memref<1x8x32xf32, #tpu.memory_space<hbm>> -> memref<8x32xf32, #tpu.memory_space<hbm>>
      %dma_wait3A_1888 = arith.constant 0 : i32
      %dma_wait3A_1889 = arith.constant 0 : i32
      %dma_wait3A_1890 = tpu.memref_slice %arg18[%dma_wait3A_1879, %dma_wait3A_1888, %dma_wait3A_1889] : memref<32x8x32xf32, #tpu.memory_space<vmem>> -> memref<1x8x32xf32, #tpu.memory_space<vmem>>
      %dma_wait3A_1891 = tpu.memref_squeeze %dma_wait3A_1890 : memref<1x8x32xf32, #tpu.memory_space<vmem>> -> memref<8x32xf32, #tpu.memory_space<vmem>>
      %dma_wait3A_1892 = arith.constant 0 : i32
      %dma_wait3A_1893 = arith.constant 0 : i32
      %dma_wait3A_1894 = tpu.memref_slice %arg8[%squeeze3A_677, %dma_wait3A_1892, %dma_wait3A_1893] : memref<125000x8x32xf32, #tpu.memory_space<hbm>> -> memref<1x8x32xf32, #tpu.memory_space<hbm>>
      %dma_wait3A_1895 = tpu.memref_squeeze %dma_wait3A_1894 : memref<1x8x32xf32, #tpu.memory_space<hbm>> -> memref<8x32xf32, #tpu.memory_space<hbm>>
      tpu.wait_dma2 semaphore(%arg20 : memref<!tpu.dma_semaphore, #tpu.memory_space<semaphore_mem>>) src(%dma_wait3A_1895 : memref<8x32xf32, #tpu.memory_space<hbm>>) dst(%dma_wait3A_1891 : memref<8x32xf32, #tpu.memory_space<vmem>>)
      %dma_wait3A_1896 = arith.constant 16 : i32
      %dma_wait3A_1897 = arith.constant 0 : i32
      %dma_wait3A_1898 = arith.constant 0 : i32
      %dma_wait3A_1899 = tpu.memref_slice %arg17[%dma_wait3A_1896, %dma_wait3A_1897, %dma_wait3A_1898] : memref<32x8x32xf32, #tpu.memory_space<vmem>> -> memref<1x8x32xf32, #tpu.memory_space<vmem>>
      %dma_wait3A_1900 = tpu.memref_squeeze %dma_wait3A_1899 : memref<1x8x32xf32, #tpu.memory_space<vmem>> -> memref<8x32xf32, #tpu.memory_space<vmem>>
      %dma_wait3A_1901 = arith.constant 0 : i32
      %dma_wait3A_1902 = arith.constant 0 : i32
      %dma_wait3A_1903 = tpu.memref_slice %arg7[%squeeze3A_708, %dma_wait3A_1901, %dma_wait3A_1902] : memref<125000x8x32xf32, #tpu.memory_space<hbm>> -> memref<1x8x32xf32, #tpu.memory_space<hbm>>
      %dma_wait3A_1904 = tpu.memref_squeeze %dma_wait3A_1903 : memref<1x8x32xf32, #tpu.memory_space<hbm>> -> memref<8x32xf32, #tpu.memory_space<hbm>>
      %dma_wait3A_1905 = arith.constant 0 : i32
      %dma_wait3A_1906 = arith.constant 0 : i32
      %dma_wait3A_1907 = tpu.memref_slice %arg17[%dma_wait3A_1896, %dma_wait3A_1905, %dma_wait3A_1906] : memref<32x8x32xf32, #tpu.memory_space<vmem>> -> memref<1x8x32xf32, #tpu.memory_space<vmem>>
      %dma_wait3A_1908 = tpu.memref_squeeze %dma_wait3A_1907 : memref<1x8x32xf32, #tpu.memory_space<vmem>> -> memref<8x32xf32, #tpu.memory_space<vmem>>
      %dma_wait3A_1909 = arith.constant 0 : i32
      %dma_wait3A_1910 = arith.constant 0 : i32
      %dma_wait3A_1911 = tpu.memref_slice %arg7[%squeeze3A_708, %dma_wait3A_1909, %dma_wait3A_1910] : memref<125000x8x32xf32, #tpu.memory_space<hbm>> -> memref<1x8x32xf32, #tpu.memory_space<hbm>>
      %dma_wait3A_1912 = tpu.memref_squeeze %dma_wait3A_1911 : memref<1x8x32xf32, #tpu.memory_space<hbm>> -> memref<8x32xf32, #tpu.memory_space<hbm>>
      tpu.wait_dma2 semaphore(%arg20 : memref<!tpu.dma_semaphore, #tpu.memory_space<semaphore_mem>>) src(%dma_wait3A_1912 : memref<8x32xf32, #tpu.memory_space<hbm>>) dst(%dma_wait3A_1908 : memref<8x32xf32, #tpu.memory_space<vmem>>)
      %dma_wait3A_1913 = arith.constant 16 : i32
      %dma_wait3A_1914 = arith.constant 0 : i32
      %dma_wait3A_1915 = arith.constant 0 : i32
      %dma_wait3A_1916 = tpu.memref_slice %arg18[%dma_wait3A_1913, %dma_wait3A_1914, %dma_wait3A_1915] : memref<32x8x32xf32, #tpu.memory_space<vmem>> -> memref<1x8x32xf32, #tpu.memory_space<vmem>>
      %dma_wait3A_1917 = tpu.memref_squeeze %dma_wait3A_1916 : memref<1x8x32xf32, #tpu.memory_space<vmem>> -> memref<8x32xf32, #tpu.memory_space<vmem>>
      %dma_wait3A_1918 = arith.constant 0 : i32
      %dma_wait3A_1919 = arith.constant 0 : i32
      %dma_wait3A_1920 = tpu.memref_slice %arg8[%squeeze3A_727, %dma_wait3A_1918, %dma_wait3A_1919] : memref<125000x8x32xf32, #tpu.memory_space<hbm>> -> memref<1x8x32xf32, #tpu.memory_space<hbm>>
      %dma_wait3A_1921 = tpu.memref_squeeze %dma_wait3A_1920 : memref<1x8x32xf32, #tpu.memory_space<hbm>> -> memref<8x32xf32, #tpu.memory_space<hbm>>
      %dma_wait3A_1922 = arith.constant 0 : i32
      %dma_wait3A_1923 = arith.constant 0 : i32
      %dma_wait3A_1924 = tpu.memref_slice %arg18[%dma_wait3A_1913, %dma_wait3A_1922, %dma_wait3A_1923] : memref<32x8x32xf32, #tpu.memory_space<vmem>> -> memref<1x8x32xf32, #tpu.memory_space<vmem>>
      %dma_wait3A_1925 = tpu.memref_squeeze %dma_wait3A_1924 : memref<1x8x32xf32, #tpu.memory_space<vmem>> -> memref<8x32xf32, #tpu.memory_space<vmem>>
      %dma_wait3A_1926 = arith.constant 0 : i32
      %dma_wait3A_1927 = arith.constant 0 : i32
      %dma_wait3A_1928 = tpu.memref_slice %arg8[%squeeze3A_727, %dma_wait3A_1926, %dma_wait3A_1927] : memref<125000x8x32xf32, #tpu.memory_space<hbm>> -> memref<1x8x32xf32, #tpu.memory_space<hbm>>
      %dma_wait3A_1929 = tpu.memref_squeeze %dma_wait3A_1928 : memref<1x8x32xf32, #tpu.memory_space<hbm>> -> memref<8x32xf32, #tpu.memory_space<hbm>>
      tpu.wait_dma2 semaphore(%arg20 : memref<!tpu.dma_semaphore, #tpu.memory_space<semaphore_mem>>) src(%dma_wait3A_1929 : memref<8x32xf32, #tpu.memory_space<hbm>>) dst(%dma_wait3A_1925 : memref<8x32xf32, #tpu.memory_space<vmem>>)
      %dma_wait3A_1930 = arith.constant 17 : i32
      %dma_wait3A_1931 = arith.constant 0 : i32
      %dma_wait3A_1932 = arith.constant 0 : i32
      %dma_wait3A_1933 = tpu.memref_slice %arg17[%dma_wait3A_1930, %dma_wait3A_1931, %dma_wait3A_1932] : memref<32x8x32xf32, #tpu.memory_space<vmem>> -> memref<1x8x32xf32, #tpu.memory_space<vmem>>
      %dma_wait3A_1934 = tpu.memref_squeeze %dma_wait3A_1933 : memref<1x8x32xf32, #tpu.memory_space<vmem>> -> memref<8x32xf32, #tpu.memory_space<vmem>>
      %dma_wait3A_1935 = arith.constant 0 : i32
      %dma_wait3A_1936 = arith.constant 0 : i32
      %dma_wait3A_1937 = tpu.memref_slice %arg7[%squeeze3A_746, %dma_wait3A_1935, %dma_wait3A_1936] : memref<125000x8x32xf32, #tpu.memory_space<hbm>> -> memref<1x8x32xf32, #tpu.memory_space<hbm>>
      %dma_wait3A_1938 = tpu.memref_squeeze %dma_wait3A_1937 : memref<1x8x32xf32, #tpu.memory_space<hbm>> -> memref<8x32xf32, #tpu.memory_space<hbm>>
      %dma_wait3A_1939 = arith.constant 0 : i32
      %dma_wait3A_1940 = arith.constant 0 : i32
      %dma_wait3A_1941 = tpu.memref_slice %arg17[%dma_wait3A_1930, %dma_wait3A_1939, %dma_wait3A_1940] : memref<32x8x32xf32, #tpu.memory_space<vmem>> -> memref<1x8x32xf32, #tpu.memory_space<vmem>>
      %dma_wait3A_1942 = tpu.memref_squeeze %dma_wait3A_1941 : memref<1x8x32xf32, #tpu.memory_space<vmem>> -> memref<8x32xf32, #tpu.memory_space<vmem>>
      %dma_wait3A_1943 = arith.constant 0 : i32
      %dma_wait3A_1944 = arith.constant 0 : i32
      %dma_wait3A_1945 = tpu.memref_slice %arg7[%squeeze3A_746, %dma_wait3A_1943, %dma_wait3A_1944] : memref<125000x8x32xf32, #tpu.memory_space<hbm>> -> memref<1x8x32xf32, #tpu.memory_space<hbm>>
      %dma_wait3A_1946 = tpu.memref_squeeze %dma_wait3A_1945 : memref<1x8x32xf32, #tpu.memory_space<hbm>> -> memref<8x32xf32, #tpu.memory_space<hbm>>
      tpu.wait_dma2 semaphore(%arg20 : memref<!tpu.dma_semaphore, #tpu.memory_space<semaphore_mem>>) src(%dma_wait3A_1946 : memref<8x32xf32, #tpu.memory_space<hbm>>) dst(%dma_wait3A_1942 : memref<8x32xf32, #tpu.memory_space<vmem>>)
      %dma_wait3A_1947 = arith.constant 17 : i32
      %dma_wait3A_1948 = arith.constant 0 : i32
      %dma_wait3A_1949 = arith.constant 0 : i32
      %dma_wait3A_1950 = tpu.memref_slice %arg18[%dma_wait3A_1947, %dma_wait3A_1948, %dma_wait3A_1949] : memref<32x8x32xf32, #tpu.memory_space<vmem>> -> memref<1x8x32xf32, #tpu.memory_space<vmem>>
      %dma_wait3A_1951 = tpu.memref_squeeze %dma_wait3A_1950 : memref<1x8x32xf32, #tpu.memory_space<vmem>> -> memref<8x32xf32, #tpu.memory_space<vmem>>
      %dma_wait3A_1952 = arith.constant 0 : i32
      %dma_wait3A_1953 = arith.constant 0 : i32
      %dma_wait3A_1954 = tpu.memref_slice %arg8[%squeeze3A_765, %dma_wait3A_1952, %dma_wait3A_1953] : memref<125000x8x32xf32, #tpu.memory_space<hbm>> -> memref<1x8x32xf32, #tpu.memory_space<hbm>>
      %dma_wait3A_1955 = tpu.memref_squeeze %dma_wait3A_1954 : memref<1x8x32xf32, #tpu.memory_space<hbm>> -> memref<8x32xf32, #tpu.memory_space<hbm>>
      %dma_wait3A_1956 = arith.constant 0 : i32
      %dma_wait3A_1957 = arith.constant 0 : i32
      %dma_wait3A_1958 = tpu.memref_slice %arg18[%dma_wait3A_1947, %dma_wait3A_1956, %dma_wait3A_1957] : memref<32x8x32xf32, #tpu.memory_space<vmem>> -> memref<1x8x32xf32, #tpu.memory_space<vmem>>
      %dma_wait3A_1959 = tpu.memref_squeeze %dma_wait3A_1958 : memref<1x8x32xf32, #tpu.memory_space<vmem>> -> memref<8x32xf32, #tpu.memory_space<vmem>>
      %dma_wait3A_1960 = arith.constant 0 : i32
      %dma_wait3A_1961 = arith.constant 0 : i32
      %dma_wait3A_1962 = tpu.memref_slice %arg8[%squeeze3A_765, %dma_wait3A_1960, %dma_wait3A_1961] : memref<125000x8x32xf32, #tpu.memory_space<hbm>> -> memref<1x8x32xf32, #tpu.memory_space<hbm>>
      %dma_wait3A_1963 = tpu.memref_squeeze %dma_wait3A_1962 : memref<1x8x32xf32, #tpu.memory_space<hbm>> -> memref<8x32xf32, #tpu.memory_space<hbm>>
      tpu.wait_dma2 semaphore(%arg20 : memref<!tpu.dma_semaphore, #tpu.memory_space<semaphore_mem>>) src(%dma_wait3A_1963 : memref<8x32xf32, #tpu.memory_space<hbm>>) dst(%dma_wait3A_1959 : memref<8x32xf32, #tpu.memory_space<vmem>>)
      %dma_wait3A_1964 = arith.constant 18 : i32
      %dma_wait3A_1965 = arith.constant 0 : i32
      %dma_wait3A_1966 = arith.constant 0 : i32
      %dma_wait3A_1967 = tpu.memref_slice %arg17[%dma_wait3A_1964, %dma_wait3A_1965, %dma_wait3A_1966] : memref<32x8x32xf32, #tpu.memory_space<vmem>> -> memref<1x8x32xf32, #tpu.memory_space<vmem>>
      %dma_wait3A_1968 = tpu.memref_squeeze %dma_wait3A_1967 : memref<1x8x32xf32, #tpu.memory_space<vmem>> -> memref<8x32xf32, #tpu.memory_space<vmem>>
      %dma_wait3A_1969 = arith.constant 0 : i32
      %dma_wait3A_1970 = arith.constant 0 : i32
      %dma_wait3A_1971 = tpu.memref_slice %arg7[%squeeze3A_784, %dma_wait3A_1969, %dma_wait3A_1970] : memref<125000x8x32xf32, #tpu.memory_space<hbm>> -> memref<1x8x32xf32, #tpu.memory_space<hbm>>
      %dma_wait3A_1972 = tpu.memref_squeeze %dma_wait3A_1971 : memref<1x8x32xf32, #tpu.memory_space<hbm>> -> memref<8x32xf32, #tpu.memory_space<hbm>>
      %dma_wait3A_1973 = arith.constant 0 : i32
      %dma_wait3A_1974 = arith.constant 0 : i32
      %dma_wait3A_1975 = tpu.memref_slice %arg17[%dma_wait3A_1964, %dma_wait3A_1973, %dma_wait3A_1974] : memref<32x8x32xf32, #tpu.memory_space<vmem>> -> memref<1x8x32xf32, #tpu.memory_space<vmem>>
      %dma_wait3A_1976 = tpu.memref_squeeze %dma_wait3A_1975 : memref<1x8x32xf32, #tpu.memory_space<vmem>> -> memref<8x32xf32, #tpu.memory_space<vmem>>
      %dma_wait3A_1977 = arith.constant 0 : i32
      %dma_wait3A_1978 = arith.constant 0 : i32
      %dma_wait3A_1979 = tpu.memref_slice %arg7[%squeeze3A_784, %dma_wait3A_1977, %dma_wait3A_1978] : memref<125000x8x32xf32, #tpu.memory_space<hbm>> -> memref<1x8x32xf32, #tpu.memory_space<hbm>>
      %dma_wait3A_1980 = tpu.memref_squeeze %dma_wait3A_1979 : memref<1x8x32xf32, #tpu.memory_space<hbm>> -> memref<8x32xf32, #tpu.memory_space<hbm>>
      tpu.wait_dma2 semaphore(%arg20 : memref<!tpu.dma_semaphore, #tpu.memory_space<semaphore_mem>>) src(%dma_wait3A_1980 : memref<8x32xf32, #tpu.memory_space<hbm>>) dst(%dma_wait3A_1976 : memref<8x32xf32, #tpu.memory_space<vmem>>)
      %dma_wait3A_1981 = arith.constant 18 : i32
      %dma_wait3A_1982 = arith.constant 0 : i32
      %dma_wait3A_1983 = arith.constant 0 : i32
      %dma_wait3A_1984 = tpu.memref_slice %arg18[%dma_wait3A_1981, %dma_wait3A_1982, %dma_wait3A_1983] : memref<32x8x32xf32, #tpu.memory_space<vmem>> -> memref<1x8x32xf32, #tpu.memory_space<vmem>>
      %dma_wait3A_1985 = tpu.memref_squeeze %dma_wait3A_1984 : memref<1x8x32xf32, #tpu.memory_space<vmem>> -> memref<8x32xf32, #tpu.memory_space<vmem>>
      %dma_wait3A_1986 = arith.constant 0 : i32
      %dma_wait3A_1987 = arith.constant 0 : i32
      %dma_wait3A_1988 = tpu.memref_slice %arg8[%squeeze3A_803, %dma_wait3A_1986, %dma_wait3A_1987] : memref<125000x8x32xf32, #tpu.memory_space<hbm>> -> memref<1x8x32xf32, #tpu.memory_space<hbm>>
      %dma_wait3A_1989 = tpu.memref_squeeze %dma_wait3A_1988 : memref<1x8x32xf32, #tpu.memory_space<hbm>> -> memref<8x32xf32, #tpu.memory_space<hbm>>
      %dma_wait3A_1990 = arith.constant 0 : i32
      %dma_wait3A_1991 = arith.constant 0 : i32
      %dma_wait3A_1992 = tpu.memref_slice %arg18[%dma_wait3A_1981, %dma_wait3A_1990, %dma_wait3A_1991] : memref<32x8x32xf32, #tpu.memory_space<vmem>> -> memref<1x8x32xf32, #tpu.memory_space<vmem>>
      %dma_wait3A_1993 = tpu.memref_squeeze %dma_wait3A_1992 : memref<1x8x32xf32, #tpu.memory_space<vmem>> -> memref<8x32xf32, #tpu.memory_space<vmem>>
      %dma_wait3A_1994 = arith.constant 0 : i32
      %dma_wait3A_1995 = arith.constant 0 : i32
      %dma_wait3A_1996 = tpu.memref_slice %arg8[%squeeze3A_803, %dma_wait3A_1994, %dma_wait3A_1995] : memref<125000x8x32xf32, #tpu.memory_space<hbm>> -> memref<1x8x32xf32, #tpu.memory_space<hbm>>
      %dma_wait3A_1997 = tpu.memref_squeeze %dma_wait3A_1996 : memref<1x8x32xf32, #tpu.memory_space<hbm>> -> memref<8x32xf32, #tpu.memory_space<hbm>>
      tpu.wait_dma2 semaphore(%arg20 : memref<!tpu.dma_semaphore, #tpu.memory_space<semaphore_mem>>) src(%dma_wait3A_1997 : memref<8x32xf32, #tpu.memory_space<hbm>>) dst(%dma_wait3A_1993 : memref<8x32xf32, #tpu.memory_space<vmem>>)
      %dma_wait3A_1998 = arith.constant 19 : i32
      %dma_wait3A_1999 = arith.constant 0 : i32
      %dma_wait3A_2000 = arith.constant 0 : i32
      %dma_wait3A_2001 = tpu.memref_slice %arg17[%dma_wait3A_1998, %dma_wait3A_1999, %dma_wait3A_2000] : memref<32x8x32xf32, #tpu.memory_space<vmem>> -> memref<1x8x32xf32, #tpu.memory_space<vmem>>
      %dma_wait3A_2002 = tpu.memref_squeeze %dma_wait3A_2001 : memref<1x8x32xf32, #tpu.memory_space<vmem>> -> memref<8x32xf32, #tpu.memory_space<vmem>>
      %dma_wait3A_2003 = arith.constant 0 : i32
      %dma_wait3A_2004 = arith.constant 0 : i32
      %dma_wait3A_2005 = tpu.memref_slice %arg7[%squeeze3A_822, %dma_wait3A_2003, %dma_wait3A_2004] : memref<125000x8x32xf32, #tpu.memory_space<hbm>> -> memref<1x8x32xf32, #tpu.memory_space<hbm>>
      %dma_wait3A_2006 = tpu.memref_squeeze %dma_wait3A_2005 : memref<1x8x32xf32, #tpu.memory_space<hbm>> -> memref<8x32xf32, #tpu.memory_space<hbm>>
      %dma_wait3A_2007 = arith.constant 0 : i32
      %dma_wait3A_2008 = arith.constant 0 : i32
      %dma_wait3A_2009 = tpu.memref_slice %arg17[%dma_wait3A_1998, %dma_wait3A_2007, %dma_wait3A_2008] : memref<32x8x32xf32, #tpu.memory_space<vmem>> -> memref<1x8x32xf32, #tpu.memory_space<vmem>>
      %dma_wait3A_2010 = tpu.memref_squeeze %dma_wait3A_2009 : memref<1x8x32xf32, #tpu.memory_space<vmem>> -> memref<8x32xf32, #tpu.memory_space<vmem>>
      %dma_wait3A_2011 = arith.constant 0 : i32
      %dma_wait3A_2012 = arith.constant 0 : i32
      %dma_wait3A_2013 = tpu.memref_slice %arg7[%squeeze3A_822, %dma_wait3A_2011, %dma_wait3A_2012] : memref<125000x8x32xf32, #tpu.memory_space<hbm>> -> memref<1x8x32xf32, #tpu.memory_space<hbm>>
      %dma_wait3A_2014 = tpu.memref_squeeze %dma_wait3A_2013 : memref<1x8x32xf32, #tpu.memory_space<hbm>> -> memref<8x32xf32, #tpu.memory_space<hbm>>
      tpu.wait_dma2 semaphore(%arg20 : memref<!tpu.dma_semaphore, #tpu.memory_space<semaphore_mem>>) src(%dma_wait3A_2014 : memref<8x32xf32, #tpu.memory_space<hbm>>) dst(%dma_wait3A_2010 : memref<8x32xf32, #tpu.memory_space<vmem>>)
      %dma_wait3A_2015 = arith.constant 19 : i32
      %dma_wait3A_2016 = arith.constant 0 : i32
      %dma_wait3A_2017 = arith.constant 0 : i32
      %dma_wait3A_2018 = tpu.memref_slice %arg18[%dma_wait3A_2015, %dma_wait3A_2016, %dma_wait3A_2017] : memref<32x8x32xf32, #tpu.memory_space<vmem>> -> memref<1x8x32xf32, #tpu.memory_space<vmem>>
      %dma_wait3A_2019 = tpu.memref_squeeze %dma_wait3A_2018 : memref<1x8x32xf32, #tpu.memory_space<vmem>> -> memref<8x32xf32, #tpu.memory_space<vmem>>
      %dma_wait3A_2020 = arith.constant 0 : i32
      %dma_wait3A_2021 = arith.constant 0 : i32
      %dma_wait3A_2022 = tpu.memref_slice %arg8[%squeeze3A_841, %dma_wait3A_2020, %dma_wait3A_2021] : memref<125000x8x32xf32, #tpu.memory_space<hbm>> -> memref<1x8x32xf32, #tpu.memory_space<hbm>>
      %dma_wait3A_2023 = tpu.memref_squeeze %dma_wait3A_2022 : memref<1x8x32xf32, #tpu.memory_space<hbm>> -> memref<8x32xf32, #tpu.memory_space<hbm>>
      %dma_wait3A_2024 = arith.constant 0 : i32
      %dma_wait3A_2025 = arith.constant 0 : i32
      %dma_wait3A_2026 = tpu.memref_slice %arg18[%dma_wait3A_2015, %dma_wait3A_2024, %dma_wait3A_2025] : memref<32x8x32xf32, #tpu.memory_space<vmem>> -> memref<1x8x32xf32, #tpu.memory_space<vmem>>
      %dma_wait3A_2027 = tpu.memref_squeeze %dma_wait3A_2026 : memref<1x8x32xf32, #tpu.memory_space<vmem>> -> memref<8x32xf32, #tpu.memory_space<vmem>>
      %dma_wait3A_2028 = arith.constant 0 : i32
      %dma_wait3A_2029 = arith.constant 0 : i32
      %dma_wait3A_2030 = tpu.memref_slice %arg8[%squeeze3A_841, %dma_wait3A_2028, %dma_wait3A_2029] : memref<125000x8x32xf32, #tpu.memory_space<hbm>> -> memref<1x8x32xf32, #tpu.memory_space<hbm>>
      %dma_wait3A_2031 = tpu.memref_squeeze %dma_wait3A_2030 : memref<1x8x32xf32, #tpu.memory_space<hbm>> -> memref<8x32xf32, #tpu.memory_space<hbm>>
      tpu.wait_dma2 semaphore(%arg20 : memref<!tpu.dma_semaphore, #tpu.memory_space<semaphore_mem>>) src(%dma_wait3A_2031 : memref<8x32xf32, #tpu.memory_space<hbm>>) dst(%dma_wait3A_2027 : memref<8x32xf32, #tpu.memory_space<vmem>>)
      %dma_wait3A_2032 = arith.constant 20 : i32
      %dma_wait3A_2033 = arith.constant 0 : i32
      %dma_wait3A_2034 = arith.constant 0 : i32
      %dma_wait3A_2035 = tpu.memref_slice %arg17[%dma_wait3A_2032, %dma_wait3A_2033, %dma_wait3A_2034] : memref<32x8x32xf32, #tpu.memory_space<vmem>> -> memref<1x8x32xf32, #tpu.memory_space<vmem>>
      %dma_wait3A_2036 = tpu.memref_squeeze %dma_wait3A_2035 : memref<1x8x32xf32, #tpu.memory_space<vmem>> -> memref<8x32xf32, #tpu.memory_space<vmem>>
      %dma_wait3A_2037 = arith.constant 0 : i32
      %dma_wait3A_2038 = arith.constant 0 : i32
      %dma_wait3A_2039 = tpu.memref_slice %arg7[%squeeze3A_860, %dma_wait3A_2037, %dma_wait3A_2038] : memref<125000x8x32xf32, #tpu.memory_space<hbm>> -> memref<1x8x32xf32, #tpu.memory_space<hbm>>
      %dma_wait3A_2040 = tpu.memref_squeeze %dma_wait3A_2039 : memref<1x8x32xf32, #tpu.memory_space<hbm>> -> memref<8x32xf32, #tpu.memory_space<hbm>>
      %dma_wait3A_2041 = arith.constant 0 : i32
      %dma_wait3A_2042 = arith.constant 0 : i32
      %dma_wait3A_2043 = tpu.memref_slice %arg17[%dma_wait3A_2032, %dma_wait3A_2041, %dma_wait3A_2042] : memref<32x8x32xf32, #tpu.memory_space<vmem>> -> memref<1x8x32xf32, #tpu.memory_space<vmem>>
      %dma_wait3A_2044 = tpu.memref_squeeze %dma_wait3A_2043 : memref<1x8x32xf32, #tpu.memory_space<vmem>> -> memref<8x32xf32, #tpu.memory_space<vmem>>
      %dma_wait3A_2045 = arith.constant 0 : i32
      %dma_wait3A_2046 = arith.constant 0 : i32
      %dma_wait3A_2047 = tpu.memref_slice %arg7[%squeeze3A_860, %dma_wait3A_2045, %dma_wait3A_2046] : memref<125000x8x32xf32, #tpu.memory_space<hbm>> -> memref<1x8x32xf32, #tpu.memory_space<hbm>>
      %dma_wait3A_2048 = tpu.memref_squeeze %dma_wait3A_2047 : memref<1x8x32xf32, #tpu.memory_space<hbm>> -> memref<8x32xf32, #tpu.memory_space<hbm>>
      tpu.wait_dma2 semaphore(%arg20 : memref<!tpu.dma_semaphore, #tpu.memory_space<semaphore_mem>>) src(%dma_wait3A_2048 : memref<8x32xf32, #tpu.memory_space<hbm>>) dst(%dma_wait3A_2044 : memref<8x32xf32, #tpu.memory_space<vmem>>)
      %dma_wait3A_2049 = arith.constant 20 : i32
      %dma_wait3A_2050 = arith.constant 0 : i32
      %dma_wait3A_2051 = arith.constant 0 : i32
      %dma_wait3A_2052 = tpu.memref_slice %arg18[%dma_wait3A_2049, %dma_wait3A_2050, %dma_wait3A_2051] : memref<32x8x32xf32, #tpu.memory_space<vmem>> -> memref<1x8x32xf32, #tpu.memory_space<vmem>>
      %dma_wait3A_2053 = tpu.memref_squeeze %dma_wait3A_2052 : memref<1x8x32xf32, #tpu.memory_space<vmem>> -> memref<8x32xf32, #tpu.memory_space<vmem>>
      %dma_wait3A_2054 = arith.constant 0 : i32
      %dma_wait3A_2055 = arith.constant 0 : i32
      %dma_wait3A_2056 = tpu.memref_slice %arg8[%squeeze3A_879, %dma_wait3A_2054, %dma_wait3A_2055] : memref<125000x8x32xf32, #tpu.memory_space<hbm>> -> memref<1x8x32xf32, #tpu.memory_space<hbm>>
      %dma_wait3A_2057 = tpu.memref_squeeze %dma_wait3A_2056 : memref<1x8x32xf32, #tpu.memory_space<hbm>> -> memref<8x32xf32, #tpu.memory_space<hbm>>
      %dma_wait3A_2058 = arith.constant 0 : i32
      %dma_wait3A_2059 = arith.constant 0 : i32
      %dma_wait3A_2060 = tpu.memref_slice %arg18[%dma_wait3A_2049, %dma_wait3A_2058, %dma_wait3A_2059] : memref<32x8x32xf32, #tpu.memory_space<vmem>> -> memref<1x8x32xf32, #tpu.memory_space<vmem>>
      %dma_wait3A_2061 = tpu.memref_squeeze %dma_wait3A_2060 : memref<1x8x32xf32, #tpu.memory_space<vmem>> -> memref<8x32xf32, #tpu.memory_space<vmem>>
      %dma_wait3A_2062 = arith.constant 0 : i32
      %dma_wait3A_2063 = arith.constant 0 : i32
      %dma_wait3A_2064 = tpu.memref_slice %arg8[%squeeze3A_879, %dma_wait3A_2062, %dma_wait3A_2063] : memref<125000x8x32xf32, #tpu.memory_space<hbm>> -> memref<1x8x32xf32, #tpu.memory_space<hbm>>
      %dma_wait3A_2065 = tpu.memref_squeeze %dma_wait3A_2064 : memref<1x8x32xf32, #tpu.memory_space<hbm>> -> memref<8x32xf32, #tpu.memory_space<hbm>>
      tpu.wait_dma2 semaphore(%arg20 : memref<!tpu.dma_semaphore, #tpu.memory_space<semaphore_mem>>) src(%dma_wait3A_2065 : memref<8x32xf32, #tpu.memory_space<hbm>>) dst(%dma_wait3A_2061 : memref<8x32xf32, #tpu.memory_space<vmem>>)
      %dma_wait3A_2066 = arith.constant 21 : i32
      %dma_wait3A_2067 = arith.constant 0 : i32
      %dma_wait3A_2068 = arith.constant 0 : i32
      %dma_wait3A_2069 = tpu.memref_slice %arg17[%dma_wait3A_2066, %dma_wait3A_2067, %dma_wait3A_2068] : memref<32x8x32xf32, #tpu.memory_space<vmem>> -> memref<1x8x32xf32, #tpu.memory_space<vmem>>
      %dma_wait3A_2070 = tpu.memref_squeeze %dma_wait3A_2069 : memref<1x8x32xf32, #tpu.memory_space<vmem>> -> memref<8x32xf32, #tpu.memory_space<vmem>>
      %dma_wait3A_2071 = arith.constant 0 : i32
      %dma_wait3A_2072 = arith.constant 0 : i32
      %dma_wait3A_2073 = tpu.memref_slice %arg7[%squeeze3A_898, %dma_wait3A_2071, %dma_wait3A_2072] : memref<125000x8x32xf32, #tpu.memory_space<hbm>> -> memref<1x8x32xf32, #tpu.memory_space<hbm>>
      %dma_wait3A_2074 = tpu.memref_squeeze %dma_wait3A_2073 : memref<1x8x32xf32, #tpu.memory_space<hbm>> -> memref<8x32xf32, #tpu.memory_space<hbm>>
      %dma_wait3A_2075 = arith.constant 0 : i32
      %dma_wait3A_2076 = arith.constant 0 : i32
      %dma_wait3A_2077 = tpu.memref_slice %arg17[%dma_wait3A_2066, %dma_wait3A_2075, %dma_wait3A_2076] : memref<32x8x32xf32, #tpu.memory_space<vmem>> -> memref<1x8x32xf32, #tpu.memory_space<vmem>>
      %dma_wait3A_2078 = tpu.memref_squeeze %dma_wait3A_2077 : memref<1x8x32xf32, #tpu.memory_space<vmem>> -> memref<8x32xf32, #tpu.memory_space<vmem>>
      %dma_wait3A_2079 = arith.constant 0 : i32
      %dma_wait3A_2080 = arith.constant 0 : i32
      %dma_wait3A_2081 = tpu.memref_slice %arg7[%squeeze3A_898, %dma_wait3A_2079, %dma_wait3A_2080] : memref<125000x8x32xf32, #tpu.memory_space<hbm>> -> memref<1x8x32xf32, #tpu.memory_space<hbm>>
      %dma_wait3A_2082 = tpu.memref_squeeze %dma_wait3A_2081 : memref<1x8x32xf32, #tpu.memory_space<hbm>> -> memref<8x32xf32, #tpu.memory_space<hbm>>
      tpu.wait_dma2 semaphore(%arg20 : memref<!tpu.dma_semaphore, #tpu.memory_space<semaphore_mem>>) src(%dma_wait3A_2082 : memref<8x32xf32, #tpu.memory_space<hbm>>) dst(%dma_wait3A_2078 : memref<8x32xf32, #tpu.memory_space<vmem>>)
      %dma_wait3A_2083 = arith.constant 21 : i32
      %dma_wait3A_2084 = arith.constant 0 : i32
      %dma_wait3A_2085 = arith.constant 0 : i32
      %dma_wait3A_2086 = tpu.memref_slice %arg18[%dma_wait3A_2083, %dma_wait3A_2084, %dma_wait3A_2085] : memref<32x8x32xf32, #tpu.memory_space<vmem>> -> memref<1x8x32xf32, #tpu.memory_space<vmem>>
      %dma_wait3A_2087 = tpu.memref_squeeze %dma_wait3A_2086 : memref<1x8x32xf32, #tpu.memory_space<vmem>> -> memref<8x32xf32, #tpu.memory_space<vmem>>
      %dma_wait3A_2088 = arith.constant 0 : i32
      %dma_wait3A_2089 = arith.constant 0 : i32
      %dma_wait3A_2090 = tpu.memref_slice %arg8[%squeeze3A_917, %dma_wait3A_2088, %dma_wait3A_2089] : memref<125000x8x32xf32, #tpu.memory_space<hbm>> -> memref<1x8x32xf32, #tpu.memory_space<hbm>>
      %dma_wait3A_2091 = tpu.memref_squeeze %dma_wait3A_2090 : memref<1x8x32xf32, #tpu.memory_space<hbm>> -> memref<8x32xf32, #tpu.memory_space<hbm>>
      %dma_wait3A_2092 = arith.constant 0 : i32
      %dma_wait3A_2093 = arith.constant 0 : i32
      %dma_wait3A_2094 = tpu.memref_slice %arg18[%dma_wait3A_2083, %dma_wait3A_2092, %dma_wait3A_2093] : memref<32x8x32xf32, #tpu.memory_space<vmem>> -> memref<1x8x32xf32, #tpu.memory_space<vmem>>
      %dma_wait3A_2095 = tpu.memref_squeeze %dma_wait3A_2094 : memref<1x8x32xf32, #tpu.memory_space<vmem>> -> memref<8x32xf32, #tpu.memory_space<vmem>>
      %dma_wait3A_2096 = arith.constant 0 : i32
      %dma_wait3A_2097 = arith.constant 0 : i32
      %dma_wait3A_2098 = tpu.memref_slice %arg8[%squeeze3A_917, %dma_wait3A_2096, %dma_wait3A_2097] : memref<125000x8x32xf32, #tpu.memory_space<hbm>> -> memref<1x8x32xf32, #tpu.memory_space<hbm>>
      %dma_wait3A_2099 = tpu.memref_squeeze %dma_wait3A_2098 : memref<1x8x32xf32, #tpu.memory_space<hbm>> -> memref<8x32xf32, #tpu.memory_space<hbm>>
      tpu.wait_dma2 semaphore(%arg20 : memref<!tpu.dma_semaphore, #tpu.memory_space<semaphore_mem>>) src(%dma_wait3A_2099 : memref<8x32xf32, #tpu.memory_space<hbm>>) dst(%dma_wait3A_2095 : memref<8x32xf32, #tpu.memory_space<vmem>>)
      %dma_wait3A_2100 = arith.constant 22 : i32
      %dma_wait3A_2101 = arith.constant 0 : i32
      %dma_wait3A_2102 = arith.constant 0 : i32
      %dma_wait3A_2103 = tpu.memref_slice %arg17[%dma_wait3A_2100, %dma_wait3A_2101, %dma_wait3A_2102] : memref<32x8x32xf32, #tpu.memory_space<vmem>> -> memref<1x8x32xf32, #tpu.memory_space<vmem>>
      %dma_wait3A_2104 = tpu.memref_squeeze %dma_wait3A_2103 : memref<1x8x32xf32, #tpu.memory_space<vmem>> -> memref<8x32xf32, #tpu.memory_space<vmem>>
      %dma_wait3A_2105 = arith.constant 0 : i32
      %dma_wait3A_2106 = arith.constant 0 : i32
      %dma_wait3A_2107 = tpu.memref_slice %arg7[%squeeze3A_936, %dma_wait3A_2105, %dma_wait3A_2106] : memref<125000x8x32xf32, #tpu.memory_space<hbm>> -> memref<1x8x32xf32, #tpu.memory_space<hbm>>
      %dma_wait3A_2108 = tpu.memref_squeeze %dma_wait3A_2107 : memref<1x8x32xf32, #tpu.memory_space<hbm>> -> memref<8x32xf32, #tpu.memory_space<hbm>>
      %dma_wait3A_2109 = arith.constant 0 : i32
      %dma_wait3A_2110 = arith.constant 0 : i32
      %dma_wait3A_2111 = tpu.memref_slice %arg17[%dma_wait3A_2100, %dma_wait3A_2109, %dma_wait3A_2110] : memref<32x8x32xf32, #tpu.memory_space<vmem>> -> memref<1x8x32xf32, #tpu.memory_space<vmem>>
      %dma_wait3A_2112 = tpu.memref_squeeze %dma_wait3A_2111 : memref<1x8x32xf32, #tpu.memory_space<vmem>> -> memref<8x32xf32, #tpu.memory_space<vmem>>
      %dma_wait3A_2113 = arith.constant 0 : i32
      %dma_wait3A_2114 = arith.constant 0 : i32
      %dma_wait3A_2115 = tpu.memref_slice %arg7[%squeeze3A_936, %dma_wait3A_2113, %dma_wait3A_2114] : memref<125000x8x32xf32, #tpu.memory_space<hbm>> -> memref<1x8x32xf32, #tpu.memory_space<hbm>>
      %dma_wait3A_2116 = tpu.memref_squeeze %dma_wait3A_2115 : memref<1x8x32xf32, #tpu.memory_space<hbm>> -> memref<8x32xf32, #tpu.memory_space<hbm>>
      tpu.wait_dma2 semaphore(%arg20 : memref<!tpu.dma_semaphore, #tpu.memory_space<semaphore_mem>>) src(%dma_wait3A_2116 : memref<8x32xf32, #tpu.memory_space<hbm>>) dst(%dma_wait3A_2112 : memref<8x32xf32, #tpu.memory_space<vmem>>)
      %dma_wait3A_2117 = arith.constant 22 : i32
      %dma_wait3A_2118 = arith.constant 0 : i32
      %dma_wait3A_2119 = arith.constant 0 : i32
      %dma_wait3A_2120 = tpu.memref_slice %arg18[%dma_wait3A_2117, %dma_wait3A_2118, %dma_wait3A_2119] : memref<32x8x32xf32, #tpu.memory_space<vmem>> -> memref<1x8x32xf32, #tpu.memory_space<vmem>>
      %dma_wait3A_2121 = tpu.memref_squeeze %dma_wait3A_2120 : memref<1x8x32xf32, #tpu.memory_space<vmem>> -> memref<8x32xf32, #tpu.memory_space<vmem>>
      %dma_wait3A_2122 = arith.constant 0 : i32
      %dma_wait3A_2123 = arith.constant 0 : i32
      %dma_wait3A_2124 = tpu.memref_slice %arg8[%squeeze3A_955, %dma_wait3A_2122, %dma_wait3A_2123] : memref<125000x8x32xf32, #tpu.memory_space<hbm>> -> memref<1x8x32xf32, #tpu.memory_space<hbm>>
      %dma_wait3A_2125 = tpu.memref_squeeze %dma_wait3A_2124 : memref<1x8x32xf32, #tpu.memory_space<hbm>> -> memref<8x32xf32, #tpu.memory_space<hbm>>
      %dma_wait3A_2126 = arith.constant 0 : i32
      %dma_wait3A_2127 = arith.constant 0 : i32
      %dma_wait3A_2128 = tpu.memref_slice %arg18[%dma_wait3A_2117, %dma_wait3A_2126, %dma_wait3A_2127] : memref<32x8x32xf32, #tpu.memory_space<vmem>> -> memref<1x8x32xf32, #tpu.memory_space<vmem>>
      %dma_wait3A_2129 = tpu.memref_squeeze %dma_wait3A_2128 : memref<1x8x32xf32, #tpu.memory_space<vmem>> -> memref<8x32xf32, #tpu.memory_space<vmem>>
      %dma_wait3A_2130 = arith.constant 0 : i32
      %dma_wait3A_2131 = arith.constant 0 : i32
      %dma_wait3A_2132 = tpu.memref_slice %arg8[%squeeze3A_955, %dma_wait3A_2130, %dma_wait3A_2131] : memref<125000x8x32xf32, #tpu.memory_space<hbm>> -> memref<1x8x32xf32, #tpu.memory_space<hbm>>
      %dma_wait3A_2133 = tpu.memref_squeeze %dma_wait3A_2132 : memref<1x8x32xf32, #tpu.memory_space<hbm>> -> memref<8x32xf32, #tpu.memory_space<hbm>>
      tpu.wait_dma2 semaphore(%arg20 : memref<!tpu.dma_semaphore, #tpu.memory_space<semaphore_mem>>) src(%dma_wait3A_2133 : memref<8x32xf32, #tpu.memory_space<hbm>>) dst(%dma_wait3A_2129 : memref<8x32xf32, #tpu.memory_space<vmem>>)
      %dma_wait3A_2134 = arith.constant 23 : i32
      %dma_wait3A_2135 = arith.constant 0 : i32
      %dma_wait3A_2136 = arith.constant 0 : i32
      %dma_wait3A_2137 = tpu.memref_slice %arg17[%dma_wait3A_2134, %dma_wait3A_2135, %dma_wait3A_2136] : memref<32x8x32xf32, #tpu.memory_space<vmem>> -> memref<1x8x32xf32, #tpu.memory_space<vmem>>
      %dma_wait3A_2138 = tpu.memref_squeeze %dma_wait3A_2137 : memref<1x8x32xf32, #tpu.memory_space<vmem>> -> memref<8x32xf32, #tpu.memory_space<vmem>>
      %dma_wait3A_2139 = arith.constant 0 : i32
      %dma_wait3A_2140 = arith.constant 0 : i32
      %dma_wait3A_2141 = tpu.memref_slice %arg7[%squeeze3A_974, %dma_wait3A_2139, %dma_wait3A_2140] : memref<125000x8x32xf32, #tpu.memory_space<hbm>> -> memref<1x8x32xf32, #tpu.memory_space<hbm>>
      %dma_wait3A_2142 = tpu.memref_squeeze %dma_wait3A_2141 : memref<1x8x32xf32, #tpu.memory_space<hbm>> -> memref<8x32xf32, #tpu.memory_space<hbm>>
      %dma_wait3A_2143 = arith.constant 0 : i32
      %dma_wait3A_2144 = arith.constant 0 : i32
      %dma_wait3A_2145 = tpu.memref_slice %arg17[%dma_wait3A_2134, %dma_wait3A_2143, %dma_wait3A_2144] : memref<32x8x32xf32, #tpu.memory_space<vmem>> -> memref<1x8x32xf32, #tpu.memory_space<vmem>>
      %dma_wait3A_2146 = tpu.memref_squeeze %dma_wait3A_2145 : memref<1x8x32xf32, #tpu.memory_space<vmem>> -> memref<8x32xf32, #tpu.memory_space<vmem>>
      %dma_wait3A_2147 = arith.constant 0 : i32
      %dma_wait3A_2148 = arith.constant 0 : i32
      %dma_wait3A_2149 = tpu.memref_slice %arg7[%squeeze3A_974, %dma_wait3A_2147, %dma_wait3A_2148] : memref<125000x8x32xf32, #tpu.memory_space<hbm>> -> memref<1x8x32xf32, #tpu.memory_space<hbm>>
      %dma_wait3A_2150 = tpu.memref_squeeze %dma_wait3A_2149 : memref<1x8x32xf32, #tpu.memory_space<hbm>> -> memref<8x32xf32, #tpu.memory_space<hbm>>
      tpu.wait_dma2 semaphore(%arg20 : memref<!tpu.dma_semaphore, #tpu.memory_space<semaphore_mem>>) src(%dma_wait3A_2150 : memref<8x32xf32, #tpu.memory_space<hbm>>) dst(%dma_wait3A_2146 : memref<8x32xf32, #tpu.memory_space<vmem>>)
      %dma_wait3A_2151 = arith.constant 23 : i32
      %dma_wait3A_2152 = arith.constant 0 : i32
      %dma_wait3A_2153 = arith.constant 0 : i32
      %dma_wait3A_2154 = tpu.memref_slice %arg18[%dma_wait3A_2151, %dma_wait3A_2152, %dma_wait3A_2153] : memref<32x8x32xf32, #tpu.memory_space<vmem>> -> memref<1x8x32xf32, #tpu.memory_space<vmem>>
      %dma_wait3A_2155 = tpu.memref_squeeze %dma_wait3A_2154 : memref<1x8x32xf32, #tpu.memory_space<vmem>> -> memref<8x32xf32, #tpu.memory_space<vmem>>
      %dma_wait3A_2156 = arith.constant 0 : i32
      %dma_wait3A_2157 = arith.constant 0 : i32
      %dma_wait3A_2158 = tpu.memref_slice %arg8[%squeeze3A_993, %dma_wait3A_2156, %dma_wait3A_2157] : memref<125000x8x32xf32, #tpu.memory_space<hbm>> -> memref<1x8x32xf32, #tpu.memory_space<hbm>>
      %dma_wait3A_2159 = tpu.memref_squeeze %dma_wait3A_2158 : memref<1x8x32xf32, #tpu.memory_space<hbm>> -> memref<8x32xf32, #tpu.memory_space<hbm>>
      %dma_wait3A_2160 = arith.constant 0 : i32
      %dma_wait3A_2161 = arith.constant 0 : i32
      %dma_wait3A_2162 = tpu.memref_slice %arg18[%dma_wait3A_2151, %dma_wait3A_2160, %dma_wait3A_2161] : memref<32x8x32xf32, #tpu.memory_space<vmem>> -> memref<1x8x32xf32, #tpu.memory_space<vmem>>
      %dma_wait3A_2163 = tpu.memref_squeeze %dma_wait3A_2162 : memref<1x8x32xf32, #tpu.memory_space<vmem>> -> memref<8x32xf32, #tpu.memory_space<vmem>>
      %dma_wait3A_2164 = arith.constant 0 : i32
      %dma_wait3A_2165 = arith.constant 0 : i32
      %dma_wait3A_2166 = tpu.memref_slice %arg8[%squeeze3A_993, %dma_wait3A_2164, %dma_wait3A_2165] : memref<125000x8x32xf32, #tpu.memory_space<hbm>> -> memref<1x8x32xf32, #tpu.memory_space<hbm>>
      %dma_wait3A_2167 = tpu.memref_squeeze %dma_wait3A_2166 : memref<1x8x32xf32, #tpu.memory_space<hbm>> -> memref<8x32xf32, #tpu.memory_space<hbm>>
      tpu.wait_dma2 semaphore(%arg20 : memref<!tpu.dma_semaphore, #tpu.memory_space<semaphore_mem>>) src(%dma_wait3A_2167 : memref<8x32xf32, #tpu.memory_space<hbm>>) dst(%dma_wait3A_2163 : memref<8x32xf32, #tpu.memory_space<vmem>>)
      %dma_wait3A_2168 = arith.constant 24 : i32
      %dma_wait3A_2169 = arith.constant 0 : i32
      %dma_wait3A_2170 = arith.constant 0 : i32
      %dma_wait3A_2171 = tpu.memref_slice %arg17[%dma_wait3A_2168, %dma_wait3A_2169, %dma_wait3A_2170] : memref<32x8x32xf32, #tpu.memory_space<vmem>> -> memref<1x8x32xf32, #tpu.memory_space<vmem>>
      %dma_wait3A_2172 = tpu.memref_squeeze %dma_wait3A_2171 : memref<1x8x32xf32, #tpu.memory_space<vmem>> -> memref<8x32xf32, #tpu.memory_space<vmem>>
      %dma_wait3A_2173 = arith.constant 0 : i32
      %dma_wait3A_2174 = arith.constant 0 : i32
      %dma_wait3A_2175 = tpu.memref_slice %arg7[%squeeze3A_1012, %dma_wait3A_2173, %dma_wait3A_2174] : memref<125000x8x32xf32, #tpu.memory_space<hbm>> -> memref<1x8x32xf32, #tpu.memory_space<hbm>>
      %dma_wait3A_2176 = tpu.memref_squeeze %dma_wait3A_2175 : memref<1x8x32xf32, #tpu.memory_space<hbm>> -> memref<8x32xf32, #tpu.memory_space<hbm>>
      %dma_wait3A_2177 = arith.constant 0 : i32
      %dma_wait3A_2178 = arith.constant 0 : i32
      %dma_wait3A_2179 = tpu.memref_slice %arg17[%dma_wait3A_2168, %dma_wait3A_2177, %dma_wait3A_2178] : memref<32x8x32xf32, #tpu.memory_space<vmem>> -> memref<1x8x32xf32, #tpu.memory_space<vmem>>
      %dma_wait3A_2180 = tpu.memref_squeeze %dma_wait3A_2179 : memref<1x8x32xf32, #tpu.memory_space<vmem>> -> memref<8x32xf32, #tpu.memory_space<vmem>>
      %dma_wait3A_2181 = arith.constant 0 : i32
      %dma_wait3A_2182 = arith.constant 0 : i32
      %dma_wait3A_2183 = tpu.memref_slice %arg7[%squeeze3A_1012, %dma_wait3A_2181, %dma_wait3A_2182] : memref<125000x8x32xf32, #tpu.memory_space<hbm>> -> memref<1x8x32xf32, #tpu.memory_space<hbm>>
      %dma_wait3A_2184 = tpu.memref_squeeze %dma_wait3A_2183 : memref<1x8x32xf32, #tpu.memory_space<hbm>> -> memref<8x32xf32, #tpu.memory_space<hbm>>
      tpu.wait_dma2 semaphore(%arg20 : memref<!tpu.dma_semaphore, #tpu.memory_space<semaphore_mem>>) src(%dma_wait3A_2184 : memref<8x32xf32, #tpu.memory_space<hbm>>) dst(%dma_wait3A_2180 : memref<8x32xf32, #tpu.memory_space<vmem>>)
      %dma_wait3A_2185 = arith.constant 24 : i32
      %dma_wait3A_2186 = arith.constant 0 : i32
      %dma_wait3A_2187 = arith.constant 0 : i32
      %dma_wait3A_2188 = tpu.memref_slice %arg18[%dma_wait3A_2185, %dma_wait3A_2186, %dma_wait3A_2187] : memref<32x8x32xf32, #tpu.memory_space<vmem>> -> memref<1x8x32xf32, #tpu.memory_space<vmem>>
      %dma_wait3A_2189 = tpu.memref_squeeze %dma_wait3A_2188 : memref<1x8x32xf32, #tpu.memory_space<vmem>> -> memref<8x32xf32, #tpu.memory_space<vmem>>
      %dma_wait3A_2190 = arith.constant 0 : i32
      %dma_wait3A_2191 = arith.constant 0 : i32
      %dma_wait3A_2192 = tpu.memref_slice %arg8[%squeeze3A_1031, %dma_wait3A_2190, %dma_wait3A_2191] : memref<125000x8x32xf32, #tpu.memory_space<hbm>> -> memref<1x8x32xf32, #tpu.memory_space<hbm>>
      %dma_wait3A_2193 = tpu.memref_squeeze %dma_wait3A_2192 : memref<1x8x32xf32, #tpu.memory_space<hbm>> -> memref<8x32xf32, #tpu.memory_space<hbm>>
      %dma_wait3A_2194 = arith.constant 0 : i32
      %dma_wait3A_2195 = arith.constant 0 : i32
      %dma_wait3A_2196 = tpu.memref_slice %arg18[%dma_wait3A_2185, %dma_wait3A_2194, %dma_wait3A_2195] : memref<32x8x32xf32, #tpu.memory_space<vmem>> -> memref<1x8x32xf32, #tpu.memory_space<vmem>>
      %dma_wait3A_2197 = tpu.memref_squeeze %dma_wait3A_2196 : memref<1x8x32xf32, #tpu.memory_space<vmem>> -> memref<8x32xf32, #tpu.memory_space<vmem>>
      %dma_wait3A_2198 = arith.constant 0 : i32
      %dma_wait3A_2199 = arith.constant 0 : i32
      %dma_wait3A_2200 = tpu.memref_slice %arg8[%squeeze3A_1031, %dma_wait3A_2198, %dma_wait3A_2199] : memref<125000x8x32xf32, #tpu.memory_space<hbm>> -> memref<1x8x32xf32, #tpu.memory_space<hbm>>
      %dma_wait3A_2201 = tpu.memref_squeeze %dma_wait3A_2200 : memref<1x8x32xf32, #tpu.memory_space<hbm>> -> memref<8x32xf32, #tpu.memory_space<hbm>>
      tpu.wait_dma2 semaphore(%arg20 : memref<!tpu.dma_semaphore, #tpu.memory_space<semaphore_mem>>) src(%dma_wait3A_2201 : memref<8x32xf32, #tpu.memory_space<hbm>>) dst(%dma_wait3A_2197 : memref<8x32xf32, #tpu.memory_space<vmem>>)
      %dma_wait3A_2202 = arith.constant 25 : i32
      %dma_wait3A_2203 = arith.constant 0 : i32
      %dma_wait3A_2204 = arith.constant 0 : i32
      %dma_wait3A_2205 = tpu.memref_slice %arg17[%dma_wait3A_2202, %dma_wait3A_2203, %dma_wait3A_2204] : memref<32x8x32xf32, #tpu.memory_space<vmem>> -> memref<1x8x32xf32, #tpu.memory_space<vmem>>
      %dma_wait3A_2206 = tpu.memref_squeeze %dma_wait3A_2205 : memref<1x8x32xf32, #tpu.memory_space<vmem>> -> memref<8x32xf32, #tpu.memory_space<vmem>>
      %dma_wait3A_2207 = arith.constant 0 : i32
      %dma_wait3A_2208 = arith.constant 0 : i32
      %dma_wait3A_2209 = tpu.memref_slice %arg7[%squeeze3A_1050, %dma_wait3A_2207, %dma_wait3A_2208] : memref<125000x8x32xf32, #tpu.memory_space<hbm>> -> memref<1x8x32xf32, #tpu.memory_space<hbm>>
      %dma_wait3A_2210 = tpu.memref_squeeze %dma_wait3A_2209 : memref<1x8x32xf32, #tpu.memory_space<hbm>> -> memref<8x32xf32, #tpu.memory_space<hbm>>
      %dma_wait3A_2211 = arith.constant 0 : i32
      %dma_wait3A_2212 = arith.constant 0 : i32
      %dma_wait3A_2213 = tpu.memref_slice %arg17[%dma_wait3A_2202, %dma_wait3A_2211, %dma_wait3A_2212] : memref<32x8x32xf32, #tpu.memory_space<vmem>> -> memref<1x8x32xf32, #tpu.memory_space<vmem>>
      %dma_wait3A_2214 = tpu.memref_squeeze %dma_wait3A_2213 : memref<1x8x32xf32, #tpu.memory_space<vmem>> -> memref<8x32xf32, #tpu.memory_space<vmem>>
      %dma_wait3A_2215 = arith.constant 0 : i32
      %dma_wait3A_2216 = arith.constant 0 : i32
      %dma_wait3A_2217 = tpu.memref_slice %arg7[%squeeze3A_1050, %dma_wait3A_2215, %dma_wait3A_2216] : memref<125000x8x32xf32, #tpu.memory_space<hbm>> -> memref<1x8x32xf32, #tpu.memory_space<hbm>>
      %dma_wait3A_2218 = tpu.memref_squeeze %dma_wait3A_2217 : memref<1x8x32xf32, #tpu.memory_space<hbm>> -> memref<8x32xf32, #tpu.memory_space<hbm>>
      tpu.wait_dma2 semaphore(%arg20 : memref<!tpu.dma_semaphore, #tpu.memory_space<semaphore_mem>>) src(%dma_wait3A_2218 : memref<8x32xf32, #tpu.memory_space<hbm>>) dst(%dma_wait3A_2214 : memref<8x32xf32, #tpu.memory_space<vmem>>)
      %dma_wait3A_2219 = arith.constant 25 : i32
      %dma_wait3A_2220 = arith.constant 0 : i32
      %dma_wait3A_2221 = arith.constant 0 : i32
      %dma_wait3A_2222 = tpu.memref_slice %arg18[%dma_wait3A_2219, %dma_wait3A_2220, %dma_wait3A_2221] : memref<32x8x32xf32, #tpu.memory_space<vmem>> -> memref<1x8x32xf32, #tpu.memory_space<vmem>>
      %dma_wait3A_2223 = tpu.memref_squeeze %dma_wait3A_2222 : memref<1x8x32xf32, #tpu.memory_space<vmem>> -> memref<8x32xf32, #tpu.memory_space<vmem>>
      %dma_wait3A_2224 = arith.constant 0 : i32
      %dma_wait3A_2225 = arith.constant 0 : i32
      %dma_wait3A_2226 = tpu.memref_slice %arg8[%squeeze3A_1069, %dma_wait3A_2224, %dma_wait3A_2225] : memref<125000x8x32xf32, #tpu.memory_space<hbm>> -> memref<1x8x32xf32, #tpu.memory_space<hbm>>
      %dma_wait3A_2227 = tpu.memref_squeeze %dma_wait3A_2226 : memref<1x8x32xf32, #tpu.memory_space<hbm>> -> memref<8x32xf32, #tpu.memory_space<hbm>>
      %dma_wait3A_2228 = arith.constant 0 : i32
      %dma_wait3A_2229 = arith.constant 0 : i32
      %dma_wait3A_2230 = tpu.memref_slice %arg18[%dma_wait3A_2219, %dma_wait3A_2228, %dma_wait3A_2229] : memref<32x8x32xf32, #tpu.memory_space<vmem>> -> memref<1x8x32xf32, #tpu.memory_space<vmem>>
      %dma_wait3A_2231 = tpu.memref_squeeze %dma_wait3A_2230 : memref<1x8x32xf32, #tpu.memory_space<vmem>> -> memref<8x32xf32, #tpu.memory_space<vmem>>
      %dma_wait3A_2232 = arith.constant 0 : i32
      %dma_wait3A_2233 = arith.constant 0 : i32
      %dma_wait3A_2234 = tpu.memref_slice %arg8[%squeeze3A_1069, %dma_wait3A_2232, %dma_wait3A_2233] : memref<125000x8x32xf32, #tpu.memory_space<hbm>> -> memref<1x8x32xf32, #tpu.memory_space<hbm>>
      %dma_wait3A_2235 = tpu.memref_squeeze %dma_wait3A_2234 : memref<1x8x32xf32, #tpu.memory_space<hbm>> -> memref<8x32xf32, #tpu.memory_space<hbm>>
      tpu.wait_dma2 semaphore(%arg20 : memref<!tpu.dma_semaphore, #tpu.memory_space<semaphore_mem>>) src(%dma_wait3A_2235 : memref<8x32xf32, #tpu.memory_space<hbm>>) dst(%dma_wait3A_2231 : memref<8x32xf32, #tpu.memory_space<vmem>>)
      %dma_wait3A_2236 = arith.constant 26 : i32
      %dma_wait3A_2237 = arith.constant 0 : i32
      %dma_wait3A_2238 = arith.constant 0 : i32
      %dma_wait3A_2239 = tpu.memref_slice %arg17[%dma_wait3A_2236, %dma_wait3A_2237, %dma_wait3A_2238] : memref<32x8x32xf32, #tpu.memory_space<vmem>> -> memref<1x8x32xf32, #tpu.memory_space<vmem>>
      %dma_wait3A_2240 = tpu.memref_squeeze %dma_wait3A_2239 : memref<1x8x32xf32, #tpu.memory_space<vmem>> -> memref<8x32xf32, #tpu.memory_space<vmem>>
      %dma_wait3A_2241 = arith.constant 0 : i32
      %dma_wait3A_2242 = arith.constant 0 : i32
      %dma_wait3A_2243 = tpu.memref_slice %arg7[%squeeze3A_1088, %dma_wait3A_2241, %dma_wait3A_2242] : memref<125000x8x32xf32, #tpu.memory_space<hbm>> -> memref<1x8x32xf32, #tpu.memory_space<hbm>>
      %dma_wait3A_2244 = tpu.memref_squeeze %dma_wait3A_2243 : memref<1x8x32xf32, #tpu.memory_space<hbm>> -> memref<8x32xf32, #tpu.memory_space<hbm>>
      %dma_wait3A_2245 = arith.constant 0 : i32
      %dma_wait3A_2246 = arith.constant 0 : i32
      %dma_wait3A_2247 = tpu.memref_slice %arg17[%dma_wait3A_2236, %dma_wait3A_2245, %dma_wait3A_2246] : memref<32x8x32xf32, #tpu.memory_space<vmem>> -> memref<1x8x32xf32, #tpu.memory_space<vmem>>
      %dma_wait3A_2248 = tpu.memref_squeeze %dma_wait3A_2247 : memref<1x8x32xf32, #tpu.memory_space<vmem>> -> memref<8x32xf32, #tpu.memory_space<vmem>>
      %dma_wait3A_2249 = arith.constant 0 : i32
      %dma_wait3A_2250 = arith.constant 0 : i32
      %dma_wait3A_2251 = tpu.memref_slice %arg7[%squeeze3A_1088, %dma_wait3A_2249, %dma_wait3A_2250] : memref<125000x8x32xf32, #tpu.memory_space<hbm>> -> memref<1x8x32xf32, #tpu.memory_space<hbm>>
      %dma_wait3A_2252 = tpu.memref_squeeze %dma_wait3A_2251 : memref<1x8x32xf32, #tpu.memory_space<hbm>> -> memref<8x32xf32, #tpu.memory_space<hbm>>
      tpu.wait_dma2 semaphore(%arg20 : memref<!tpu.dma_semaphore, #tpu.memory_space<semaphore_mem>>) src(%dma_wait3A_2252 : memref<8x32xf32, #tpu.memory_space<hbm>>) dst(%dma_wait3A_2248 : memref<8x32xf32, #tpu.memory_space<vmem>>)
      %dma_wait3A_2253 = arith.constant 26 : i32
      %dma_wait3A_2254 = arith.constant 0 : i32
      %dma_wait3A_2255 = arith.constant 0 : i32
      %dma_wait3A_2256 = tpu.memref_slice %arg18[%dma_wait3A_2253, %dma_wait3A_2254, %dma_wait3A_2255] : memref<32x8x32xf32, #tpu.memory_space<vmem>> -> memref<1x8x32xf32, #tpu.memory_space<vmem>>
      %dma_wait3A_2257 = tpu.memref_squeeze %dma_wait3A_2256 : memref<1x8x32xf32, #tpu.memory_space<vmem>> -> memref<8x32xf32, #tpu.memory_space<vmem>>
      %dma_wait3A_2258 = arith.constant 0 : i32
      %dma_wait3A_2259 = arith.constant 0 : i32
      %dma_wait3A_2260 = tpu.memref_slice %arg8[%squeeze3A_1107, %dma_wait3A_2258, %dma_wait3A_2259] : memref<125000x8x32xf32, #tpu.memory_space<hbm>> -> memref<1x8x32xf32, #tpu.memory_space<hbm>>
      %dma_wait3A_2261 = tpu.memref_squeeze %dma_wait3A_2260 : memref<1x8x32xf32, #tpu.memory_space<hbm>> -> memref<8x32xf32, #tpu.memory_space<hbm>>
      %dma_wait3A_2262 = arith.constant 0 : i32
      %dma_wait3A_2263 = arith.constant 0 : i32
      %dma_wait3A_2264 = tpu.memref_slice %arg18[%dma_wait3A_2253, %dma_wait3A_2262, %dma_wait3A_2263] : memref<32x8x32xf32, #tpu.memory_space<vmem>> -> memref<1x8x32xf32, #tpu.memory_space<vmem>>
      %dma_wait3A_2265 = tpu.memref_squeeze %dma_wait3A_2264 : memref<1x8x32xf32, #tpu.memory_space<vmem>> -> memref<8x32xf32, #tpu.memory_space<vmem>>
      %dma_wait3A_2266 = arith.constant 0 : i32
      %dma_wait3A_2267 = arith.constant 0 : i32
      %dma_wait3A_2268 = tpu.memref_slice %arg8[%squeeze3A_1107, %dma_wait3A_2266, %dma_wait3A_2267] : memref<125000x8x32xf32, #tpu.memory_space<hbm>> -> memref<1x8x32xf32, #tpu.memory_space<hbm>>
      %dma_wait3A_2269 = tpu.memref_squeeze %dma_wait3A_2268 : memref<1x8x32xf32, #tpu.memory_space<hbm>> -> memref<8x32xf32, #tpu.memory_space<hbm>>
      tpu.wait_dma2 semaphore(%arg20 : memref<!tpu.dma_semaphore, #tpu.memory_space<semaphore_mem>>) src(%dma_wait3A_2269 : memref<8x32xf32, #tpu.memory_space<hbm>>) dst(%dma_wait3A_2265 : memref<8x32xf32, #tpu.memory_space<vmem>>)
      %dma_wait3A_2270 = arith.constant 27 : i32
      %dma_wait3A_2271 = arith.constant 0 : i32
      %dma_wait3A_2272 = arith.constant 0 : i32
      %dma_wait3A_2273 = tpu.memref_slice %arg17[%dma_wait3A_2270, %dma_wait3A_2271, %dma_wait3A_2272] : memref<32x8x32xf32, #tpu.memory_space<vmem>> -> memref<1x8x32xf32, #tpu.memory_space<vmem>>
      %dma_wait3A_2274 = tpu.memref_squeeze %dma_wait3A_2273 : memref<1x8x32xf32, #tpu.memory_space<vmem>> -> memref<8x32xf32, #tpu.memory_space<vmem>>
      %dma_wait3A_2275 = arith.constant 0 : i32
      %dma_wait3A_2276 = arith.constant 0 : i32
      %dma_wait3A_2277 = tpu.memref_slice %arg7[%squeeze3A_1126, %dma_wait3A_2275, %dma_wait3A_2276] : memref<125000x8x32xf32, #tpu.memory_space<hbm>> -> memref<1x8x32xf32, #tpu.memory_space<hbm>>
      %dma_wait3A_2278 = tpu.memref_squeeze %dma_wait3A_2277 : memref<1x8x32xf32, #tpu.memory_space<hbm>> -> memref<8x32xf32, #tpu.memory_space<hbm>>
      %dma_wait3A_2279 = arith.constant 0 : i32
      %dma_wait3A_2280 = arith.constant 0 : i32
      %dma_wait3A_2281 = tpu.memref_slice %arg17[%dma_wait3A_2270, %dma_wait3A_2279, %dma_wait3A_2280] : memref<32x8x32xf32, #tpu.memory_space<vmem>> -> memref<1x8x32xf32, #tpu.memory_space<vmem>>
      %dma_wait3A_2282 = tpu.memref_squeeze %dma_wait3A_2281 : memref<1x8x32xf32, #tpu.memory_space<vmem>> -> memref<8x32xf32, #tpu.memory_space<vmem>>
      %dma_wait3A_2283 = arith.constant 0 : i32
      %dma_wait3A_2284 = arith.constant 0 : i32
      %dma_wait3A_2285 = tpu.memref_slice %arg7[%squeeze3A_1126, %dma_wait3A_2283, %dma_wait3A_2284] : memref<125000x8x32xf32, #tpu.memory_space<hbm>> -> memref<1x8x32xf32, #tpu.memory_space<hbm>>
      %dma_wait3A_2286 = tpu.memref_squeeze %dma_wait3A_2285 : memref<1x8x32xf32, #tpu.memory_space<hbm>> -> memref<8x32xf32, #tpu.memory_space<hbm>>
      tpu.wait_dma2 semaphore(%arg20 : memref<!tpu.dma_semaphore, #tpu.memory_space<semaphore_mem>>) src(%dma_wait3A_2286 : memref<8x32xf32, #tpu.memory_space<hbm>>) dst(%dma_wait3A_2282 : memref<8x32xf32, #tpu.memory_space<vmem>>)
      %dma_wait3A_2287 = arith.constant 27 : i32
      %dma_wait3A_2288 = arith.constant 0 : i32
      %dma_wait3A_2289 = arith.constant 0 : i32
      %dma_wait3A_2290 = tpu.memref_slice %arg18[%dma_wait3A_2287, %dma_wait3A_2288, %dma_wait3A_2289] : memref<32x8x32xf32, #tpu.memory_space<vmem>> -> memref<1x8x32xf32, #tpu.memory_space<vmem>>
      %dma_wait3A_2291 = tpu.memref_squeeze %dma_wait3A_2290 : memref<1x8x32xf32, #tpu.memory_space<vmem>> -> memref<8x32xf32, #tpu.memory_space<vmem>>
      %dma_wait3A_2292 = arith.constant 0 : i32
      %dma_wait3A_2293 = arith.constant 0 : i32
      %dma_wait3A_2294 = tpu.memref_slice %arg8[%squeeze3A_1145, %dma_wait3A_2292, %dma_wait3A_2293] : memref<125000x8x32xf32, #tpu.memory_space<hbm>> -> memref<1x8x32xf32, #tpu.memory_space<hbm>>
      %dma_wait3A_2295 = tpu.memref_squeeze %dma_wait3A_2294 : memref<1x8x32xf32, #tpu.memory_space<hbm>> -> memref<8x32xf32, #tpu.memory_space<hbm>>
      %dma_wait3A_2296 = arith.constant 0 : i32
      %dma_wait3A_2297 = arith.constant 0 : i32
      %dma_wait3A_2298 = tpu.memref_slice %arg18[%dma_wait3A_2287, %dma_wait3A_2296, %dma_wait3A_2297] : memref<32x8x32xf32, #tpu.memory_space<vmem>> -> memref<1x8x32xf32, #tpu.memory_space<vmem>>
      %dma_wait3A_2299 = tpu.memref_squeeze %dma_wait3A_2298 : memref<1x8x32xf32, #tpu.memory_space<vmem>> -> memref<8x32xf32, #tpu.memory_space<vmem>>
      %dma_wait3A_2300 = arith.constant 0 : i32
      %dma_wait3A_2301 = arith.constant 0 : i32
      %dma_wait3A_2302 = tpu.memref_slice %arg8[%squeeze3A_1145, %dma_wait3A_2300, %dma_wait3A_2301] : memref<125000x8x32xf32, #tpu.memory_space<hbm>> -> memref<1x8x32xf32, #tpu.memory_space<hbm>>
      %dma_wait3A_2303 = tpu.memref_squeeze %dma_wait3A_2302 : memref<1x8x32xf32, #tpu.memory_space<hbm>> -> memref<8x32xf32, #tpu.memory_space<hbm>>
      tpu.wait_dma2 semaphore(%arg20 : memref<!tpu.dma_semaphore, #tpu.memory_space<semaphore_mem>>) src(%dma_wait3A_2303 : memref<8x32xf32, #tpu.memory_space<hbm>>) dst(%dma_wait3A_2299 : memref<8x32xf32, #tpu.memory_space<vmem>>)
      %dma_wait3A_2304 = arith.constant 28 : i32
      %dma_wait3A_2305 = arith.constant 0 : i32
      %dma_wait3A_2306 = arith.constant 0 : i32
      %dma_wait3A_2307 = tpu.memref_slice %arg17[%dma_wait3A_2304, %dma_wait3A_2305, %dma_wait3A_2306] : memref<32x8x32xf32, #tpu.memory_space<vmem>> -> memref<1x8x32xf32, #tpu.memory_space<vmem>>
      %dma_wait3A_2308 = tpu.memref_squeeze %dma_wait3A_2307 : memref<1x8x32xf32, #tpu.memory_space<vmem>> -> memref<8x32xf32, #tpu.memory_space<vmem>>
      %dma_wait3A_2309 = arith.constant 0 : i32
      %dma_wait3A_2310 = arith.constant 0 : i32
      %dma_wait3A_2311 = tpu.memref_slice %arg7[%squeeze3A_1164, %dma_wait3A_2309, %dma_wait3A_2310] : memref<125000x8x32xf32, #tpu.memory_space<hbm>> -> memref<1x8x32xf32, #tpu.memory_space<hbm>>
      %dma_wait3A_2312 = tpu.memref_squeeze %dma_wait3A_2311 : memref<1x8x32xf32, #tpu.memory_space<hbm>> -> memref<8x32xf32, #tpu.memory_space<hbm>>
      %dma_wait3A_2313 = arith.constant 0 : i32
      %dma_wait3A_2314 = arith.constant 0 : i32
      %dma_wait3A_2315 = tpu.memref_slice %arg17[%dma_wait3A_2304, %dma_wait3A_2313, %dma_wait3A_2314] : memref<32x8x32xf32, #tpu.memory_space<vmem>> -> memref<1x8x32xf32, #tpu.memory_space<vmem>>
      %dma_wait3A_2316 = tpu.memref_squeeze %dma_wait3A_2315 : memref<1x8x32xf32, #tpu.memory_space<vmem>> -> memref<8x32xf32, #tpu.memory_space<vmem>>
      %dma_wait3A_2317 = arith.constant 0 : i32
      %dma_wait3A_2318 = arith.constant 0 : i32
      %dma_wait3A_2319 = tpu.memref_slice %arg7[%squeeze3A_1164, %dma_wait3A_2317, %dma_wait3A_2318] : memref<125000x8x32xf32, #tpu.memory_space<hbm>> -> memref<1x8x32xf32, #tpu.memory_space<hbm>>
      %dma_wait3A_2320 = tpu.memref_squeeze %dma_wait3A_2319 : memref<1x8x32xf32, #tpu.memory_space<hbm>> -> memref<8x32xf32, #tpu.memory_space<hbm>>
      tpu.wait_dma2 semaphore(%arg20 : memref<!tpu.dma_semaphore, #tpu.memory_space<semaphore_mem>>) src(%dma_wait3A_2320 : memref<8x32xf32, #tpu.memory_space<hbm>>) dst(%dma_wait3A_2316 : memref<8x32xf32, #tpu.memory_space<vmem>>)
      %dma_wait3A_2321 = arith.constant 28 : i32
      %dma_wait3A_2322 = arith.constant 0 : i32
      %dma_wait3A_2323 = arith.constant 0 : i32
      %dma_wait3A_2324 = tpu.memref_slice %arg18[%dma_wait3A_2321, %dma_wait3A_2322, %dma_wait3A_2323] : memref<32x8x32xf32, #tpu.memory_space<vmem>> -> memref<1x8x32xf32, #tpu.memory_space<vmem>>
      %dma_wait3A_2325 = tpu.memref_squeeze %dma_wait3A_2324 : memref<1x8x32xf32, #tpu.memory_space<vmem>> -> memref<8x32xf32, #tpu.memory_space<vmem>>
      %dma_wait3A_2326 = arith.constant 0 : i32
      %dma_wait3A_2327 = arith.constant 0 : i32
      %dma_wait3A_2328 = tpu.memref_slice %arg8[%squeeze3A_1183, %dma_wait3A_2326, %dma_wait3A_2327] : memref<125000x8x32xf32, #tpu.memory_space<hbm>> -> memref<1x8x32xf32, #tpu.memory_space<hbm>>
      %dma_wait3A_2329 = tpu.memref_squeeze %dma_wait3A_2328 : memref<1x8x32xf32, #tpu.memory_space<hbm>> -> memref<8x32xf32, #tpu.memory_space<hbm>>
      %dma_wait3A_2330 = arith.constant 0 : i32
      %dma_wait3A_2331 = arith.constant 0 : i32
      %dma_wait3A_2332 = tpu.memref_slice %arg18[%dma_wait3A_2321, %dma_wait3A_2330, %dma_wait3A_2331] : memref<32x8x32xf32, #tpu.memory_space<vmem>> -> memref<1x8x32xf32, #tpu.memory_space<vmem>>
      %dma_wait3A_2333 = tpu.memref_squeeze %dma_wait3A_2332 : memref<1x8x32xf32, #tpu.memory_space<vmem>> -> memref<8x32xf32, #tpu.memory_space<vmem>>
      %dma_wait3A_2334 = arith.constant 0 : i32
      %dma_wait3A_2335 = arith.constant 0 : i32
      %dma_wait3A_2336 = tpu.memref_slice %arg8[%squeeze3A_1183, %dma_wait3A_2334, %dma_wait3A_2335] : memref<125000x8x32xf32, #tpu.memory_space<hbm>> -> memref<1x8x32xf32, #tpu.memory_space<hbm>>
      %dma_wait3A_2337 = tpu.memref_squeeze %dma_wait3A_2336 : memref<1x8x32xf32, #tpu.memory_space<hbm>> -> memref<8x32xf32, #tpu.memory_space<hbm>>
      tpu.wait_dma2 semaphore(%arg20 : memref<!tpu.dma_semaphore, #tpu.memory_space<semaphore_mem>>) src(%dma_wait3A_2337 : memref<8x32xf32, #tpu.memory_space<hbm>>) dst(%dma_wait3A_2333 : memref<8x32xf32, #tpu.memory_space<vmem>>)
      %dma_wait3A_2338 = arith.constant 29 : i32
      %dma_wait3A_2339 = arith.constant 0 : i32
      %dma_wait3A_2340 = arith.constant 0 : i32
      %dma_wait3A_2341 = tpu.memref_slice %arg17[%dma_wait3A_2338, %dma_wait3A_2339, %dma_wait3A_2340] : memref<32x8x32xf32, #tpu.memory_space<vmem>> -> memref<1x8x32xf32, #tpu.memory_space<vmem>>
      %dma_wait3A_2342 = tpu.memref_squeeze %dma_wait3A_2341 : memref<1x8x32xf32, #tpu.memory_space<vmem>> -> memref<8x32xf32, #tpu.memory_space<vmem>>
      %dma_wait3A_2343 = arith.constant 0 : i32
      %dma_wait3A_2344 = arith.constant 0 : i32
      %dma_wait3A_2345 = tpu.memref_slice %arg7[%squeeze3A_1202, %dma_wait3A_2343, %dma_wait3A_2344] : memref<125000x8x32xf32, #tpu.memory_space<hbm>> -> memref<1x8x32xf32, #tpu.memory_space<hbm>>
      %dma_wait3A_2346 = tpu.memref_squeeze %dma_wait3A_2345 : memref<1x8x32xf32, #tpu.memory_space<hbm>> -> memref<8x32xf32, #tpu.memory_space<hbm>>
      %dma_wait3A_2347 = arith.constant 0 : i32
      %dma_wait3A_2348 = arith.constant 0 : i32
      %dma_wait3A_2349 = tpu.memref_slice %arg17[%dma_wait3A_2338, %dma_wait3A_2347, %dma_wait3A_2348] : memref<32x8x32xf32, #tpu.memory_space<vmem>> -> memref<1x8x32xf32, #tpu.memory_space<vmem>>
      %dma_wait3A_2350 = tpu.memref_squeeze %dma_wait3A_2349 : memref<1x8x32xf32, #tpu.memory_space<vmem>> -> memref<8x32xf32, #tpu.memory_space<vmem>>
      %dma_wait3A_2351 = arith.constant 0 : i32
      %dma_wait3A_2352 = arith.constant 0 : i32
      %dma_wait3A_2353 = tpu.memref_slice %arg7[%squeeze3A_1202, %dma_wait3A_2351, %dma_wait3A_2352] : memref<125000x8x32xf32, #tpu.memory_space<hbm>> -> memref<1x8x32xf32, #tpu.memory_space<hbm>>
      %dma_wait3A_2354 = tpu.memref_squeeze %dma_wait3A_2353 : memref<1x8x32xf32, #tpu.memory_space<hbm>> -> memref<8x32xf32, #tpu.memory_space<hbm>>
      tpu.wait_dma2 semaphore(%arg20 : memref<!tpu.dma_semaphore, #tpu.memory_space<semaphore_mem>>) src(%dma_wait3A_2354 : memref<8x32xf32, #tpu.memory_space<hbm>>) dst(%dma_wait3A_2350 : memref<8x32xf32, #tpu.memory_space<vmem>>)
      %dma_wait3A_2355 = arith.constant 29 : i32
      %dma_wait3A_2356 = arith.constant 0 : i32
      %dma_wait3A_2357 = arith.constant 0 : i32
      %dma_wait3A_2358 = tpu.memref_slice %arg18[%dma_wait3A_2355, %dma_wait3A_2356, %dma_wait3A_2357] : memref<32x8x32xf32, #tpu.memory_space<vmem>> -> memref<1x8x32xf32, #tpu.memory_space<vmem>>
      %dma_wait3A_2359 = tpu.memref_squeeze %dma_wait3A_2358 : memref<1x8x32xf32, #tpu.memory_space<vmem>> -> memref<8x32xf32, #tpu.memory_space<vmem>>
      %dma_wait3A_2360 = arith.constant 0 : i32
      %dma_wait3A_2361 = arith.constant 0 : i32
      %dma_wait3A_2362 = tpu.memref_slice %arg8[%squeeze3A_1221, %dma_wait3A_2360, %dma_wait3A_2361] : memref<125000x8x32xf32, #tpu.memory_space<hbm>> -> memref<1x8x32xf32, #tpu.memory_space<hbm>>
      %dma_wait3A_2363 = tpu.memref_squeeze %dma_wait3A_2362 : memref<1x8x32xf32, #tpu.memory_space<hbm>> -> memref<8x32xf32, #tpu.memory_space<hbm>>
      %dma_wait3A_2364 = arith.constant 0 : i32
      %dma_wait3A_2365 = arith.constant 0 : i32
      %dma_wait3A_2366 = tpu.memref_slice %arg18[%dma_wait3A_2355, %dma_wait3A_2364, %dma_wait3A_2365] : memref<32x8x32xf32, #tpu.memory_space<vmem>> -> memref<1x8x32xf32, #tpu.memory_space<vmem>>
      %dma_wait3A_2367 = tpu.memref_squeeze %dma_wait3A_2366 : memref<1x8x32xf32, #tpu.memory_space<vmem>> -> memref<8x32xf32, #tpu.memory_space<vmem>>
      %dma_wait3A_2368 = arith.constant 0 : i32
      %dma_wait3A_2369 = arith.constant 0 : i32
      %dma_wait3A_2370 = tpu.memref_slice %arg8[%squeeze3A_1221, %dma_wait3A_2368, %dma_wait3A_2369] : memref<125000x8x32xf32, #tpu.memory_space<hbm>> -> memref<1x8x32xf32, #tpu.memory_space<hbm>>
      %dma_wait3A_2371 = tpu.memref_squeeze %dma_wait3A_2370 : memref<1x8x32xf32, #tpu.memory_space<hbm>> -> memref<8x32xf32, #tpu.memory_space<hbm>>
      tpu.wait_dma2 semaphore(%arg20 : memref<!tpu.dma_semaphore, #tpu.memory_space<semaphore_mem>>) src(%dma_wait3A_2371 : memref<8x32xf32, #tpu.memory_space<hbm>>) dst(%dma_wait3A_2367 : memref<8x32xf32, #tpu.memory_space<vmem>>)
      %dma_wait3A_2372 = arith.constant 30 : i32
      %dma_wait3A_2373 = arith.constant 0 : i32
      %dma_wait3A_2374 = arith.constant 0 : i32
      %dma_wait3A_2375 = tpu.memref_slice %arg17[%dma_wait3A_2372, %dma_wait3A_2373, %dma_wait3A_2374] : memref<32x8x32xf32, #tpu.memory_space<vmem>> -> memref<1x8x32xf32, #tpu.memory_space<vmem>>
      %dma_wait3A_2376 = tpu.memref_squeeze %dma_wait3A_2375 : memref<1x8x32xf32, #tpu.memory_space<vmem>> -> memref<8x32xf32, #tpu.memory_space<vmem>>
      %dma_wait3A_2377 = arith.constant 0 : i32
      %dma_wait3A_2378 = arith.constant 0 : i32
      %dma_wait3A_2379 = tpu.memref_slice %arg7[%squeeze3A_1240, %dma_wait3A_2377, %dma_wait3A_2378] : memref<125000x8x32xf32, #tpu.memory_space<hbm>> -> memref<1x8x32xf32, #tpu.memory_space<hbm>>
      %dma_wait3A_2380 = tpu.memref_squeeze %dma_wait3A_2379 : memref<1x8x32xf32, #tpu.memory_space<hbm>> -> memref<8x32xf32, #tpu.memory_space<hbm>>
      %dma_wait3A_2381 = arith.constant 0 : i32
      %dma_wait3A_2382 = arith.constant 0 : i32
      %dma_wait3A_2383 = tpu.memref_slice %arg17[%dma_wait3A_2372, %dma_wait3A_2381, %dma_wait3A_2382] : memref<32x8x32xf32, #tpu.memory_space<vmem>> -> memref<1x8x32xf32, #tpu.memory_space<vmem>>
      %dma_wait3A_2384 = tpu.memref_squeeze %dma_wait3A_2383 : memref<1x8x32xf32, #tpu.memory_space<vmem>> -> memref<8x32xf32, #tpu.memory_space<vmem>>
      %dma_wait3A_2385 = arith.constant 0 : i32
      %dma_wait3A_2386 = arith.constant 0 : i32
      %dma_wait3A_2387 = tpu.memref_slice %arg7[%squeeze3A_1240, %dma_wait3A_2385, %dma_wait3A_2386] : memref<125000x8x32xf32, #tpu.memory_space<hbm>> -> memref<1x8x32xf32, #tpu.memory_space<hbm>>
      %dma_wait3A_2388 = tpu.memref_squeeze %dma_wait3A_2387 : memref<1x8x32xf32, #tpu.memory_space<hbm>> -> memref<8x32xf32, #tpu.memory_space<hbm>>
      tpu.wait_dma2 semaphore(%arg20 : memref<!tpu.dma_semaphore, #tpu.memory_space<semaphore_mem>>) src(%dma_wait3A_2388 : memref<8x32xf32, #tpu.memory_space<hbm>>) dst(%dma_wait3A_2384 : memref<8x32xf32, #tpu.memory_space<vmem>>)
      %dma_wait3A_2389 = arith.constant 30 : i32
      %dma_wait3A_2390 = arith.constant 0 : i32
      %dma_wait3A_2391 = arith.constant 0 : i32
      %dma_wait3A_2392 = tpu.memref_slice %arg18[%dma_wait3A_2389, %dma_wait3A_2390, %dma_wait3A_2391] : memref<32x8x32xf32, #tpu.memory_space<vmem>> -> memref<1x8x32xf32, #tpu.memory_space<vmem>>
      %dma_wait3A_2393 = tpu.memref_squeeze %dma_wait3A_2392 : memref<1x8x32xf32, #tpu.memory_space<vmem>> -> memref<8x32xf32, #tpu.memory_space<vmem>>
      %dma_wait3A_2394 = arith.constant 0 : i32
      %dma_wait3A_2395 = arith.constant 0 : i32
      %dma_wait3A_2396 = tpu.memref_slice %arg8[%squeeze3A_1259, %dma_wait3A_2394, %dma_wait3A_2395] : memref<125000x8x32xf32, #tpu.memory_space<hbm>> -> memref<1x8x32xf32, #tpu.memory_space<hbm>>
      %dma_wait3A_2397 = tpu.memref_squeeze %dma_wait3A_2396 : memref<1x8x32xf32, #tpu.memory_space<hbm>> -> memref<8x32xf32, #tpu.memory_space<hbm>>
      %dma_wait3A_2398 = arith.constant 0 : i32
      %dma_wait3A_2399 = arith.constant 0 : i32
      %dma_wait3A_2400 = tpu.memref_slice %arg18[%dma_wait3A_2389, %dma_wait3A_2398, %dma_wait3A_2399] : memref<32x8x32xf32, #tpu.memory_space<vmem>> -> memref<1x8x32xf32, #tpu.memory_space<vmem>>
      %dma_wait3A_2401 = tpu.memref_squeeze %dma_wait3A_2400 : memref<1x8x32xf32, #tpu.memory_space<vmem>> -> memref<8x32xf32, #tpu.memory_space<vmem>>
      %dma_wait3A_2402 = arith.constant 0 : i32
      %dma_wait3A_2403 = arith.constant 0 : i32
      %dma_wait3A_2404 = tpu.memref_slice %arg8[%squeeze3A_1259, %dma_wait3A_2402, %dma_wait3A_2403] : memref<125000x8x32xf32, #tpu.memory_space<hbm>> -> memref<1x8x32xf32, #tpu.memory_space<hbm>>
      %dma_wait3A_2405 = tpu.memref_squeeze %dma_wait3A_2404 : memref<1x8x32xf32, #tpu.memory_space<hbm>> -> memref<8x32xf32, #tpu.memory_space<hbm>>
      tpu.wait_dma2 semaphore(%arg20 : memref<!tpu.dma_semaphore, #tpu.memory_space<semaphore_mem>>) src(%dma_wait3A_2405 : memref<8x32xf32, #tpu.memory_space<hbm>>) dst(%dma_wait3A_2401 : memref<8x32xf32, #tpu.memory_space<vmem>>)
      %dma_wait3A_2406 = arith.constant 31 : i32
      %dma_wait3A_2407 = arith.constant 0 : i32
      %dma_wait3A_2408 = arith.constant 0 : i32
      %dma_wait3A_2409 = tpu.memref_slice %arg17[%dma_wait3A_2406, %dma_wait3A_2407, %dma_wait3A_2408] : memref<32x8x32xf32, #tpu.memory_space<vmem>> -> memref<1x8x32xf32, #tpu.memory_space<vmem>>
      %dma_wait3A_2410 = tpu.memref_squeeze %dma_wait3A_2409 : memref<1x8x32xf32, #tpu.memory_space<vmem>> -> memref<8x32xf32, #tpu.memory_space<vmem>>
      %dma_wait3A_2411 = arith.constant 0 : i32
      %dma_wait3A_2412 = arith.constant 0 : i32
      %dma_wait3A_2413 = tpu.memref_slice %arg7[%squeeze3A_1278, %dma_wait3A_2411, %dma_wait3A_2412] : memref<125000x8x32xf32, #tpu.memory_space<hbm>> -> memref<1x8x32xf32, #tpu.memory_space<hbm>>
      %dma_wait3A_2414 = tpu.memref_squeeze %dma_wait3A_2413 : memref<1x8x32xf32, #tpu.memory_space<hbm>> -> memref<8x32xf32, #tpu.memory_space<hbm>>
      %dma_wait3A_2415 = arith.constant 0 : i32
      %dma_wait3A_2416 = arith.constant 0 : i32
      %dma_wait3A_2417 = tpu.memref_slice %arg17[%dma_wait3A_2406, %dma_wait3A_2415, %dma_wait3A_2416] : memref<32x8x32xf32, #tpu.memory_space<vmem>> -> memref<1x8x32xf32, #tpu.memory_space<vmem>>
      %dma_wait3A_2418 = tpu.memref_squeeze %dma_wait3A_2417 : memref<1x8x32xf32, #tpu.memory_space<vmem>> -> memref<8x32xf32, #tpu.memory_space<vmem>>
      %dma_wait3A_2419 = arith.constant 0 : i32
      %dma_wait3A_2420 = arith.constant 0 : i32
      %dma_wait3A_2421 = tpu.memref_slice %arg7[%squeeze3A_1278, %dma_wait3A_2419, %dma_wait3A_2420] : memref<125000x8x32xf32, #tpu.memory_space<hbm>> -> memref<1x8x32xf32, #tpu.memory_space<hbm>>
      %dma_wait3A_2422 = tpu.memref_squeeze %dma_wait3A_2421 : memref<1x8x32xf32, #tpu.memory_space<hbm>> -> memref<8x32xf32, #tpu.memory_space<hbm>>
      tpu.wait_dma2 semaphore(%arg20 : memref<!tpu.dma_semaphore, #tpu.memory_space<semaphore_mem>>) src(%dma_wait3A_2422 : memref<8x32xf32, #tpu.memory_space<hbm>>) dst(%dma_wait3A_2418 : memref<8x32xf32, #tpu.memory_space<vmem>>)
      %dma_wait3A_2423 = arith.constant 31 : i32
      %dma_wait3A_2424 = arith.constant 0 : i32
      %dma_wait3A_2425 = arith.constant 0 : i32
      %dma_wait3A_2426 = tpu.memref_slice %arg18[%dma_wait3A_2423, %dma_wait3A_2424, %dma_wait3A_2425] : memref<32x8x32xf32, #tpu.memory_space<vmem>> -> memref<1x8x32xf32, #tpu.memory_space<vmem>>
      %dma_wait3A_2427 = tpu.memref_squeeze %dma_wait3A_2426 : memref<1x8x32xf32, #tpu.memory_space<vmem>> -> memref<8x32xf32, #tpu.memory_space<vmem>>
      %dma_wait3A_2428 = arith.constant 0 : i32
      %dma_wait3A_2429 = arith.constant 0 : i32
      %dma_wait3A_2430 = tpu.memref_slice %arg8[%squeeze3A_1297, %dma_wait3A_2428, %dma_wait3A_2429] : memref<125000x8x32xf32, #tpu.memory_space<hbm>> -> memref<1x8x32xf32, #tpu.memory_space<hbm>>
      %dma_wait3A_2431 = tpu.memref_squeeze %dma_wait3A_2430 : memref<1x8x32xf32, #tpu.memory_space<hbm>> -> memref<8x32xf32, #tpu.memory_space<hbm>>
      %dma_wait3A_2432 = arith.constant 0 : i32
      %dma_wait3A_2433 = arith.constant 0 : i32
      %dma_wait3A_2434 = tpu.memref_slice %arg18[%dma_wait3A_2423, %dma_wait3A_2432, %dma_wait3A_2433] : memref<32x8x32xf32, #tpu.memory_space<vmem>> -> memref<1x8x32xf32, #tpu.memory_space<vmem>>
      %dma_wait3A_2435 = tpu.memref_squeeze %dma_wait3A_2434 : memref<1x8x32xf32, #tpu.memory_space<vmem>> -> memref<8x32xf32, #tpu.memory_space<vmem>>
      %dma_wait3A_2436 = arith.constant 0 : i32
      %dma_wait3A_2437 = arith.constant 0 : i32
      %dma_wait3A_2438 = tpu.memref_slice %arg8[%squeeze3A_1297, %dma_wait3A_2436, %dma_wait3A_2437] : memref<125000x8x32xf32, #tpu.memory_space<hbm>> -> memref<1x8x32xf32, #tpu.memory_space<hbm>>
      %dma_wait3A_2439 = tpu.memref_squeeze %dma_wait3A_2438 : memref<1x8x32xf32, #tpu.memory_space<hbm>> -> memref<8x32xf32, #tpu.memory_space<hbm>>
      tpu.wait_dma2 semaphore(%arg20 : memref<!tpu.dma_semaphore, #tpu.memory_space<semaphore_mem>>) src(%dma_wait3A_2439 : memref<8x32xf32, #tpu.memory_space<hbm>>) dst(%dma_wait3A_2435 : memref<8x32xf32, #tpu.memory_space<vmem>>)
      %dma_wait3A_2440 = arith.constant 0 : i32
      %dma_wait3A_2441 = arith.constant 0 : i32
      %dma_wait3A_2442 = tpu.memref_slice %arg19[%dma_wait3A_2440, %dma_wait3A_2441] : memref<32x128xf32, #tpu.memory_space<vmem>> -> memref<16x128xf32, #tpu.memory_space<vmem>>
      %dma_wait3A_2443 = arith.constant 0 : i32
      %dma_wait3A_2444 = arith.constant 0 : i32
      %dma_wait3A_2445 = tpu.memref_slice %arg9[%dma_wait3A_2443, %dma_wait3A_2444] : memref<204x128xf32, #tpu.memory_space<hbm>> -> memref<204x128xf32, #tpu.memory_space<hbm>>
      tpu.wait_indirect_dma semaphore(%arg21 : memref<!tpu.dma_semaphore, #tpu.memory_space<semaphore_mem>>) src(%dma_wait3A_2445 : memref<204x128xf32, #tpu.memory_space<hbm>>) dst(%dma_wait3A_2442 : memref<16x128xf32, #tpu.memory_space<vmem>>)
      %dma_wait3A_2446 = arith.constant 16 : i32
      %dma_wait3A_2447 = arith.constant 0 : i32
      %dma_wait3A_2448 = tpu.memref_slice %arg19[%dma_wait3A_2446, %dma_wait3A_2447] : memref<32x128xf32, #tpu.memory_space<vmem>> -> memref<16x128xf32, #tpu.memory_space<vmem>>
      %dma_wait3A_2449 = arith.constant 0 : i32
      %dma_wait3A_2450 = arith.constant 0 : i32
      %dma_wait3A_2451 = tpu.memref_slice %arg9[%dma_wait3A_2449, %dma_wait3A_2450] : memref<204x128xf32, #tpu.memory_space<hbm>> -> memref<204x128xf32, #tpu.memory_space<hbm>>
      tpu.wait_indirect_dma semaphore(%arg21 : memref<!tpu.dma_semaphore, #tpu.memory_space<semaphore_mem>>) src(%dma_wait3A_2451 : memref<204x128xf32, #tpu.memory_space<hbm>>) dst(%dma_wait3A_2448 : memref<16x128xf32, #tpu.memory_space<vmem>>)
      %add3A_2452 = arith.constant 0 : i32
      %add3A_2453 = arith.addi %mul3A_78, %add3A_2452 : i32
      %get3A_2454 = arith.index_cast %add3A_2453 : i32 to index
      %get3A_2455 = tpu.vector_load %arg11[%get3A_2454] {strides = array<i32>} : memref<512xi32, #tpu.memory_space<vmem>>, vector<16xi32>,
      %and3A = arith.andi %get3A_2455, %broadcast_in_dim3A_68 : vector<16xi32>
      %get3A_2456 = arith.index_cast %add3A_2453 : i32 to index
      %get3A_2457 = tpu.vector_load %arg12[%get3A_2456] {strides = array<i32>} : memref<512xi32, #tpu.memory_space<vmem>>, vector<16xi32>,
      %and3A_2458 = arith.andi %get3A_2457, %broadcast_in_dim3A_68 : vector<16xi32>
      %get3A_2459 = arith.index_cast %add3A_2453 : i32 to index
      %get3A_2460 = tpu.vector_load %arg13[%get3A_2459] {strides = array<i32>} : memref<512xi32, #tpu.memory_space<vmem>>, vector<16xi32>,
      %mul3A_2461 = arith.constant 1000 : i32
      %mul3A_2462 = vector.broadcast %mul3A_2461 : i32 to vector<16xi32>
      %mul3A_2463 = arith.muli %get3A_2460, %mul3A_2462 : vector<16xi32>
      %get3A_2464 = arith.index_cast %add3A_2453 : i32 to index
      %get3A_2465 = tpu.vector_load %arg14[%get3A_2464] {strides = array<i32>} : memref<512xi32, #tpu.memory_space<vmem>>, vector<16xi32>,
      %add3A_2466 = arith.addi %mul3A_2463, %get3A_2465 : vector<16xi32>
      %and3A_2467 = arith.andi %add3A_2466, %broadcast_in_dim3A_70 : vector<16xi32>
      %add3A_2468 = arith.constant 0 : i32
      %add3A_2469 = vector.broadcast %add3A_2468 : i32 to vector<16xi32>
      %add3A_2470 = arith.addi %iota3A, %add3A_2469 : vector<16xi32>
      %gather3A = tpu.vector_load_idx %arg19[%add3A_2470, %and3A_2467] : memref<32x128xf32, #tpu.memory_space<vmem>>[vector<16xi32>, vector<16xi32>], vector<16xf32>,
      %add3A_2471 = arith.addf %gather3A, %get3A_66 : vector<16xf32>
      %gather3A_2472 = tpu.vector_load_idx %arg17[%add3A_2470, %and3A, %broadcast_in_dim3A_3] : memref<32x8x32xf32, #tpu.memory_space<vmem>>[vector<16xi32>, vector<16xi32>, vector<16xi32>], vector<16xf32>,
      %gather3A_2473 = tpu.vector_load_idx %arg18[%add3A_2470, %and3A_2458, %broadcast_in_dim3A_3] : memref<32x8x32xf32, #tpu.memory_space<vmem>>[vector<16xi32>, vector<16xi32>, vector<16xi32>], vector<16xf32>,
      %mul3A_2474 = arith.mulf %gather3A_2472, %gather3A_2473 : vector<16xf32>
      %add3A_2475 = arith.addf %add3A_2471, %mul3A_2474 : vector<16xf32>
      %gather3A_2476 = tpu.vector_load_idx %arg17[%add3A_2470, %and3A, %broadcast_in_dim3A_5] : memref<32x8x32xf32, #tpu.memory_space<vmem>>[vector<16xi32>, vector<16xi32>, vector<16xi32>], vector<16xf32>,
      %gather3A_2477 = tpu.vector_load_idx %arg18[%add3A_2470, %and3A_2458, %broadcast_in_dim3A_5] : memref<32x8x32xf32, #tpu.memory_space<vmem>>[vector<16xi32>, vector<16xi32>, vector<16xi32>], vector<16xf32>,
      %mul3A_2478 = arith.mulf %gather3A_2476, %gather3A_2477 : vector<16xf32>
      %gather3A_2479 = tpu.vector_load_idx %arg17[%add3A_2470, %and3A, %broadcast_in_dim3A_7] : memref<32x8x32xf32, #tpu.memory_space<vmem>>[vector<16xi32>, vector<16xi32>, vector<16xi32>], vector<16xf32>,
      %gather3A_2480 = tpu.vector_load_idx %arg18[%add3A_2470, %and3A_2458, %broadcast_in_dim3A_7] : memref<32x8x32xf32, #tpu.memory_space<vmem>>[vector<16xi32>, vector<16xi32>, vector<16xi32>], vector<16xf32>,
      %mul3A_2481 = arith.mulf %gather3A_2479, %gather3A_2480 : vector<16xf32>
      %gather3A_2482 = tpu.vector_load_idx %arg17[%add3A_2470, %and3A, %broadcast_in_dim3A_9] : memref<32x8x32xf32, #tpu.memory_space<vmem>>[vector<16xi32>, vector<16xi32>, vector<16xi32>], vector<16xf32>,
      %gather3A_2483 = tpu.vector_load_idx %arg18[%add3A_2470, %and3A_2458, %broadcast_in_dim3A_9] : memref<32x8x32xf32, #tpu.memory_space<vmem>>[vector<16xi32>, vector<16xi32>, vector<16xi32>], vector<16xf32>,
      %mul3A_2484 = arith.mulf %gather3A_2482, %gather3A_2483 : vector<16xf32>
      %gather3A_2485 = tpu.vector_load_idx %arg17[%add3A_2470, %and3A, %broadcast_in_dim3A_11] : memref<32x8x32xf32, #tpu.memory_space<vmem>>[vector<16xi32>, vector<16xi32>, vector<16xi32>], vector<16xf32>,
      %gather3A_2486 = tpu.vector_load_idx %arg18[%add3A_2470, %and3A_2458, %broadcast_in_dim3A_11] : memref<32x8x32xf32, #tpu.memory_space<vmem>>[vector<16xi32>, vector<16xi32>, vector<16xi32>], vector<16xf32>,
      %mul3A_2487 = arith.mulf %gather3A_2485, %gather3A_2486 : vector<16xf32>
      %add3A_2488 = arith.addf %add3A_2475, %mul3A_2487 : vector<16xf32>
      %gather3A_2489 = tpu.vector_load_idx %arg17[%add3A_2470, %and3A, %broadcast_in_dim3A_13] : memref<32x8x32xf32, #tpu.memory_space<vmem>>[vector<16xi32>, vector<16xi32>, vector<16xi32>], vector<16xf32>,
      %gather3A_2490 = tpu.vector_load_idx %arg18[%add3A_2470, %and3A_2458, %broadcast_in_dim3A_13] : memref<32x8x32xf32, #tpu.memory_space<vmem>>[vector<16xi32>, vector<16xi32>, vector<16xi32>], vector<16xf32>,
      %mul3A_2491 = arith.mulf %gather3A_2489, %gather3A_2490 : vector<16xf32>
      %add3A_2492 = arith.addf %mul3A_2478, %mul3A_2491 : vector<16xf32>
      %gather3A_2493 = tpu.vector_load_idx %arg17[%add3A_2470, %and3A, %broadcast_in_dim3A_15] : memref<32x8x32xf32, #tpu.memory_space<vmem>>[vector<16xi32>, vector<16xi32>, vector<16xi32>], vector<16xf32>,
      %gather3A_2494 = tpu.vector_load_idx %arg18[%add3A_2470, %and3A_2458, %broadcast_in_dim3A_15] : memref<32x8x32xf32, #tpu.memory_space<vmem>>[vector<16xi32>, vector<16xi32>, vector<16xi32>], vector<16xf32>,
      %mul3A_2495 = arith.mulf %gather3A_2493, %gather3A_2494 : vector<16xf32>
      %add3A_2496 = arith.addf %mul3A_2481, %mul3A_2495 : vector<16xf32>
      %gather3A_2497 = tpu.vector_load_idx %arg17[%add3A_2470, %and3A, %broadcast_in_dim3A_17] : memref<32x8x32xf32, #tpu.memory_space<vmem>>[vector<16xi32>, vector<16xi32>, vector<16xi32>], vector<16xf32>,
      %gather3A_2498 = tpu.vector_load_idx %arg18[%add3A_2470, %and3A_2458, %broadcast_in_dim3A_17] : memref<32x8x32xf32, #tpu.memory_space<vmem>>[vector<16xi32>, vector<16xi32>, vector<16xi32>], vector<16xf32>,
      %mul3A_2499 = arith.mulf %gather3A_2497, %gather3A_2498 : vector<16xf32>
      %add3A_2500 = arith.addf %mul3A_2484, %mul3A_2499 : vector<16xf32>
      %gather3A_2501 = tpu.vector_load_idx %arg17[%add3A_2470, %and3A, %broadcast_in_dim3A_19] : memref<32x8x32xf32, #tpu.memory_space<vmem>>[vector<16xi32>, vector<16xi32>, vector<16xi32>], vector<16xf32>,
      %gather3A_2502 = tpu.vector_load_idx %arg18[%add3A_2470, %and3A_2458, %broadcast_in_dim3A_19] : memref<32x8x32xf32, #tpu.memory_space<vmem>>[vector<16xi32>, vector<16xi32>, vector<16xi32>], vector<16xf32>,
      %mul3A_2503 = arith.mulf %gather3A_2501, %gather3A_2502 : vector<16xf32>
      %add3A_2504 = arith.addf %add3A_2488, %mul3A_2503 : vector<16xf32>
      %gather3A_2505 = tpu.vector_load_idx %arg17[%add3A_2470, %and3A, %broadcast_in_dim3A_21] : memref<32x8x32xf32, #tpu.memory_space<vmem>>[vector<16xi32>, vector<16xi32>, vector<16xi32>], vector<16xf32>,
      %gather3A_2506 = tpu.vector_load_idx %arg18[%add3A_2470, %and3A_2458, %broadcast_in_dim3A_21] : memref<32x8x32xf32, #tpu.memory_space<vmem>>[vector<16xi32>, vector<16xi32>, vector<16xi32>], vector<16xf32>,
      %mul3A_2507 = arith.mulf %gather3A_2505, %gather3A_2506 : vector<16xf32>
      %add3A_2508 = arith.addf %add3A_2492, %mul3A_2507 : vector<16xf32>
      %gather3A_2509 = tpu.vector_load_idx %arg17[%add3A_2470, %and3A, %broadcast_in_dim3A_23] : memref<32x8x32xf32, #tpu.memory_space<vmem>>[vector<16xi32>, vector<16xi32>, vector<16xi32>], vector<16xf32>,
      %gather3A_2510 = tpu.vector_load_idx %arg18[%add3A_2470, %and3A_2458, %broadcast_in_dim3A_23] : memref<32x8x32xf32, #tpu.memory_space<vmem>>[vector<16xi32>, vector<16xi32>, vector<16xi32>], vector<16xf32>,
      %mul3A_2511 = arith.mulf %gather3A_2509, %gather3A_2510 : vector<16xf32>
      %add3A_2512 = arith.addf %add3A_2496, %mul3A_2511 : vector<16xf32>
      %gather3A_2513 = tpu.vector_load_idx %arg17[%add3A_2470, %and3A, %broadcast_in_dim3A_25] : memref<32x8x32xf32, #tpu.memory_space<vmem>>[vector<16xi32>, vector<16xi32>, vector<16xi32>], vector<16xf32>,
      %gather3A_2514 = tpu.vector_load_idx %arg18[%add3A_2470, %and3A_2458, %broadcast_in_dim3A_25] : memref<32x8x32xf32, #tpu.memory_space<vmem>>[vector<16xi32>, vector<16xi32>, vector<16xi32>], vector<16xf32>,
      %mul3A_2515 = arith.mulf %gather3A_2513, %gather3A_2514 : vector<16xf32>
      %add3A_2516 = arith.addf %add3A_2500, %mul3A_2515 : vector<16xf32>
      %gather3A_2517 = tpu.vector_load_idx %arg17[%add3A_2470, %and3A, %broadcast_in_dim3A_27] : memref<32x8x32xf32, #tpu.memory_space<vmem>>[vector<16xi32>, vector<16xi32>, vector<16xi32>], vector<16xf32>,
      %gather3A_2518 = tpu.vector_load_idx %arg18[%add3A_2470, %and3A_2458, %broadcast_in_dim3A_27] : memref<32x8x32xf32, #tpu.memory_space<vmem>>[vector<16xi32>, vector<16xi32>, vector<16xi32>], vector<16xf32>,
      %mul3A_2519 = arith.mulf %gather3A_2517, %gather3A_2518 : vector<16xf32>
      %add3A_2520 = arith.addf %add3A_2504, %mul3A_2519 : vector<16xf32>
      %gather3A_2521 = tpu.vector_load_idx %arg17[%add3A_2470, %and3A, %broadcast_in_dim3A_29] : memref<32x8x32xf32, #tpu.memory_space<vmem>>[vector<16xi32>, vector<16xi32>, vector<16xi32>], vector<16xf32>,
      %gather3A_2522 = tpu.vector_load_idx %arg18[%add3A_2470, %and3A_2458, %broadcast_in_dim3A_29] : memref<32x8x32xf32, #tpu.memory_space<vmem>>[vector<16xi32>, vector<16xi32>, vector<16xi32>], vector<16xf32>,
      %mul3A_2523 = arith.mulf %gather3A_2521, %gather3A_2522 : vector<16xf32>
      %add3A_2524 = arith.addf %add3A_2508, %mul3A_2523 : vector<16xf32>
      %gather3A_2525 = tpu.vector_load_idx %arg17[%add3A_2470, %and3A, %broadcast_in_dim3A_31] : memref<32x8x32xf32, #tpu.memory_space<vmem>>[vector<16xi32>, vector<16xi32>, vector<16xi32>], vector<16xf32>,
      %gather3A_2526 = tpu.vector_load_idx %arg18[%add3A_2470, %and3A_2458, %broadcast_in_dim3A_31] : memref<32x8x32xf32, #tpu.memory_space<vmem>>[vector<16xi32>, vector<16xi32>, vector<16xi32>], vector<16xf32>,
      %mul3A_2527 = arith.mulf %gather3A_2525, %gather3A_2526 : vector<16xf32>
      %add3A_2528 = arith.addf %add3A_2512, %mul3A_2527 : vector<16xf32>
      %gather3A_2529 = tpu.vector_load_idx %arg17[%add3A_2470, %and3A, %broadcast_in_dim3A_33] : memref<32x8x32xf32, #tpu.memory_space<vmem>>[vector<16xi32>, vector<16xi32>, vector<16xi32>], vector<16xf32>,
      %gather3A_2530 = tpu.vector_load_idx %arg18[%add3A_2470, %and3A_2458, %broadcast_in_dim3A_33] : memref<32x8x32xf32, #tpu.memory_space<vmem>>[vector<16xi32>, vector<16xi32>, vector<16xi32>], vector<16xf32>,
      %mul3A_2531 = arith.mulf %gather3A_2529, %gather3A_2530 : vector<16xf32>
      %add3A_2532 = arith.addf %add3A_2516, %mul3A_2531 : vector<16xf32>
      %gather3A_2533 = tpu.vector_load_idx %arg17[%add3A_2470, %and3A, %broadcast_in_dim3A_35] : memref<32x8x32xf32, #tpu.memory_space<vmem>>[vector<16xi32>, vector<16xi32>, vector<16xi32>], vector<16xf32>,
      %gather3A_2534 = tpu.vector_load_idx %arg18[%add3A_2470, %and3A_2458, %broadcast_in_dim3A_35] : memref<32x8x32xf32, #tpu.memory_space<vmem>>[vector<16xi32>, vector<16xi32>, vector<16xi32>], vector<16xf32>,
      %mul3A_2535 = arith.mulf %gather3A_2533, %gather3A_2534 : vector<16xf32>
      %add3A_2536 = arith.addf %add3A_2520, %mul3A_2535 : vector<16xf32>
      %gather3A_2537 = tpu.vector_load_idx %arg17[%add3A_2470, %and3A, %broadcast_in_dim3A_37] : memref<32x8x32xf32, #tpu.memory_space<vmem>>[vector<16xi32>, vector<16xi32>, vector<16xi32>], vector<16xf32>,
      %gather3A_2538 = tpu.vector_load_idx %arg18[%add3A_2470, %and3A_2458, %broadcast_in_dim3A_37] : memref<32x8x32xf32, #tpu.memory_space<vmem>>[vector<16xi32>, vector<16xi32>, vector<16xi32>], vector<16xf32>,
      %mul3A_2539 = arith.mulf %gather3A_2537, %gather3A_2538 : vector<16xf32>
      %add3A_2540 = arith.addf %add3A_2524, %mul3A_2539 : vector<16xf32>
      %gather3A_2541 = tpu.vector_load_idx %arg17[%add3A_2470, %and3A, %broadcast_in_dim3A_39] : memref<32x8x32xf32, #tpu.memory_space<vmem>>[vector<16xi32>, vector<16xi32>, vector<16xi32>], vector<16xf32>,
      %gather3A_2542 = tpu.vector_load_idx %arg18[%add3A_2470, %and3A_2458, %broadcast_in_dim3A_39] : memref<32x8x32xf32, #tpu.memory_space<vmem>>[vector<16xi32>, vector<16xi32>, vector<16xi32>], vector<16xf32>,
      %mul3A_2543 = arith.mulf %gather3A_2541, %gather3A_2542 : vector<16xf32>
      %add3A_2544 = arith.addf %add3A_2528, %mul3A_2543 : vector<16xf32>
      %gather3A_2545 = tpu.vector_load_idx %arg17[%add3A_2470, %and3A, %broadcast_in_dim3A_41] : memref<32x8x32xf32, #tpu.memory_space<vmem>>[vector<16xi32>, vector<16xi32>, vector<16xi32>], vector<16xf32>,
      %gather3A_2546 = tpu.vector_load_idx %arg18[%add3A_2470, %and3A_2458, %broadcast_in_dim3A_41] : memref<32x8x32xf32, #tpu.memory_space<vmem>>[vector<16xi32>, vector<16xi32>, vector<16xi32>], vector<16xf32>,
      %mul3A_2547 = arith.mulf %gather3A_2545, %gather3A_2546 : vector<16xf32>
      %add3A_2548 = arith.addf %add3A_2532, %mul3A_2547 : vector<16xf32>
      %gather3A_2549 = tpu.vector_load_idx %arg17[%add3A_2470, %and3A, %broadcast_in_dim3A_43] : memref<32x8x32xf32, #tpu.memory_space<vmem>>[vector<16xi32>, vector<16xi32>, vector<16xi32>], vector<16xf32>,
      %gather3A_2550 = tpu.vector_load_idx %arg18[%add3A_2470, %and3A_2458, %broadcast_in_dim3A_43] : memref<32x8x32xf32, #tpu.memory_space<vmem>>[vector<16xi32>, vector<16xi32>, vector<16xi32>], vector<16xf32>,
      %mul3A_2551 = arith.mulf %gather3A_2549, %gather3A_2550 : vector<16xf32>
      %add3A_2552 = arith.addf %add3A_2536, %mul3A_2551 : vector<16xf32>
      %gather3A_2553 = tpu.vector_load_idx %arg17[%add3A_2470, %and3A, %broadcast_in_dim3A_45] : memref<32x8x32xf32, #tpu.memory_space<vmem>>[vector<16xi32>, vector<16xi32>, vector<16xi32>], vector<16xf32>,
      %gather3A_2554 = tpu.vector_load_idx %arg18[%add3A_2470, %and3A_2458, %broadcast_in_dim3A_45] : memref<32x8x32xf32, #tpu.memory_space<vmem>>[vector<16xi32>, vector<16xi32>, vector<16xi32>], vector<16xf32>,
      %mul3A_2555 = arith.mulf %gather3A_2553, %gather3A_2554 : vector<16xf32>
      %add3A_2556 = arith.addf %add3A_2540, %mul3A_2555 : vector<16xf32>
      %gather3A_2557 = tpu.vector_load_idx %arg17[%add3A_2470, %and3A, %broadcast_in_dim3A_47] : memref<32x8x32xf32, #tpu.memory_space<vmem>>[vector<16xi32>, vector<16xi32>, vector<16xi32>], vector<16xf32>,
      %gather3A_2558 = tpu.vector_load_idx %arg18[%add3A_2470, %and3A_2458, %broadcast_in_dim3A_47] : memref<32x8x32xf32, #tpu.memory_space<vmem>>[vector<16xi32>, vector<16xi32>, vector<16xi32>], vector<16xf32>,
      %mul3A_2559 = arith.mulf %gather3A_2557, %gather3A_2558 : vector<16xf32>
      %add3A_2560 = arith.addf %add3A_2544, %mul3A_2559 : vector<16xf32>
      %gather3A_2561 = tpu.vector_load_idx %arg17[%add3A_2470, %and3A, %broadcast_in_dim3A_49] : memref<32x8x32xf32, #tpu.memory_space<vmem>>[vector<16xi32>, vector<16xi32>, vector<16xi32>], vector<16xf32>,
      %gather3A_2562 = tpu.vector_load_idx %arg18[%add3A_2470, %and3A_2458, %broadcast_in_dim3A_49] : memref<32x8x32xf32, #tpu.memory_space<vmem>>[vector<16xi32>, vector<16xi32>, vector<16xi32>], vector<16xf32>,
      %mul3A_2563 = arith.mulf %gather3A_2561, %gather3A_2562 : vector<16xf32>
      %add3A_2564 = arith.addf %add3A_2548, %mul3A_2563 : vector<16xf32>
      %gather3A_2565 = tpu.vector_load_idx %arg17[%add3A_2470, %and3A, %broadcast_in_dim3A_51] : memref<32x8x32xf32, #tpu.memory_space<vmem>>[vector<16xi32>, vector<16xi32>, vector<16xi32>], vector<16xf32>,
      %gather3A_2566 = tpu.vector_load_idx %arg18[%add3A_2470, %and3A_2458, %broadcast_in_dim3A_51] : memref<32x8x32xf32, #tpu.memory_space<vmem>>[vector<16xi32>, vector<16xi32>, vector<16xi32>], vector<16xf32>,
      %mul3A_2567 = arith.mulf %gather3A_2565, %gather3A_2566 : vector<16xf32>
      %add3A_2568 = arith.addf %add3A_2552, %mul3A_2567 : vector<16xf32>
      %gather3A_2569 = tpu.vector_load_idx %arg17[%add3A_2470, %and3A, %broadcast_in_dim3A_53] : memref<32x8x32xf32, #tpu.memory_space<vmem>>[vector<16xi32>, vector<16xi32>, vector<16xi32>], vector<16xf32>,
      %gather3A_2570 = tpu.vector_load_idx %arg18[%add3A_2470, %and3A_2458, %broadcast_in_dim3A_53] : memref<32x8x32xf32, #tpu.memory_space<vmem>>[vector<16xi32>, vector<16xi32>, vector<16xi32>], vector<16xf32>,
      %mul3A_2571 = arith.mulf %gather3A_2569, %gather3A_2570 : vector<16xf32>
      %add3A_2572 = arith.addf %add3A_2556, %mul3A_2571 : vector<16xf32>
      %gather3A_2573 = tpu.vector_load_idx %arg17[%add3A_2470, %and3A, %broadcast_in_dim3A_55] : memref<32x8x32xf32, #tpu.memory_space<vmem>>[vector<16xi32>, vector<16xi32>, vector<16xi32>], vector<16xf32>,
      %gather3A_2574 = tpu.vector_load_idx %arg18[%add3A_2470, %and3A_2458, %broadcast_in_dim3A_55] : memref<32x8x32xf32, #tpu.memory_space<vmem>>[vector<16xi32>, vector<16xi32>, vector<16xi32>], vector<16xf32>,
      %mul3A_2575 = arith.mulf %gather3A_2573, %gather3A_2574 : vector<16xf32>
      %add3A_2576 = arith.addf %add3A_2560, %mul3A_2575 : vector<16xf32>
      %gather3A_2577 = tpu.vector_load_idx %arg17[%add3A_2470, %and3A, %broadcast_in_dim3A_57] : memref<32x8x32xf32, #tpu.memory_space<vmem>>[vector<16xi32>, vector<16xi32>, vector<16xi32>], vector<16xf32>,
      %gather3A_2578 = tpu.vector_load_idx %arg18[%add3A_2470, %and3A_2458, %broadcast_in_dim3A_57] : memref<32x8x32xf32, #tpu.memory_space<vmem>>[vector<16xi32>, vector<16xi32>, vector<16xi32>], vector<16xf32>,
      %mul3A_2579 = arith.mulf %gather3A_2577, %gather3A_2578 : vector<16xf32>
      %add3A_2580 = arith.addf %add3A_2564, %mul3A_2579 : vector<16xf32>
      %gather3A_2581 = tpu.vector_load_idx %arg17[%add3A_2470, %and3A, %broadcast_in_dim3A_59] : memref<32x8x32xf32, #tpu.memory_space<vmem>>[vector<16xi32>, vector<16xi32>, vector<16xi32>], vector<16xf32>,
      %gather3A_2582 = tpu.vector_load_idx %arg18[%add3A_2470, %and3A_2458, %broadcast_in_dim3A_59] : memref<32x8x32xf32, #tpu.memory_space<vmem>>[vector<16xi32>, vector<16xi32>, vector<16xi32>], vector<16xf32>,
      %mul3A_2583 = arith.mulf %gather3A_2581, %gather3A_2582 : vector<16xf32>
      %add3A_2584 = arith.addf %add3A_2568, %mul3A_2583 : vector<16xf32>
      %gather3A_2585 = tpu.vector_load_idx %arg17[%add3A_2470, %and3A, %broadcast_in_dim3A_61] : memref<32x8x32xf32, #tpu.memory_space<vmem>>[vector<16xi32>, vector<16xi32>, vector<16xi32>], vector<16xf32>,
      %gather3A_2586 = tpu.vector_load_idx %arg18[%add3A_2470, %and3A_2458, %broadcast_in_dim3A_61] : memref<32x8x32xf32, #tpu.memory_space<vmem>>[vector<16xi32>, vector<16xi32>, vector<16xi32>], vector<16xf32>,
      %mul3A_2587 = arith.mulf %gather3A_2585, %gather3A_2586 : vector<16xf32>
      %add3A_2588 = arith.addf %add3A_2572, %mul3A_2587 : vector<16xf32>
      %gather3A_2589 = tpu.vector_load_idx %arg17[%add3A_2470, %and3A, %broadcast_in_dim3A_63] : memref<32x8x32xf32, #tpu.memory_space<vmem>>[vector<16xi32>, vector<16xi32>, vector<16xi32>], vector<16xf32>,
      %gather3A_2590 = tpu.vector_load_idx %arg18[%add3A_2470, %and3A_2458, %broadcast_in_dim3A_63] : memref<32x8x32xf32, #tpu.memory_space<vmem>>[vector<16xi32>, vector<16xi32>, vector<16xi32>], vector<16xf32>,
      %mul3A_2591 = arith.mulf %gather3A_2589, %gather3A_2590 : vector<16xf32>
      %add3A_2592 = arith.addf %add3A_2576, %mul3A_2591 : vector<16xf32>
      %gather3A_2593 = tpu.vector_load_idx %arg17[%add3A_2470, %and3A, %broadcast_in_dim3A_65] : memref<32x8x32xf32, #tpu.memory_space<vmem>>[vector<16xi32>, vector<16xi32>, vector<16xi32>], vector<16xf32>,
      %gather3A_2594 = tpu.vector_load_idx %arg18[%add3A_2470, %and3A_2458, %broadcast_in_dim3A_65] : memref<32x8x32xf32, #tpu.memory_space<vmem>>[vector<16xi32>, vector<16xi32>, vector<16xi32>], vector<16xf32>,
      %mul3A_2595 = arith.mulf %gather3A_2593, %gather3A_2594 : vector<16xf32>
      %add3A_2596 = arith.addf %add3A_2580, %mul3A_2595 : vector<16xf32>
      %add3A_2597 = arith.addf %add3A_2584, %add3A_2588 : vector<16xf32>
      %add3A_2598 = arith.addf %add3A_2592, %add3A_2596 : vector<16xf32>
      %add3A_2599 = arith.addf %add3A_2597, %add3A_2598 : vector<16xf32>
      %swap3A = arith.index_cast %add3A_2453 : i32 to index
      %swap3A_2600 = tpu.vector_load %arg15[%swap3A] {strides = array<i32>} : memref<512xf32, #tpu.memory_space<vmem>>, vector<16xf32>,
      tpu.vector_store %arg15[%swap3A], %add3A_2599 {strides = array<i32>} : memref<512xf32, #tpu.memory_space<vmem>>, vector<16xf32>,
      %add3A_2601 = arith.constant 16 : i32
      %add3A_2602 = arith.addi %mul3A_78, %add3A_2601 : i32
      %get3A_2603 = arith.index_cast %add3A_2602 : i32 to index
      %get3A_2604 = tpu.vector_load %arg11[%get3A_2603] {strides = array<i32>} : memref<512xi32, #tpu.memory_space<vmem>>, vector<16xi32>,
      %and3A_2605 = arith.andi %get3A_2604, %broadcast_in_dim3A_68 : vector<16xi32>
      %get3A_2606 = arith.index_cast %add3A_2602 : i32 to index
      %get3A_2607 = tpu.vector_load %arg12[%get3A_2606] {strides = array<i32>} : memref<512xi32, #tpu.memory_space<vmem>>, vector<16xi32>,
      %and3A_2608 = arith.andi %get3A_2607, %broadcast_in_dim3A_68 : vector<16xi32>
      %get3A_2609 = arith.index_cast %add3A_2602 : i32 to index
      %get3A_2610 = tpu.vector_load %arg13[%get3A_2609] {strides = array<i32>} : memref<512xi32, #tpu.memory_space<vmem>>, vector<16xi32>,
      %mul3A_2611 = arith.constant 1000 : i32
      %mul3A_2612 = vector.broadcast %mul3A_2611 : i32 to vector<16xi32>
      %mul3A_2613 = arith.muli %get3A_2610, %mul3A_2612 : vector<16xi32>
      %get3A_2614 = arith.index_cast %add3A_2602 : i32 to index
      %get3A_2615 = tpu.vector_load %arg14[%get3A_2614] {strides = array<i32>} : memref<512xi32, #tpu.memory_space<vmem>>, vector<16xi32>,
      %add3A_2616 = arith.addi %mul3A_2613, %get3A_2615 : vector<16xi32>
      %and3A_2617 = arith.andi %add3A_2616, %broadcast_in_dim3A_70 : vector<16xi32>
      %add3A_2618 = arith.constant 16 : i32
      %add3A_2619 = vector.broadcast %add3A_2618 : i32 to vector<16xi32>
      %add3A_2620 = arith.addi %iota3A, %add3A_2619 : vector<16xi32>
      %gather3A_2621 = tpu.vector_load_idx %arg19[%add3A_2620, %and3A_2617] : memref<32x128xf32, #tpu.memory_space<vmem>>[vector<16xi32>, vector<16xi32>], vector<16xf32>,
      %add3A_2622 = arith.addf %gather3A_2621, %get3A_66 : vector<16xf32>
      %gather3A_2623 = tpu.vector_load_idx %arg17[%add3A_2620, %and3A_2605, %broadcast_in_dim3A_3] : memref<32x8x32xf32, #tpu.memory_space<vmem>>[vector<16xi32>, vector<16xi32>, vector<16xi32>], vector<16xf32>,
      %gather3A_2624 = tpu.vector_load_idx %arg18[%add3A_2620, %and3A_2608, %broadcast_in_dim3A_3] : memref<32x8x32xf32, #tpu.memory_space<vmem>>[vector<16xi32>, vector<16xi32>, vector<16xi32>], vector<16xf32>,
      %mul3A_2625 = arith.mulf %gather3A_2623, %gather3A_2624 : vector<16xf32>
      %add3A_2626 = arith.addf %add3A_2622, %mul3A_2625 : vector<16xf32>
      %gather3A_2627 = tpu.vector_load_idx %arg17[%add3A_2620, %and3A_2605, %broadcast_in_dim3A_5] : memref<32x8x32xf32, #tpu.memory_space<vmem>>[vector<16xi32>, vector<16xi32>, vector<16xi32>], vector<16xf32>,
      %gather3A_2628 = tpu.vector_load_idx %arg18[%add3A_2620, %and3A_2608, %broadcast_in_dim3A_5] : memref<32x8x32xf32, #tpu.memory_space<vmem>>[vector<16xi32>, vector<16xi32>, vector<16xi32>], vector<16xf32>,
      %mul3A_2629 = arith.mulf %gather3A_2627, %gather3A_2628 : vector<16xf32>
      %gather3A_2630 = tpu.vector_load_idx %arg17[%add3A_2620, %and3A_2605, %broadcast_in_dim3A_7] : memref<32x8x32xf32, #tpu.memory_space<vmem>>[vector<16xi32>, vector<16xi32>, vector<16xi32>], vector<16xf32>,
      %gather3A_2631 = tpu.vector_load_idx %arg18[%add3A_2620, %and3A_2608, %broadcast_in_dim3A_7] : memref<32x8x32xf32, #tpu.memory_space<vmem>>[vector<16xi32>, vector<16xi32>, vector<16xi32>], vector<16xf32>,
      %mul3A_2632 = arith.mulf %gather3A_2630, %gather3A_2631 : vector<16xf32>
      %gather3A_2633 = tpu.vector_load_idx %arg17[%add3A_2620, %and3A_2605, %broadcast_in_dim3A_9] : memref<32x8x32xf32, #tpu.memory_space<vmem>>[vector<16xi32>, vector<16xi32>, vector<16xi32>], vector<16xf32>,
      %gather3A_2634 = tpu.vector_load_idx %arg18[%add3A_2620, %and3A_2608, %broadcast_in_dim3A_9] : memref<32x8x32xf32, #tpu.memory_space<vmem>>[vector<16xi32>, vector<16xi32>, vector<16xi32>], vector<16xf32>,
      %mul3A_2635 = arith.mulf %gather3A_2633, %gather3A_2634 : vector<16xf32>
      %gather3A_2636 = tpu.vector_load_idx %arg17[%add3A_2620, %and3A_2605, %broadcast_in_dim3A_11] : memref<32x8x32xf32, #tpu.memory_space<vmem>>[vector<16xi32>, vector<16xi32>, vector<16xi32>], vector<16xf32>,
      %gather3A_2637 = tpu.vector_load_idx %arg18[%add3A_2620, %and3A_2608, %broadcast_in_dim3A_11] : memref<32x8x32xf32, #tpu.memory_space<vmem>>[vector<16xi32>, vector<16xi32>, vector<16xi32>], vector<16xf32>,
      %mul3A_2638 = arith.mulf %gather3A_2636, %gather3A_2637 : vector<16xf32>
      %add3A_2639 = arith.addf %add3A_2626, %mul3A_2638 : vector<16xf32>
      %gather3A_2640 = tpu.vector_load_idx %arg17[%add3A_2620, %and3A_2605, %broadcast_in_dim3A_13] : memref<32x8x32xf32, #tpu.memory_space<vmem>>[vector<16xi32>, vector<16xi32>, vector<16xi32>], vector<16xf32>,
      %gather3A_2641 = tpu.vector_load_idx %arg18[%add3A_2620, %and3A_2608, %broadcast_in_dim3A_13] : memref<32x8x32xf32, #tpu.memory_space<vmem>>[vector<16xi32>, vector<16xi32>, vector<16xi32>], vector<16xf32>,
      %mul3A_2642 = arith.mulf %gather3A_2640, %gather3A_2641 : vector<16xf32>
      %add3A_2643 = arith.addf %mul3A_2629, %mul3A_2642 : vector<16xf32>
      %gather3A_2644 = tpu.vector_load_idx %arg17[%add3A_2620, %and3A_2605, %broadcast_in_dim3A_15] : memref<32x8x32xf32, #tpu.memory_space<vmem>>[vector<16xi32>, vector<16xi32>, vector<16xi32>], vector<16xf32>,
      %gather3A_2645 = tpu.vector_load_idx %arg18[%add3A_2620, %and3A_2608, %broadcast_in_dim3A_15] : memref<32x8x32xf32, #tpu.memory_space<vmem>>[vector<16xi32>, vector<16xi32>, vector<16xi32>], vector<16xf32>,
      %mul3A_2646 = arith.mulf %gather3A_2644, %gather3A_2645 : vector<16xf32>
      %add3A_2647 = arith.addf %mul3A_2632, %mul3A_2646 : vector<16xf32>
      %gather3A_2648 = tpu.vector_load_idx %arg17[%add3A_2620, %and3A_2605, %broadcast_in_dim3A_17] : memref<32x8x32xf32, #tpu.memory_space<vmem>>[vector<16xi32>, vector<16xi32>, vector<16xi32>], vector<16xf32>,
      %gather3A_2649 = tpu.vector_load_idx %arg18[%add3A_2620, %and3A_2608, %broadcast_in_dim3A_17] : memref<32x8x32xf32, #tpu.memory_space<vmem>>[vector<16xi32>, vector<16xi32>, vector<16xi32>], vector<16xf32>,
      %mul3A_2650 = arith.mulf %gather3A_2648, %gather3A_2649 : vector<16xf32>
      %add3A_2651 = arith.addf %mul3A_2635, %mul3A_2650 : vector<16xf32>
      %gather3A_2652 = tpu.vector_load_idx %arg17[%add3A_2620, %and3A_2605, %broadcast_in_dim3A_19] : memref<32x8x32xf32, #tpu.memory_space<vmem>>[vector<16xi32>, vector<16xi32>, vector<16xi32>], vector<16xf32>,
      %gather3A_2653 = tpu.vector_load_idx %arg18[%add3A_2620, %and3A_2608, %broadcast_in_dim3A_19] : memref<32x8x32xf32, #tpu.memory_space<vmem>>[vector<16xi32>, vector<16xi32>, vector<16xi32>], vector<16xf32>,
      %mul3A_2654 = arith.mulf %gather3A_2652, %gather3A_2653 : vector<16xf32>
      %add3A_2655 = arith.addf %add3A_2639, %mul3A_2654 : vector<16xf32>
      %gather3A_2656 = tpu.vector_load_idx %arg17[%add3A_2620, %and3A_2605, %broadcast_in_dim3A_21] : memref<32x8x32xf32, #tpu.memory_space<vmem>>[vector<16xi32>, vector<16xi32>, vector<16xi32>], vector<16xf32>,
      %gather3A_2657 = tpu.vector_load_idx %arg18[%add3A_2620, %and3A_2608, %broadcast_in_dim3A_21] : memref<32x8x32xf32, #tpu.memory_space<vmem>>[vector<16xi32>, vector<16xi32>, vector<16xi32>], vector<16xf32>,
      %mul3A_2658 = arith.mulf %gather3A_2656, %gather3A_2657 : vector<16xf32>
      %add3A_2659 = arith.addf %add3A_2643, %mul3A_2658 : vector<16xf32>
      %gather3A_2660 = tpu.vector_load_idx %arg17[%add3A_2620, %and3A_2605, %broadcast_in_dim3A_23] : memref<32x8x32xf32, #tpu.memory_space<vmem>>[vector<16xi32>, vector<16xi32>, vector<16xi32>], vector<16xf32>,
      %gather3A_2661 = tpu.vector_load_idx %arg18[%add3A_2620, %and3A_2608, %broadcast_in_dim3A_23] : memref<32x8x32xf32, #tpu.memory_space<vmem>>[vector<16xi32>, vector<16xi32>, vector<16xi32>], vector<16xf32>,
      %mul3A_2662 = arith.mulf %gather3A_2660, %gather3A_2661 : vector<16xf32>
      %add3A_2663 = arith.addf %add3A_2647, %mul3A_2662 : vector<16xf32>
      %gather3A_2664 = tpu.vector_load_idx %arg17[%add3A_2620, %and3A_2605, %broadcast_in_dim3A_25] : memref<32x8x32xf32, #tpu.memory_space<vmem>>[vector<16xi32>, vector<16xi32>, vector<16xi32>], vector<16xf32>,
      %gather3A_2665 = tpu.vector_load_idx %arg18[%add3A_2620, %and3A_2608, %broadcast_in_dim3A_25] : memref<32x8x32xf32, #tpu.memory_space<vmem>>[vector<16xi32>, vector<16xi32>, vector<16xi32>], vector<16xf32>,
      %mul3A_2666 = arith.mulf %gather3A_2664, %gather3A_2665 : vector<16xf32>
      %add3A_2667 = arith.addf %add3A_2651, %mul3A_2666 : vector<16xf32>
      %gather3A_2668 = tpu.vector_load_idx %arg17[%add3A_2620, %and3A_2605, %broadcast_in_dim3A_27] : memref<32x8x32xf32, #tpu.memory_space<vmem>>[vector<16xi32>, vector<16xi32>, vector<16xi32>], vector<16xf32>,
      %gather3A_2669 = tpu.vector_load_idx %arg18[%add3A_2620, %and3A_2608, %broadcast_in_dim3A_27] : memref<32x8x32xf32, #tpu.memory_space<vmem>>[vector<16xi32>, vector<16xi32>, vector<16xi32>], vector<16xf32>,
      %mul3A_2670 = arith.mulf %gather3A_2668, %gather3A_2669 : vector<16xf32>
      %add3A_2671 = arith.addf %add3A_2655, %mul3A_2670 : vector<16xf32>
      %gather3A_2672 = tpu.vector_load_idx %arg17[%add3A_2620, %and3A_2605, %broadcast_in_dim3A_29] : memref<32x8x32xf32, #tpu.memory_space<vmem>>[vector<16xi32>, vector<16xi32>, vector<16xi32>], vector<16xf32>,
      %gather3A_2673 = tpu.vector_load_idx %arg18[%add3A_2620, %and3A_2608, %broadcast_in_dim3A_29] : memref<32x8x32xf32, #tpu.memory_space<vmem>>[vector<16xi32>, vector<16xi32>, vector<16xi32>], vector<16xf32>,
      %mul3A_2674 = arith.mulf %gather3A_2672, %gather3A_2673 : vector<16xf32>
      %add3A_2675 = arith.addf %add3A_2659, %mul3A_2674 : vector<16xf32>
      %gather3A_2676 = tpu.vector_load_idx %arg17[%add3A_2620, %and3A_2605, %broadcast_in_dim3A_31] : memref<32x8x32xf32, #tpu.memory_space<vmem>>[vector<16xi32>, vector<16xi32>, vector<16xi32>], vector<16xf32>,
      %gather3A_2677 = tpu.vector_load_idx %arg18[%add3A_2620, %and3A_2608, %broadcast_in_dim3A_31] : memref<32x8x32xf32, #tpu.memory_space<vmem>>[vector<16xi32>, vector<16xi32>, vector<16xi32>], vector<16xf32>,
      %mul3A_2678 = arith.mulf %gather3A_2676, %gather3A_2677 : vector<16xf32>
      %add3A_2679 = arith.addf %add3A_2663, %mul3A_2678 : vector<16xf32>
      %gather3A_2680 = tpu.vector_load_idx %arg17[%add3A_2620, %and3A_2605, %broadcast_in_dim3A_33] : memref<32x8x32xf32, #tpu.memory_space<vmem>>[vector<16xi32>, vector<16xi32>, vector<16xi32>], vector<16xf32>,
      %gather3A_2681 = tpu.vector_load_idx %arg18[%add3A_2620, %and3A_2608, %broadcast_in_dim3A_33] : memref<32x8x32xf32, #tpu.memory_space<vmem>>[vector<16xi32>, vector<16xi32>, vector<16xi32>], vector<16xf32>,
      %mul3A_2682 = arith.mulf %gather3A_2680, %gather3A_2681 : vector<16xf32>
      %add3A_2683 = arith.addf %add3A_2667, %mul3A_2682 : vector<16xf32>
      %gather3A_2684 = tpu.vector_load_idx %arg17[%add3A_2620, %and3A_2605, %broadcast_in_dim3A_35] : memref<32x8x32xf32, #tpu.memory_space<vmem>>[vector<16xi32>, vector<16xi32>, vector<16xi32>], vector<16xf32>,
      %gather3A_2685 = tpu.vector_load_idx %arg18[%add3A_2620, %and3A_2608, %broadcast_in_dim3A_35] : memref<32x8x32xf32, #tpu.memory_space<vmem>>[vector<16xi32>, vector<16xi32>, vector<16xi32>], vector<16xf32>,
      %mul3A_2686 = arith.mulf %gather3A_2684, %gather3A_2685 : vector<16xf32>
      %add3A_2687 = arith.addf %add3A_2671, %mul3A_2686 : vector<16xf32>
      %gather3A_2688 = tpu.vector_load_idx %arg17[%add3A_2620, %and3A_2605, %broadcast_in_dim3A_37] : memref<32x8x32xf32, #tpu.memory_space<vmem>>[vector<16xi32>, vector<16xi32>, vector<16xi32>], vector<16xf32>,
      %gather3A_2689 = tpu.vector_load_idx %arg18[%add3A_2620, %and3A_2608, %broadcast_in_dim3A_37] : memref<32x8x32xf32, #tpu.memory_space<vmem>>[vector<16xi32>, vector<16xi32>, vector<16xi32>], vector<16xf32>,
      %mul3A_2690 = arith.mulf %gather3A_2688, %gather3A_2689 : vector<16xf32>
      %add3A_2691 = arith.addf %add3A_2675, %mul3A_2690 : vector<16xf32>
      %gather3A_2692 = tpu.vector_load_idx %arg17[%add3A_2620, %and3A_2605, %broadcast_in_dim3A_39] : memref<32x8x32xf32, #tpu.memory_space<vmem>>[vector<16xi32>, vector<16xi32>, vector<16xi32>], vector<16xf32>,
      %gather3A_2693 = tpu.vector_load_idx %arg18[%add3A_2620, %and3A_2608, %broadcast_in_dim3A_39] : memref<32x8x32xf32, #tpu.memory_space<vmem>>[vector<16xi32>, vector<16xi32>, vector<16xi32>], vector<16xf32>,
      %mul3A_2694 = arith.mulf %gather3A_2692, %gather3A_2693 : vector<16xf32>
      %add3A_2695 = arith.addf %add3A_2679, %mul3A_2694 : vector<16xf32>
      %gather3A_2696 = tpu.vector_load_idx %arg17[%add3A_2620, %and3A_2605, %broadcast_in_dim3A_41] : memref<32x8x32xf32, #tpu.memory_space<vmem>>[vector<16xi32>, vector<16xi32>, vector<16xi32>], vector<16xf32>,
      %gather3A_2697 = tpu.vector_load_idx %arg18[%add3A_2620, %and3A_2608, %broadcast_in_dim3A_41] : memref<32x8x32xf32, #tpu.memory_space<vmem>>[vector<16xi32>, vector<16xi32>, vector<16xi32>], vector<16xf32>,
      %mul3A_2698 = arith.mulf %gather3A_2696, %gather3A_2697 : vector<16xf32>
      %add3A_2699 = arith.addf %add3A_2683, %mul3A_2698 : vector<16xf32>
      %gather3A_2700 = tpu.vector_load_idx %arg17[%add3A_2620, %and3A_2605, %broadcast_in_dim3A_43] : memref<32x8x32xf32, #tpu.memory_space<vmem>>[vector<16xi32>, vector<16xi32>, vector<16xi32>], vector<16xf32>,
      %gather3A_2701 = tpu.vector_load_idx %arg18[%add3A_2620, %and3A_2608, %broadcast_in_dim3A_43] : memref<32x8x32xf32, #tpu.memory_space<vmem>>[vector<16xi32>, vector<16xi32>, vector<16xi32>], vector<16xf32>,
      %mul3A_2702 = arith.mulf %gather3A_2700, %gather3A_2701 : vector<16xf32>
      %add3A_2703 = arith.addf %add3A_2687, %mul3A_2702 : vector<16xf32>
      %gather3A_2704 = tpu.vector_load_idx %arg17[%add3A_2620, %and3A_2605, %broadcast_in_dim3A_45] : memref<32x8x32xf32, #tpu.memory_space<vmem>>[vector<16xi32>, vector<16xi32>, vector<16xi32>], vector<16xf32>,
      %gather3A_2705 = tpu.vector_load_idx %arg18[%add3A_2620, %and3A_2608, %broadcast_in_dim3A_45] : memref<32x8x32xf32, #tpu.memory_space<vmem>>[vector<16xi32>, vector<16xi32>, vector<16xi32>], vector<16xf32>,
      %mul3A_2706 = arith.mulf %gather3A_2704, %gather3A_2705 : vector<16xf32>
      %add3A_2707 = arith.addf %add3A_2691, %mul3A_2706 : vector<16xf32>
      %gather3A_2708 = tpu.vector_load_idx %arg17[%add3A_2620, %and3A_2605, %broadcast_in_dim3A_47] : memref<32x8x32xf32, #tpu.memory_space<vmem>>[vector<16xi32>, vector<16xi32>, vector<16xi32>], vector<16xf32>,
      %gather3A_2709 = tpu.vector_load_idx %arg18[%add3A_2620, %and3A_2608, %broadcast_in_dim3A_47] : memref<32x8x32xf32, #tpu.memory_space<vmem>>[vector<16xi32>, vector<16xi32>, vector<16xi32>], vector<16xf32>,
      %mul3A_2710 = arith.mulf %gather3A_2708, %gather3A_2709 : vector<16xf32>
      %add3A_2711 = arith.addf %add3A_2695, %mul3A_2710 : vector<16xf32>
      %gather3A_2712 = tpu.vector_load_idx %arg17[%add3A_2620, %and3A_2605, %broadcast_in_dim3A_49] : memref<32x8x32xf32, #tpu.memory_space<vmem>>[vector<16xi32>, vector<16xi32>, vector<16xi32>], vector<16xf32>,
      %gather3A_2713 = tpu.vector_load_idx %arg18[%add3A_2620, %and3A_2608, %broadcast_in_dim3A_49] : memref<32x8x32xf32, #tpu.memory_space<vmem>>[vector<16xi32>, vector<16xi32>, vector<16xi32>], vector<16xf32>,
      %mul3A_2714 = arith.mulf %gather3A_2712, %gather3A_2713 : vector<16xf32>
      %add3A_2715 = arith.addf %add3A_2699, %mul3A_2714 : vector<16xf32>
      %gather3A_2716 = tpu.vector_load_idx %arg17[%add3A_2620, %and3A_2605, %broadcast_in_dim3A_51] : memref<32x8x32xf32, #tpu.memory_space<vmem>>[vector<16xi32>, vector<16xi32>, vector<16xi32>], vector<16xf32>,
      %gather3A_2717 = tpu.vector_load_idx %arg18[%add3A_2620, %and3A_2608, %broadcast_in_dim3A_51] : memref<32x8x32xf32, #tpu.memory_space<vmem>>[vector<16xi32>, vector<16xi32>, vector<16xi32>], vector<16xf32>,
      %mul3A_2718 = arith.mulf %gather3A_2716, %gather3A_2717 : vector<16xf32>
      %add3A_2719 = arith.addf %add3A_2703, %mul3A_2718 : vector<16xf32>
      %gather3A_2720 = tpu.vector_load_idx %arg17[%add3A_2620, %and3A_2605, %broadcast_in_dim3A_53] : memref<32x8x32xf32, #tpu.memory_space<vmem>>[vector<16xi32>, vector<16xi32>, vector<16xi32>], vector<16xf32>,
      %gather3A_2721 = tpu.vector_load_idx %arg18[%add3A_2620, %and3A_2608, %broadcast_in_dim3A_53] : memref<32x8x32xf32, #tpu.memory_space<vmem>>[vector<16xi32>, vector<16xi32>, vector<16xi32>], vector<16xf32>,
      %mul3A_2722 = arith.mulf %gather3A_2720, %gather3A_2721 : vector<16xf32>
      %add3A_2723 = arith.addf %add3A_2707, %mul3A_2722 : vector<16xf32>
      %gather3A_2724 = tpu.vector_load_idx %arg17[%add3A_2620, %and3A_2605, %broadcast_in_dim3A_55] : memref<32x8x32xf32, #tpu.memory_space<vmem>>[vector<16xi32>, vector<16xi32>, vector<16xi32>], vector<16xf32>,
      %gather3A_2725 = tpu.vector_load_idx %arg18[%add3A_2620, %and3A_2608, %broadcast_in_dim3A_55] : memref<32x8x32xf32, #tpu.memory_space<vmem>>[vector<16xi32>, vector<16xi32>, vector<16xi32>], vector<16xf32>,
      %mul3A_2726 = arith.mulf %gather3A_2724, %gather3A_2725 : vector<16xf32>
      %add3A_2727 = arith.addf %add3A_2711, %mul3A_2726 : vector<16xf32>
      %gather3A_2728 = tpu.vector_load_idx %arg17[%add3A_2620, %and3A_2605, %broadcast_in_dim3A_57] : memref<32x8x32xf32, #tpu.memory_space<vmem>>[vector<16xi32>, vector<16xi32>, vector<16xi32>], vector<16xf32>,
      %gather3A_2729 = tpu.vector_load_idx %arg18[%add3A_2620, %and3A_2608, %broadcast_in_dim3A_57] : memref<32x8x32xf32, #tpu.memory_space<vmem>>[vector<16xi32>, vector<16xi32>, vector<16xi32>], vector<16xf32>,
      %mul3A_2730 = arith.mulf %gather3A_2728, %gather3A_2729 : vector<16xf32>
      %add3A_2731 = arith.addf %add3A_2715, %mul3A_2730 : vector<16xf32>
      %gather3A_2732 = tpu.vector_load_idx %arg17[%add3A_2620, %and3A_2605, %broadcast_in_dim3A_59] : memref<32x8x32xf32, #tpu.memory_space<vmem>>[vector<16xi32>, vector<16xi32>, vector<16xi32>], vector<16xf32>,
      %gather3A_2733 = tpu.vector_load_idx %arg18[%add3A_2620, %and3A_2608, %broadcast_in_dim3A_59] : memref<32x8x32xf32, #tpu.memory_space<vmem>>[vector<16xi32>, vector<16xi32>, vector<16xi32>], vector<16xf32>,
      %mul3A_2734 = arith.mulf %gather3A_2732, %gather3A_2733 : vector<16xf32>
      %add3A_2735 = arith.addf %add3A_2719, %mul3A_2734 : vector<16xf32>
      %gather3A_2736 = tpu.vector_load_idx %arg17[%add3A_2620, %and3A_2605, %broadcast_in_dim3A_61] : memref<32x8x32xf32, #tpu.memory_space<vmem>>[vector<16xi32>, vector<16xi32>, vector<16xi32>], vector<16xf32>,
      %gather3A_2737 = tpu.vector_load_idx %arg18[%add3A_2620, %and3A_2608, %broadcast_in_dim3A_61] : memref<32x8x32xf32, #tpu.memory_space<vmem>>[vector<16xi32>, vector<16xi32>, vector<16xi32>], vector<16xf32>,
      %mul3A_2738 = arith.mulf %gather3A_2736, %gather3A_2737 : vector<16xf32>
      %add3A_2739 = arith.addf %add3A_2723, %mul3A_2738 : vector<16xf32>
      %gather3A_2740 = tpu.vector_load_idx %arg17[%add3A_2620, %and3A_2605, %broadcast_in_dim3A_63] : memref<32x8x32xf32, #tpu.memory_space<vmem>>[vector<16xi32>, vector<16xi32>, vector<16xi32>], vector<16xf32>,
      %gather3A_2741 = tpu.vector_load_idx %arg18[%add3A_2620, %and3A_2608, %broadcast_in_dim3A_63] : memref<32x8x32xf32, #tpu.memory_space<vmem>>[vector<16xi32>, vector<16xi32>, vector<16xi32>], vector<16xf32>,
      %mul3A_2742 = arith.mulf %gather3A_2740, %gather3A_2741 : vector<16xf32>
      %add3A_2743 = arith.addf %add3A_2727, %mul3A_2742 : vector<16xf32>
      %gather3A_2744 = tpu.vector_load_idx %arg17[%add3A_2620, %and3A_2605, %broadcast_in_dim3A_65] : memref<32x8x32xf32, #tpu.memory_space<vmem>>[vector<16xi32>, vector<16xi32>, vector<16xi32>], vector<16xf32>,
      %gather3A_2745 = tpu.vector_load_idx %arg18[%add3A_2620, %and3A_2608, %broadcast_in_dim3A_65] : memref<32x8x32xf32, #tpu.memory_space<vmem>>[vector<16xi32>, vector<16xi32>, vector<16xi32>], vector<16xf32>,
      %mul3A_2746 = arith.mulf %gather3A_2744, %gather3A_2745 : vector<16xf32>
      %add3A_2747 = arith.addf %add3A_2731, %mul3A_2746 : vector<16xf32>
      %add3A_2748 = arith.addf %add3A_2735, %add3A_2739 : vector<16xf32>
      %add3A_2749 = arith.addf %add3A_2743, %add3A_2747 : vector<16xf32>
      %add3A_2750 = arith.addf %add3A_2748, %add3A_2749 : vector<16xf32>
      %swap3A_2751 = arith.index_cast %add3A_2602 : i32 to index
      %swap3A_2752 = tpu.vector_load %arg15[%swap3A_2751] {strides = array<i32>} : memref<512xf32, #tpu.memory_space<vmem>>, vector<16xf32>,
      tpu.vector_store %arg15[%swap3A_2751], %add3A_2750 {strides = array<i32>} : memref<512xf32, #tpu.memory_space<vmem>>, vector<16xf32>,
    }
    %scan3A_75 = arith.constant 16 : i32
    "tpu.region"() ({
      %run_scoped3A = tpu.sem_alloc : memref<!tpu.dma_semaphore, #tpu.memory_space<semaphore_mem>>
      %dma_start3A = tpu.memref_slice %arg10[%mul3A_2] : memref<16384xf32, #tpu.memory_space<hbm>> -> memref<512xf32, #tpu.memory_space<hbm>>
      %dma_start3A_76 = tpu.memref_slice %arg10[%mul3A_2] : memref<16384xf32, #tpu.memory_space<hbm>> -> memref<512xf32, #tpu.memory_space<hbm>>
      tpu.enqueue_dma source(%arg15 : memref<512xf32, #tpu.memory_space<vmem>>) target(%dma_start3A_76 : memref<512xf32, #tpu.memory_space<hbm>>) target_semaphore(%run_scoped3A : memref<!tpu.dma_semaphore, #tpu.memory_space<semaphore_mem>>)
      %dma_wait3A = tpu.memref_slice %arg10[%mul3A_2] : memref<16384xf32, #tpu.memory_space<hbm>> -> memref<512xf32, #tpu.memory_space<hbm>>
      %dma_wait3A_77 = tpu.memref_slice %arg10[%mul3A_2] : memref<16384xf32, #tpu.memory_space<hbm>> -> memref<512xf32, #tpu.memory_space<hbm>>
      tpu.wait_dma2 semaphore(%run_scoped3A : memref<!tpu.dma_semaphore, #tpu.memory_space<semaphore_mem>>) src(%arg15 : memref<512xf32, #tpu.memory_space<vmem>>) dst(%dma_wait3A_77 : memref<512xf32, #tpu.memory_space<hbm>>)
      tpu.yield
    }) : () -> ()
    return
  }
}

</mosaic_0001>

<sc_bundles>
// kernel: _sfc_forward.3.cloned.1.call-start
scs
__scs_entry_jumppad:
0x0: {  	(pc) =	sbr.rel $0x88, $3  }
0x1: {  	(tag) =	ssettag $0x0;
	lr =	simm.s32 $0x1  }
0x2: {  	[smem:$0x3F99] =	sst lr;
	_ =	strace $0xD0000000  }
0x3: {  	_ = 	snop  }
0x4: {  	_ = 	snop  }
0x5: {  	_ = 	snop  }
0x6: {  	_ = 	snop  }
0x7: {  	_ = 	snop  }
__scs_overlays_trampoline_lowered:
0x8: {  	[smem:$0x3FA8] =	sst s0  }
0x9: {  	[smem:$0x3FA9] =	sst s1  }
0xa: {  	[smem:$0x3FAA] =	sst s2  }
0xb: {  	[smem:$0x3FAB] =	sst s3  }
0xc: {  	[smem:$0x3FAC] =	sst s4  }
0xd: {  	[smem:$0x3FAD] =	sst s5  }
0xe: {  	[smem:$0x3FAE] =	sst s6  }
0xf: {  	[smem:$0x3FAF] =	sst s7  }
0x10: {  	[smem:$0x3FB0] =	sst s8  }
0x11: {  	[smem:$0x3FB1] =	sst s9;
	s0 =	simm.s32 @!p0 $0x0  }
0x12: {  	s1 =	sld [smem:$0x3F97];
	s0 =	simm.s32 @p0 $0x1  }
0x13: {  	[smem:$0x3FB2] =	sst s0;
	s0 =	simm.s32 @!p1 $0x0  }
0x14: {  	s2 =	sld [smem:$0x3F96];
	s0 =	simm.s32 @p1 $0x1  }
0x15: {  	[smem:$0x3FB3] =	sst s0;
	s0 =	simm.s32 @!p2 $0x0  }
0x16: {  	s3 =	sld [smem:$0x3FDB];
	s0 =	simm.s32 @p2 $0x1  }
0x17: {  	s4 =	simm.s32 $0x1BF5;
	[smem:$0x3FB5] =	sst s0  }
0x18: {  	s0 =	sld [smem:$0x3F98];
	_ =	swait.ge [sflag:s4], $0x0  }
0x19: {  	s7 =	sld [smem:$0x3F99]  }
0x1a: {  	s8 =	sadd.s32 $0xFFFFE003, lr  }
0x1b: {  	s9 =	sadd.s32 $0xFFFFFEF7, lr;
	s5 =	simm.s32 $0xFFFFFFFF;
	p2 =	slt.u32 s8, $0xFFFFF086  }
0x1c: {  	p1 =	slt.u32 s9, $0xF7A;
	s5 =	simm.s32 @!p2 $0x0  }
0x1d: {  	s5 =	simm.s32 @p1 $0x1;
	p0 =	seq.s32 s7, s2  }
0x1e: {  	s7 =	smul.u32 @!p0 $0xF7A, s2;
	p2 =	seq.s32 @!p0 s5, $0x0  }
0x1f: {  	s9 =	smul.u32 $0xF7A, s1;
	s8 =	simm.s32 @!p0 $0x1BF5;
	p2 =	por !p2, p0  }
0x20: {  	[sflag:s8] =	ssyncset.s32 @!p0 $0xFFFFF086;
	s6 =	sadd.s32 @!p0 s3, s7;
	s7 =	simm.s32 @!p0 $0x108  }
0x21: {  	s3 =	sadd.s32 s3, s9;
	s6 =	sadd.s32 @!p0 $0x88, s6;
	s7 =	simm.s32 @p2 $0x1082  }
0x22: {  	[simem:s7], [sflag:s8] =	dma.local @!p0 [hbm:s6], $0xF7A  }
0x23: {  	s9 =	sor.u32 $0xD0000000, s2;
	s6 =	simm.s32 $0x108;
	_ =	swait.ge @!p0 [sflag:s8], $0x0  }
0x24: {  	s3 =	sadd.s32 $0x88, s3;
	s6 =	simm.s32 @!p1 $0x1082;
	[sflag:s4] =	ssyncset.s32 $0xFFFFF086  }
0x25: {  	[simem:s6], [sflag:s4] =	dma.local [hbm:s3], $0xF7A  }
0x26: {  	[smem:$0x3F99] =	sst s1;
	(tag) =	ssettag s2;
	_ =	strace s9  }
0x27: {  	s1 =	sld [smem:$0x3FA9]  }
0x28: {  	s2 =	sld [smem:$0x3FAA]  }
0x29: {  	s4 =	sld [smem:$0x3FAC]  }
0x2a: {  	p0 =	seq.s32 s5, $0x0;
	s5 =	sld [smem:$0x3FAD]  }
0x2b: {  	s6 =	sld [smem:$0x3FAE]  }
0x2c: {  	s7 =	sld [smem:$0x3FAF]  }
0x2d: {  	s3 =	simm.s32 $0x108;
	s8 =	sld [smem:$0x3FB0]  }
0x2e: {  	s3 =	simm.s32 @!p0 $0x1082;
	s9 =	sld [smem:$0x3FB1]  }
0x2f: {  	lr =	sadd.s32 s0, s3;
	s0 =	sld [smem:$0x3FA8]  }
0x30: {  	s3 =	sld [smem:$0x3FAB]  }
0x31: {  	[smem:$0x3FB4] =	sst s10  }
0x32: {  	s10 =	sld [smem:$0x3FB2];
	_ =	sdelay $0x3  }
0x33: {  	p0 =	seq.s32 s10, $0x1;
	s10 =	sld [smem:$0x3FB4];
	_ =	sdelay $0x3  }
0x34: {  	[smem:$0x3FB4] =	sst s10  }
0x35: {  	s10 =	sld [smem:$0x3FB3];
	_ =	sdelay $0x3  }
0x36: {  	p1 =	seq.s32 s10, $0x1;
	s10 =	sld [smem:$0x3FB4];
	_ =	sdelay $0x3  }
0x37: {  	[smem:$0x3FB4] =	sst s10  }
0x38: {  	s10 =	sld [smem:$0x3FB5]  }
0x39: {  	_ = 	snop;
	(pc) =	sbr.ind lr, $3  }
0x3a: {  	_ = 	snop  }
0x3b: {  	_ = 	snop  }
0x3c: {  	p2 =	seq.s32 s10, $0x1;
	s10 =	sld [smem:$0x3FB4]  }
0x3d: {  	_ =	shalt  }
0x3e: {  	_ =	shalt  }
0x3f: {  	_ =	shalt  }
0x40: {  	_ =	shalt  }
0x41: {  	_ =	shalt  }
0x42: {  	_ =	shalt  }
0x43: {  	_ =	shalt  }
0x44: {  	_ =	shalt  }
0x45: {  	_ =	shalt  }
0x46: {  	_ =	shalt  }
0x47: {  	_ =	shalt  }
0x48: {  	_ =	shalt  }
0x49: {  	_ =	shalt  }
0x4a: {  	_ =	shalt  }
0x4b: {  	_ =	shalt  }
0x4c: {  	_ =	shalt  }
0x4d: {  	_ =	shalt  }
0x4e: {  	_ =	shalt  }
0x4f: {  	_ =	shalt  }
0x50: {  	_ =	shalt  }
0x51: {  	_ =	shalt  }
0x52: {  	_ =	shalt  }
0x53: {  	_ =	shalt  }
0x54: {  	_ =	shalt  }
0x55: {  	_ =	shalt  }
0x56: {  	_ =	shalt  }
0x57: {  	_ =	shalt  }
0x58: {  	_ =	shalt  }
0x59: {  	_ =	shalt  }
0x5a: {  	_ =	shalt  }
0x5b: {  	_ =	shalt  }
0x5c: {  	_ =	shalt  }
0x5d: {  	_ =	shalt  }
0x5e: {  	_ =	shalt  }
0x5f: {  	_ =	shalt  }
0x60: {  	_ =	shalt  }
0x61: {  	_ =	shalt  }
0x62: {  	_ =	shalt  }
0x63: {  	_ =	shalt  }
0x64: {  	_ =	shalt  }
0x65: {  	_ =	shalt  }
0x66: {  	_ =	shalt  }
0x67: {  	_ =	shalt  }
0x68: {  	_ =	shalt  }
0x69: {  	_ =	shalt  }
0x6a: {  	_ =	shalt  }
0x6b: {  	_ =	shalt  }
0x6c: {  	_ =	shalt  }
0x6d: {  	_ =	shalt  }
0x6e: {  	_ =	shalt  }
0x6f: {  	_ =	shalt  }
0x70: {  	_ =	shalt  }
0x71: {  	_ =	shalt  }
0x72: {  	_ =	shalt  }
0x73: {  	_ =	shalt  }
0x74: {  	_ =	shalt  }
0x75: {  	_ =	shalt  }
0x76: {  	_ =	shalt  }
0x77: {  	_ =	shalt  }
0x78: {  	_ =	shalt  }
0x79: {  	_ =	shalt  }
0x7a: {  	_ =	shalt  }
0x7b: {  	_ =	shalt  }
0x7c: {  	_ =	shalt  }
0x7d: {  	_ =	shalt  }
0x7e: {  	_ =	shalt  }
0x7f: {  	_ =	shalt  }
0x80: {  	_ =	shalt  }
0x81: {  	_ =	shalt  }
0x82: {  	_ =	shalt  }
0x83: {  	_ =	shalt  }
0x84: {  	_ =	shalt  }
0x85: {  	_ =	shalt  }
0x86: {  	_ =	shalt  }
0x87: {  	_ =	shalt  }
.Lfunc_end0:
.L_simem_size_0:
called_computation_lowered:
.L_overlay_start_0:
0x88: {  	s2 =	sld [smem:$0x3FD9]  }
0x89: {  	s3 =	sld [smem:$0x3FFE];
	_ =	sdelay $0x1  }
0x8a: {  	s1 =	srdreg.scid  }
0x8b: {  	s0 =	sand.u32 $0x1, s1  }
0x8c: {  	s17 =	sshll.u32 s0, $0xA;
	s2 =	sadd.s32 s3, s2  }
0x8d: {  	s2 =	sadd.s32 s2, s17  }
0x8e: {  	[smem:$0x3FC0] =	sst s2  }
0x8f: {  	_ = 	snop  }
0x90: {  	s2 =	sld [smem:$0x3FC9]  }
0x91: {  	s18 =	sld [smem:$0x3FC8]  }
0x92: {  	s4 =	sld [smem:$0x3FC7]  }
0x93: {  	s5 =	sld [smem:$0x3FC6]  }
0x94: {  	s6 =	sld [smem:$0x3FC5]  }
0x95: {  	s7 =	sld [smem:$0x3FC2]  }
0x96: {  	s8 =	sld [smem:$0x3FD0];
	(tm) =	ssettm $0x1  }
0x97: {  	s9 =	sld [smem:$0x3FFB];
	_ =	sdelay $0x3  }
0x98: {  	_ =	strace s9  }
0x99: {  	s9 =	sld [smem:$0x3FFC];
	_ =	sdelay $0x3  }
0x9a: {  	_ =	strace s9  }
0x9b: {  	s9 =	sld [smem:$0x3FFD];
	_ =	sdelay $0x3  }
0x9c: {  	_ =	strace s9  }
0x9d: {  	_ =	strace $0x8FFFFFFF  }
0x9e: {  	s19 =	sld [smem:$0x3FDB];
	_ =	sdelay $0x1  }
0x9f: {  	s10 =	simm.s32 $_scs_section_size  }
0xa0: {  	s11 =	simm.s32 $_size__tile_overlayer_lowered;
	s12 =	simm.s32 $_tile_overlayer_lowered  }
0xa1: {  	s22 =	simm.s32 $0x1BFF;
	s21 =	sshll.u32 s12, $0x1;
	s9 =	sadd.s32 s10, s19  }
0xa2: {  	s13 =	simm.s32 $0x0;
	s20 =	sshll.u32 s11, $0x1;
	s11 =	sadd.s32 s21, s9  }
0xa3: {  	[timem:s13], [sflag:s22] =	dma.local [hbm:s11], s20  }
0xa4: {  	_ =	swait.ge [sflag:s22], s20  }
0xa5: {  	s10 =	ssub.s32 $0x0, s20;
	[sflag:s22] =	ssyncset.done $0x0  }
0xa6: {  	[sflag:s22] =	ssyncadd.s32 s10;
	_ =	sdelay $0x1  }
0xa7: {  	s23 =	simm.s32 $0x1B8B  }
0xa8: {  	_ =	swait.ge [sflag:s23], $0x1  }
0xa9: {  	[sflag:s23] =	ssyncset.done $0x0  }
0xaa: {  	s25 =	simm.s32 $0x1B8E;
	s24 =	sld [smem:$0x3FFE];
	[sflag:s23] =	ssyncadd.s32 $0xFFFFFFFF  }
0xab: {  	s26 =	simm.s32 $execute0_lowered;
	[smem:$0x3FD2] =	sst s25  }
0xac: {  	s11 =	sshll.u32 s26, $0x1;
	_ =	strace $0x80000046;
	[dreg:$0x1] =	wrdreg $0xFFFFFFFF  }
0xad: {  	s28 =	simm.s32 $_size_execute0_lowered;
	s9 =	sadd.s32 s9, s11;
	[dreg:$0x0] =	wrdreg $0x0  }
0xae: {  	s11 =	sshll.u32 s28, $0x1;
	[dreg:$0x2] =	wrdreg s9  }
0xaf: {  	[dreg:$0x3] =	wrdreg s11  }
0xb0: {  	[dreg:$0x4] =	wrdreg $0xC0  }
0xb1: {  	_ =	task [dreg:s13], $0x5FFFF  }
0xb2: {  	[dreg:$0x1] =	wrdreg $0xFFFFFFFF  }
0xb3: {  	[dreg:$0x0] =	wrdreg $0x60  }
0xb4: {  	[dreg:$0x2] =	wrdreg s2  }
0xb5: {  	[dreg:$0x3] =	wrdreg s18  }
0xb6: {  	[dreg:$0x4] =	wrdreg s4  }
0xb7: {  	[dreg:$0x5] =	wrdreg s5  }
0xb8: {  	[dreg:$0x6] =	wrdreg s6  }
0xb9: {  	[dreg:$0x7] =	wrdreg s24  }
0xba: {  	[dreg:$0x8] =	wrdreg s7  }
0xbb: {  	[dreg:$0x9] =	wrdreg s8  }
0xbc: {  	[dreg:$0xa] =	wrdreg $0x9  }
0xbd: {  	_ =	task.clear_ibuf [dreg:s13], $0xBFFFF;
	_ =	strace $0x90000046  }
0xbe: {  	s29 =	simm.s32 $0x9;
	_ =	strace $0x80000048  }
0xbf: {  	_ =	swait.ge [sflag:s29], $0x1  }
0xc0: {  	[sflag:s29] =	ssyncadd.s32 $0xFFFFFFFF  }
0xc1: {  	_ =	strace $0x90000048  }
0xc2: {  	_ =	sfence  }
0xc3: {  	s30 =	sld [smem:$0x0];
	_ =	sdelay $0x2  }
0xc4: {  	s31 =	sshll.u32 s1, $0xD;
	s1 =	sshrl.u32 s1, $0x2  }
0xc5: {  	s3 =	sand.u32 $0x4000, s31;
	s1 =	sadd.s32 s1, s30  }
0xc6: {  	s0 =	sor.u32 s3, s0;
	s1 =	sshll.u32 s1, $0x11  }
0xc7: {  	s0 =	sor.u32 s1, s0  }
0xc8: {  	s0 =	sadd.s32 $0x8F2B, s0  }
0xc9: {  	[sflag:s0] =	ssyncadd.remote.s32 $0x1  }
0xca: {  	_ =	sfence.sel $0xFFFF  }
0xcb: {  	[dreg:$0x0] =	wrdreg $0xFFFFFFFF;
	(pc) =	sbr.abs _section_cstart, $3  }
0xcc: {  	[dreg:$0x1] =	wrdreg $0xFFFFFFFF  }
0xcd: {  	_ =	task.clear_ibuf [dreg:s13], $0x2FFFF;
	_ =	strace $0x9FFFFFFF  }
0xce: {  	(tm) =	ssettm $0x7FFFFFFF  }
0xcf: {  	_ =	shalt  }
tec
execute0_lowered:
.L_overlay_start_1:
0x0: {  	(tag) =	ssettag $0x1  }
0x1: {  	s7 =	rddreg [dreg:$0x0]  }
0x2: {  	s8 =	rddreg [dreg:$0x1]  }
0x3: {  	s9 =	rddreg [dreg:$0x2]  }
0x4: {  	s10 =	rddreg [dreg:$0x3]  }
0x5: {  	s1 =	rddreg [dreg:$0x4]  }
0x6: {  	s5 =	rddreg [dreg:$0x5]  }
0x7: {  	s2 =	rddreg [dreg:$0x6]  }
0x8: {  	s11 =	rddreg [dreg:$0x7]  }
0x9: {  	s0 =	rddreg [dreg:$0x8];
	s3 =	simm.s32 $0x0  }
0xa: {  	s4 =	simm.s32 $0xE80;
	[smem:$0x7FF] =	sst s3  }
0xb: {  	s31 =	simm.s32 $0x8E80;
	_ =	strace $0x80000047;
	[dreg:$0x9] =	wrdreg s4  }
0xc: {  	s6 =	simm.s32 $0x1280;
	[dreg:$0xa] =	wrdreg s31  }
0xd: {  	s12 =	simm.s32 $0x9280;
	[dreg:$0xb] =	wrdreg s6  }
0xe: {  	s13 =	simm.s32 $0x1680;
	[dreg:$0xc] =	wrdreg s12  }
0xf: {  	s14 =	simm.s32 $0x9680;
	[dreg:$0xd] =	wrdreg s13  }
0x10: {  	s15 =	simm.s32 $0x1A80;
	[dreg:$0xe] =	wrdreg s14  }
0x11: {  	s16 =	simm.s32 $0x9A80;
	[dreg:$0xf] =	wrdreg s15  }
0x12: {  	s17 =	simm.s32 $0x1E80;
	[dreg:$0x10] =	wrdreg s16  }
0x13: {  	s18 =	simm.s32 $0x9E80;
	[dreg:$0x11] =	wrdreg s17  }
0x14: {  	s19 =	simm.s32 $0x2280;
	[dreg:$0x12] =	wrdreg s18  }
0x15: {  	s20 =	simm.s32 $0xA280;
	[dreg:$0x13] =	wrdreg s19  }
0x16: {  	s21 =	simm.s32 $0x2680;
	[dreg:$0x14] =	wrdreg s20  }
0x17: {  	s22 =	simm.s32 $0xA680;
	[dreg:$0x15] =	wrdreg s21  }
0x18: {  	s23 =	simm.s32 $0x2A80;
	[dreg:$0x16] =	wrdreg s22  }
0x19: {  	s24 =	simm.s32 $0xAA80;
	[dreg:$0x17] =	wrdreg s23  }
0x1a: {  	s25 =	simm.s32 $0x2E80;
	v1 =	vlaneseq.u32;
	[dreg:$0x18] =	wrdreg s24  }
0x1b: {  	s26 =	simm.s32 $0xAE80;
	v0 =	vmul.u32 $0x80, v1;
	[dreg:$0x19] =	wrdreg s25  }
0x1c: {  	s28 =	simm.s32 $0x3280;
	v30 =	vmul.u32 $0x400, v1;
	[dreg:$0x1a] =	wrdreg s26  }
0x1d: {  	s29 =	simm.s32 $0xB280;
	[dreg:$0x1b] =	wrdreg s28;
	[tilespmem:$0x1FE50] =	vst v0  }
0x1e: {  	s30 =	simm.s32 $0x3680;
	[dreg:$0x1c] =	wrdreg s29;
	v33 =	vor.u32 $0x19, v30;
	[tilespmem:$0x1FFD0] =	vst v30  }
0x1f: {  	[dreg:$0x1d] =	wrdreg s30;
	s31 =	simm.s32 $0xB680;
	v34 =	vor.u32 $0x1B, v30;
	[tilespmem:$0x1FCD0] =	vst v33  }
0x20: {  	s6 =	simm.s32 $0x3A80;
	[dreg:$0x1e] =	wrdreg s31;
	v36 =	vor.u32 $0x4004, v30;
	[tilespmem:$0x1FCE0] =	vst v34  }
0x21: {  	s12 =	simm.s32 $0xBA80;
	[dreg:$0x1f] =	wrdreg s6;
	v38 =	vor.u32 $0x4005, v30;
	[tilespmem:$0x1FCF0] =	vst v36  }
0x22: {  	s13 =	simm.s32 $0x3E80;
	[smem:$0x7D6] =	sst s12;
	v40 =	vor.u32 $0x4006, v30;
	[tilespmem:$0x1FD00] =	vst v38  }
0x23: {  	s14 =	simm.s32 $0xBE80;
	[smem:$0x7D7] =	sst s13;
	v42 =	vor.u32 $0x4007, v30;
	[tilespmem:$0x1FD10] =	vst v40  }
0x24: {  	s15 =	simm.s32 $0x4280;
	[smem:$0x7D8] =	sst s14;
	v44 =	vor.u32 $0x4008, v30;
	[tilespmem:$0x1FD20] =	vst v42  }
0x25: {  	s16 =	simm.s32 $0xC280;
	[smem:$0x7D9] =	sst s15;
	v46 =	vor.u32 $0x4009, v30;
	[tilespmem:$0x1FD30] =	vst v44  }
0x26: {  	s17 =	simm.s32 $0x4680;
	[smem:$0x7DA] =	sst s16;
	v48 =	vor.u32 $0x400A, v30;
	[tilespmem:$0x1FD40] =	vst v46  }
0x27: {  	s18 =	simm.s32 $0xC680;
	[smem:$0x7DB] =	sst s17;
	v50 =	vor.u32 $0x400B, v30;
	[tilespmem:$0x1FD50] =	vst v48  }
0x28: {  	s19 =	simm.s32 $0x4A80;
	[smem:$0x7DC] =	sst s18;
	v58 =	vor.u32 $0x400C, v30;
	[tilespmem:$0x1FD60] =	vst v50  }
0x29: {  	s20 =	simm.s32 $0xCA80;
	[smem:$0x7DD] =	sst s19;
	v63 =	vor.u32 $0x400D, v30;
	[tilespmem:$0x1FD70] =	vst v58  }
0x2a: {  	s21 =	simm.s32 $0x4E80;
	[smem:$0x7DE] =	sst s20;
	v5 =	vor.u32 $0x1, v30;
	[tilespmem:$0x1FD80] =	vst v63  }
0x2b: {  	s22 =	simm.s32 $0x5280;
	[smem:$0x7DF] =	sst s21;
	v6 =	vor.u32 $0x2, v30;
	[tilespmem:$0x1FE60] =	vst v5  }
0x2c: {  	s23 =	simm.s32 $0xD280;
	[smem:$0x7E1] =	sst s22;
	v10 =	vor.u32 $0x4, v30;
	[tilespmem:$0x1FE70] =	vst v6  }
0x2d: {  	s24 =	simm.s32 $0xD680;
	[smem:$0x7E2] =	sst s23;
	v9 =	vor.u32 $0x3, v30;
	[tilespmem:$0x1FE80] =	vst v10  }
0x2e: {  	s25 =	simm.s32 $0x5A80;
	[smem:$0x7E4] =	sst s24;
	v13 =	vor.u32 $0x5, v30;
	[tilespmem:$0x1FE90] =	vst v9  }
0x2f: {  	s28 =	simm.s32 $0xDA80;
	[smem:$0x7E5] =	sst s25;
	v18 =	vor.u32 $0x8, v30;
	[tilespmem:$0x1FEA0] =	vst v13  }
0x30: {  	s29 =	simm.s32 $0xDE80;
	[smem:$0x7E6] =	sst s28;
	v20 =	vor.u32 $0x9, v30;
	[tilespmem:$0x1FEB0] =	vst v18  }
0x31: {  	s6 =	simm.s32 $0xCE80;
	[smem:$0x7E8] =	sst s29;
	v15 =	vor.u32 $0x6, v30;
	[tilespmem:$0x1FEC0] =	vst v20  }
0x32: {  	s13 =	simm.s32 $0x5680;
	v22 =	vor.u32 $0xA, v30;
	[smem:$0x7E0] =	sst s6;
	[tilespmem:$0x1FED0] =	vst v15  }
0x33: {  	s16 =	simm.s32 $0x5E80;
	v17 =	vor.u32 $0x7, v30;
	[smem:$0x7E3] =	sst s13;
	[tilespmem:$0x1FEE0] =	vst v22  }
0x34: {  	s31 =	simm.s32 $0x6280;
	v24 =	vor.u32 $0xB, v30;
	[smem:$0x7E7] =	sst s16;
	[tilespmem:$0x1FEF0] =	vst v17  }
0x35: {  	s17 =	simm.s32 $0x6680;
	v26 =	vor.u32 $0xC, v30;
	[smem:$0x7E9] =	sst s31;
	[tilespmem:$0x1FF00] =	vst v24  }
0x36: {  	s19 =	simm.s32 $0xE680;
	v28 =	vor.u32 $0xD, v30;
	[smem:$0x7EB] =	sst s17;
	[tilespmem:$0x1FF10] =	vst v26  }
0x37: {  	s20 =	simm.s32 $0x6A80;
	v32 =	vor.u32 $0xF, v30;
	[smem:$0x7EC] =	sst s19;
	[tilespmem:$0x1FF20] =	vst v28  }
0x38: {  	s21 =	simm.s32 $0xEA80;
	v35 =	vor.u32 $0x10, v30;
	[smem:$0x7ED] =	sst s20;
	[tilespmem:$0x1FF30] =	vst v32  }
0x39: {  	s22 =	simm.s32 $0x6E80;
	v31 =	vor.u32 $0xE, v30;
	[smem:$0x7EE] =	sst s21;
	[tilespmem:$0x1FF40] =	vst v35  }
0x3a: {  	s23 =	simm.s32 $0xEE80;
	v37 =	vor.u32 $0x11, v30;
	[smem:$0x7EF] =	sst s22;
	[tilespmem:$0x1FF50] =	vst v31  }
0x3b: {  	s4 =	sadd.s32 $0x400, s5;
	s24 =	simm.s32 $0x7280;
	v39 =	vor.u32 $0x12, v30;
	[smem:$0x7F0] =	sst s23;
	[tilespmem:$0x1FF60] =	vst v37  }
0x3c: {  	s5 =	sadd.s32 $0xF42800, s5;
	s25 =	simm.s32 $0xF280;
	v43 =	vor.u32 $0x14, v30;
	[smem:$0x7F1] =	sst s24;
	[tilespmem:$0x1FF70] =	vst v39  }
0x3d: {  	s12 =	srdreg.scid;
	v45 =	vor.u32 $0x15, v30;
	s28 =	simm.s32 $0xF680;
	[smem:$0x7F2] =	sst s25;
	[tilespmem:$0x1FF80] =	vst v43  }
0x3e: {  	v41 =	vor.u32 $0x13, v30;
	s29 =	simm.s32 $0x7A80;
	s6 =	stileid.u32;
	[smem:$0x7F4] =	sst s28;
	[tilespmem:$0x1FF90] =	vst v45  }
0x3f: {  	v49 =	vor.u32 $0x17, v30;
	s14 =	sand.u32 $0x1, s12;
	s13 =	simm.s32 $0x80;
	[smem:$0x7F5] =	sst s29;
	[tilespmem:$0x1FFA0] =	vst v41  }
0x40: {  	v47 =	vor.u32 $0x16, v30;
	s31 =	simm.s32 $0x7E80;
	s17 =	simm.s32 $0xFE80;
	s19 =	simm.s32 $0x10280;
	[tilespmem:$0x1FFB0] =	vst v49  }
0x41: {  	s20 =	simm.s32 $0x8680;
	v33 =	vor.u32 $0x400E, v30;
	s21 =	simm.s32 $0x10680;
	s22 =	simm.s32 $0x11280;
	[tilespmem:$0x1FFC0] =	vst v47  }
0x42: {  	v34 =	vor.u32 $0x400F, v30;
	s23 =	simm.s32 $0x2;
	s24 =	simm.s32 $0x800;
	[smem:$0x7F7] =	sst s31;
	[tilespmem:$0x1FD90] =	vst v33  }
0x43: {  	v36 =	vor.u32 $0x4010, v30;
	s25 =	simm.s32 $0x0;
	s26 =	ssub.s32 $0x2, s14;
	[smem:$0x7F8] =	sst s17;
	[tilespmem:$0x1FDA0] =	vst v34  }
0x44: {  	v38 =	vor.u32 $0x4011, v30;
	s30 =	sshll.u32 s6, $0x1;
	s16 =	sshll.u32 s6, $0x7;
	[smem:$0x7FA] =	sst s19;
	[tilespmem:$0x1FDB0] =	vst v36  }
0x45: {  	v40 =	vor.u32 $0x4012, v30;
	s17 =	simm.s32 $0x600;
	s19 =	simm.s32 $0xA80;
	[smem:$0x7FB] =	sst s20;
	[tilespmem:$0x1FDC0] =	vst v38  }
0x46: {  	v42 =	vor.u32 $0x4013, v30;
	[tilespmem:$0x1FDD0] =	vst v40;
	s20 =	simm.s32 $0x8A80;
	[smem:$0x7FC] =	sst s21;
	s21 =	simm.s32 $0x10A80  }
0x47: {  	v44 =	vor.u32 $0x4014, v30;
	[tilespmem:$0x1FDE0] =	vst v42;
	[smem:$0x7FD] =	sst s22;
	s22 =	simm.s32 $0x1;
	s15 =	sshrl.u32 s26, $0x1  }
0x48: {  	v46 =	vor.u32 $0x4015, v30;
	[tilespmem:$0x1FDF0] =	vst v44;
	s14 =	sor.u32 s14, s30;
	s30 =	simm.s32 $0xFA80;
	s12 =	ssub.s32 s26, s15  }
0x49: {  	v48 =	vor.u32 $0x4016, v30;
	[tilespmem:$0x1FE00] =	vst v46;
	s15 =	simm.s32 $0xE280;
	s18 =	sshll.u32 s14, $0x4;
	[smem:$0x7F6] =	sst s30  }
0x4a: {  	v52 =	vor.u32 $0x18, v30;
	v50 =	vor.u32 $0x4017, v30;
	[tilespmem:$0x1FE10] =	vst v48;
	s14 =	sshll.u32 s14, $0x6;
	s26 =	simm.s32 $0x7680;
	[smem:$0x7EA] =	sst s15  }
0x4b: {  	v51 =	vor.u32 $0x1A, v30;
	v54 =	vor.u32 $0x1C, v30;
	v58 =	vor.u32 $0x4018, v30;
	[tilespmem:$0x1FE20] =	vst v50;
	s15 =	sor.u32 s16, s18;
	s11 =	sadd.s32 s11, s14;
	[smem:$0x7F3] =	sst s26  }
0x4c: {  	v55 =	vor.u32 $0x1D, v30;
	v56 =	vor.u32 $0x1E, v30;
	v63 =	vor.u32 $0x401B, v30;
	[tilespmem:$0x1FE30] =	vst v58;
	s12 =	smax.u32 s12, $0x1;
	s14 =	simm.s32 $0x400;
	s18 =	simm.s32 $0x8280  }
0x4d: {  	vm0 =	vmmov $0xffff;
	v57 =	vor.u32 $0x1F, v30;
	v48 =	vor.u32 $0x4019, v30;
	[tilespmem:$0x1FE40] =	vst v63;
	s16 =	simm.s32 $0x200;
	s15 =	sand.u32 $0x670, s15;
	[smem:$0x7F9] =	sst s18  }
0x4e: {  	v53 =	vor.u32 $0x800, v0;
	v59 =	vor.u32 $0x4000, v30;
	v50 =	vor.u32 $0x401A, v30;
	[tilespmem:$0x1FFE0] =	vst v48;
	s18 =	simm.s32 $0xA00;
	s7 =	sadd.s32 s7, s15;
	s8 =	sadd.s32 s8, s15  }
0x4f: {  	v60 =	vor.u32 $0x4001, v30;
	v61 =	vor.u32 $0x4002, v30;
	v62 =	vor.u32 $0x4003, v30;
	[tilespmem:$0x1FFF0] =	vst v50;
	s9 =	sadd.s32 s9, s15;
	s10 =	sadd.s32 s10, s15;
	s15 =	simm.s32 $0x3  }
.LBB2_1:
0x50: {  	[tilespmem:s3], [sflag:$0x3] =	stream.strided.gather [hbm4b:s7+s13], $0x200, s14, s13, $0x38;
	[tilespmem:$0x11A80] =	vst v63  }
0x51: {  	_ =	swait.ge [sflag:s15], $0x200  }
0x52: {  	[sflag:s15] =	ssyncset.done $0x0  }
0x53: {  	[sflag:s15] =	ssyncadd.s32 $0xFFFFFE00  }
0x54: {  	[tilespmem:s16], [sflag:$0x3] =	stream.strided.gather [hbm4b:s8+s13], $0x200, s14, s13, $0x38;
	[tilespmem:$0x11A80] =	vst v63  }
0x55: {  	_ =	swait.ge [sflag:s15], $0x200  }
0x56: {  	[sflag:s15] =	ssyncset.done $0x0  }
0x57: {  	[sflag:s15] =	ssyncadd.s32 $0xFFFFFE00  }
0x58: {  	[tilespmem:s14], [sflag:$0x3] =	stream.strided.gather [hbm4b:s9+s13], $0x200, s14, s13, $0x38;
	[tilespmem:$0x11A80] =	vst v63  }
0x59: {  	_ =	swait.ge [sflag:s15], $0x200  }
0x5a: {  	[sflag:s15] =	ssyncset.done $0x0  }
0x5b: {  	[sflag:s15] =	ssyncadd.s32 $0xFFFFFE00  }
0x5c: {  	[tilespmem:s17], [sflag:$0x3] =	stream.strided.gather [hbm4b:s10+s13], $0x200, s14, s13, $0x38;
	[tilespmem:$0x11A80] =	vst v63  }
0x5d: {  	_ =	swait.ge [sflag:s15], $0x200  }
0x5e: {  	[sflag:s15] =	ssyncset.done $0x0  }
0x5f: {  	[sflag:s15] =	ssyncadd.s32 $0xFFFFFE00  }
0x60: {  	[tilespmem:s18], [sflag:$0x3] =	stream.linear.gather [hbm4b:s1+s3], $0x80, $0x38;
	[tilespmem:$0x11A80] =	vst v63  }
0x61: {  	_ =	swait.ge [sflag:s15], $0x80  }
0x62: {  	[sflag:s15] =	ssyncset.done $0x0  }
0x63: {  	[sflag:s15] =	ssyncadd.s32 $0xFFFFFF80  }
0x64: {  	v1 =	vld [tilespmem:$0xA00];
	_ =	sdelay $0x4  }
0x65: {  	s26 =	simm.s32 $0x0;
	[tilespmem:$0x1FCC0] =	vst v1  }
.LBB2_2:
0x66: {  	s28 =	sshra.s32 s26, $0x2  }
0x67: {  	v1 =	vld [tilespmem:s28+$0x0];
	_ =	sdelay $0x2  }
0x68: {  	v63 =	vld [tilespmem:s28+$0x200];
	_ =	sdelay $0x1  }
0x69: {  	v1 =	vshrl.u32 v1, $0x3  }
0x6a: {  	v1 =	vshll.u32 v1, $0x7  }
0x6b: {  	(v2sf) =	vpush v1, $0x0  }
0x6c: {  	v63 =	vshrl.u32 v63, $0x3  }
0x6d: {  	v63 =	vshll.u32 v63, $0x7  }
0x6e: {  	(v2sf) =	vpush v63, $0x0;
	_ =	sdelay $0x2  }
0x6f: {  	(v2sf) =	vpush v1, $0x1;
	_ =	sdelay $0x4  }
0x70: {  	(v2sf) =	vpush v63, $0x1;
	_ =	sdelay $0x3  }
0x71: {  	s29 =	spop (v2sf);
	(v2sf) =	vpush v1, $0x2;
	_ =	sdelay $0x1  }
0x72: {  	s29 =	sand.u32 $0x1FFFFF80, s29  }
0x73: {  	s30 =	spop (v2sf);
	s29 =	sadd.s32 s4, s29  }
0x74: {  	(v2sf) =	vpush v63, $0x2;
	[tilespmem:s19], [sflag:$0x1] =	stream.linear.gather [hbm4b:s29+s3], $0x400, $0x38;
	[tilespmem:$0x11A80] =	vst v63  }
0x75: {  	s29 =	sand.u32 $0x1FFFFF80, s30  }
0x76: {  	s31 =	spop (v2sf);
	s29 =	sadd.s32 s5, s29  }
0x77: {  	[tilespmem:s20], [sflag:$0x1] =	stream.linear.gather [hbm4b:s29+s3], $0x400, $0x38;
	[tilespmem:$0x11A80] =	vst v63  }
0x78: {  	(v2sf) =	vpush v1, $0x3;
	s29 =	sand.u32 $0x1FFFFF80, s31  }
0x79: {  	s30 =	rddreg [dreg:$0x9];
	s29 =	sadd.s32 s4, s29  }
0x7a: {  	[tilespmem:s30], [sflag:$0x1] =	stream.linear.gather [hbm4b:s29+s3], $0x400, $0x38;
	[tilespmem:$0x11A80] =	vst v63  }
0x7b: {  	s29 =	spop (v2sf)  }
0x7c: {  	(v2sf) =	vpush v63, $0x3;
	s29 =	sand.u32 $0x1FFFFF80, s29  }
0x7d: {  	s31 =	rddreg [dreg:$0xa];
	s29 =	sadd.s32 s5, s29  }
0x7e: {  	[tilespmem:s31], [sflag:$0x1] =	stream.linear.gather [hbm4b:s29+s3], $0x400, $0x38;
	[tilespmem:$0x11A80] =	vst v63  }
0x7f: {  	s29 =	spop (v2sf)  }
0x80: {  	(v2sf) =	vpush v1, $0x4;
	s29 =	sand.u32 $0x1FFFFF80, s29  }
0x81: {  	s31 =	rddreg [dreg:$0xb];
	s29 =	sadd.s32 s4, s29  }
0x82: {  	[tilespmem:s31], [sflag:$0x1] =	stream.linear.gather [hbm4b:s29+s3], $0x400, $0x38;
	[tilespmem:$0x11A80] =	vst v63  }
0x83: {  	s29 =	spop (v2sf)  }
0x84: {  	(v2sf) =	vpush v63, $0x4;
	s29 =	sand.u32 $0x1FFFFF80, s29  }
0x85: {  	s31 =	rddreg [dreg:$0xc];
	s29 =	sadd.s32 s5, s29  }
0x86: {  	[tilespmem:s31], [sflag:$0x1] =	stream.linear.gather [hbm4b:s29+s3], $0x400, $0x38;
	[tilespmem:$0x11A80] =	vst v63  }
0x87: {  	s29 =	spop (v2sf)  }
0x88: {  	s29 =	sand.u32 $0x1FFFFF80, s29  }
0x89: {  	s31 =	rddreg [dreg:$0xd];
	s29 =	sadd.s32 s4, s29  }
0x8a: {  	[tilespmem:s31], [sflag:$0x1] =	stream.linear.gather [hbm4b:s29+s3], $0x400, $0x38;
	[tilespmem:$0x11A80] =	vst v63  }
0x8b: {  	s29 =	spop (v2sf)  }
0x8c: {  	s29 =	sand.u32 $0x1FFFFF80, s29  }
0x8d: {  	s31 =	rddreg [dreg:$0xe];
	s29 =	sadd.s32 s5, s29  }
0x8e: {  	[tilespmem:s31], [sflag:$0x1] =	stream.linear.gather [hbm4b:s29+s3], $0x400, $0x38;
	[tilespmem:$0x11A80] =	vst v63  }
0x8f: {  	s29 =	spop (v2sf);
	(v2sf) =	vpush v1, $0x5  }
0x90: {  	s29 =	sand.u32 $0x1FFFFF80, s29  }
0x91: {  	s31 =	rddreg [dreg:$0xf];
	s29 =	sadd.s32 s4, s29  }
0x92: {  	[tilespmem:s31], [sflag:$0x1] =	stream.linear.gather [hbm4b:s29+s3], $0x400, $0x38;
	[tilespmem:$0x11A80] =	vst v63  }
0x93: {  	s29 =	spop (v2sf);
	(v2sf) =	vpush v63, $0x5;
	_ =	sdelay $0x3  }
0x94: {  	(v2sf) =	vpush v1, $0x6;
	_ =	sdelay $0x3  }
0x95: {  	s29 =	sand.u32 $0x1FFFFF80, s29;
	(v2sf) =	vpush v63, $0x6  }
0x96: {  	s31 =	rddreg [dreg:$0x10];
	s29 =	sadd.s32 s5, s29  }
0x97: {  	[tilespmem:s31], [sflag:$0x1] =	stream.linear.gather [hbm4b:s29+s3], $0x400, $0x38;
	[tilespmem:$0x11A80] =	vst v63  }
0x98: {  	s29 =	spop (v2sf)  }
0x99: {  	(v2sf) =	vpush v1, $0x7;
	s29 =	sand.u32 $0x1FFFFF80, s29  }
0x9a: {  	s31 =	rddreg [dreg:$0x11];
	s29 =	sadd.s32 s4, s29  }
0x9b: {  	[tilespmem:s31], [sflag:$0x1] =	stream.linear.gather [hbm4b:s29+s3], $0x400, $0x38;
	[tilespmem:$0x11A80] =	vst v63  }
0x9c: {  	s29 =	spop (v2sf)  }
0x9d: {  	(v2sf) =	vpush v63, $0x7;
	s29 =	sand.u32 $0x1FFFFF80, s29  }
0x9e: {  	s31 =	rddreg [dreg:$0x12];
	s29 =	sadd.s32 s5, s29  }
0x9f: {  	[tilespmem:s31], [sflag:$0x1] =	stream.linear.gather [hbm4b:s29+s3], $0x400, $0x38;
	[tilespmem:$0x11A80] =	vst v63  }
0xa0: {  	s29 =	spop (v2sf)  }
0xa1: {  	(v2sf) =	vpush v1, $0x8;
	s29 =	sand.u32 $0x1FFFFF80, s29  }
0xa2: {  	s31 =	rddreg [dreg:$0x13];
	s29 =	sadd.s32 s4, s29  }
0xa3: {  	[tilespmem:s31], [sflag:$0x1] =	stream.linear.gather [hbm4b:s29+s3], $0x400, $0x38;
	[tilespmem:$0x11A80] =	vst v63  }
0xa4: {  	s29 =	spop (v2sf)  }
0xa5: {  	(v2sf) =	vpush v63, $0x8;
	s29 =	sand.u32 $0x1FFFFF80, s29  }
0xa6: {  	s31 =	rddreg [dreg:$0x14];
	s29 =	sadd.s32 s5, s29  }
0xa7: {  	[tilespmem:s31], [sflag:$0x1] =	stream.linear.gather [hbm4b:s29+s3], $0x400, $0x38;
	[tilespmem:$0x11A80] =	vst v63  }
0xa8: {  	s29 =	spop (v2sf)  }
0xa9: {  	(v2sf) =	vpush v1, $0x9;
	s29 =	sand.u32 $0x1FFFFF80, s29  }
0xaa: {  	s31 =	rddreg [dreg:$0x15];
	s29 =	sadd.s32 s4, s29  }
0xab: {  	[tilespmem:s31], [sflag:$0x1] =	stream.linear.gather [hbm4b:s29+s3], $0x400, $0x38;
	[tilespmem:$0x11A80] =	vst v63  }
0xac: {  	s29 =	spop (v2sf)  }
0xad: {  	(v2sf) =	vpush v63, $0x9;
	s29 =	sand.u32 $0x1FFFFF80, s29  }
0xae: {  	s31 =	rddreg [dreg:$0x16];
	s29 =	sadd.s32 s5, s29  }
0xaf: {  	[tilespmem:s31], [sflag:$0x1] =	stream.linear.gather [hbm4b:s29+s3], $0x400, $0x38;
	[tilespmem:$0x11A80] =	vst v63  }
0xb0: {  	s29 =	spop (v2sf)  }
0xb1: {  	(v2sf) =	vpush v1, $0xA;
	s29 =	sand.u32 $0x1FFFFF80, s29  }
0xb2: {  	s31 =	rddreg [dreg:$0x17];
	s29 =	sadd.s32 s4, s29  }
0xb3: {  	[tilespmem:s31], [sflag:$0x1] =	stream.linear.gather [hbm4b:s29+s3], $0x400, $0x38;
	[tilespmem:$0x11A80] =	vst v63  }
0xb4: {  	s29 =	spop (v2sf)  }
0xb5: {  	(v2sf) =	vpush v63, $0xA;
	s29 =	sand.u32 $0x1FFFFF80, s29  }
0xb6: {  	s31 =	rddreg [dreg:$0x18];
	s29 =	sadd.s32 s5, s29  }
0xb7: {  	[tilespmem:s31], [sflag:$0x1] =	stream.linear.gather [hbm4b:s29+s3], $0x400, $0x38;
	[tilespmem:$0x11A80] =	vst v63  }
0xb8: {  	s29 =	spop (v2sf)  }
0xb9: {  	(v2sf) =	vpush v1, $0xB;
	s29 =	sand.u32 $0x1FFFFF80, s29  }
0xba: {  	s31 =	rddreg [dreg:$0x19];
	s29 =	sadd.s32 s4, s29  }
0xbb: {  	[tilespmem:s31], [sflag:$0x1] =	stream.linear.gather [hbm4b:s29+s3], $0x400, $0x38;
	[tilespmem:$0x11A80] =	vst v63  }
0xbc: {  	s29 =	spop (v2sf)  }
0xbd: {  	(v2sf) =	vpush v63, $0xB;
	s29 =	sand.u32 $0x1FFFFF80, s29  }
0xbe: {  	s31 =	rddreg [dreg:$0x1a];
	s29 =	sadd.s32 s5, s29  }
0xbf: {  	[tilespmem:s31], [sflag:$0x1] =	stream.linear.gather [hbm4b:s29+s3], $0x400, $0x38;
	[tilespmem:$0x11A80] =	vst v63  }
0xc0: {  	s29 =	spop (v2sf)  }
0xc1: {  	(v2sf) =	vpush v1, $0xC;
	s29 =	sand.u32 $0x1FFFFF80, s29  }
0xc2: {  	s31 =	rddreg [dreg:$0x1b];
	s29 =	sadd.s32 s4, s29  }
0xc3: {  	[tilespmem:s31], [sflag:$0x1] =	stream.linear.gather [hbm4b:s29+s3], $0x400, $0x38;
	[tilespmem:$0x11A80] =	vst v63  }
0xc4: {  	s29 =	spop (v2sf)  }
0xc5: {  	(v2sf) =	vpush v63, $0xC;
	s29 =	sand.u32 $0x1FFFFF80, s29  }
0xc6: {  	s31 =	rddreg [dreg:$0x1c];
	s29 =	sadd.s32 s5, s29  }
0xc7: {  	[tilespmem:s31], [sflag:$0x1] =	stream.linear.gather [hbm4b:s29+s3], $0x400, $0x38;
	[tilespmem:$0x11A80] =	vst v63  }
0xc8: {  	s29 =	spop (v2sf)  }
0xc9: {  	(v2sf) =	vpush v1, $0xD;
	s29 =	sand.u32 $0x1FFFFF80, s29  }
0xca: {  	s31 =	rddreg [dreg:$0x1d];
	s29 =	sadd.s32 s4, s29  }
0xcb: {  	[tilespmem:s31], [sflag:$0x1] =	stream.linear.gather [hbm4b:s29+s3], $0x400, $0x38;
	[tilespmem:$0x11A80] =	vst v63  }
0xcc: {  	s29 =	spop (v2sf)  }
0xcd: {  	(v2sf) =	vpush v63, $0xD;
	s29 =	sand.u32 $0x1FFFFF80, s29  }
0xce: {  	s31 =	rddreg [dreg:$0x1e];
	s29 =	sadd.s32 s5, s29  }
0xcf: {  	[tilespmem:s31], [sflag:$0x1] =	stream.linear.gather [hbm4b:s29+s3], $0x400, $0x38;
	[tilespmem:$0x11A80] =	vst v63  }
0xd0: {  	s29 =	spop (v2sf)  }
0xd1: {  	(v2sf) =	vpush v1, $0xE;
	s29 =	sand.u32 $0x1FFFFF80, s29  }
0xd2: {  	s31 =	rddreg [dreg:$0x1f];
	s29 =	sadd.s32 s4, s29  }
0xd3: {  	[tilespmem:s31], [sflag:$0x1] =	stream.linear.gather [hbm4b:s29+s3], $0x400, $0x38;
	[tilespmem:$0x11A80] =	vst v63  }
0xd4: {  	s29 =	spop (v2sf);
	s31 =	sld [smem:$0x7D6]  }
0xd5: {  	(v2sf) =	vpush v63, $0xE;
	s29 =	sand.u32 $0x1FFFFF80, s29  }
0xd6: {  	s29 =	sadd.s32 s5, s29  }
0xd7: {  	[tilespmem:s31], [sflag:$0x1] =	stream.linear.gather [hbm4b:s29+s3], $0x400, $0x38;
	[tilespmem:$0x11A80] =	vst v63  }
0xd8: {  	s31 =	sld [smem:$0x7D7];
	s29 =	spop (v2sf)  }
0xd9: {  	s29 =	sand.u32 $0x1FFFFF80, s29  }
0xda: {  	(v2sf) =	vpush v1, $0xF;
	s29 =	sadd.s32 s4, s29  }
0xdb: {  	[tilespmem:s31], [sflag:$0x1] =	stream.linear.gather [hbm4b:s29+s3], $0x400, $0x38;
	[tilespmem:$0x11A80] =	vst v63  }
0xdc: {  	s29 =	spop (v2sf);
	s31 =	sld [smem:$0x7D8]  }
0xdd: {  	s29 =	sand.u32 $0x1FFFFF80, s29  }
0xde: {  	(v2sf) =	vpush v63, $0xF;
	s29 =	sadd.s32 s5, s29  }
0xdf: {  	[tilespmem:s31], [sflag:$0x1] =	stream.linear.gather [hbm4b:s29+s3], $0x400, $0x38;
	[tilespmem:$0x11A80] =	vst v63  }
0xe0: {  	s29 =	spop (v2sf);
	s31 =	sld [smem:$0x7D9]  }
0xe1: {  	s29 =	sand.u32 $0x1FFFFF80, s29  }
0xe2: {  	s29 =	sadd.s32 s4, s29  }
0xe3: {  	[tilespmem:s31], [sflag:$0x1] =	stream.linear.gather [hbm4b:s29+s3], $0x400, $0x38;
	[tilespmem:$0x11A80] =	vst v63  }
0xe4: {  	s29 =	spop (v2sf)  }
0xe5: {  	s31 =	sld [smem:$0x7DA]  }
0xe6: {  	s29 =	sand.u32 $0x1FFFFF80, s29  }
0xe7: {  	s29 =	sadd.s32 s5, s29  }
0xe8: {  	[tilespmem:s31], [sflag:$0x1] =	stream.linear.gather [hbm4b:s29+s3], $0x400, $0x38;
	[tilespmem:$0x11A80] =	vst v63  }
0xe9: {  	s31 =	sld [smem:$0x7DB];
	s29 =	spop (v2sf)  }
0xea: {  	s29 =	sand.u32 $0x1FFFFF80, s29  }
0xeb: {  	s29 =	sadd.s32 s4, s29  }
0xec: {  	[tilespmem:s31], [sflag:$0x1] =	stream.linear.gather [hbm4b:s29+s3], $0x400, $0x38;
	[tilespmem:$0x11A80] =	vst v63  }
0xed: {  	s29 =	spop (v2sf);
	s31 =	sld [smem:$0x7DC]  }
0xee: {  	s29 =	sand.u32 $0x1FFFFF80, s29  }
0xef: {  	s29 =	sadd.s32 s5, s29  }
0xf0: {  	[tilespmem:s31], [sflag:$0x1] =	stream.linear.gather [hbm4b:s29+s3], $0x400, $0x38;
	[tilespmem:$0x11A80] =	vst v63  }
0xf1: {  	v40 =	vld [tilespmem:s28+$0x10];
	_ =	sdelay $0x3  }
0xf2: {  	v42 =	vld [tilespmem:s28+$0x210]  }
0xf3: {  	v1 =	vshrl.u32 v40, $0x3  }
0xf4: {  	v1 =	vshll.u32 v1, $0x7  }
0xf5: {  	(v2sf) =	vpush v1, $0x0;
	_ =	sdelay $0x1  }
0xf6: {  	v63 =	vshrl.u32 v42, $0x3  }
0xf7: {  	v63 =	vshll.u32 v63, $0x7  }
0xf8: {  	(v2sf) =	vpush v63, $0x0;
	_ =	sdelay $0x3  }
0xf9: {  	(v2sf) =	vpush v1, $0x1;
	_ =	sdelay $0x3  }
0xfa: {  	(v2sf) =	vpush v63, $0x1;
	_ =	sdelay $0x2  }
0xfb: {  	s31 =	sld [smem:$0x7DD];
	s29 =	spop (v2sf)  }
0xfc: {  	(v2sf) =	vpush v1, $0x2;
	s29 =	sand.u32 $0x1FFFFF80, s29  }
0xfd: {  	s29 =	sadd.s32 s4, s29  }
0xfe: {  	[tilespmem:s31], [sflag:$0x1] =	stream.linear.gather [hbm4b:s29+s3], $0x400, $0x38;
	[tilespmem:$0x11A80] =	vst v63  }
0xff: {  	s29 =	spop (v2sf);
	s31 =	sld [smem:$0x7DE]  }
0x100: {  	(v2sf) =	vpush v63, $0x2;
	s29 =	sand.u32 $0x1FFFFF80, s29  }
0x101: {  	s29 =	sadd.s32 s5, s29  }
0x102: {  	[tilespmem:s31], [sflag:$0x1] =	stream.linear.gather [hbm4b:s29+s3], $0x400, $0x38;
	[tilespmem:$0x11A80] =	vst v63  }
0x103: {  	s29 =	spop (v2sf);
	s31 =	sld [smem:$0x7DF]  }
0x104: {  	(v2sf) =	vpush v1, $0x3;
	s29 =	sand.u32 $0x1FFFFF80, s29  }
0x105: {  	s29 =	sadd.s32 s4, s29  }
0x106: {  	[tilespmem:s31], [sflag:$0x1] =	stream.linear.gather [hbm4b:s29+s3], $0x400, $0x38;
	[tilespmem:$0x11A80] =	vst v63  }
0x107: {  	s29 =	spop (v2sf);
	s31 =	sld [smem:$0x7E0]  }
0x108: {  	(v2sf) =	vpush v63, $0x3;
	s29 =	sand.u32 $0x1FFFFF80, s29  }
0x109: {  	s29 =	sadd.s32 s5, s29  }
0x10a: {  	[tilespmem:s31], [sflag:$0x1] =	stream.linear.gather [hbm4b:s29+s3], $0x400, $0x38;
	[tilespmem:$0x11A80] =	vst v63  }
0x10b: {  	s31 =	sld [smem:$0x7E1];
	s29 =	spop (v2sf)  }
0x10c: {  	(v2sf) =	vpush v1, $0x4;
	s29 =	sand.u32 $0x1FFFFF80, s29  }
0x10d: {  	s29 =	sadd.s32 s4, s29  }
0x10e: {  	[tilespmem:s31], [sflag:$0x1] =	stream.linear.gather [hbm4b:s29+s3], $0x400, $0x38;
	[tilespmem:$0x11A80] =	vst v63  }
0x10f: {  	s29 =	spop (v2sf);
	s31 =	sld [smem:$0x7E2]  }
0x110: {  	(v2sf) =	vpush v63, $0x4;
	s29 =	sand.u32 $0x1FFFFF80, s29  }
0x111: {  	s29 =	sadd.s32 s5, s29  }
0x112: {  	[tilespmem:s31], [sflag:$0x1] =	stream.linear.gather [hbm4b:s29+s3], $0x400, $0x38;
	[tilespmem:$0x11A80] =	vst v63  }
0x113: {  	s29 =	spop (v2sf);
	s31 =	sld [smem:$0x7E3]  }
0x114: {  	(v2sf) =	vpush v1, $0x5;
	s29 =	sand.u32 $0x1FFFFF80, s29  }
0x115: {  	s29 =	sadd.s32 s4, s29  }
0x116: {  	[tilespmem:s31], [sflag:$0x1] =	stream.linear.gather [hbm4b:s29+s3], $0x400, $0x38;
	[tilespmem:$0x11A80] =	vst v63  }
0x117: {  	s29 =	spop (v2sf);
	s31 =	sld [smem:$0x7E4]  }
0x118: {  	(v2sf) =	vpush v63, $0x5;
	s29 =	sand.u32 $0x1FFFFF80, s29  }
0x119: {  	s29 =	sadd.s32 s5, s29  }
0x11a: {  	[tilespmem:s31], [sflag:$0x1] =	stream.linear.gather [hbm4b:s29+s3], $0x400, $0x38;
	[tilespmem:$0x11A80] =	vst v63  }
0x11b: {  	s31 =	sld [smem:$0x7E5];
	s29 =	spop (v2sf)  }
0x11c: {  	(v2sf) =	vpush v1, $0x6;
	s29 =	sand.u32 $0x1FFFFF80, s29  }
0x11d: {  	s29 =	sadd.s32 s4, s29  }
0x11e: {  	[tilespmem:s31], [sflag:$0x1] =	stream.linear.gather [hbm4b:s29+s3], $0x400, $0x38;
	[tilespmem:$0x11A80] =	vst v63  }
0x11f: {  	s29 =	spop (v2sf);
	s31 =	sld [smem:$0x7E6]  }
0x120: {  	(v2sf) =	vpush v63, $0x6;
	s29 =	sand.u32 $0x1FFFFF80, s29  }
0x121: {  	s29 =	sadd.s32 s5, s29  }
0x122: {  	[tilespmem:s31], [sflag:$0x1] =	stream.linear.gather [hbm4b:s29+s3], $0x400, $0x38;
	[tilespmem:$0x11A80] =	vst v63  }
0x123: {  	s29 =	spop (v2sf);
	s31 =	sld [smem:$0x7E7]  }
0x124: {  	(v2sf) =	vpush v1, $0x7;
	s29 =	sand.u32 $0x1FFFFF80, s29  }
0x125: {  	s29 =	sadd.s32 s4, s29  }
0x126: {  	[tilespmem:s31], [sflag:$0x1] =	stream.linear.gather [hbm4b:s29+s3], $0x400, $0x38;
	[tilespmem:$0x11A80] =	vst v63  }
0x127: {  	s29 =	spop (v2sf);
	s31 =	sld [smem:$0x7E8]  }
0x128: {  	(v2sf) =	vpush v63, $0x7;
	s29 =	sand.u32 $0x1FFFFF80, s29  }
0x129: {  	s29 =	sadd.s32 s5, s29  }
0x12a: {  	[tilespmem:s31], [sflag:$0x1] =	stream.linear.gather [hbm4b:s29+s3], $0x400, $0x38;
	[tilespmem:$0x11A80] =	vst v63  }
0x12b: {  	s31 =	sld [smem:$0x7E9];
	s29 =	spop (v2sf)  }
0x12c: {  	(v2sf) =	vpush v1, $0x8;
	s29 =	sand.u32 $0x1FFFFF80, s29  }
0x12d: {  	s29 =	sadd.s32 s4, s29  }
0x12e: {  	[tilespmem:s31], [sflag:$0x1] =	stream.linear.gather [hbm4b:s29+s3], $0x400, $0x38;
	[tilespmem:$0x11A80] =	vst v63  }
0x12f: {  	s29 =	spop (v2sf);
	s31 =	sld [smem:$0x7EA]  }
0x130: {  	(v2sf) =	vpush v63, $0x8;
	s29 =	sand.u32 $0x1FFFFF80, s29  }
0x131: {  	s29 =	sadd.s32 s5, s29  }
0x132: {  	[tilespmem:s31], [sflag:$0x1] =	stream.linear.gather [hbm4b:s29+s3], $0x400, $0x38;
	[tilespmem:$0x11A80] =	vst v63  }
0x133: {  	s29 =	spop (v2sf);
	s31 =	sld [smem:$0x7EB]  }
0x134: {  	(v2sf) =	vpush v1, $0x9;
	s29 =	sand.u32 $0x1FFFFF80, s29  }
0x135: {  	s29 =	sadd.s32 s4, s29  }
0x136: {  	[tilespmem:s31], [sflag:$0x1] =	stream.linear.gather [hbm4b:s29+s3], $0x400, $0x38;
	[tilespmem:$0x11A80] =	vst v63  }
0x137: {  	s29 =	spop (v2sf);
	s31 =	sld [smem:$0x7EC]  }
0x138: {  	(v2sf) =	vpush v63, $0x9;
	s29 =	sand.u32 $0x1FFFFF80, s29  }
0x139: {  	s29 =	sadd.s32 s5, s29  }
0x13a: {  	[tilespmem:s31], [sflag:$0x1] =	stream.linear.gather [hbm4b:s29+s3], $0x400, $0x38;
	[tilespmem:$0x11A80] =	vst v63  }
0x13b: {  	s31 =	sld [smem:$0x7ED];
	s29 =	spop (v2sf)  }
0x13c: {  	(v2sf) =	vpush v1, $0xA;
	s29 =	sand.u32 $0x1FFFFF80, s29  }
0x13d: {  	s29 =	sadd.s32 s4, s29  }
0x13e: {  	[tilespmem:s31], [sflag:$0x1] =	stream.linear.gather [hbm4b:s29+s3], $0x400, $0x38;
	[tilespmem:$0x11A80] =	vst v63  }
0x13f: {  	s29 =	spop (v2sf);
	s31 =	sld [smem:$0x7EE]  }
0x140: {  	(v2sf) =	vpush v63, $0xA;
	s29 =	sand.u32 $0x1FFFFF80, s29  }
0x141: {  	s29 =	sadd.s32 s5, s29  }
0x142: {  	[tilespmem:s31], [sflag:$0x1] =	stream.linear.gather [hbm4b:s29+s3], $0x400, $0x38;
	[tilespmem:$0x11A80] =	vst v63  }
0x143: {  	s29 =	spop (v2sf);
	s31 =	sld [smem:$0x7EF]  }
0x144: {  	(v2sf) =	vpush v1, $0xB;
	s29 =	sand.u32 $0x1FFFFF80, s29  }
0x145: {  	s29 =	sadd.s32 s4, s29  }
0x146: {  	[tilespmem:s31], [sflag:$0x1] =	stream.linear.gather [hbm4b:s29+s3], $0x400, $0x38;
	[tilespmem:$0x11A80] =	vst v63  }
0x147: {  	s29 =	spop (v2sf);
	s31 =	sld [smem:$0x7F0]  }
0x148: {  	(v2sf) =	vpush v63, $0xB;
	s29 =	sand.u32 $0x1FFFFF80, s29  }
0x149: {  	s29 =	sadd.s32 s5, s29  }
0x14a: {  	[tilespmem:s31], [sflag:$0x1] =	stream.linear.gather [hbm4b:s29+s3], $0x400, $0x38;
	[tilespmem:$0x11A80] =	vst v63  }
0x14b: {  	s31 =	sld [smem:$0x7F1];
	s29 =	spop (v2sf)  }
0x14c: {  	(v2sf) =	vpush v1, $0xC;
	s29 =	sand.u32 $0x1FFFFF80, s29  }
0x14d: {  	s29 =	sadd.s32 s4, s29  }
0x14e: {  	[tilespmem:s31], [sflag:$0x1] =	stream.linear.gather [hbm4b:s29+s3], $0x400, $0x38;
	[tilespmem:$0x11A80] =	vst v63  }
0x14f: {  	s29 =	spop (v2sf);
	s31 =	sld [smem:$0x7F2]  }
0x150: {  	(v2sf) =	vpush v63, $0xC;
	s29 =	sand.u32 $0x1FFFFF80, s29  }
0x151: {  	s29 =	sadd.s32 s5, s29  }
0x152: {  	[tilespmem:s31], [sflag:$0x1] =	stream.linear.gather [hbm4b:s29+s3], $0x400, $0x38;
	[tilespmem:$0x11A80] =	vst v63  }
0x153: {  	s29 =	spop (v2sf);
	s31 =	sld [smem:$0x7F3]  }
0x154: {  	(v2sf) =	vpush v1, $0xD;
	s29 =	sand.u32 $0x1FFFFF80, s29  }
0x155: {  	s29 =	sadd.s32 s4, s29  }
0x156: {  	[tilespmem:s31], [sflag:$0x1] =	stream.linear.gather [hbm4b:s29+s3], $0x400, $0x38;
	[tilespmem:$0x11A80] =	vst v63  }
0x157: {  	s29 =	spop (v2sf);
	s31 =	sld [smem:$0x7F4]  }
0x158: {  	(v2sf) =	vpush v63, $0xD;
	s29 =	sand.u32 $0x1FFFFF80, s29  }
0x159: {  	s29 =	sadd.s32 s5, s29  }
0x15a: {  	[tilespmem:s31], [sflag:$0x1] =	stream.linear.gather [hbm4b:s29+s3], $0x400, $0x38;
	[tilespmem:$0x11A80] =	vst v63  }
0x15b: {  	s31 =	sld [smem:$0x7F5];
	s29 =	spop (v2sf)  }
0x15c: {  	(v2sf) =	vpush v1, $0xE;
	s29 =	sand.u32 $0x1FFFFF80, s29  }
0x15d: {  	s29 =	sadd.s32 s4, s29  }
0x15e: {  	[tilespmem:s31], [sflag:$0x1] =	stream.linear.gather [hbm4b:s29+s3], $0x400, $0x38;
	[tilespmem:$0x11A80] =	vst v63  }
0x15f: {  	s29 =	spop (v2sf);
	s31 =	sld [smem:$0x7F6]  }
0x160: {  	(v2sf) =	vpush v63, $0xE;
	s29 =	sand.u32 $0x1FFFFF80, s29  }
0x161: {  	s29 =	sadd.s32 s5, s29  }
0x162: {  	[tilespmem:s31], [sflag:$0x1] =	stream.linear.gather [hbm4b:s29+s3], $0x400, $0x38;
	[tilespmem:$0x11A80] =	vst v63  }
0x163: {  	s29 =	spop (v2sf);
	s31 =	sld [smem:$0x7F7]  }
0x164: {  	(v2sf) =	vpush v1, $0xF;
	s29 =	sand.u32 $0x1FFFFF80, s29  }
0x165: {  	s29 =	sadd.s32 s4, s29  }
0x166: {  	[tilespmem:s31], [sflag:$0x1] =	stream.linear.gather [hbm4b:s29+s3], $0x400, $0x38;
	[tilespmem:$0x11A80] =	vst v63  }
0x167: {  	s29 =	spop (v2sf);
	s31 =	sld [smem:$0x7F8]  }
0x168: {  	(v2sf) =	vpush v63, $0xF;
	s29 =	sand.u32 $0x1FFFFF80, s29  }
0x169: {  	s29 =	sadd.s32 s5, s29  }
0x16a: {  	[tilespmem:s31], [sflag:$0x1] =	stream.linear.gather [hbm4b:s29+s3], $0x400, $0x38;
	[tilespmem:$0x11A80] =	vst v63  }
0x16b: {  	s31 =	sld [smem:$0x7F9];
	s29 =	spop (v2sf)  }
0x16c: {  	s29 =	sand.u32 $0x1FFFFF80, s29  }
0x16d: {  	s29 =	sadd.s32 s4, s29  }
0x16e: {  	[tilespmem:s31], [sflag:$0x1] =	stream.linear.gather [hbm4b:s29+s3], $0x400, $0x38;
	[tilespmem:$0x11A80] =	vst v63  }
0x16f: {  	s29 =	spop (v2sf);
	s31 =	sld [smem:$0x7FA]  }
0x170: {  	s29 =	sand.u32 $0x1FFFFF80, s29  }
0x171: {  	s29 =	sadd.s32 s5, s29  }
0x172: {  	[tilespmem:s31], [sflag:$0x1] =	stream.linear.gather [hbm4b:s29+s3], $0x400, $0x38;
	[tilespmem:$0x11A80] =	vst v63  }
0x173: {  	s29 =	spop (v2sf);
	s31 =	sld [smem:$0x7FB]  }
0x174: {  	s29 =	sand.u32 $0x1FFFFF80, s29  }
0x175: {  	s29 =	sadd.s32 s4, s29  }
0x176: {  	[tilespmem:s31], [sflag:$0x1] =	stream.linear.gather [hbm4b:s29+s3], $0x400, $0x38;
	[tilespmem:$0x11A80] =	vst v63  }
0x177: {  	s29 =	spop (v2sf);
	s31 =	sld [smem:$0x7FC]  }
0x178: {  	s29 =	sand.u32 $0x1FFFFF80, s29  }
0x179: {  	s29 =	sadd.s32 s5, s29  }
0x17a: {  	[tilespmem:s31], [sflag:$0x1] =	stream.linear.gather [hbm4b:s29+s3], $0x400, $0x38;
	[tilespmem:$0x11A80] =	vst v63  }
0x17b: {  	v44 =	vld [tilespmem:s28+$0x400];
	_ =	sdelay $0x1  }
0x17c: {  	v46 =	vld [tilespmem:s28+$0x600];
	_ =	sdelay $0x2  }
0x17d: {  	v1 =	vmul.u32 $0x3E8, v44;
	_ =	sdelay $0x1  }
0x17e: {  	v1 =	vadd.s32 v46, v1  }
0x17f: {  	v1 =	vshrl.u32 v1, $0x7;
	_ =	sdelay $0x4  }
0x180: {  	[tilespmem:s21], [sflag:$0x2] =	stream.indirect_vreg.gather [hbm4b:s2+s3], $0x80, v1, vm0, $0xb8;
	[tilespmem:$0x11A80] =	vst v63  }
0x181: {  	v1 =	vld [tilespmem:s28+$0x410];
	_ =	sdelay $0x1  }
0x182: {  	v48 =	vld [tilespmem:s28+$0x610];
	_ =	sdelay $0x2  }
0x183: {  	v1 =	vmul.u32 $0x3E8, v1;
	_ =	sdelay $0x1  }
0x184: {  	v1 =	vadd.s32 v48, v1  }
0x185: {  	v1 =	vshrl.u32 v1, $0x7;
	_ =	sdelay $0x1  }
0x186: {  	s31 =	sld [smem:$0x7FD];
	_ =	sdelay $0x2  }
0x187: {  	[tilespmem:s31], [sflag:$0x2] =	stream.indirect_vreg.gather [hbm4b:s2+s3], $0x80, v1, vm0, $0xb8;
	[tilespmem:$0x11A80] =	vst v63  }
0x188: {  	_ =	swait.ge [sflag:s22], $0x400  }
0x189: {  	[sflag:s22] =	ssyncset.done $0x0  }
0x18a: {  	[sflag:s22] =	ssyncadd.s32 $0xFFFFFC00  }
0x18b: {  	_ =	swait.ge [sflag:s22], $0x400  }
0x18c: {  	[sflag:s22] =	ssyncset.done $0x0  }
0x18d: {  	[sflag:s22] =	ssyncadd.s32 $0xFFFFFC00  }
0x18e: {  	_ =	swait.ge [sflag:s22], $0x400  }
0x18f: {  	[sflag:s22] =	ssyncset.done $0x0  }
0x190: {  	[sflag:s22] =	ssyncadd.s32 $0xFFFFFC00  }
0x191: {  	_ =	swait.ge [sflag:s22], $0x400  }
0x192: {  	[sflag:s22] =	ssyncset.done $0x0  }
0x193: {  	[sflag:s22] =	ssyncadd.s32 $0xFFFFFC00  }
0x194: {  	_ =	swait.ge [sflag:s22], $0x400  }
0x195: {  	[sflag:s22] =	ssyncset.done $0x0  }
0x196: {  	[sflag:s22] =	ssyncadd.s32 $0xFFFFFC00  }
0x197: {  	_ =	swait.ge [sflag:s22], $0x400  }
0x198: {  	[sflag:s22] =	ssyncset.done $0x0  }
0x199: {  	[sflag:s22] =	ssyncadd.s32 $0xFFFFFC00  }
0x19a: {  	_ =	swait.ge [sflag:s22], $0x400  }
0x19b: {  	[sflag:s22] =	ssyncset.done $0x0  }
0x19c: {  	[sflag:s22] =	ssyncadd.s32 $0xFFFFFC00  }
0x19d: {  	_ =	swait.ge [sflag:s22], $0x400  }
0x19e: {  	[sflag:s22] =	ssyncset.done $0x0  }
0x19f: {  	[sflag:s22] =	ssyncadd.s32 $0xFFFFFC00  }
0x1a0: {  	_ =	swait.ge [sflag:s22], $0x400  }
0x1a1: {  	[sflag:s22] =	ssyncset.done $0x0  }
0x1a2: {  	[sflag:s22] =	ssyncadd.s32 $0xFFFFFC00  }
0x1a3: {  	_ =	swait.ge [sflag:s22], $0x400  }
0x1a4: {  	[sflag:s22] =	ssyncset.done $0x0  }
0x1a5: {  	[sflag:s22] =	ssyncadd.s32 $0xFFFFFC00  }
0x1a6: {  	_ =	swait.ge [sflag:s22], $0x400  }
0x1a7: {  	[sflag:s22] =	ssyncset.done $0x0  }
0x1a8: {  	[sflag:s22] =	ssyncadd.s32 $0xFFFFFC00  }
0x1a9: {  	_ =	swait.ge [sflag:s22], $0x400  }
0x1aa: {  	[sflag:s22] =	ssyncset.done $0x0  }
0x1ab: {  	[sflag:s22] =	ssyncadd.s32 $0xFFFFFC00  }
0x1ac: {  	_ =	swait.ge [sflag:s22], $0x400  }
0x1ad: {  	[sflag:s22] =	ssyncset.done $0x0  }
0x1ae: {  	[sflag:s22] =	ssyncadd.s32 $0xFFFFFC00  }
0x1af: {  	_ =	swait.ge [sflag:s22], $0x400  }
0x1b0: {  	[sflag:s22] =	ssyncset.done $0x0  }
0x1b1: {  	[sflag:s22] =	ssyncadd.s32 $0xFFFFFC00  }
0x1b2: {  	_ =	swait.ge [sflag:s22], $0x400  }
0x1b3: {  	[sflag:s22] =	ssyncset.done $0x0  }
0x1b4: {  	[sflag:s22] =	ssyncadd.s32 $0xFFFFFC00  }
0x1b5: {  	_ =	swait.ge [sflag:s22], $0x400  }
0x1b6: {  	[sflag:s22] =	ssyncset.done $0x0  }
0x1b7: {  	[sflag:s22] =	ssyncadd.s32 $0xFFFFFC00  }
0x1b8: {  	_ =	swait.ge [sflag:s22], $0x400  }
0x1b9: {  	[sflag:s22] =	ssyncset.done $0x0  }
0x1ba: {  	[sflag:s22] =	ssyncadd.s32 $0xFFFFFC00  }
0x1bb: {  	_ =	swait.ge [sflag:s22], $0x400  }
0x1bc: {  	[sflag:s22] =	ssyncset.done $0x0  }
0x1bd: {  	[sflag:s22] =	ssyncadd.s32 $0xFFFFFC00  }
0x1be: {  	_ =	swait.ge [sflag:s22], $0x400  }
0x1bf: {  	[sflag:s22] =	ssyncset.done $0x0  }
0x1c0: {  	[sflag:s22] =	ssyncadd.s32 $0xFFFFFC00  }
0x1c1: {  	_ =	swait.ge [sflag:s22], $0x400  }
0x1c2: {  	[sflag:s22] =	ssyncset.done $0x0  }
0x1c3: {  	[sflag:s22] =	ssyncadd.s32 $0xFFFFFC00  }
0x1c4: {  	_ =	swait.ge [sflag:s22], $0x400  }
0x1c5: {  	[sflag:s22] =	ssyncset.done $0x0  }
0x1c6: {  	[sflag:s22] =	ssyncadd.s32 $0xFFFFFC00  }
0x1c7: {  	_ =	swait.ge [sflag:s22], $0x400  }
0x1c8: {  	[sflag:s22] =	ssyncset.done $0x0  }
0x1c9: {  	[sflag:s22] =	ssyncadd.s32 $0xFFFFFC00  }
0x1ca: {  	_ =	swait.ge [sflag:s22], $0x400  }
0x1cb: {  	[sflag:s22] =	ssyncset.done $0x0  }
0x1cc: {  	[sflag:s22] =	ssyncadd.s32 $0xFFFFFC00  }
0x1cd: {  	_ =	swait.ge [sflag:s22], $0x400  }
0x1ce: {  	[sflag:s22] =	ssyncset.done $0x0  }
0x1cf: {  	[sflag:s22] =	ssyncadd.s32 $0xFFFFFC00  }
0x1d0: {  	_ =	swait.ge [sflag:s22], $0x400  }
0x1d1: {  	[sflag:s22] =	ssyncset.done $0x0  }
0x1d2: {  	[sflag:s22] =	ssyncadd.s32 $0xFFFFFC00  }
0x1d3: {  	_ =	swait.ge [sflag:s22], $0x400  }
0x1d4: {  	[sflag:s22] =	ssyncset.done $0x0  }
0x1d5: {  	[sflag:s22] =	ssyncadd.s32 $0xFFFFFC00  }
0x1d6: {  	_ =	swait.ge [sflag:s22], $0x400  }
0x1d7: {  	[sflag:s22] =	ssyncset.done $0x0  }
0x1d8: {  	[sflag:s22] =	ssyncadd.s32 $0xFFFFFC00  }
0x1d9: {  	_ =	swait.ge [sflag:s22], $0x400  }
0x1da: {  	[sflag:s22] =	ssyncset.done $0x0  }
0x1db: {  	[sflag:s22] =	ssyncadd.s32 $0xFFFFFC00  }
0x1dc: {  	_ =	swait.ge [sflag:s22], $0x400  }
0x1dd: {  	[sflag:s22] =	ssyncset.done $0x0  }
0x1de: {  	[sflag:s22] =	ssyncadd.s32 $0xFFFFFC00  }
0x1df: {  	_ =	swait.ge [sflag:s22], $0x400  }
0x1e0: {  	[sflag:s22] =	ssyncset.done $0x0  }
0x1e1: {  	[sflag:s22] =	ssyncadd.s32 $0xFFFFFC00  }
0x1e2: {  	_ =	swait.ge [sflag:s22], $0x400  }
0x1e3: {  	[sflag:s22] =	ssyncset.done $0x0  }
0x1e4: {  	[sflag:s22] =	ssyncadd.s32 $0xFFFFFC00  }
0x1e5: {  	_ =	swait.ge [sflag:s22], $0x400  }
0x1e6: {  	[sflag:s22] =	ssyncset.done $0x0  }
0x1e7: {  	[sflag:s22] =	ssyncadd.s32 $0xFFFFFC00  }
0x1e8: {  	_ =	swait.ge [sflag:s22], $0x400  }
0x1e9: {  	[sflag:s22] =	ssyncset.done $0x0  }
0x1ea: {  	[sflag:s22] =	ssyncadd.s32 $0xFFFFFC00  }
0x1eb: {  	_ =	swait.ge [sflag:s22], $0x400  }
0x1ec: {  	[sflag:s22] =	ssyncset.done $0x0  }
0x1ed: {  	[sflag:s22] =	ssyncadd.s32 $0xFFFFFC00  }
0x1ee: {  	_ =	swait.ge [sflag:s22], $0x400  }
0x1ef: {  	[sflag:s22] =	ssyncset.done $0x0  }
0x1f0: {  	[sflag:s22] =	ssyncadd.s32 $0xFFFFFC00  }
0x1f1: {  	_ =	swait.ge [sflag:s22], $0x400  }
0x1f2: {  	[sflag:s22] =	ssyncset.done $0x0  }
0x1f3: {  	[sflag:s22] =	ssyncadd.s32 $0xFFFFFC00  }
0x1f4: {  	_ =	swait.ge [sflag:s22], $0x400  }
0x1f5: {  	[sflag:s22] =	ssyncset.done $0x0  }
0x1f6: {  	[sflag:s22] =	ssyncadd.s32 $0xFFFFFC00  }
0x1f7: {  	_ =	swait.ge [sflag:s22], $0x400  }
0x1f8: {  	[sflag:s22] =	ssyncset.done $0x0  }
0x1f9: {  	[sflag:s22] =	ssyncadd.s32 $0xFFFFFC00  }
0x1fa: {  	_ =	swait.ge [sflag:s22], $0x400  }
0x1fb: {  	[sflag:s22] =	ssyncset.done $0x0  }
0x1fc: {  	[sflag:s22] =	ssyncadd.s32 $0xFFFFFC00  }
0x1fd: {  	_ =	swait.ge [sflag:s22], $0x400  }
0x1fe: {  	[sflag:s22] =	ssyncset.done $0x0  }
0x1ff: {  	[sflag:s22] =	ssyncadd.s32 $0xFFFFFC00  }
0x200: {  	_ =	swait.ge [sflag:s22], $0x400  }
0x201: {  	[sflag:s22] =	ssyncset.done $0x0  }
0x202: {  	[sflag:s22] =	ssyncadd.s32 $0xFFFFFC00  }
0x203: {  	_ =	swait.ge [sflag:s22], $0x400  }
0x204: {  	[sflag:s22] =	ssyncset.done $0x0  }
0x205: {  	[sflag:s22] =	ssyncadd.s32 $0xFFFFFC00  }
0x206: {  	_ =	swait.ge [sflag:s22], $0x400  }
0x207: {  	[sflag:s22] =	ssyncset.done $0x0  }
0x208: {  	[sflag:s22] =	ssyncadd.s32 $0xFFFFFC00  }
0x209: {  	_ =	swait.ge [sflag:s22], $0x400  }
0x20a: {  	[sflag:s22] =	ssyncset.done $0x0  }
0x20b: {  	[sflag:s22] =	ssyncadd.s32 $0xFFFFFC00  }
0x20c: {  	_ =	swait.ge [sflag:s22], $0x400  }
0x20d: {  	[sflag:s22] =	ssyncset.done $0x0  }
0x20e: {  	[sflag:s22] =	ssyncadd.s32 $0xFFFFFC00  }
0x20f: {  	_ =	swait.ge [sflag:s22], $0x400  }
0x210: {  	[sflag:s22] =	ssyncset.done $0x0  }
0x211: {  	[sflag:s22] =	ssyncadd.s32 $0xFFFFFC00  }
0x212: {  	_ =	swait.ge [sflag:s22], $0x400  }
0x213: {  	[sflag:s22] =	ssyncset.done $0x0  }
0x214: {  	[sflag:s22] =	ssyncadd.s32 $0xFFFFFC00  }
0x215: {  	_ =	swait.ge [sflag:s22], $0x400  }
0x216: {  	[sflag:s22] =	ssyncset.done $0x0  }
0x217: {  	[sflag:s22] =	ssyncadd.s32 $0xFFFFFC00  }
0x218: {  	_ =	swait.ge [sflag:s22], $0x400  }
0x219: {  	[sflag:s22] =	ssyncset.done $0x0  }
0x21a: {  	[sflag:s22] =	ssyncadd.s32 $0xFFFFFC00  }
0x21b: {  	_ =	swait.ge [sflag:s22], $0x400  }
0x21c: {  	[sflag:s22] =	ssyncset.done $0x0  }
0x21d: {  	[sflag:s22] =	ssyncadd.s32 $0xFFFFFC00  }
0x21e: {  	_ =	swait.ge [sflag:s22], $0x400  }
0x21f: {  	[sflag:s22] =	ssyncset.done $0x0  }
0x220: {  	[sflag:s22] =	ssyncadd.s32 $0xFFFFFC00  }
0x221: {  	_ =	swait.ge [sflag:s22], $0x400  }
0x222: {  	[sflag:s22] =	ssyncset.done $0x0  }
0x223: {  	[sflag:s22] =	ssyncadd.s32 $0xFFFFFC00  }
0x224: {  	_ =	swait.ge [sflag:s22], $0x400  }
0x225: {  	[sflag:s22] =	ssyncset.done $0x0  }
0x226: {  	[sflag:s22] =	ssyncadd.s32 $0xFFFFFC00  }
0x227: {  	_ =	swait.ge [sflag:s22], $0x400  }
0x228: {  	[sflag:s22] =	ssyncset.done $0x0  }
0x229: {  	[sflag:s22] =	ssyncadd.s32 $0xFFFFFC00  }
0x22a: {  	_ =	swait.ge [sflag:s22], $0x400  }
0x22b: {  	[sflag:s22] =	ssyncset.done $0x0  }
0x22c: {  	[sflag:s22] =	ssyncadd.s32 $0xFFFFFC00  }
0x22d: {  	_ =	swait.ge [sflag:s22], $0x400  }
0x22e: {  	[sflag:s22] =	ssyncset.done $0x0  }
0x22f: {  	[sflag:s22] =	ssyncadd.s32 $0xFFFFFC00  }
0x230: {  	_ =	swait.ge [sflag:s22], $0x400  }
0x231: {  	[sflag:s22] =	ssyncset.done $0x0  }
0x232: {  	[sflag:s22] =	ssyncadd.s32 $0xFFFFFC00  }
0x233: {  	_ =	swait.ge [sflag:s22], $0x400  }
0x234: {  	[sflag:s22] =	ssyncset.done $0x0  }
0x235: {  	[sflag:s22] =	ssyncadd.s32 $0xFFFFFC00  }
0x236: {  	_ =	swait.ge [sflag:s22], $0x400  }
0x237: {  	[sflag:s22] =	ssyncset.done $0x0  }
0x238: {  	[sflag:s22] =	ssyncadd.s32 $0xFFFFFC00  }
0x239: {  	_ =	swait.ge [sflag:s22], $0x400  }
0x23a: {  	[sflag:s22] =	ssyncset.done $0x0  }
0x23b: {  	[sflag:s22] =	ssyncadd.s32 $0xFFFFFC00  }
0x23c: {  	_ =	swait.ge [sflag:s22], $0x400  }
0x23d: {  	[sflag:s22] =	ssyncset.done $0x0  }
0x23e: {  	[sflag:s22] =	ssyncadd.s32 $0xFFFFFC00  }
0x23f: {  	_ =	swait.ge [sflag:s22], $0x400  }
0x240: {  	[sflag:s22] =	ssyncset.done $0x0  }
0x241: {  	[sflag:s22] =	ssyncadd.s32 $0xFFFFFC00  }
0x242: {  	_ =	swait.ge [sflag:s22], $0x400  }
0x243: {  	[sflag:s22] =	ssyncset.done $0x0  }
0x244: {  	[sflag:s22] =	ssyncadd.s32 $0xFFFFFC00  }
0x245: {  	_ =	swait.ge [sflag:s22], $0x400  }
0x246: {  	[sflag:s22] =	ssyncset.done $0x0  }
0x247: {  	[sflag:s22] =	ssyncadd.s32 $0xFFFFFC00  }
0x248: {  	_ =	swait.ge [sflag:s23], $0x800  }
0x249: {  	[sflag:s23] =	ssyncset.done $0x0  }
0x24a: {  	[sflag:s23] =	ssyncadd.s32 $0xFFFFF800  }
0x24b: {  	_ =	swait.ge [sflag:s23], $0x800  }
0x24c: {  	[sflag:s23] =	ssyncset.done $0x0  }
0x24d: {  	v0 =	vld [tilespmem:$0x1FE50];
	[sflag:s23] =	ssyncadd.s32 $0xFFFFF800  }
0x24e: {  	v50 =	vld [tilespmem:s28+$0x400]  }
0x24f: {  	v40 =	vld [tilespmem:$0x1FE60]  }
0x250: {  	v58 =	vld [tilespmem:s28+$0x600]  }
0x251: {  	v2 =	vld [tilespmem:s28+$0x200]  }
0x252: {  	v33 =	vld [tilespmem:s28+$0x0]  }
0x253: {  	v42 =	vld [tilespmem:$0x1FE70];
	v1 =	vmul.u32 $0x68, v50  }
0x254: {  	v46 =	vld [tilespmem:$0x1FE90]  }
0x255: {  	v48 =	vld [tilespmem:$0x1FE80];
	v1 =	vadd.s32 v58, v1  }
0x256: {  	v34 =	vshll.u32 v2, $0x7;
	v50 =	vld [tilespmem:$0x1FEA0];
	v1 =	vand.u32 $0x7F, v1  }
0x257: {  	v33 =	vshll.u32 v33, $0x7;
	v3 =	vor.u32 v0, v1;
	v1 =	vand.u32 $0x380, v34;
	v34 =	vld [tilespmem:$0x1FED0]  }
0x258: {  	v63 =	vand.u32 $0x380, v33;
	v0 =	vld [tilespmem:$0x1FCC0]  }
0x259: {  	v36 =	vor.u32 v30, v63;
	v4 =	vor.u32 v5, v63;
	v5 =	vor.u32 v40, v1;
	v40 =	vld [tilespmem:$0x1FEC0]  }
0x25a: {  	v7 =	vor.u32 v42, v1;
	v42 =	vld [tilespmem:$0x1FEE0]  }
0x25b: {  	v6 =	vor.u32 v6, v63;
	v8 =	vor.u32 v9, v63;
	v9 =	vor.u32 v46, v1;
	v46 =	vld [tilespmem:$0x1FF10]  }
0x25c: {  	v11 =	vor.u32 v48, v1;
	v48 =	vld [tilespmem:$0x1FF20]  }
0x25d: {  	v12 =	vor.u32 v13, v63;
	v13 =	vor.u32 v50, v1;
	v50 =	vld [tilespmem:$0x1FF50]  }
0x25e: {  	v2 =	vld.idx.msk [tilespmem:v36+s19+$0x0], $0xffff  }
0x25f: {  	v14 =	vor.u32 v15, v63;
	v44 =	vld.idx.msk [tilespmem:v4+s19+$0x0], $0xffff  }
0x260: {  	v58 =	vmov v53;
	v16 =	vor.u32 v17, v63;
	v53 =	vld.idx.msk [tilespmem:v6+s19+$0x0], $0xffff  }
0x261: {  	v18 =	vor.u32 v18, v63;
	v8 =	vld.idx.msk [tilespmem:v8+s19+$0x0], $0xffff  }
0x262: {  	v20 =	vor.u32 v20, v63;
	v12 =	vld.idx.msk [tilespmem:v12+s19+$0x0], $0xffff  }
0x263: {  	v22 =	vor.u32 v22, v63;
	v36 =	vld [tilespmem:$0x1FEF0]  }
0x264: {  	v24 =	vor.u32 v24, v63;
	v14 =	vld.idx.msk [tilespmem:v14+s19+$0x0], $0xffff  }
0x265: {  	v26 =	vor.u32 v26, v63;
	v16 =	vld.idx.msk [tilespmem:v16+s19+$0x0], $0xffff  }
0x266: {  	v28 =	vor.u32 v28, v63;
	v18 =	vld.idx.msk [tilespmem:v18+s19+$0x0], $0xffff  }
0x267: {  	v32 =	vor.u32 v32, v63;
	v20 =	vld.idx.msk [tilespmem:v20+s19+$0x0], $0xffff  }
0x268: {  	v35 =	vor.u32 v35, v63;
	v22 =	vld.idx.msk [tilespmem:v22+s19+$0x0], $0xffff  }
0x269: {  	v37 =	vor.u32 v37, v63;
	v24 =	vld.idx.msk [tilespmem:v24+s19+$0x0], $0xffff  }
0x26a: {  	v39 =	vor.u32 v39, v63;
	v26 =	vld.idx.msk [tilespmem:v26+s19+$0x0], $0xffff  }
0x26b: {  	v41 =	vor.u32 v41, v63;
	v28 =	vld.idx.msk [tilespmem:v28+s19+$0x0], $0xffff  }
0x26c: {  	v43 =	vor.u32 v43, v63;
	v32 =	vld.idx.msk [tilespmem:v32+s19+$0x0], $0xffff  }
0x26d: {  	v45 =	vor.u32 v45, v63;
	v35 =	vld.idx.msk [tilespmem:v35+s19+$0x0], $0xffff  }
0x26e: {  	v49 =	vor.u32 v49, v63;
	v37 =	vld.idx.msk [tilespmem:v37+s19+$0x0], $0xffff  }
0x26f: {  	v39 =	vld.idx.msk [tilespmem:v39+s19+$0x0], $0xffff  }
0x270: {  	v41 =	vld.idx.msk [tilespmem:v41+s19+$0x0], $0xffff  }
0x271: {  	v38 =	vor.u32 v30, v1;
	v43 =	vld.idx.msk [tilespmem:v43+s19+$0x0], $0xffff  }
0x272: {  	v45 =	vld.idx.msk [tilespmem:v45+s19+$0x0], $0xffff  }
0x273: {  	v49 =	vld.idx.msk [tilespmem:v49+s19+$0x0], $0xffff  }
0x274: {  	v3 =	vld.idx.msk [tilespmem:v3+s21+$0x0], $0xffff  }
0x275: {  	v10 =	vor.u32 v10, v63;
	v15 =	vor.u32 v34, v1;
	v34 =	vld [tilespmem:$0x1FF30]  }
0x276: {  	v33 =	vld.idx.msk [tilespmem:v38+s20+$0x0], $0xffff  }
0x277: {  	v5 =	vld.idx.msk [tilespmem:v5+s20+$0x0], $0xffff  }
0x278: {  	v6 =	vld.idx.msk [tilespmem:v7+s20+$0x0], $0xffff  }
0x279: {  	v30 =	vor.u32 v31, v63;
	v9 =	vld.idx.msk [tilespmem:v9+s20+$0x0], $0xffff  }
0x27a: {  	v7 =	vld.idx.msk [tilespmem:v10+s19+$0x0], $0xffff  }
0x27b: {  	v11 =	vld.idx.msk [tilespmem:v11+s20+$0x0], $0xffff  }
0x27c: {  	v13 =	vld.idx.msk [tilespmem:v13+s20+$0x0], $0xffff  }
0x27d: {  	v38 =	vld [tilespmem:$0x1FEB0]  }
0x27e: {  	v30 =	vld.idx.msk [tilespmem:v30+s19+$0x0], $0xffff  }
0x27f: {  	v21 =	vor.u32 v40, v1;
	v40 =	vld [tilespmem:$0x1FF70]  }
0x280: {  	v23 =	vor.u32 v42, v1;
	v42 =	vld [tilespmem:$0x1FFA0]  }
0x281: {  	v27 =	vor.u32 v46, v1;
	v46 =	vld [tilespmem:$0x1FF90]  }
0x282: {  	v29 =	vor.u32 v48, v1;
	v48 =	vld [tilespmem:$0x1FFC0]  }
0x283: {  	v31 =	vor.u32 v50, v1;
	v50 =	vld [tilespmem:$0x1FFB0]  }
0x284: {  	[tilespmem:$0x1FCB0] =	vst v44;
	v44 =	vld [tilespmem:$0x1FF00]  }
0x285: {  	v17 =	vor.u32 v36, v1;
	v36 =	vld [tilespmem:$0x1FF40]  }
0x286: {  	v15 =	vld.idx.msk [tilespmem:v15+s20+$0x0], $0xffff  }
0x287: {  	v3 =	vadd.f32 v3, v0;
	v0 =	vld [tilespmem:$0x1FCD0]  }
0x288: {  	v21 =	vld.idx.msk [tilespmem:v21+s20+$0x0], $0xffff  }
0x289: {  	v47 =	vor.u32 v47, v63;
	v23 =	vld.idx.msk [tilespmem:v23+s20+$0x0], $0xffff  }
0x28a: {  	v4 =	vor.u32 v52, v63;
	v27 =	vld.idx.msk [tilespmem:v27+s20+$0x0], $0xffff  }
0x28b: {  	v29 =	vld.idx.msk [tilespmem:v29+s20+$0x0], $0xffff  }
0x28c: {  	v31 =	vld.idx.msk [tilespmem:v31+s20+$0x0], $0xffff  }
0x28d: {  	v19 =	vor.u32 v38, v1;
	v38 =	vld [tilespmem:$0x1FF60]  }
0x28e: {  	v34 =	vor.u32 v34, v1;
	v2 =	vmul.f32 v33, v2;
	v33 =	vld.idx.msk [tilespmem:v47+s19+$0x0], $0xffff  }
0x28f: {  	v8 =	vmul.f32 v9, v8;
	v9 =	vmul.f32 v13, v12;
	v12 =	vld.idx.msk [tilespmem:v4+s19+$0x0], $0xffff  }
0x290: {  	v40 =	vor.u32 v40, v1;
	v17 =	vld.idx.msk [tilespmem:v17+s20+$0x0], $0xffff  }
0x291: {  	v42 =	vor.u32 v42, v1;
	v25 =	vor.u32 v44, v1;
	v44 =	vld [tilespmem:$0x1FF80]  }
0x292: {  	v46 =	vor.u32 v46, v1;
	v2 =	vadd.f32 v2, v3;
	v3 =	vld [tilespmem:$0x1FCB0]  }
0x293: {  	v48 =	vor.u32 v48, v1;
	v34 =	vld.idx.msk [tilespmem:v34+s20+$0x0], $0xffff  }
0x294: {  	v50 =	vor.u32 v50, v1;
	v19 =	vld.idx.msk [tilespmem:v19+s20+$0x0], $0xffff  }
0x295: {  	v47 =	vor.u32 v52, v1;
	v40 =	vld.idx.msk [tilespmem:v40+s20+$0x0], $0xffff  }
0x296: {  	v7 =	vmul.f32 v11, v7;
	v11 =	vor.u32 v51, v63;
	v42 =	vld.idx.msk [tilespmem:v42+s20+$0x0], $0xffff  }
0x297: {  	v13 =	vor.u32 v51, v1;
	v46 =	vld.idx.msk [tilespmem:v46+s20+$0x0], $0xffff  }
0x298: {  	v48 =	vld.idx.msk [tilespmem:v48+s20+$0x0], $0xffff  }
0x299: {  	v50 =	vld.idx.msk [tilespmem:v50+s20+$0x0], $0xffff  }
0x29a: {  	v36 =	vor.u32 v36, v1;
	v2 =	vadd.f32 v7, v2;
	v7 =	vmul.f32 v15, v14;
	v14 =	vld.idx.msk [tilespmem:v47+s20+$0x0], $0xffff  }
0x29b: {  	v10 =	vmov v52;
	v52 =	vor.u32 v0, v63;
	v11 =	vld.idx.msk [tilespmem:v11+s19+$0x0], $0xffff  }
0x29c: {  	v13 =	vld.idx.msk [tilespmem:v13+s20+$0x0], $0xffff  }
0x29d: {  	v38 =	vor.u32 v38, v1;
	v25 =	vld.idx.msk [tilespmem:v25+s20+$0x0], $0xffff  }
0x29e: {  	v44 =	vor.u32 v44, v1;
	v3 =	vmul.f32 v5, v3;
	v5 =	vld [tilespmem:$0x1FCE0]  }
0x29f: {  	v0 =	vor.u32 v0, v1;
	v36 =	vld.idx.msk [tilespmem:v36+s20+$0x0], $0xffff  }
0x2a0: {  	v6 =	vmul.f32 v6, v53;
	v3 =	vadd.f32 v9, v3;
	v9 =	vmul.f32 v17, v16;
	v16 =	vld.idx.msk [tilespmem:v52+s19+$0x0], $0xffff  }
0x2a1: {  	v52 =	vmov v10;
	v10 =	vld [tilespmem:s28+$0x410]  }
0x2a2: {  	v6 =	vadd.f32 v7, v6;
	v38 =	vld.idx.msk [tilespmem:v38+s20+$0x0], $0xffff;
	v7 =	vmul.f32 v19, v18;
	v18 =	vor.u32 v54, v63  }
0x2a3: {  	v19 =	vor.u32 v54, v1;
	v44 =	vld.idx.msk [tilespmem:v44+s20+$0x0], $0xffff;
	v15 =	vor.u32 v5, v63  }
0x2a4: {  	v17 =	vor.u32 v5, v1;
	v5 =	vld.idx.msk [tilespmem:v0+s20+$0x0], $0xffff;
	v2 =	vadd.f32 v7, v2;
	v7 =	vmul.f32 v23, v22  }
0x2a5: {  	v8 =	vadd.f32 v9, v8;
	v9 =	vmul.f32 v21, v20;
	v20 =	vor.u32 v55, v63;
	v0 =	vld [tilespmem:$0x1FE20]  }
0x2a6: {  	v6 =	vadd.f32 v7, v6;
	v7 =	vmul.f32 v27, v26;
	v26 =	vmul.f32 v42, v41;
	v41 =	vld [tilespmem:$0x1FD90]  }
0x2a7: {  	v21 =	vor.u32 v55, v1;
	v18 =	vld.idx.msk [tilespmem:v18+s19+$0x0], $0xffff  }
0x2a8: {  	v19 =	vld.idx.msk [tilespmem:v19+s20+$0x0], $0xffff  }
0x2a9: {  	v3 =	vadd.f32 v9, v3;
	v9 =	vmul.f32 v25, v24;
	v25 =	vmul.f32 v38, v37;
	v37 =	vld [tilespmem:$0x1FD50]  }
0x2aa: {  	v22 =	vor.u32 v56, v63;
	v38 =	vld [tilespmem:$0x1FD60]  }
0x2ab: {  	v23 =	vor.u32 v56, v1;
	v8 =	vadd.f32 v9, v8;
	v9 =	vmul.f32 v29, v28;
	v20 =	vld.idx.msk [tilespmem:v20+s19+$0x0], $0xffff  }
0x2ac: {  	v1 =	vor.u32 v57, v1;
	v2 =	vadd.f32 v7, v2;
	v7 =	vmul.f32 v31, v30;
	v21 =	vld.idx.msk [tilespmem:v21+s20+$0x0], $0xffff  }
0x2ad: {  	v24 =	vor.u32 v57, v63;
	v15 =	vld.idx.msk [tilespmem:v15+s19+$0x0], $0xffff;
	v3 =	vadd.f32 v9, v3;
	v9 =	vmul.f32 v34, v32  }
0x2ae: {  	v17 =	vld.idx.msk [tilespmem:v17+s20+$0x0], $0xffff;
	v6 =	vadd.f32 v7, v6;
	v7 =	vmul.f32 v36, v35  }
0x2af: {  	v22 =	vld.idx.msk [tilespmem:v22+s19+$0x0], $0xffff;
	v8 =	vadd.f32 v9, v8;
	v9 =	vmul.f32 v40, v39  }
0x2b0: {  	v4 =	vmul.f32 v50, v49;
	v23 =	vld.idx.msk [tilespmem:v23+s20+$0x0], $0xffff;
	v2 =	vadd.f32 v7, v2;
	v7 =	vmul.f32 v44, v43  }
0x2b1: {  	v1 =	vld.idx.msk [tilespmem:v1+s20+$0x0], $0xffff;
	v3 =	vadd.f32 v25, v3;
	v6 =	vadd.f32 v9, v6;
	v9 =	vmul.f32 v46, v45  }
0x2b2: {  	v24 =	vld.idx.msk [tilespmem:v24+s19+$0x0], $0xffff;
	v8 =	vadd.f32 v26, v8;
	v2 =	vadd.f32 v7, v2;
	v7 =	vmul.f32 v48, v33  }
0x2b3: {  	v5 =	vmul.f32 v5, v16;
	v32 =	vld [tilespmem:$0x1FD00];
	v3 =	vadd.f32 v9, v3;
	v9 =	vmul.f32 v14, v12  }
0x2b4: {  	v34 =	vld [tilespmem:$0x1FD20];
	v4 =	vadd.f32 v4, v8;
	v6 =	vadd.f32 v7, v6;
	v7 =	vmul.f32 v13, v11  }
0x2b5: {  	v8 =	vld [tilespmem:s28+$0x610];
	v2 =	vadd.f32 v9, v2;
	v3 =	vadd.f32 v5, v3;
	v5 =	vmul.f32 v17, v15  }
0x2b6: {  	v11 =	vld [tilespmem:s28+$0x10];
	v9 =	vmul.f32 v21, v20;
	v6 =	vadd.f32 v7, v6;
	v7 =	vmul.f32 v19, v18  }
0x2b7: {  	v35 =	vld [tilespmem:$0x1FD30];
	v1 =	vmul.f32 v1, v24;
	v4 =	vadd.f32 v5, v4;
	v5 =	vmul.f32 v23, v22  }
0x2b8: {  	v36 =	vld [tilespmem:$0x1FD40];
	v3 =	vadd.f32 v9, v3;
	v2 =	vadd.f32 v7, v2;
	v7 =	vmul.u32 $0x68, v10  }
0x2b9: {  	v39 =	vld [tilespmem:$0x1FD70];
	v5 =	vadd.f32 v5, v6  }
0x2ba: {  	v40 =	vld [tilespmem:$0x1FD80];
	v1 =	vadd.f32 v1, v4;
	v2 =	vadd.f32 v3, v2;
	v3 =	vadd.s32 v8, v7  }
0x2bb: {  	v43 =	vld [tilespmem:$0x1FDA0];
	v49 =	vand.u32 $0x7F, v3;
	v3 =	vshll.u32 v11, $0x7  }
0x2bc: {  	v46 =	vld [tilespmem:$0x1FDB0];
	v4 =	vadd.f32 v1, v5;
	v5 =	vor.u32 v58, v49;
	v1 =	vand.u32 $0x380, v3  }
0x2bd: {  	v33 =	vld [tilespmem:$0x1FD10];
	v6 =	vor.u32 v59, v1  }
0x2be: {  	v12 =	vld [tilespmem:s28+$0x210];
	v2 =	vadd.f32 v4, v2;
	v4 =	vor.u32 v60, v1  }
0x2bf: {  	v53 =	vmov v58;
	v58 =	vld [tilespmem:$0x1FCF0];
	v7 =	vor.u32 v61, v1  }
0x2c0: {  	v49 =	vld [tilespmem:$0x1FDC0];
	v9 =	vor.u32 v62, v1;
	[tilespmem:s28+$0x800] =	vst v2  }
0x2c1: {  	v13 =	vor.u32 v32, v1;
	v5 =	vld.idx.msk [tilespmem:v5+s21+$0x0], $0xffff  }
0x2c2: {  	v15 =	vor.u32 v33, v1;
	v6 =	vld.idx.msk [tilespmem:v6+s19+$0x0], $0xffff  }
0x2c3: {  	v17 =	vor.u32 v34, v1;
	v4 =	vld.idx.msk [tilespmem:v4+s19+$0x0], $0xffff  }
0x2c4: {  	v19 =	vor.u32 v35, v1;
	v7 =	vld.idx.msk [tilespmem:v7+s19+$0x0], $0xffff  }
0x2c5: {  	v21 =	vor.u32 v36, v1;
	v9 =	vld.idx.msk [tilespmem:v9+s19+$0x0], $0xffff  }
0x2c6: {  	v23 =	vor.u32 v37, v1;
	v13 =	vld.idx.msk [tilespmem:v13+s19+$0x0], $0xffff  }
0x2c7: {  	v25 =	vor.u32 v38, v1;
	v15 =	vld.idx.msk [tilespmem:v15+s19+$0x0], $0xffff  }
0x2c8: {  	v27 =	vor.u32 v39, v1;
	v17 =	vld.idx.msk [tilespmem:v17+s19+$0x0], $0xffff  }
0x2c9: {  	v29 =	vor.u32 v40, v1;
	v19 =	vld.idx.msk [tilespmem:v19+s19+$0x0], $0xffff  }
0x2ca: {  	v31 =	vor.u32 v41, v1;
	v21 =	vld.idx.msk [tilespmem:v21+s19+$0x0], $0xffff  }
0x2cb: {  	v44 =	vor.u32 v43, v1;
	v23 =	vld.idx.msk [tilespmem:v23+s19+$0x0], $0xffff  }
0x2cc: {  	v3 =	vshll.u32 v12, $0x7;
	v47 =	vor.u32 v46, v1;
	v25 =	vld.idx.msk [tilespmem:v25+s19+$0x0], $0xffff  }
0x2cd: {  	v63 =	vand.u32 $0x380, v3;
	v27 =	vld.idx.msk [tilespmem:v27+s19+$0x0], $0xffff  }
0x2ce: {  	v3 =	vor.u32 v59, v63;
	v29 =	vld.idx.msk [tilespmem:v29+s19+$0x0], $0xffff  }
0x2cf: {  	v50 =	vor.u32 v60, v63;
	v31 =	vld.idx.msk [tilespmem:v31+s19+$0x0], $0xffff  }
0x2d0: {  	v8 =	vor.u32 v61, v63;
	v16 =	vor.u32 v33, v63;
	v33 =	vld.idx.msk [tilespmem:v44+s19+$0x0], $0xffff  }
0x2d1: {  	v10 =	vor.u32 v62, v63;
	v20 =	vor.u32 v35, v63;
	v35 =	vld.idx.msk [tilespmem:v47+s19+$0x0], $0xffff  }
0x2d2: {  	v14 =	vor.u32 v32, v63;
	v47 =	vld [tilespmem:$0x1FDF0]  }
0x2d3: {  	v3 =	vld.idx.msk [tilespmem:v3+s20+$0x0], $0xffff  }
0x2d4: {  	v18 =	vor.u32 v34, v63;
	v2 =	vld.idx.msk [tilespmem:v50+s20+$0x0], $0xffff  }
0x2d5: {  	v8 =	vld.idx.msk [tilespmem:v8+s20+$0x0], $0xffff  }
0x2d6: {  	v22 =	vor.u32 v36, v63;
	v10 =	vld.idx.msk [tilespmem:v10+s20+$0x0], $0xffff  }
0x2d7: {  	v24 =	vor.u32 v37, v63;
	v14 =	vld.idx.msk [tilespmem:v14+s20+$0x0], $0xffff  }
0x2d8: {  	v26 =	vor.u32 v38, v63;
	v16 =	vld.idx.msk [tilespmem:v16+s20+$0x0], $0xffff  }
0x2d9: {  	v28 =	vor.u32 v39, v63;
	v18 =	vld.idx.msk [tilespmem:v18+s20+$0x0], $0xffff  }
0x2da: {  	v30 =	vor.u32 v40, v63;
	v20 =	vld.idx.msk [tilespmem:v20+s20+$0x0], $0xffff  }
0x2db: {  	v42 =	vor.u32 v41, v63;
	v22 =	vld.idx.msk [tilespmem:v22+s20+$0x0], $0xffff  }
0x2dc: {  	v45 =	vor.u32 v43, v63;
	v24 =	vld.idx.msk [tilespmem:v24+s20+$0x0], $0xffff  }
0x2dd: {  	v26 =	vld.idx.msk [tilespmem:v26+s20+$0x0], $0xffff  }
0x2de: {  	v48 =	vor.u32 v46, v63;
	v28 =	vld.idx.msk [tilespmem:v28+s20+$0x0], $0xffff  }
0x2df: {  	v30 =	vld.idx.msk [tilespmem:v30+s20+$0x0], $0xffff  }
0x2e0: {  	v11 =	vor.u32 v58, v1;
	v32 =	vld.idx.msk [tilespmem:v42+s20+$0x0], $0xffff  }
0x2e1: {  	v12 =	vor.u32 v58, v63;
	v58 =	vor.u32 v49, v63;
	v34 =	vld.idx.msk [tilespmem:v45+s20+$0x0], $0xffff  }
0x2e2: {  	v45 =	vld [tilespmem:$0x1FDD0]  }
0x2e3: {  	v50 =	vor.u32 v49, v1;
	v36 =	vld.idx.msk [tilespmem:v48+s20+$0x0], $0xffff  }
0x2e4: {  	v49 =	vld [tilespmem:$0x1FDE0]  }
0x2e5: {  	v11 =	vld.idx.msk [tilespmem:v11+s19+$0x0], $0xffff;
	v48 =	vor.u32 v47, v1  }
0x2e6: {  	v38 =	vld.idx.msk [tilespmem:v58+s20+$0x0], $0xffff;
	v58 =	vor.u32 v47, v63  }
0x2e7: {  	v12 =	vld.idx.msk [tilespmem:v12+s20+$0x0], $0xffff  }
0x2e8: {  	v46 =	vor.u32 v45, v1;
	v37 =	vld.idx.msk [tilespmem:v50+s19+$0x0], $0xffff  }
0x2e9: {  	v41 =	vor.u32 v49, v1;
	v50 =	vor.u32 v49, v63;
	v49 =	vld [tilespmem:$0x1FE00]  }
0x2ea: {  	v43 =	vld.idx.msk [tilespmem:v48+s19+$0x0], $0xffff  }
0x2eb: {  	v40 =	vor.u32 v45, v63;
	v44 =	vld.idx.msk [tilespmem:v58+s20+$0x0], $0xffff  }
0x2ec: {  	v58 =	vld [tilespmem:$0x1FCC0]  }
0x2ed: {  	v39 =	vld.idx.msk [tilespmem:v46+s19+$0x0], $0xffff  }
0x2ee: {  	v45 =	vor.u32 v49, v1;
	v42 =	vld.idx.msk [tilespmem:v50+s20+$0x0], $0xffff  }
0x2ef: {  	v46 =	vor.u32 v49, v63;
	v50 =	vld [tilespmem:$0x1FE10]  }
0x2f0: {  	v40 =	vld.idx.msk [tilespmem:v40+s20+$0x0], $0xffff  }
0x2f1: {  	v41 =	vld.idx.msk [tilespmem:v41+s19+$0x0], $0xffff;
	v49 =	vor.u32 v0, v1  }
0x2f2: {  	v5 =	vadd.f32 v5, v58;
	v58 =	vld [tilespmem:$0x1FE30]  }
0x2f3: {  	v3 =	vmul.f32 v3, v6;
	v6 =	vld.idx.msk [tilespmem:v45+s19+$0x0], $0xffff  }
0x2f4: {  	v47 =	vor.u32 v50, v1;
	v46 =	vld.idx.msk [tilespmem:v46+s20+$0x0], $0xffff  }
0x2f5: {  	v48 =	vor.u32 v50, v63;
	v45 =	vor.u32 v0, v63;
	v0 =	vld [tilespmem:$0x1FFE0]  }
0x2f6: {  	v9 =	vmul.f32 v10, v9;
	v10 =	vmul.f32 v14, v13;
	v13 =	vld.idx.msk [tilespmem:v49+s19+$0x0], $0xffff  }
0x2f7: {  	v49 =	vld [tilespmem:$0x1FFB0]  }
0x2f8: {  	v3 =	vadd.f32 v3, v5;
	v50 =	vor.u32 v58, v1;
	v5 =	vor.u32 v58, v63;
	v58 =	vld [tilespmem:$0x1FFF0]  }
0x2f9: {  	v2 =	vmul.f32 v2, v4;
	v4 =	vld.idx.msk [tilespmem:v47+s19+$0x0], $0xffff  }
0x2fa: {  	v7 =	vmul.f32 v8, v7;
	v8 =	vmul.f32 v12, v11;
	v11 =	vld.idx.msk [tilespmem:v48+s20+$0x0], $0xffff  }
0x2fb: {  	v47 =	vld [tilespmem:$0x1FFC0]  }
0x2fc: {  	v3 =	vadd.f32 v8, v3;
	v8 =	vmul.f32 v16, v15;
	v15 =	vld.idx.msk [tilespmem:v45+s20+$0x0], $0xffff  }
0x2fd: {  	v12 =	vor.u32 v0, v1;
	v14 =	vor.u32 v0, v63;
	v0 =	vld [tilespmem:$0x1FFF0]  }
0x2fe: {  	v45 =	vld [tilespmem:$0x1FE40]  }
0x2ff: {  	v2 =	vadd.f32 v10, v2;
	v48 =	vld [tilespmem:$0x1FFD0]  }
0x300: {  	v10 =	vmul.f32 v18, v17;
	v7 =	vadd.f32 v8, v7;
	v8 =	vmul.f32 v20, v19;
	v17 =	vld.idx.msk [tilespmem:v50+s19+$0x0], $0xffff  }
0x301: {  	v5 =	vld.idx.msk [tilespmem:v5+s20+$0x0], $0xffff  }
0x302: {  	v3 =	vadd.f32 v8, v3;
	v8 =	vmul.f32 v22, v21;
	v50 =	vld [tilespmem:$0x1FFD0]  }
0x303: {  	v16 =	vor.u32 v58, v1;
	v58 =	vld [tilespmem:$0x1FFD0]  }
0x304: {  	v2 =	vadd.f32 v8, v2;
	v8 =	vmul.f32 v26, v25;
	v26 =	vmul.f32 v30, v29;
	v30 =	vld [tilespmem:$0x1FFD0]  }
0x305: {  	v29 =	vmul.f32 v42, v41;
	v41 =	vld [tilespmem:$0x1FFA0]  }
0x306: {  	v9 =	vadd.f32 v10, v9;
	v10 =	vld.idx.msk [tilespmem:v12+s19+$0x0], $0xffff  }
0x307: {  	v19 =	vor.u32 v45, v1;
	v14 =	vld.idx.msk [tilespmem:v14+s20+$0x0], $0xffff  }
0x308: {  	v12 =	vor.u32 v45, v63;
	v45 =	vld [tilespmem:$0x1FF90];
	v8 =	vadd.f32 v8, v9;
	v9 =	vmul.f32 v28, v27  }
0x309: {  	v2 =	vadd.f32 v26, v2;
	v28 =	vmul.f32 v38, v37;
	v37 =	vld [tilespmem:$0x1FF60]  }
0x30a: {  	v26 =	vmul.f32 v34, v33;
	v3 =	vadd.f32 v9, v3;
	v9 =	vmul.f32 v32, v31;
	v31 =	vld [tilespmem:$0x1FF50]  }
0x30b: {  	v18 =	vor.u32 v0, v63;
	v32 =	vld [tilespmem:$0x1FF30]  }
0x30c: {  	v8 =	vadd.f32 v26, v8;
	v26 =	vmul.f32 v40, v39;
	v39 =	vld [tilespmem:$0x1FF70]  }
0x30d: {  	v20 =	vor.u32 $0x401C, v48;
	v2 =	vadd.f32 v28, v2;
	v28 =	vld [tilespmem:$0x1FF20]  }
0x30e: {  	v22 =	vmul.f32 v24, v23;
	v21 =	vor.u32 v20, v1;
	v16 =	vld.idx.msk [tilespmem:v16+s19+$0x0], $0xffff  }
0x30f: {  	v20 =	vor.u32 v20, v63;
	v23 =	vor.u32 $0x401D, v50;
	v5 =	vmul.f32 v5, v17;
	v17 =	vld [tilespmem:$0x1FEF0]  }
0x310: {  	v18 =	vld.idx.msk [tilespmem:v18+s20+$0x0], $0xffff;
	v24 =	vor.u32 v23, v1  }
0x311: {  	v7 =	vadd.f32 v22, v7;
	v19 =	vld.idx.msk [tilespmem:v19+s19+$0x0], $0xffff;
	v22 =	vor.u32 v23, v63;
	v23 =	vor.u32 $0x401E, v58  }
0x312: {  	v12 =	vld.idx.msk [tilespmem:v12+s20+$0x0], $0xffff;
	v25 =	vor.u32 v23, v1  }
0x313: {  	v27 =	vor.u32 $0x401F, v30;
	v21 =	vld.idx.msk [tilespmem:v21+s19+$0x0], $0xffff;
	v23 =	vor.u32 v23, v63  }
0x314: {  	v20 =	vld.idx.msk [tilespmem:v20+s20+$0x0], $0xffff;
	v1 =	vor.u32 v27, v1  }
0x315: {  	v27 =	vor.u32 v27, v63;
	v24 =	vld.idx.msk [tilespmem:v24+s19+$0x0], $0xffff  }
0x316: {  	v7 =	vadd.f32 v9, v7;
	v9 =	vmul.f32 v36, v35;
	v22 =	vld.idx.msk [tilespmem:v22+s20+$0x0], $0xffff  }
0x317: {  	v25 =	vld.idx.msk [tilespmem:v25+s19+$0x0], $0xffff  }
0x318: {  	v3 =	vadd.f32 v9, v3;
	v9 =	vmul.f32 v44, v43;
	v23 =	vld.idx.msk [tilespmem:v23+s20+$0x0], $0xffff  }
0x319: {  	v6 =	vmul.f32 v46, v6;
	v4 =	vmul.f32 v11, v4;
	v8 =	vadd.f32 v29, v8;
	v1 =	vld.idx.msk [tilespmem:v1+s19+$0x0], $0xffff  }
0x31a: {  	v7 =	vadd.f32 v26, v7;
	v3 =	vadd.f32 v9, v3;
	v9 =	vmul.f32 v15, v13;
	v11 =	vld.idx.msk [tilespmem:v27+s20+$0x0], $0xffff  }
0x31b: {  	v35 =	vld [tilespmem:$0x1FF40];
	v2 =	vadd.f32 v6, v2;
	v6 =	vmul.f32 v14, v10  }
0x31c: {  	v10 =	vld [tilespmem:$0x1FE80];
	v4 =	vadd.f32 v4, v7;
	v7 =	vadd.f32 v9, v8;
	v8 =	vmul.f32 v18, v16  }
0x31d: {  	v43 =	vld [tilespmem:$0x1FF80];
	v2 =	vadd.f32 v6, v2;
	v3 =	vadd.f32 v5, v3;
	v5 =	vmul.f32 v12, v19  }
0x31e: {  	v26 =	vld [tilespmem:$0x1FF10];
	v6 =	vmul.f32 v20, v21;
	v4 =	vadd.f32 v8, v4;
	v8 =	vmul.f32 v22, v24  }
0x31f: {  	v15 =	vld [tilespmem:$0x1FED0];
	v5 =	vadd.f32 v5, v7;
	v7 =	vmul.f32 v23, v25;
	v1 =	vmul.f32 v11, v1  }
0x320: {  	v13 =	vld [tilespmem:$0x1FEA0];
	v3 =	vadd.f32 v6, v3;
	v2 =	vadd.f32 v8, v2  }
0x321: {  	v9 =	vld [tilespmem:$0x1FE90];
	v4 =	vadd.f32 v7, v4;
	v1 =	vadd.f32 v1, v5  }
0x322: {  	p0 =	sne.s32 s26, $0x780;
	v18 =	vld [tilespmem:$0x1FEB0]  }
.Ltmp0:
0x323: {  	v20 =	vld [tilespmem:$0x1FEC0];
	v2 =	vadd.f32 v2, v3;
	v1 =	vadd.f32 v1, v4;
	(pc) =	sbr.rel @p0 .LBB2_2-.Ltmp0, $4  }
0x324: {  	v6 =	vld [tilespmem:$0x1FE70]  }
0x325: {  	v24 =	vld [tilespmem:$0x1FF00];
	v1 =	vadd.f32 v1, v2  }
0x326: {  	v22 =	vld [tilespmem:$0x1FEE0]  }
0x327: {  	s26 =	sadd.s32 $0x80, s26;
	v5 =	vld [tilespmem:$0x1FE60];
	[tilespmem:s28+$0x810] =	vst v1  }
0x328: {  	s25 =	sadd.s32 $0x1, s25  }
0x329: {  	p0 =	sne.s32 s25, s12  }
.Ltmp1:
0x32a: {  	_ = 	snop;
	(pc) =	sbr.rel @p0 .LBB2_1-.Ltmp1, $4  }
0x32b: {  	[hbm4b:s11+s3] =	stream.linear.scatter [tilespmem:s24], [sflag:$0x3], $0x200, $0x38;
	[tilespmem:$0x11A80] =	vst v63  }
0x32c: {  	_ =	swait.ge [sflag:s15], $0x200  }
0x32d: {  	[sflag:s15] =	ssyncset.done $0x0  }
0x32e: {  	[sflag:s15] =	ssyncadd.s32 $0xFFFFFE00  }
0x32f: {  	_ =	sfence.sel $0x180000  }
0x330: {  	[bflag:$0x0] =	sbarrier.arrive $0xFFFF  }
0x331: {  	p0 =	sne.s32 s6, $0x0;
	_ =	strace $0x90000047  }
0x332: {  	s0 =	sadd.s32 @!p0 $0x100000, s0;
	[bflag:$0x2] =	sbarrier.arrive $0xFFFF  }
0x333: {  	[sflag:s0] =	ssyncadd.tile.s32 @!p0 $0x1;
	_ =	shalt  }
.Lfunc_end2:
_tile_overlayer_lowered:
.L_overlay_start_2:
0x334: {  	(tag) =	ssettag $0x2  }
0x335: {  	s0 =	rddreg [dreg:$0x0];
	s2 =	stileid.u32  }
0x336: {  	s1 =	rddreg [dreg:$0x1];
	p0 =	sne.s32 s2, $0x0  }
0x337: {  	s3 =	rddreg [dreg:$0x2];
	[bflag:$0x3] =	sbarrier.arrive $0xFFFF;
	s2 =	simm.s32 @!p0 $0x1C03  }
0x338: {  	[timem:s3], [sflag:s2] =	dma.local @!p0 [hbm:s0], s1  }
0x339: {  	s0 =	simm.s32 @!p0 $0x3  }
0x33a: {  	_ =	swait.ge @!p0 [sflag:s0], s1  }
0x33b: {  	s1 =	ssub.s32 @!p0 $0x0, s1;
	[sflag:s0] =	ssyncset.done @!p0 $0x0  }
0x33c: {  	[sflag:s0] =	ssyncadd.s32 @!p0 s1  }
0x33d: {  	[bflag:$0x3] =	sbarrier.arrive $0xFFFF  }
0x33e: {  	_ =	shalt  }

</sc_bundles>
